<compile_context>
chip_gen: v7x
topology: tpu7x:2x2x1
jax: 0.10.2.dev20260603
libtpu: 0.0.44.dev20260713+nightly
codegen_flags: <defaults>
</compile_context>

<pallas_src>
import functools

import jax
import jax.numpy as jnp
from jax import lax
from jax.experimental import pallas as pl
from jax.experimental.pallas import tpu as pltpu
from jax.experimental.pallas import tpu_sc as plsc

N_NODES = 10000
N_EDGES = 320000
NUM_GAUSSIANS = 128
NUM_FILTERS = 128
CUTOFF = 5.0
GAUSSIAN_WIDTH = CUTOFF / (NUM_GAUSSIANS - 1)

TABN = 8192
DELTA = CUTOFF / TABN
TROWS = TABN + 128
ZROW = TABN + 8.0

NC = 2
NS = 16
NW = NC * NS
EPW = N_EDGES // NW

ZCHUNK = 80
NCHUNK = N_NODES // ZCHUNK

B1 = 400
B3 = 80
RSTRIDE = EPW + 112


def _rsqrt16(x):
    i = jnp.int32(0x5F3759DF) - (plsc.bitcast(x, jnp.int32) >> 1)
    y = plsc.bitcast(i, jnp.float32)
    xh = 0.5 * x
    y = y * (1.5 - xh * y * y)
    y = y * (1.5 - xh * y * y)
    y = y * (1.5 - xh * y * y)
    return y


def _q_body(pos_hbm, src_hbm, dst_hbm, qc_hbm, sc_hbm, dc_hbm, cnt_hbm,
            posv, srcv, dstv, qcv, scv, dcv, sem):
    wid = lax.axis_index("s") * NC + lax.axis_index("c")
    e0 = wid * EPW
    pltpu.async_copy(pos_hbm, posv, sem)
    pltpu.async_copy(src_hbm.at[pl.ds(e0, EPW)], srcv, sem)
    pltpu.async_copy(dst_hbm.at[pl.ds(e0, EPW)], dstv, sem)
    pltpu.make_async_copy(pos_hbm, posv, sem).wait()
    pltpu.make_async_copy(src_hbm.at[pl.ds(e0, EPW)], srcv, sem).wait()
    pltpu.make_async_copy(dst_hbm.at[pl.ds(e0, EPW)], dstv, sem).wait()

    def inner(i, off):
        for u in range(5):
            sl = pl.ds((i * 5 + u) * 16, 16)
            s16 = srcv[sl]
            d16 = dstv[sl]
            si = s16 * 3
            di = d16 * 3
            dx = plsc.load_gather(posv, [si]) - plsc.load_gather(posv, [di])
            dy = plsc.load_gather(posv, [si + 1]) - plsc.load_gather(posv, [di + 1])
            dz = plsc.load_gather(posv, [si + 2]) - plsc.load_gather(posv, [di + 2])
            d2 = dx * dx + dy * dy + dz * dz + 1e-12
            r = d2 * _rsqrt16(d2)
            q = r * (TABN / CUTOFF) + 0.5
            m = d2 < CUTOFF * CUTOFF
            plsc.store_compressed(qcv.at[pl.ds(off, 16)], q, mask=m)
            plsc.store_compressed(scv.at[pl.ds(off, 16)], s16, mask=m)
            plsc.store_compressed(dcv.at[pl.ds(off, 16)], d16, mask=m)
            off = off + jnp.sum(m.astype(jnp.int32))
        return off

    off = lax.fori_loop(0, EPW // 80, inner, 0)

    iota16 = lax.iota(jnp.int32, 16)
    for k in range(6):
        sl = pl.ds(off + k * 16, 16)
        qcv[sl] = ZROW + ((iota16 + k * 16) & 63).astype(jnp.float32)
        scv[sl] = jnp.zeros((16,), jnp.int32)
        dcv[sl] = jnp.zeros((16,), jnp.int32)

    pc = ((off + B3 - 1) // B3) * B3
    base = wid * RSTRIDE
    pltpu.sync_copy(qcv, qc_hbm.at[pl.ds(base, RSTRIDE)])
    pltpu.sync_copy(scv, sc_hbm.at[pl.ds(base, RSTRIDE)])
    pltpu.sync_copy(dcv, dc_hbm.at[pl.ds(base, RSTRIDE)])
    dcv[pl.ds(0, 16)] = jnp.full((16,), pc, jnp.int32)
    pltpu.sync_copy(dcv.at[pl.ds(0, 16)], cnt_hbm.at[pl.ds(wid * 16, 16)])


def _ssp(x):
    m = jnp.maximum(x, 0.0)
    return m + jnp.log(jnp.exp(x - m) + jnp.exp(-m)) - jnp.log(2.0)


TB = 128


def _table_body(w1_ref, b1_ref, w2_ref, b2_ref, out_ref):
    pid = pl.program_id(0)
    j = (lax.broadcasted_iota(jnp.int32, (TB, 1), 0)
         + pid * TB).astype(jnp.float32)
    r = j * DELTA
    centers = (lax.broadcasted_iota(jnp.int32, (1, NUM_GAUSSIANS), 1)
               .astype(jnp.float32) * GAUSSIAN_WIDTH)
    t = r - centers
    inv2w2 = 1.0 / (2.0 * GAUSSIAN_WIDTH * GAUSSIAN_WIDTH)
    g = jnp.exp(-(t * t) * inv2w2)
    y = _ssp(jnp.dot(g, w1_ref[...],
                     preferred_element_type=jnp.float32,
                     precision=lax.Precision.HIGHEST) + b1_ref[...])
    w = _ssp(jnp.dot(y, w2_ref[...],
                     preferred_element_type=jnp.float32,
                     precision=lax.Precision.HIGHEST) + b2_ref[...])
    x = jnp.clip(0.5 - r * (1.0 / CUTOFF), -0.5, 0.5)
    z = x * x
    PI = 3.14159265358979
    p = x * (PI + z * (-PI**3 / 6.0 + z * (PI**5 / 120.0 + z * (
        -PI**7 / 5040.0 + z * (PI**9 / 362880.0)))))
    cut = jnp.where(r < CUTOFF, 0.5 * p + 0.5, 0.0)
    out_ref[...] = w * cut


_table_call = pl.pallas_call(
    _table_body,
    grid=(TROWS // TB,),
    in_specs=[
        pl.BlockSpec((NUM_GAUSSIANS, NUM_FILTERS), lambda i: (0, 0)),
        pl.BlockSpec((1, NUM_FILTERS), lambda i: (0, 0)),
        pl.BlockSpec((NUM_FILTERS, NUM_FILTERS), lambda i: (0, 0)),
        pl.BlockSpec((1, NUM_FILTERS), lambda i: (0, 0)),
    ],
    out_specs=pl.BlockSpec((TB, NUM_FILTERS), lambda i: (i, 0)),
    out_shape=jax.ShapeDtypeStruct((TROWS, NUM_FILTERS), jnp.float32),
)


def _scatter_body(in_hbm, src_hbm, dst_hbm, q_hbm, cnt_hbm, tab_hbm, out_hbm,
                  acc, qv0, qv1, qv2, srcv0, srcv1, srcv2, dstv0, dstv1,
                  dstv2, jv0, jv1, cntv, inv0, inv1, t0v0, t0v1,
                  isem0, isem1, isem2, gsem0, gsem1, ssem0, ssem1):
    c = lax.axis_index("c")
    s = lax.axis_index("s")
    wid = s * NC + c
    pltpu.sync_copy(cnt_hbm.at[pl.ds(wid * 16, 16)], cntv)
    nblk = jnp.max(cntv[...]) // B3

    qv = (qv0, qv1, qv2)
    srcv = (srcv0, srcv1, srcv2)
    dstv = (dstv0, dstv1, dstv2)
    jv = (jv0, jv1)
    inv = (inv0, inv1)
    t0v = (t0v0, t0v1)
    isem = (isem0, isem1, isem2)
    gsem = (gsem0, gsem1)
    ssem = (ssem0, ssem1)

    def stage(b, t):
        e0 = wid * RSTRIDE + b * B3
        pltpu.async_copy(q_hbm.at[pl.ds(e0, B3)], qv[t], isem[t])
        pltpu.async_copy(src_hbm.at[pl.ds(e0, B3)], srcv[t], isem[t])
        pltpu.async_copy(dst_hbm.at[pl.ds(e0, B3)], dstv[t], isem[t])

    def wait_stage(t):
        e0 = wid * RSTRIDE
        pltpu.make_async_copy(q_hbm.at[pl.ds(e0, B3)], qv[t], isem[t]).wait()
        pltpu.make_async_copy(src_hbm.at[pl.ds(e0, B3)], srcv[t], isem[t]).wait()
        pltpu.make_async_copy(dst_hbm.at[pl.ds(e0, B3)], dstv[t], isem[t]).wait()

    def wait_scatter(p, t):
        pltpu.make_async_copy(inv[p], acc.at[dstv[t]], ssem[p]).wait()

    def qsplit(p, t):
        def qs(i, _):
            sl = pl.ds(i * 16, 16)
            jv[p][sl] = qv[t][sl].astype(jnp.int32)
            return 0

        lax.fori_loop(0, B3 // 16, qs, 0)

    def gather(p, t):
        pltpu.async_copy(in_hbm.at[srcv[t]], inv[p], gsem[p])
        pltpu.async_copy(tab_hbm.at[jv[p]], t0v[p], gsem[p])

    def wait_gather(p, t):
        pltpu.make_async_copy(in_hbm.at[srcv[t]], inv[p], gsem[p]).wait()
        pltpu.make_async_copy(tab_hbm.at[jv[p]], t0v[p], gsem[p]).wait()

    def zrow(i, _):
        for j in range(NUM_FILTERS // 16):
            inv0[i, pl.ds(j * 16, 16)] = jnp.zeros((16,), jnp.float32)
        return 0

    lax.fori_loop(0, ZCHUNK, zrow, 0)

    def zcopy(k, _):
        chunk = s + k * NS

        @pl.when(chunk < NCHUNK)
        def _():
            pltpu.sync_copy(inv0, acc.at[pl.ds(chunk * ZCHUNK, ZCHUNK)])

        return 0

    lax.fori_loop(0, (NCHUNK + NS - 1) // NS, zcopy, 0)
    plsc.subcore_barrier()

    @pl.when(nblk > 0)
    def _():
        stage(0, 0)
        wait_stage(0)
        qsplit(0, 0)
        gather(0, 0)

    @pl.when(nblk > 1)
    def _():
        stage(1, 1)

    def six(b6, _):
        for u in range(6):
            b = b6 * 6 + u
            p = u & 1
            t = u % 3

            @pl.when(b < nblk)
            def _():
                wait_gather(p, t)

                @pl.when(b >= 1)
                def _():
                    wait_scatter(1 - p, (t + 2) % 3)

                def row(i, _):
                    for j in range(NUM_FILTERS // 16):
                        sl = pl.ds(j * 16, 16)
                        inv[p][i, sl] = inv[p][i, sl] * t0v[p][i, sl]
                    return 0

                lax.fori_loop(0, B3, row, 0)
                pltpu.async_copy(inv[p], acc.at[dstv[t]], ssem[p], add=True)

                @pl.when(b + 1 < nblk)
                def _():
                    wait_stage((t + 1) % 3)
                    qsplit(1 - p, (t + 1) % 3)
                    gather(1 - p, (t + 1) % 3)

                @pl.when(b + 2 < nblk)
                def _():
                    stage(b + 2, (t + 2) % 3)

        return 0

    lax.fori_loop(0, (nblk + 5) // 6, six, 0)

    @pl.when(jnp.logical_and(nblk > 0, ((nblk - 1) & 1) == 0))
    def _():
        wait_scatter(0, 0)

    @pl.when(jnp.logical_and(nblk > 0, ((nblk - 1) & 1) == 1))
    def _():
        wait_scatter(1, 0)

    plsc.subcore_barrier()

    def dump(k, _):
        chunk = s + k * NS

        @pl.when(chunk < NCHUNK)
        def _():
            r0 = chunk * ZCHUNK
            pltpu.sync_copy(acc.at[pl.ds(r0, ZCHUNK)],
                            out_hbm.at[pl.ds(c * N_NODES + r0, ZCHUNK)])

        return 0

    lax.fori_loop(0, (NCHUNK + NS - 1) // NS, dump, 0)


def _sum_body(a_ref, b_ref, o_ref):
    o_ref[...] = a_ref[...] + b_ref[...]


_sum_call = pl.pallas_call(
    _sum_body,
    grid=(10,),
    in_specs=[
        pl.BlockSpec((N_NODES // 10, NUM_FILTERS), lambda i: (i, 0)),
        pl.BlockSpec((N_NODES // 10, NUM_FILTERS), lambda i: (i, 0)),
    ],
    out_specs=pl.BlockSpec((N_NODES // 10, NUM_FILTERS), lambda i: (i, 0)),
    out_shape=jax.ShapeDtypeStruct((N_NODES, NUM_FILTERS), jnp.float32),
)


@functools.lru_cache(maxsize=1)
def _sc_kernels():
    mesh = plsc.VectorSubcoreMesh(core_axis_name="c", subcore_axis_name="s",
                                  num_cores=NC, num_subcores=NS)
    q_kernel = pl.kernel(
        _q_body,
        out_type=(
            jax.ShapeDtypeStruct((NW * RSTRIDE,), jnp.float32),
            jax.ShapeDtypeStruct((NW * RSTRIDE,), jnp.int32),
            jax.ShapeDtypeStruct((NW * RSTRIDE,), jnp.int32),
            jax.ShapeDtypeStruct((NW * 16,), jnp.int32),
        ),
        mesh=mesh,
        compiler_params=pltpu.CompilerParams(needs_layout_passes=False),
        scratch_types=[
            pltpu.VMEM((3 * N_NODES,), jnp.float32),
            pltpu.VMEM((EPW,), jnp.int32),
            pltpu.VMEM((EPW,), jnp.int32),
            pltpu.VMEM((RSTRIDE,), jnp.float32),
            pltpu.VMEM((RSTRIDE,), jnp.int32),
            pltpu.VMEM((RSTRIDE,), jnp.int32),
            pltpu.SemaphoreType.DMA,
        ],
    )
    scatter_kernel = pl.kernel(
        _scatter_body,
        out_type=jax.ShapeDtypeStruct((NC * N_NODES, NUM_FILTERS),
                                      jnp.float32),
        mesh=mesh,
        compiler_params=pltpu.CompilerParams(needs_layout_passes=False),
        scratch_types=[
            pltpu.VMEM_SHARED((N_NODES, NUM_FILTERS), jnp.float32),
            pltpu.VMEM((B3,), jnp.float32),
            pltpu.VMEM((B3,), jnp.float32),
            pltpu.VMEM((B3,), jnp.float32),
            pltpu.VMEM((B3,), jnp.int32),
            pltpu.VMEM((B3,), jnp.int32),
            pltpu.VMEM((B3,), jnp.int32),
            pltpu.VMEM((B3,), jnp.int32),
            pltpu.VMEM((B3,), jnp.int32),
            pltpu.VMEM((B3,), jnp.int32),
            pltpu.VMEM((B3,), jnp.int32),
            pltpu.VMEM((B3,), jnp.int32),
            pltpu.VMEM((16,), jnp.int32),
            pltpu.VMEM((B3, NUM_FILTERS), jnp.float32),
            pltpu.VMEM((B3, NUM_FILTERS), jnp.float32),
            pltpu.VMEM((B3, NUM_FILTERS), jnp.float32),
            pltpu.VMEM((B3, NUM_FILTERS), jnp.float32),
            pltpu.SemaphoreType.DMA,
            pltpu.SemaphoreType.DMA,
            pltpu.SemaphoreType.DMA,
            pltpu.SemaphoreType.DMA,
            pltpu.SemaphoreType.DMA,
            pltpu.SemaphoreType.DMA,
            pltpu.SemaphoreType.DMA,
        ],
    )
    return q_kernel, scatter_kernel


def kernel(positions, input, edge_index, weights1, biases1, weights2, biases2):
    _q_kernel, _scatter_kernel = _sc_kernels()
    pos_flat = positions.reshape(-1)
    src = edge_index[0]
    dst = edge_index[1]
    qc, sc, dc, cnt = _q_kernel(pos_flat, src, dst)
    table = _table_call(weights1, biases1.reshape(1, NUM_FILTERS),
                        weights2, biases2.reshape(1, NUM_FILTERS))
    parts = _scatter_kernel(input, sc, dc, qc, cnt, table)
    return _sum_call(parts[:N_NODES], parts[N_NODES:])

# --- scband reference (transcript-rebuilt; emitter-appended) ---
"""Pipeline reference for scband-cfconv-16381005267613 (READ-ONLY COPY).

The authoritative reference and input builder live on the scoring server;
editing this copy changes nothing except your own understanding.
"""

import jax, jax.numpy as jnp
import numpy as np

N_NODES = 10000
N_EDGES = 320000
NUM_GAUSSIANS = 128
NUM_FILTERS = 128
CUTOFF = 5.0
GAUSSIAN_WIDTH = CUTOFF / (NUM_GAUSSIANS - 1)


def ssp(x):
    # shifted softplus: log(0.5*exp(x) + 0.5)
    return jnp.logaddexp(x, 0.0) - jnp.log(2.0)


def setup_inputs(seed: int = 0) -> dict:
    key = jax.random.key(seed)
    k = jax.random.split(key, 7)
    positions = 10.0 * jax.random.uniform(k[0], (N_NODES, 3), dtype=jnp.float32) - 5.0
    feat = jax.random.normal(k[1], (N_NODES, NUM_FILTERS), dtype=jnp.float32)
    edge_index = jax.random.randint(k[2], (2, N_EDGES), 0, N_NODES).astype(jnp.int32)
    weights1 = jax.random.normal(k[3], (NUM_GAUSSIANS, NUM_FILTERS), dtype=jnp.float32) / np.sqrt(NUM_GAUSSIANS)
    biases1 = jax.random.normal(k[4], (NUM_FILTERS,), dtype=jnp.float32) * 0.01
    weights2 = jax.random.normal(k[5], (NUM_FILTERS, NUM_FILTERS), dtype=jnp.float32) / np.sqrt(NUM_FILTERS)
    biases2 = jax.random.normal(k[6], (NUM_FILTERS,), dtype=jnp.float32) * 0.01
    return {
        'positions': positions,
        'input': feat,
        'edge_index': edge_index,
        'weights1': weights1,
        'biases1': biases1,
        'weights2': weights2,
        'biases2': biases2,
    }


def reference(positions, input, edge_index, weights1, biases1, weights2, biases2):
    src = edge_index[0]
    dst = edge_index[1]
    # per-edge interatomic distances (gather)
    delta = positions[src] - positions[dst]
    r = jnp.sqrt(jnp.sum(delta * delta, axis=1) + 1e-12)
    # Gaussian radial basis expansion
    centers = jnp.arange(NUM_GAUSSIANS, dtype=jnp.float32) * GAUSSIAN_WIDTH
    g = jnp.exp(-((r[:, None] - centers[None, :]) ** 2) / (2.0 * GAUSSIAN_WIDTH * GAUSSIAN_WIDTH))
    # filter-generating network: two dense layers with shifted softplus
    y = ssp(g @ weights1 + biases1)
    w = ssp(y @ weights2 + biases2)
    # cosine cutoff function
    cut = jnp.where(r < CUTOFF, 0.5 * jnp.cos(jnp.pi * r / CUTOFF) + 0.5, 0.0)
    filt = w * cut[:, None]
    # continuous-filter convolution: gather source features, modulate, scatter-add to dst
    msg = input[src] * filt
    out = jnp.zeros((N_NODES, NUM_FILTERS), dtype=input.dtype).at[dst].add(msg)
    return out

if __name__ == "__main__":
    import jax
    _d = setup_inputs()
    print(jax.jit(kernel)(*tuple(_d.values())))

</pallas_src>

<mosaic_0001>
#map = affine_map<(d0, d1) -> (0)>
module attributes {stable_mosaic.version = 14 : i64} {
  func.func @_q_body(%arg0: i32, %arg1: i32, %arg2: memref<30000xf32, #tpu.memory_space<hbm>>, %arg3: memref<320000xi32, #tpu.memory_space<hbm>>, %arg4: memref<320000xi32, #tpu.memory_space<hbm>>, %arg5: memref<323584xf32, #tpu.memory_space<hbm>>, %arg6: memref<323584xi32, #tpu.memory_space<hbm>>, %arg7: memref<323584xi32, #tpu.memory_space<hbm>>, %arg8: memref<512xi32, #tpu.memory_space<hbm>>, %arg9: memref<30000xf32, #tpu.memory_space<vmem>>, %arg10: memref<10000xi32, #tpu.memory_space<vmem>>, %arg11: memref<10000xi32, #tpu.memory_space<vmem>>, %arg12: memref<10112xf32, #tpu.memory_space<vmem>>, %arg13: memref<10112xi32, #tpu.memory_space<vmem>>, %arg14: memref<10112xi32, #tpu.memory_space<vmem>>, %arg15: memref<!tpu.dma_semaphore, #tpu.memory_space<semaphore_mem>>) attributes {dimension_semantics = [#tpu.dimension_semantics<core_parallel>, #tpu.dimension_semantics<subcore_parallel>], iteration_bounds = array<i64: 2, 16>, scalar_prefetch = 0 : i64, scratch_operands = 7 : i64, tpu.core_type = #tpu.core_type<sc_vector_subcore>, window_params = [{transform_indices = #map}, {transform_indices = #map}, {transform_indices = #map}, {transform_indices = #map}, {transform_indices = #map}, {transform_indices = #map}, {transform_indices = #map}]} {
    %mul3A = arith.constant 2 : i32
    %mul3A_0 = arith.muli %arg1, %mul3A : i32
    %add3A = arith.addi %mul3A_0, %arg0 : i32
    %mul3A_1 = arith.constant 10000 : i32
    %mul3A_2 = arith.muli %add3A, %mul3A_1 : i32
    tpu.enqueue_dma source(%arg2 : memref<30000xf32, #tpu.memory_space<hbm>>) target(%arg9 : memref<30000xf32, #tpu.memory_space<vmem>>) target_semaphore(%arg15 : memref<!tpu.dma_semaphore, #tpu.memory_space<semaphore_mem>>)
    %dma_start3A = tpu.memref_slice %arg3[%mul3A_2] : memref<320000xi32, #tpu.memory_space<hbm>> -> memref<10000xi32, #tpu.memory_space<hbm>>
    %dma_start3A_3 = tpu.memref_slice %arg3[%mul3A_2] : memref<320000xi32, #tpu.memory_space<hbm>> -> memref<10000xi32, #tpu.memory_space<hbm>>
    tpu.enqueue_dma source(%dma_start3A_3 : memref<10000xi32, #tpu.memory_space<hbm>>) target(%arg10 : memref<10000xi32, #tpu.memory_space<vmem>>) target_semaphore(%arg15 : memref<!tpu.dma_semaphore, #tpu.memory_space<semaphore_mem>>)
    %dma_start3A_4 = tpu.memref_slice %arg4[%mul3A_2] : memref<320000xi32, #tpu.memory_space<hbm>> -> memref<10000xi32, #tpu.memory_space<hbm>>
    %dma_start3A_5 = tpu.memref_slice %arg4[%mul3A_2] : memref<320000xi32, #tpu.memory_space<hbm>> -> memref<10000xi32, #tpu.memory_space<hbm>>
    tpu.enqueue_dma source(%dma_start3A_5 : memref<10000xi32, #tpu.memory_space<hbm>>) target(%arg11 : memref<10000xi32, #tpu.memory_space<vmem>>) target_semaphore(%arg15 : memref<!tpu.dma_semaphore, #tpu.memory_space<semaphore_mem>>)
    tpu.wait_dma2 semaphore(%arg15 : memref<!tpu.dma_semaphore, #tpu.memory_space<semaphore_mem>>) src(%arg2 : memref<30000xf32, #tpu.memory_space<hbm>>) dst(%arg9 : memref<30000xf32, #tpu.memory_space<vmem>>)
    %dma_wait3A = tpu.memref_slice %arg3[%mul3A_2] : memref<320000xi32, #tpu.memory_space<hbm>> -> memref<10000xi32, #tpu.memory_space<hbm>>
    %dma_wait3A_6 = tpu.memref_slice %arg3[%mul3A_2] : memref<320000xi32, #tpu.memory_space<hbm>> -> memref<10000xi32, #tpu.memory_space<hbm>>
    tpu.wait_dma2 semaphore(%arg15 : memref<!tpu.dma_semaphore, #tpu.memory_space<semaphore_mem>>) src(%dma_wait3A_6 : memref<10000xi32, #tpu.memory_space<hbm>>) dst(%arg10 : memref<10000xi32, #tpu.memory_space<vmem>>)
    %dma_wait3A_7 = tpu.memref_slice %arg4[%mul3A_2] : memref<320000xi32, #tpu.memory_space<hbm>> -> memref<10000xi32, #tpu.memory_space<hbm>>
    %dma_wait3A_8 = tpu.memref_slice %arg4[%mul3A_2] : memref<320000xi32, #tpu.memory_space<hbm>> -> memref<10000xi32, #tpu.memory_space<hbm>>
    tpu.wait_dma2 semaphore(%arg15 : memref<!tpu.dma_semaphore, #tpu.memory_space<semaphore_mem>>) src(%dma_wait3A_8 : memref<10000xi32, #tpu.memory_space<hbm>>) dst(%arg11 : memref<10000xi32, #tpu.memory_space<vmem>>)
    %scan3A = arith.constant 0 : i32
    %scan3A_9 = arith.constant 0 : i32
    %scan3A_10 = arith.constant 125 : i32
    %scan3A_11 = arith.addi %scan3A_9, %scan3A_10 : i32
    %scan3A_12 = arith.constant 1 : i32
    %scan3A_13 = scf.for %scan3A_173 = %scan3A_9 to %scan3A_11 step %scan3A_12 iter_args(%scan3A_174 = %scan3A) -> (i32)  : i32 {
      %mul3A_175 = arith.constant 5 : i32
      %mul3A_176 = arith.muli %scan3A_173, %mul3A_175 : i32
      %add3A_177 = arith.constant 0 : i32
      %add3A_178 = arith.addi %mul3A_176, %add3A_177 : i32
      %mul3A_179 = arith.constant 16 : i32
      %mul3A_180 = arith.muli %add3A_178, %mul3A_179 : i32
      %get3A = arith.index_cast %mul3A_180 : i32 to index
      %get3A_181 = tpu.vector_load %arg10[%get3A] {strides = array<i32>} : memref<10000xi32, #tpu.memory_space<vmem>>, vector<16xi32>,
      %get3A_182 = arith.index_cast %mul3A_180 : i32 to index
      %get3A_183 = tpu.vector_load %arg11[%get3A_182] {strides = array<i32>} : memref<10000xi32, #tpu.memory_space<vmem>>, vector<16xi32>,
      %mul3A_184 = arith.constant 3 : i32
      %mul3A_185 = vector.broadcast %mul3A_184 : i32 to vector<16xi32>
      %mul3A_186 = arith.muli %get3A_181, %mul3A_185 : vector<16xi32>
      %mul3A_187 = arith.constant 3 : i32
      %mul3A_188 = vector.broadcast %mul3A_187 : i32 to vector<16xi32>
      %mul3A_189 = arith.muli %get3A_183, %mul3A_188 : vector<16xi32>
      %gather3A = tpu.vector_load_idx %arg9[%mul3A_186] : memref<30000xf32, #tpu.memory_space<vmem>>[vector<16xi32>], vector<16xf32>,
      %gather3A_190 = tpu.vector_load_idx %arg9[%mul3A_189] : memref<30000xf32, #tpu.memory_space<vmem>>[vector<16xi32>], vector<16xf32>,
      %sub3A_191 = arith.subf %gather3A, %gather3A_190 : vector<16xf32>
      %add3A_192 = arith.constant 1 : i32
      %add3A_193 = vector.broadcast %add3A_192 : i32 to vector<16xi32>
      %add3A_194 = arith.addi %mul3A_186, %add3A_193 : vector<16xi32>
      %gather3A_195 = tpu.vector_load_idx %arg9[%add3A_194] : memref<30000xf32, #tpu.memory_space<vmem>>[vector<16xi32>], vector<16xf32>,
      %add3A_196 = arith.constant 1 : i32
      %add3A_197 = vector.broadcast %add3A_196 : i32 to vector<16xi32>
      %add3A_198 = arith.addi %mul3A_189, %add3A_197 : vector<16xi32>
      %gather3A_199 = tpu.vector_load_idx %arg9[%add3A_198] : memref<30000xf32, #tpu.memory_space<vmem>>[vector<16xi32>], vector<16xf32>,
      %sub3A_200 = arith.subf %gather3A_195, %gather3A_199 : vector<16xf32>
      %add3A_201 = arith.constant 2 : i32
      %add3A_202 = vector.broadcast %add3A_201 : i32 to vector<16xi32>
      %add3A_203 = arith.addi %mul3A_186, %add3A_202 : vector<16xi32>
      %gather3A_204 = tpu.vector_load_idx %arg9[%add3A_203] : memref<30000xf32, #tpu.memory_space<vmem>>[vector<16xi32>], vector<16xf32>,
      %add3A_205 = arith.constant 2 : i32
      %add3A_206 = vector.broadcast %add3A_205 : i32 to vector<16xi32>
      %add3A_207 = arith.addi %mul3A_189, %add3A_206 : vector<16xi32>
      %gather3A_208 = tpu.vector_load_idx %arg9[%add3A_207] : memref<30000xf32, #tpu.memory_space<vmem>>[vector<16xi32>], vector<16xf32>,
      %sub3A_209 = arith.subf %gather3A_204, %gather3A_208 : vector<16xf32>
      %mul3A_210 = arith.mulf %sub3A_191, %sub3A_191 : vector<16xf32>
      %mul3A_211 = arith.mulf %sub3A_200, %sub3A_200 : vector<16xf32>
      %add3A_212 = arith.addf %mul3A_210, %mul3A_211 : vector<16xf32>
      %mul3A_213 = arith.mulf %sub3A_209, %sub3A_209 : vector<16xf32>
      %add3A_214 = arith.addf %add3A_212, %mul3A_213 : vector<16xf32>
      %add3A_215 = arith.constant 9.99999996E-13 : f32
      %add3A_216 = vector.broadcast %add3A_215 : f32 to vector<16xf32>
      %add3A_217 = arith.addf %add3A_214, %add3A_216 : vector<16xf32>
      %bitcast3A = vector.bitcast %add3A_217 : vector<16xf32> to vector<16xi32>
      %shift_right_arithmetic3A = arith.constant 1 : i32
      %shift_right_arithmetic3A_218 = vector.broadcast %shift_right_arithmetic3A : i32 to vector<16xi32>
      %shift_right_arithmetic3A_219 = arith.shrsi %bitcast3A, %shift_right_arithmetic3A_218 : vector<16xi32>
      %sub3A_220 = arith.constant 1597463007 : i32
      %sub3A_221 = vector.broadcast %sub3A_220 : i32 to vector<16xi32>
      %sub3A_222 = arith.subi %sub3A_221, %shift_right_arithmetic3A_219 : vector<16xi32>
      %bitcast3A_223 = vector.bitcast %sub3A_222 : vector<16xi32> to vector<16xf32>
      %mul3A_224 = arith.constant 5.000000e-01 : f32
      %mul3A_225 = vector.broadcast %mul3A_224 : f32 to vector<16xf32>
      %mul3A_226 = arith.mulf %mul3A_225, %add3A_217 : vector<16xf32>
      %mul3A_227 = arith.mulf %mul3A_226, %bitcast3A_223 : vector<16xf32>
      %mul3A_228 = arith.mulf %mul3A_227, %bitcast3A_223 : vector<16xf32>
      %sub3A_229 = arith.constant 1.500000e+00 : f32
      %sub3A_230 = vector.broadcast %sub3A_229 : f32 to vector<16xf32>
      %sub3A_231 = arith.subf %sub3A_230, %mul3A_228 : vector<16xf32>
      %mul3A_232 = arith.mulf %bitcast3A_223, %sub3A_231 : vector<16xf32>
      %mul3A_233 = arith.mulf %mul3A_226, %mul3A_232 : vector<16xf32>
      %mul3A_234 = arith.mulf %mul3A_233, %mul3A_232 : vector<16xf32>
      %sub3A_235 = arith.constant 1.500000e+00 : f32
      %sub3A_236 = vector.broadcast %sub3A_235 : f32 to vector<16xf32>
      %sub3A_237 = arith.subf %sub3A_236, %mul3A_234 : vector<16xf32>
      %mul3A_238 = arith.mulf %mul3A_232, %sub3A_237 : vector<16xf32>
      %mul3A_239 = arith.mulf %mul3A_226, %mul3A_238 : vector<16xf32>
      %mul3A_240 = arith.mulf %mul3A_239, %mul3A_238 : vector<16xf32>
      %sub3A_241 = arith.constant 1.500000e+00 : f32
      %sub3A_242 = vector.broadcast %sub3A_241 : f32 to vector<16xf32>
      %sub3A_243 = arith.subf %sub3A_242, %mul3A_240 : vector<16xf32>
      %mul3A_244 = arith.mulf %mul3A_238, %sub3A_243 : vector<16xf32>
      %mul3A_245 = arith.mulf %add3A_217, %mul3A_244 : vector<16xf32>
      %mul3A_246 = arith.constant 1.638400e+03 : f32
      %mul3A_247 = vector.broadcast %mul3A_246 : f32 to vector<16xf32>
      %mul3A_248 = arith.mulf %mul3A_245, %mul3A_247 : vector<16xf32>
      %add3A_249 = arith.constant 5.000000e-01 : f32
      %add3A_250 = vector.broadcast %add3A_249 : f32 to vector<16xf32>
      %add3A_251 = arith.addf %mul3A_248, %add3A_250 : vector<16xf32>
      %lt3A = arith.constant 2.500000e+01 : f32
      %lt3A_252 = vector.broadcast %lt3A : f32 to vector<16xf32>
      %lt3A_253 = arith.cmpf olt, %add3A_217, %lt3A_252 : vector<16xf32>
      %swap3A_254 = arith.index_cast %scan3A_174 : i32 to index
      %swap3A_255 = tpu.vector_load %arg12[%swap3A_254] masked %lt3A_253 {strides = array<i32>} : memref<10112xf32, #tpu.memory_space<vmem>>, vector<16xf32>, vector<16xi1>
      tpu.vector_store %arg12[%swap3A_254], %add3A_251 masked %lt3A_253 {strides = array<i32>} : memref<10112xf32, #tpu.memory_space<vmem>>, vector<16xf32>, vector<16xi1>
      %swap3A_256 = arith.index_cast %scan3A_174 : i32 to index
      %swap3A_257 = tpu.vector_load %arg13[%swap3A_256] masked %lt3A_253 {strides = array<i32>} : memref<10112xi32, #tpu.memory_space<vmem>>, vector<16xi32>, vector<16xi1>
      tpu.vector_store %arg13[%swap3A_256], %get3A_181 masked %lt3A_253 {strides = array<i32>} : memref<10112xi32, #tpu.memory_space<vmem>>, vector<16xi32>, vector<16xi1>
      %swap3A_258 = arith.index_cast %scan3A_174 : i32 to index
      %swap3A_259 = tpu.vector_load %arg14[%swap3A_258] masked %lt3A_253 {strides = array<i32>} : memref<10112xi32, #tpu.memory_space<vmem>>, vector<16xi32>, vector<16xi1>
      tpu.vector_store %arg14[%swap3A_258], %get3A_183 masked %lt3A_253 {strides = array<i32>} : memref<10112xi32, #tpu.memory_space<vmem>>, vector<16xi32>, vector<16xi1>
      %convert_element_type3A_260 = arith.extui %lt3A_253 : vector<16xi1> to vector<16xi32>
      %reduce_sum3A = arith.constant true
      %reduce_sum3A_261 = vector.broadcast %reduce_sum3A : i1 to vector<16xi1>
      %reduce_sum3A_262 = tpu.scan <sum>, %convert_element_type3A_260 masked %reduce_sum3A_261 : vector<16xi32>, vector<16xi1> -> vector<16xi32>
      %reduce_sum3A_263 = vector.extract %reduce_sum3A_262[15] : i32 from vector<16xi32>
      %add3A_264 = arith.addi %scan3A_174, %reduce_sum3A_263 : i32
      %mul3A_265 = arith.constant 5 : i32
      %mul3A_266 = arith.muli %scan3A_173, %mul3A_265 : i32
      %add3A_267 = arith.constant 1 : i32
      %add3A_268 = arith.addi %mul3A_266, %add3A_267 : i32
      %mul3A_269 = arith.constant 16 : i32
      %mul3A_270 = arith.muli %add3A_268, %mul3A_269 : i32
      %get3A_271 = arith.index_cast %mul3A_270 : i32 to index
      %get3A_272 = tpu.vector_load %arg10[%get3A_271] {strides = array<i32>} : memref<10000xi32, #tpu.memory_space<vmem>>, vector<16xi32>,
      %get3A_273 = arith.index_cast %mul3A_270 : i32 to index
      %get3A_274 = tpu.vector_load %arg11[%get3A_273] {strides = array<i32>} : memref<10000xi32, #tpu.memory_space<vmem>>, vector<16xi32>,
      %mul3A_275 = arith.constant 3 : i32
      %mul3A_276 = vector.broadcast %mul3A_275 : i32 to vector<16xi32>
      %mul3A_277 = arith.muli %get3A_272, %mul3A_276 : vector<16xi32>
      %mul3A_278 = arith.constant 3 : i32
      %mul3A_279 = vector.broadcast %mul3A_278 : i32 to vector<16xi32>
      %mul3A_280 = arith.muli %get3A_274, %mul3A_279 : vector<16xi32>
      %gather3A_281 = tpu.vector_load_idx %arg9[%mul3A_277] : memref<30000xf32, #tpu.memory_space<vmem>>[vector<16xi32>], vector<16xf32>,
      %gather3A_282 = tpu.vector_load_idx %arg9[%mul3A_280] : memref<30000xf32, #tpu.memory_space<vmem>>[vector<16xi32>], vector<16xf32>,
      %sub3A_283 = arith.subf %gather3A_281, %gather3A_282 : vector<16xf32>
      %add3A_284 = arith.constant 1 : i32
      %add3A_285 = vector.broadcast %add3A_284 : i32 to vector<16xi32>
      %add3A_286 = arith.addi %mul3A_277, %add3A_285 : vector<16xi32>
      %gather3A_287 = tpu.vector_load_idx %arg9[%add3A_286] : memref<30000xf32, #tpu.memory_space<vmem>>[vector<16xi32>], vector<16xf32>,
      %add3A_288 = arith.constant 1 : i32
      %add3A_289 = vector.broadcast %add3A_288 : i32 to vector<16xi32>
      %add3A_290 = arith.addi %mul3A_280, %add3A_289 : vector<16xi32>
      %gather3A_291 = tpu.vector_load_idx %arg9[%add3A_290] : memref<30000xf32, #tpu.memory_space<vmem>>[vector<16xi32>], vector<16xf32>,
      %sub3A_292 = arith.subf %gather3A_287, %gather3A_291 : vector<16xf32>
      %add3A_293 = arith.constant 2 : i32
      %add3A_294 = vector.broadcast %add3A_293 : i32 to vector<16xi32>
      %add3A_295 = arith.addi %mul3A_277, %add3A_294 : vector<16xi32>
      %gather3A_296 = tpu.vector_load_idx %arg9[%add3A_295] : memref<30000xf32, #tpu.memory_space<vmem>>[vector<16xi32>], vector<16xf32>,
      %add3A_297 = arith.constant 2 : i32
      %add3A_298 = vector.broadcast %add3A_297 : i32 to vector<16xi32>
      %add3A_299 = arith.addi %mul3A_280, %add3A_298 : vector<16xi32>
      %gather3A_300 = tpu.vector_load_idx %arg9[%add3A_299] : memref<30000xf32, #tpu.memory_space<vmem>>[vector<16xi32>], vector<16xf32>,
      %sub3A_301 = arith.subf %gather3A_296, %gather3A_300 : vector<16xf32>
      %mul3A_302 = arith.mulf %sub3A_283, %sub3A_283 : vector<16xf32>
      %mul3A_303 = arith.mulf %sub3A_292, %sub3A_292 : vector<16xf32>
      %add3A_304 = arith.addf %mul3A_302, %mul3A_303 : vector<16xf32>
      %mul3A_305 = arith.mulf %sub3A_301, %sub3A_301 : vector<16xf32>
      %add3A_306 = arith.addf %add3A_304, %mul3A_305 : vector<16xf32>
      %add3A_307 = arith.constant 9.99999996E-13 : f32
      %add3A_308 = vector.broadcast %add3A_307 : f32 to vector<16xf32>
      %add3A_309 = arith.addf %add3A_306, %add3A_308 : vector<16xf32>
      %bitcast3A_310 = vector.bitcast %add3A_309 : vector<16xf32> to vector<16xi32>
      %shift_right_arithmetic3A_311 = arith.constant 1 : i32
      %shift_right_arithmetic3A_312 = vector.broadcast %shift_right_arithmetic3A_311 : i32 to vector<16xi32>
      %shift_right_arithmetic3A_313 = arith.shrsi %bitcast3A_310, %shift_right_arithmetic3A_312 : vector<16xi32>
      %sub3A_314 = arith.constant 1597463007 : i32
      %sub3A_315 = vector.broadcast %sub3A_314 : i32 to vector<16xi32>
      %sub3A_316 = arith.subi %sub3A_315, %shift_right_arithmetic3A_313 : vector<16xi32>
      %bitcast3A_317 = vector.bitcast %sub3A_316 : vector<16xi32> to vector<16xf32>
      %mul3A_318 = arith.constant 5.000000e-01 : f32
      %mul3A_319 = vector.broadcast %mul3A_318 : f32 to vector<16xf32>
      %mul3A_320 = arith.mulf %mul3A_319, %add3A_309 : vector<16xf32>
      %mul3A_321 = arith.mulf %mul3A_320, %bitcast3A_317 : vector<16xf32>
      %mul3A_322 = arith.mulf %mul3A_321, %bitcast3A_317 : vector<16xf32>
      %sub3A_323 = arith.constant 1.500000e+00 : f32
      %sub3A_324 = vector.broadcast %sub3A_323 : f32 to vector<16xf32>
      %sub3A_325 = arith.subf %sub3A_324, %mul3A_322 : vector<16xf32>
      %mul3A_326 = arith.mulf %bitcast3A_317, %sub3A_325 : vector<16xf32>
      %mul3A_327 = arith.mulf %mul3A_320, %mul3A_326 : vector<16xf32>
      %mul3A_328 = arith.mulf %mul3A_327, %mul3A_326 : vector<16xf32>
      %sub3A_329 = arith.constant 1.500000e+00 : f32
      %sub3A_330 = vector.broadcast %sub3A_329 : f32 to vector<16xf32>
      %sub3A_331 = arith.subf %sub3A_330, %mul3A_328 : vector<16xf32>
      %mul3A_332 = arith.mulf %mul3A_326, %sub3A_331 : vector<16xf32>
      %mul3A_333 = arith.mulf %mul3A_320, %mul3A_332 : vector<16xf32>
      %mul3A_334 = arith.mulf %mul3A_333, %mul3A_332 : vector<16xf32>
      %sub3A_335 = arith.constant 1.500000e+00 : f32
      %sub3A_336 = vector.broadcast %sub3A_335 : f32 to vector<16xf32>
      %sub3A_337 = arith.subf %sub3A_336, %mul3A_334 : vector<16xf32>
      %mul3A_338 = arith.mulf %mul3A_332, %sub3A_337 : vector<16xf32>
      %mul3A_339 = arith.mulf %add3A_309, %mul3A_338 : vector<16xf32>
      %mul3A_340 = arith.constant 1.638400e+03 : f32
      %mul3A_341 = vector.broadcast %mul3A_340 : f32 to vector<16xf32>
      %mul3A_342 = arith.mulf %mul3A_339, %mul3A_341 : vector<16xf32>
      %add3A_343 = arith.constant 5.000000e-01 : f32
      %add3A_344 = vector.broadcast %add3A_343 : f32 to vector<16xf32>
      %add3A_345 = arith.addf %mul3A_342, %add3A_344 : vector<16xf32>
      %lt3A_346 = arith.constant 2.500000e+01 : f32
      %lt3A_347 = vector.broadcast %lt3A_346 : f32 to vector<16xf32>
      %lt3A_348 = arith.cmpf olt, %add3A_309, %lt3A_347 : vector<16xf32>
      %swap3A_349 = arith.index_cast %add3A_264 : i32 to index
      %swap3A_350 = tpu.vector_load %arg12[%swap3A_349] masked %lt3A_348 {strides = array<i32>} : memref<10112xf32, #tpu.memory_space<vmem>>, vector<16xf32>, vector<16xi1>
      tpu.vector_store %arg12[%swap3A_349], %add3A_345 masked %lt3A_348 {strides = array<i32>} : memref<10112xf32, #tpu.memory_space<vmem>>, vector<16xf32>, vector<16xi1>
      %swap3A_351 = arith.index_cast %add3A_264 : i32 to index
      %swap3A_352 = tpu.vector_load %arg13[%swap3A_351] masked %lt3A_348 {strides = array<i32>} : memref<10112xi32, #tpu.memory_space<vmem>>, vector<16xi32>, vector<16xi1>
      tpu.vector_store %arg13[%swap3A_351], %get3A_272 masked %lt3A_348 {strides = array<i32>} : memref<10112xi32, #tpu.memory_space<vmem>>, vector<16xi32>, vector<16xi1>
      %swap3A_353 = arith.index_cast %add3A_264 : i32 to index
      %swap3A_354 = tpu.vector_load %arg14[%swap3A_353] masked %lt3A_348 {strides = array<i32>} : memref<10112xi32, #tpu.memory_space<vmem>>, vector<16xi32>, vector<16xi1>
      tpu.vector_store %arg14[%swap3A_353], %get3A_274 masked %lt3A_348 {strides = array<i32>} : memref<10112xi32, #tpu.memory_space<vmem>>, vector<16xi32>, vector<16xi1>
      %convert_element_type3A_355 = arith.extui %lt3A_348 : vector<16xi1> to vector<16xi32>
      %reduce_sum3A_356 = arith.constant true
      %reduce_sum3A_357 = vector.broadcast %reduce_sum3A_356 : i1 to vector<16xi1>
      %reduce_sum3A_358 = tpu.scan <sum>, %convert_element_type3A_355 masked %reduce_sum3A_357 : vector<16xi32>, vector<16xi1> -> vector<16xi32>
      %reduce_sum3A_359 = vector.extract %reduce_sum3A_358[15] : i32 from vector<16xi32>
      %add3A_360 = arith.addi %add3A_264, %reduce_sum3A_359 : i32
      %mul3A_361 = arith.constant 5 : i32
      %mul3A_362 = arith.muli %scan3A_173, %mul3A_361 : i32
      %add3A_363 = arith.constant 2 : i32
      %add3A_364 = arith.addi %mul3A_362, %add3A_363 : i32
      %mul3A_365 = arith.constant 16 : i32
      %mul3A_366 = arith.muli %add3A_364, %mul3A_365 : i32
      %get3A_367 = arith.index_cast %mul3A_366 : i32 to index
      %get3A_368 = tpu.vector_load %arg10[%get3A_367] {strides = array<i32>} : memref<10000xi32, #tpu.memory_space<vmem>>, vector<16xi32>,
      %get3A_369 = arith.index_cast %mul3A_366 : i32 to index
      %get3A_370 = tpu.vector_load %arg11[%get3A_369] {strides = array<i32>} : memref<10000xi32, #tpu.memory_space<vmem>>, vector<16xi32>,
      %mul3A_371 = arith.constant 3 : i32
      %mul3A_372 = vector.broadcast %mul3A_371 : i32 to vector<16xi32>
      %mul3A_373 = arith.muli %get3A_368, %mul3A_372 : vector<16xi32>
      %mul3A_374 = arith.constant 3 : i32
      %mul3A_375 = vector.broadcast %mul3A_374 : i32 to vector<16xi32>
      %mul3A_376 = arith.muli %get3A_370, %mul3A_375 : vector<16xi32>
      %gather3A_377 = tpu.vector_load_idx %arg9[%mul3A_373] : memref<30000xf32, #tpu.memory_space<vmem>>[vector<16xi32>], vector<16xf32>,
      %gather3A_378 = tpu.vector_load_idx %arg9[%mul3A_376] : memref<30000xf32, #tpu.memory_space<vmem>>[vector<16xi32>], vector<16xf32>,
      %sub3A_379 = arith.subf %gather3A_377, %gather3A_378 : vector<16xf32>
      %add3A_380 = arith.constant 1 : i32
      %add3A_381 = vector.broadcast %add3A_380 : i32 to vector<16xi32>
      %add3A_382 = arith.addi %mul3A_373, %add3A_381 : vector<16xi32>
      %gather3A_383 = tpu.vector_load_idx %arg9[%add3A_382] : memref<30000xf32, #tpu.memory_space<vmem>>[vector<16xi32>], vector<16xf32>,
      %add3A_384 = arith.constant 1 : i32
      %add3A_385 = vector.broadcast %add3A_384 : i32 to vector<16xi32>
      %add3A_386 = arith.addi %mul3A_376, %add3A_385 : vector<16xi32>
      %gather3A_387 = tpu.vector_load_idx %arg9[%add3A_386] : memref<30000xf32, #tpu.memory_space<vmem>>[vector<16xi32>], vector<16xf32>,
      %sub3A_388 = arith.subf %gather3A_383, %gather3A_387 : vector<16xf32>
      %add3A_389 = arith.constant 2 : i32
      %add3A_390 = vector.broadcast %add3A_389 : i32 to vector<16xi32>
      %add3A_391 = arith.addi %mul3A_373, %add3A_390 : vector<16xi32>
      %gather3A_392 = tpu.vector_load_idx %arg9[%add3A_391] : memref<30000xf32, #tpu.memory_space<vmem>>[vector<16xi32>], vector<16xf32>,
      %add3A_393 = arith.constant 2 : i32
      %add3A_394 = vector.broadcast %add3A_393 : i32 to vector<16xi32>
      %add3A_395 = arith.addi %mul3A_376, %add3A_394 : vector<16xi32>
      %gather3A_396 = tpu.vector_load_idx %arg9[%add3A_395] : memref<30000xf32, #tpu.memory_space<vmem>>[vector<16xi32>], vector<16xf32>,
      %sub3A_397 = arith.subf %gather3A_392, %gather3A_396 : vector<16xf32>
      %mul3A_398 = arith.mulf %sub3A_379, %sub3A_379 : vector<16xf32>
      %mul3A_399 = arith.mulf %sub3A_388, %sub3A_388 : vector<16xf32>
      %add3A_400 = arith.addf %mul3A_398, %mul3A_399 : vector<16xf32>
      %mul3A_401 = arith.mulf %sub3A_397, %sub3A_397 : vector<16xf32>
      %add3A_402 = arith.addf %add3A_400, %mul3A_401 : vector<16xf32>
      %add3A_403 = arith.constant 9.99999996E-13 : f32
      %add3A_404 = vector.broadcast %add3A_403 : f32 to vector<16xf32>
      %add3A_405 = arith.addf %add3A_402, %add3A_404 : vector<16xf32>
      %bitcast3A_406 = vector.bitcast %add3A_405 : vector<16xf32> to vector<16xi32>
      %shift_right_arithmetic3A_407 = arith.constant 1 : i32
      %shift_right_arithmetic3A_408 = vector.broadcast %shift_right_arithmetic3A_407 : i32 to vector<16xi32>
      %shift_right_arithmetic3A_409 = arith.shrsi %bitcast3A_406, %shift_right_arithmetic3A_408 : vector<16xi32>
      %sub3A_410 = arith.constant 1597463007 : i32
      %sub3A_411 = vector.broadcast %sub3A_410 : i32 to vector<16xi32>
      %sub3A_412 = arith.subi %sub3A_411, %shift_right_arithmetic3A_409 : vector<16xi32>
      %bitcast3A_413 = vector.bitcast %sub3A_412 : vector<16xi32> to vector<16xf32>
      %mul3A_414 = arith.constant 5.000000e-01 : f32
      %mul3A_415 = vector.broadcast %mul3A_414 : f32 to vector<16xf32>
      %mul3A_416 = arith.mulf %mul3A_415, %add3A_405 : vector<16xf32>
      %mul3A_417 = arith.mulf %mul3A_416, %bitcast3A_413 : vector<16xf32>
      %mul3A_418 = arith.mulf %mul3A_417, %bitcast3A_413 : vector<16xf32>
      %sub3A_419 = arith.constant 1.500000e+00 : f32
      %sub3A_420 = vector.broadcast %sub3A_419 : f32 to vector<16xf32>
      %sub3A_421 = arith.subf %sub3A_420, %mul3A_418 : vector<16xf32>
      %mul3A_422 = arith.mulf %bitcast3A_413, %sub3A_421 : vector<16xf32>
      %mul3A_423 = arith.mulf %mul3A_416, %mul3A_422 : vector<16xf32>
      %mul3A_424 = arith.mulf %mul3A_423, %mul3A_422 : vector<16xf32>
      %sub3A_425 = arith.constant 1.500000e+00 : f32
      %sub3A_426 = vector.broadcast %sub3A_425 : f32 to vector<16xf32>
      %sub3A_427 = arith.subf %sub3A_426, %mul3A_424 : vector<16xf32>
      %mul3A_428 = arith.mulf %mul3A_422, %sub3A_427 : vector<16xf32>
      %mul3A_429 = arith.mulf %mul3A_416, %mul3A_428 : vector<16xf32>
      %mul3A_430 = arith.mulf %mul3A_429, %mul3A_428 : vector<16xf32>
      %sub3A_431 = arith.constant 1.500000e+00 : f32
      %sub3A_432 = vector.broadcast %sub3A_431 : f32 to vector<16xf32>
      %sub3A_433 = arith.subf %sub3A_432, %mul3A_430 : vector<16xf32>
      %mul3A_434 = arith.mulf %mul3A_428, %sub3A_433 : vector<16xf32>
      %mul3A_435 = arith.mulf %add3A_405, %mul3A_434 : vector<16xf32>
      %mul3A_436 = arith.constant 1.638400e+03 : f32
      %mul3A_437 = vector.broadcast %mul3A_436 : f32 to vector<16xf32>
      %mul3A_438 = arith.mulf %mul3A_435, %mul3A_437 : vector<16xf32>
      %add3A_439 = arith.constant 5.000000e-01 : f32
      %add3A_440 = vector.broadcast %add3A_439 : f32 to vector<16xf32>
      %add3A_441 = arith.addf %mul3A_438, %add3A_440 : vector<16xf32>
      %lt3A_442 = arith.constant 2.500000e+01 : f32
      %lt3A_443 = vector.broadcast %lt3A_442 : f32 to vector<16xf32>
      %lt3A_444 = arith.cmpf olt, %add3A_405, %lt3A_443 : vector<16xf32>
      %swap3A_445 = arith.index_cast %add3A_360 : i32 to index
      %swap3A_446 = tpu.vector_load %arg12[%swap3A_445] masked %lt3A_444 {strides = array<i32>} : memref<10112xf32, #tpu.memory_space<vmem>>, vector<16xf32>, vector<16xi1>
      tpu.vector_store %arg12[%swap3A_445], %add3A_441 masked %lt3A_444 {strides = array<i32>} : memref<10112xf32, #tpu.memory_space<vmem>>, vector<16xf32>, vector<16xi1>
      %swap3A_447 = arith.index_cast %add3A_360 : i32 to index
      %swap3A_448 = tpu.vector_load %arg13[%swap3A_447] masked %lt3A_444 {strides = array<i32>} : memref<10112xi32, #tpu.memory_space<vmem>>, vector<16xi32>, vector<16xi1>
      tpu.vector_store %arg13[%swap3A_447], %get3A_368 masked %lt3A_444 {strides = array<i32>} : memref<10112xi32, #tpu.memory_space<vmem>>, vector<16xi32>, vector<16xi1>
      %swap3A_449 = arith.index_cast %add3A_360 : i32 to index
      %swap3A_450 = tpu.vector_load %arg14[%swap3A_449] masked %lt3A_444 {strides = array<i32>} : memref<10112xi32, #tpu.memory_space<vmem>>, vector<16xi32>, vector<16xi1>
      tpu.vector_store %arg14[%swap3A_449], %get3A_370 masked %lt3A_444 {strides = array<i32>} : memref<10112xi32, #tpu.memory_space<vmem>>, vector<16xi32>, vector<16xi1>
      %convert_element_type3A_451 = arith.extui %lt3A_444 : vector<16xi1> to vector<16xi32>
      %reduce_sum3A_452 = arith.constant true
      %reduce_sum3A_453 = vector.broadcast %reduce_sum3A_452 : i1 to vector<16xi1>
      %reduce_sum3A_454 = tpu.scan <sum>, %convert_element_type3A_451 masked %reduce_sum3A_453 : vector<16xi32>, vector<16xi1> -> vector<16xi32>
      %reduce_sum3A_455 = vector.extract %reduce_sum3A_454[15] : i32 from vector<16xi32>
      %add3A_456 = arith.addi %add3A_360, %reduce_sum3A_455 : i32
      %mul3A_457 = arith.constant 5 : i32
      %mul3A_458 = arith.muli %scan3A_173, %mul3A_457 : i32
      %add3A_459 = arith.constant 3 : i32
      %add3A_460 = arith.addi %mul3A_458, %add3A_459 : i32
      %mul3A_461 = arith.constant 16 : i32
      %mul3A_462 = arith.muli %add3A_460, %mul3A_461 : i32
      %get3A_463 = arith.index_cast %mul3A_462 : i32 to index
      %get3A_464 = tpu.vector_load %arg10[%get3A_463] {strides = array<i32>} : memref<10000xi32, #tpu.memory_space<vmem>>, vector<16xi32>,
      %get3A_465 = arith.index_cast %mul3A_462 : i32 to index
      %get3A_466 = tpu.vector_load %arg11[%get3A_465] {strides = array<i32>} : memref<10000xi32, #tpu.memory_space<vmem>>, vector<16xi32>,
      %mul3A_467 = arith.constant 3 : i32
      %mul3A_468 = vector.broadcast %mul3A_467 : i32 to vector<16xi32>
      %mul3A_469 = arith.muli %get3A_464, %mul3A_468 : vector<16xi32>
      %mul3A_470 = arith.constant 3 : i32
      %mul3A_471 = vector.broadcast %mul3A_470 : i32 to vector<16xi32>
      %mul3A_472 = arith.muli %get3A_466, %mul3A_471 : vector<16xi32>
      %gather3A_473 = tpu.vector_load_idx %arg9[%mul3A_469] : memref<30000xf32, #tpu.memory_space<vmem>>[vector<16xi32>], vector<16xf32>,
      %gather3A_474 = tpu.vector_load_idx %arg9[%mul3A_472] : memref<30000xf32, #tpu.memory_space<vmem>>[vector<16xi32>], vector<16xf32>,
      %sub3A_475 = arith.subf %gather3A_473, %gather3A_474 : vector<16xf32>
      %add3A_476 = arith.constant 1 : i32
      %add3A_477 = vector.broadcast %add3A_476 : i32 to vector<16xi32>
      %add3A_478 = arith.addi %mul3A_469, %add3A_477 : vector<16xi32>
      %gather3A_479 = tpu.vector_load_idx %arg9[%add3A_478] : memref<30000xf32, #tpu.memory_space<vmem>>[vector<16xi32>], vector<16xf32>,
      %add3A_480 = arith.constant 1 : i32
      %add3A_481 = vector.broadcast %add3A_480 : i32 to vector<16xi32>
      %add3A_482 = arith.addi %mul3A_472, %add3A_481 : vector<16xi32>
      %gather3A_483 = tpu.vector_load_idx %arg9[%add3A_482] : memref<30000xf32, #tpu.memory_space<vmem>>[vector<16xi32>], vector<16xf32>,
      %sub3A_484 = arith.subf %gather3A_479, %gather3A_483 : vector<16xf32>
      %add3A_485 = arith.constant 2 : i32
      %add3A_486 = vector.broadcast %add3A_485 : i32 to vector<16xi32>
      %add3A_487 = arith.addi %mul3A_469, %add3A_486 : vector<16xi32>
      %gather3A_488 = tpu.vector_load_idx %arg9[%add3A_487] : memref<30000xf32, #tpu.memory_space<vmem>>[vector<16xi32>], vector<16xf32>,
      %add3A_489 = arith.constant 2 : i32
      %add3A_490 = vector.broadcast %add3A_489 : i32 to vector<16xi32>
      %add3A_491 = arith.addi %mul3A_472, %add3A_490 : vector<16xi32>
      %gather3A_492 = tpu.vector_load_idx %arg9[%add3A_491] : memref<30000xf32, #tpu.memory_space<vmem>>[vector<16xi32>], vector<16xf32>,
      %sub3A_493 = arith.subf %gather3A_488, %gather3A_492 : vector<16xf32>
      %mul3A_494 = arith.mulf %sub3A_475, %sub3A_475 : vector<16xf32>
      %mul3A_495 = arith.mulf %sub3A_484, %sub3A_484 : vector<16xf32>
      %add3A_496 = arith.addf %mul3A_494, %mul3A_495 : vector<16xf32>
      %mul3A_497 = arith.mulf %sub3A_493, %sub3A_493 : vector<16xf32>
      %add3A_498 = arith.addf %add3A_496, %mul3A_497 : vector<16xf32>
      %add3A_499 = arith.constant 9.99999996E-13 : f32
      %add3A_500 = vector.broadcast %add3A_499 : f32 to vector<16xf32>
      %add3A_501 = arith.addf %add3A_498, %add3A_500 : vector<16xf32>
      %bitcast3A_502 = vector.bitcast %add3A_501 : vector<16xf32> to vector<16xi32>
      %shift_right_arithmetic3A_503 = arith.constant 1 : i32
      %shift_right_arithmetic3A_504 = vector.broadcast %shift_right_arithmetic3A_503 : i32 to vector<16xi32>
      %shift_right_arithmetic3A_505 = arith.shrsi %bitcast3A_502, %shift_right_arithmetic3A_504 : vector<16xi32>
      %sub3A_506 = arith.constant 1597463007 : i32
      %sub3A_507 = vector.broadcast %sub3A_506 : i32 to vector<16xi32>
      %sub3A_508 = arith.subi %sub3A_507, %shift_right_arithmetic3A_505 : vector<16xi32>
      %bitcast3A_509 = vector.bitcast %sub3A_508 : vector<16xi32> to vector<16xf32>
      %mul3A_510 = arith.constant 5.000000e-01 : f32
      %mul3A_511 = vector.broadcast %mul3A_510 : f32 to vector<16xf32>
      %mul3A_512 = arith.mulf %mul3A_511, %add3A_501 : vector<16xf32>
      %mul3A_513 = arith.mulf %mul3A_512, %bitcast3A_509 : vector<16xf32>
      %mul3A_514 = arith.mulf %mul3A_513, %bitcast3A_509 : vector<16xf32>
      %sub3A_515 = arith.constant 1.500000e+00 : f32
      %sub3A_516 = vector.broadcast %sub3A_515 : f32 to vector<16xf32>
      %sub3A_517 = arith.subf %sub3A_516, %mul3A_514 : vector<16xf32>
      %mul3A_518 = arith.mulf %bitcast3A_509, %sub3A_517 : vector<16xf32>
      %mul3A_519 = arith.mulf %mul3A_512, %mul3A_518 : vector<16xf32>
      %mul3A_520 = arith.mulf %mul3A_519, %mul3A_518 : vector<16xf32>
      %sub3A_521 = arith.constant 1.500000e+00 : f32
      %sub3A_522 = vector.broadcast %sub3A_521 : f32 to vector<16xf32>
      %sub3A_523 = arith.subf %sub3A_522, %mul3A_520 : vector<16xf32>
      %mul3A_524 = arith.mulf %mul3A_518, %sub3A_523 : vector<16xf32>
      %mul3A_525 = arith.mulf %mul3A_512, %mul3A_524 : vector<16xf32>
      %mul3A_526 = arith.mulf %mul3A_525, %mul3A_524 : vector<16xf32>
      %sub3A_527 = arith.constant 1.500000e+00 : f32
      %sub3A_528 = vector.broadcast %sub3A_527 : f32 to vector<16xf32>
      %sub3A_529 = arith.subf %sub3A_528, %mul3A_526 : vector<16xf32>
      %mul3A_530 = arith.mulf %mul3A_524, %sub3A_529 : vector<16xf32>
      %mul3A_531 = arith.mulf %add3A_501, %mul3A_530 : vector<16xf32>
      %mul3A_532 = arith.constant 1.638400e+03 : f32
      %mul3A_533 = vector.broadcast %mul3A_532 : f32 to vector<16xf32>
      %mul3A_534 = arith.mulf %mul3A_531, %mul3A_533 : vector<16xf32>
      %add3A_535 = arith.constant 5.000000e-01 : f32
      %add3A_536 = vector.broadcast %add3A_535 : f32 to vector<16xf32>
      %add3A_537 = arith.addf %mul3A_534, %add3A_536 : vector<16xf32>
      %lt3A_538 = arith.constant 2.500000e+01 : f32
      %lt3A_539 = vector.broadcast %lt3A_538 : f32 to vector<16xf32>
      %lt3A_540 = arith.cmpf olt, %add3A_501, %lt3A_539 : vector<16xf32>
      %swap3A_541 = arith.index_cast %add3A_456 : i32 to index
      %swap3A_542 = tpu.vector_load %arg12[%swap3A_541] masked %lt3A_540 {strides = array<i32>} : memref<10112xf32, #tpu.memory_space<vmem>>, vector<16xf32>, vector<16xi1>
      tpu.vector_store %arg12[%swap3A_541], %add3A_537 masked %lt3A_540 {strides = array<i32>} : memref<10112xf32, #tpu.memory_space<vmem>>, vector<16xf32>, vector<16xi1>
      %swap3A_543 = arith.index_cast %add3A_456 : i32 to index
      %swap3A_544 = tpu.vector_load %arg13[%swap3A_543] masked %lt3A_540 {strides = array<i32>} : memref<10112xi32, #tpu.memory_space<vmem>>, vector<16xi32>, vector<16xi1>
      tpu.vector_store %arg13[%swap3A_543], %get3A_464 masked %lt3A_540 {strides = array<i32>} : memref<10112xi32, #tpu.memory_space<vmem>>, vector<16xi32>, vector<16xi1>
      %swap3A_545 = arith.index_cast %add3A_456 : i32 to index
      %swap3A_546 = tpu.vector_load %arg14[%swap3A_545] masked %lt3A_540 {strides = array<i32>} : memref<10112xi32, #tpu.memory_space<vmem>>, vector<16xi32>, vector<16xi1>
      tpu.vector_store %arg14[%swap3A_545], %get3A_466 masked %lt3A_540 {strides = array<i32>} : memref<10112xi32, #tpu.memory_space<vmem>>, vector<16xi32>, vector<16xi1>
      %convert_element_type3A_547 = arith.extui %lt3A_540 : vector<16xi1> to vector<16xi32>
      %reduce_sum3A_548 = arith.constant true
      %reduce_sum3A_549 = vector.broadcast %reduce_sum3A_548 : i1 to vector<16xi1>
      %reduce_sum3A_550 = tpu.scan <sum>, %convert_element_type3A_547 masked %reduce_sum3A_549 : vector<16xi32>, vector<16xi1> -> vector<16xi32>
      %reduce_sum3A_551 = vector.extract %reduce_sum3A_550[15] : i32 from vector<16xi32>
      %add3A_552 = arith.addi %add3A_456, %reduce_sum3A_551 : i32
      %mul3A_553 = arith.constant 5 : i32
      %mul3A_554 = arith.muli %scan3A_173, %mul3A_553 : i32
      %add3A_555 = arith.constant 4 : i32
      %add3A_556 = arith.addi %mul3A_554, %add3A_555 : i32
      %mul3A_557 = arith.constant 16 : i32
      %mul3A_558 = arith.muli %add3A_556, %mul3A_557 : i32
      %get3A_559 = arith.index_cast %mul3A_558 : i32 to index
      %get3A_560 = tpu.vector_load %arg10[%get3A_559] {strides = array<i32>} : memref<10000xi32, #tpu.memory_space<vmem>>, vector<16xi32>,
      %get3A_561 = arith.index_cast %mul3A_558 : i32 to index
      %get3A_562 = tpu.vector_load %arg11[%get3A_561] {strides = array<i32>} : memref<10000xi32, #tpu.memory_space<vmem>>, vector<16xi32>,
      %mul3A_563 = arith.constant 3 : i32
      %mul3A_564 = vector.broadcast %mul3A_563 : i32 to vector<16xi32>
      %mul3A_565 = arith.muli %get3A_560, %mul3A_564 : vector<16xi32>
      %mul3A_566 = arith.constant 3 : i32
      %mul3A_567 = vector.broadcast %mul3A_566 : i32 to vector<16xi32>
      %mul3A_568 = arith.muli %get3A_562, %mul3A_567 : vector<16xi32>
      %gather3A_569 = tpu.vector_load_idx %arg9[%mul3A_565] : memref<30000xf32, #tpu.memory_space<vmem>>[vector<16xi32>], vector<16xf32>,
      %gather3A_570 = tpu.vector_load_idx %arg9[%mul3A_568] : memref<30000xf32, #tpu.memory_space<vmem>>[vector<16xi32>], vector<16xf32>,
      %sub3A_571 = arith.subf %gather3A_569, %gather3A_570 : vector<16xf32>
      %add3A_572 = arith.constant 1 : i32
      %add3A_573 = vector.broadcast %add3A_572 : i32 to vector<16xi32>
      %add3A_574 = arith.addi %mul3A_565, %add3A_573 : vector<16xi32>
      %gather3A_575 = tpu.vector_load_idx %arg9[%add3A_574] : memref<30000xf32, #tpu.memory_space<vmem>>[vector<16xi32>], vector<16xf32>,
      %add3A_576 = arith.constant 1 : i32
      %add3A_577 = vector.broadcast %add3A_576 : i32 to vector<16xi32>
      %add3A_578 = arith.addi %mul3A_568, %add3A_577 : vector<16xi32>
      %gather3A_579 = tpu.vector_load_idx %arg9[%add3A_578] : memref<30000xf32, #tpu.memory_space<vmem>>[vector<16xi32>], vector<16xf32>,
      %sub3A_580 = arith.subf %gather3A_575, %gather3A_579 : vector<16xf32>
      %add3A_581 = arith.constant 2 : i32
      %add3A_582 = vector.broadcast %add3A_581 : i32 to vector<16xi32>
      %add3A_583 = arith.addi %mul3A_565, %add3A_582 : vector<16xi32>
      %gather3A_584 = tpu.vector_load_idx %arg9[%add3A_583] : memref<30000xf32, #tpu.memory_space<vmem>>[vector<16xi32>], vector<16xf32>,
      %add3A_585 = arith.constant 2 : i32
      %add3A_586 = vector.broadcast %add3A_585 : i32 to vector<16xi32>
      %add3A_587 = arith.addi %mul3A_568, %add3A_586 : vector<16xi32>
      %gather3A_588 = tpu.vector_load_idx %arg9[%add3A_587] : memref<30000xf32, #tpu.memory_space<vmem>>[vector<16xi32>], vector<16xf32>,
      %sub3A_589 = arith.subf %gather3A_584, %gather3A_588 : vector<16xf32>
      %mul3A_590 = arith.mulf %sub3A_571, %sub3A_571 : vector<16xf32>
      %mul3A_591 = arith.mulf %sub3A_580, %sub3A_580 : vector<16xf32>
      %add3A_592 = arith.addf %mul3A_590, %mul3A_591 : vector<16xf32>
      %mul3A_593 = arith.mulf %sub3A_589, %sub3A_589 : vector<16xf32>
      %add3A_594 = arith.addf %add3A_592, %mul3A_593 : vector<16xf32>
      %add3A_595 = arith.constant 9.99999996E-13 : f32
      %add3A_596 = vector.broadcast %add3A_595 : f32 to vector<16xf32>
      %add3A_597 = arith.addf %add3A_594, %add3A_596 : vector<16xf32>
      %bitcast3A_598 = vector.bitcast %add3A_597 : vector<16xf32> to vector<16xi32>
      %shift_right_arithmetic3A_599 = arith.constant 1 : i32
      %shift_right_arithmetic3A_600 = vector.broadcast %shift_right_arithmetic3A_599 : i32 to vector<16xi32>
      %shift_right_arithmetic3A_601 = arith.shrsi %bitcast3A_598, %shift_right_arithmetic3A_600 : vector<16xi32>
      %sub3A_602 = arith.constant 1597463007 : i32
      %sub3A_603 = vector.broadcast %sub3A_602 : i32 to vector<16xi32>
      %sub3A_604 = arith.subi %sub3A_603, %shift_right_arithmetic3A_601 : vector<16xi32>
      %bitcast3A_605 = vector.bitcast %sub3A_604 : vector<16xi32> to vector<16xf32>
      %mul3A_606 = arith.constant 5.000000e-01 : f32
      %mul3A_607 = vector.broadcast %mul3A_606 : f32 to vector<16xf32>
      %mul3A_608 = arith.mulf %mul3A_607, %add3A_597 : vector<16xf32>
      %mul3A_609 = arith.mulf %mul3A_608, %bitcast3A_605 : vector<16xf32>
      %mul3A_610 = arith.mulf %mul3A_609, %bitcast3A_605 : vector<16xf32>
      %sub3A_611 = arith.constant 1.500000e+00 : f32
      %sub3A_612 = vector.broadcast %sub3A_611 : f32 to vector<16xf32>
      %sub3A_613 = arith.subf %sub3A_612, %mul3A_610 : vector<16xf32>
      %mul3A_614 = arith.mulf %bitcast3A_605, %sub3A_613 : vector<16xf32>
      %mul3A_615 = arith.mulf %mul3A_608, %mul3A_614 : vector<16xf32>
      %mul3A_616 = arith.mulf %mul3A_615, %mul3A_614 : vector<16xf32>
      %sub3A_617 = arith.constant 1.500000e+00 : f32
      %sub3A_618 = vector.broadcast %sub3A_617 : f32 to vector<16xf32>
      %sub3A_619 = arith.subf %sub3A_618, %mul3A_616 : vector<16xf32>
      %mul3A_620 = arith.mulf %mul3A_614, %sub3A_619 : vector<16xf32>
      %mul3A_621 = arith.mulf %mul3A_608, %mul3A_620 : vector<16xf32>
      %mul3A_622 = arith.mulf %mul3A_621, %mul3A_620 : vector<16xf32>
      %sub3A_623 = arith.constant 1.500000e+00 : f32
      %sub3A_624 = vector.broadcast %sub3A_623 : f32 to vector<16xf32>
      %sub3A_625 = arith.subf %sub3A_624, %mul3A_622 : vector<16xf32>
      %mul3A_626 = arith.mulf %mul3A_620, %sub3A_625 : vector<16xf32>
      %mul3A_627 = arith.mulf %add3A_597, %mul3A_626 : vector<16xf32>
      %mul3A_628 = arith.constant 1.638400e+03 : f32
      %mul3A_629 = vector.broadcast %mul3A_628 : f32 to vector<16xf32>
      %mul3A_630 = arith.mulf %mul3A_627, %mul3A_629 : vector<16xf32>
      %add3A_631 = arith.constant 5.000000e-01 : f32
      %add3A_632 = vector.broadcast %add3A_631 : f32 to vector<16xf32>
      %add3A_633 = arith.addf %mul3A_630, %add3A_632 : vector<16xf32>
      %lt3A_634 = arith.constant 2.500000e+01 : f32
      %lt3A_635 = vector.broadcast %lt3A_634 : f32 to vector<16xf32>
      %lt3A_636 = arith.cmpf olt, %add3A_597, %lt3A_635 : vector<16xf32>
      %swap3A_637 = arith.index_cast %add3A_552 : i32 to index
      %swap3A_638 = tpu.vector_load %arg12[%swap3A_637] masked %lt3A_636 {strides = array<i32>} : memref<10112xf32, #tpu.memory_space<vmem>>, vector<16xf32>, vector<16xi1>
      tpu.vector_store %arg12[%swap3A_637], %add3A_633 masked %lt3A_636 {strides = array<i32>} : memref<10112xf32, #tpu.memory_space<vmem>>, vector<16xf32>, vector<16xi1>
      %swap3A_639 = arith.index_cast %add3A_552 : i32 to index
      %swap3A_640 = tpu.vector_load %arg13[%swap3A_639] masked %lt3A_636 {strides = array<i32>} : memref<10112xi32, #tpu.memory_space<vmem>>, vector<16xi32>, vector<16xi1>
      tpu.vector_store %arg13[%swap3A_639], %get3A_560 masked %lt3A_636 {strides = array<i32>} : memref<10112xi32, #tpu.memory_space<vmem>>, vector<16xi32>, vector<16xi1>
      %swap3A_641 = arith.index_cast %add3A_552 : i32 to index
      %swap3A_642 = tpu.vector_load %arg14[%swap3A_641] masked %lt3A_636 {strides = array<i32>} : memref<10112xi32, #tpu.memory_space<vmem>>, vector<16xi32>, vector<16xi1>
      tpu.vector_store %arg14[%swap3A_641], %get3A_562 masked %lt3A_636 {strides = array<i32>} : memref<10112xi32, #tpu.memory_space<vmem>>, vector<16xi32>, vector<16xi1>
      %convert_element_type3A_643 = arith.extui %lt3A_636 : vector<16xi1> to vector<16xi32>
      %reduce_sum3A_644 = arith.constant true
      %reduce_sum3A_645 = vector.broadcast %reduce_sum3A_644 : i1 to vector<16xi1>
      %reduce_sum3A_646 = tpu.scan <sum>, %convert_element_type3A_643 masked %reduce_sum3A_645 : vector<16xi32>, vector<16xi1> -> vector<16xi32>
      %reduce_sum3A_647 = vector.extract %reduce_sum3A_646[15] : i32 from vector<16xi32>
      %add3A_648 = arith.addi %add3A_552, %reduce_sum3A_647 : i32
      scf.yield %add3A_648 : i32
    }
    %scan3A_14 = arith.constant 125 : i32
    %iota3A = tpu.iota {dimensions = array<i32: 0>} : vector<16xi32>
    %add3A_15 = arith.constant 0 : i32
    %add3A_16 = arith.addi %scan3A_13, %add3A_15 : i32
    %add3A_17 = arith.constant 0 : i32
    %add3A_18 = vector.broadcast %add3A_17 : i32 to vector<16xi32>
    %add3A_19 = arith.addi %iota3A, %add3A_18 : vector<16xi32>
    %and3A = arith.constant 63 : i32
    %and3A_20 = vector.broadcast %and3A : i32 to vector<16xi32>
    %and3A_21 = arith.andi %add3A_19, %and3A_20 : vector<16xi32>
    %convert_element_type3A = arith.sitofp %and3A_21 : vector<16xi32> to vector<16xf32>
    %add3A_22 = arith.constant 8.200000e+03 : f32
    %add3A_23 = vector.broadcast %add3A_22 : f32 to vector<16xf32>
    %add3A_24 = arith.addf %add3A_23, %convert_element_type3A : vector<16xf32>
    %swap3A = arith.index_cast %add3A_16 : i32 to index
    %swap3A_25 = tpu.vector_load %arg12[%swap3A] {strides = array<i32>} : memref<10112xf32, #tpu.memory_space<vmem>>, vector<16xf32>,
    tpu.vector_store %arg12[%swap3A], %add3A_24 {strides = array<i32>} : memref<10112xf32, #tpu.memory_space<vmem>>, vector<16xf32>,
    %broadcast_in_dim3A = arith.constant 0 : i32
    %broadcast_in_dim3A_26 = vector.broadcast %broadcast_in_dim3A : i32 to vector<16xi32>
    %swap3A_27 = arith.index_cast %add3A_16 : i32 to index
    %swap3A_28 = tpu.vector_load %arg13[%swap3A_27] {strides = array<i32>} : memref<10112xi32, #tpu.memory_space<vmem>>, vector<16xi32>,
    tpu.vector_store %arg13[%swap3A_27], %broadcast_in_dim3A_26 {strides = array<i32>} : memref<10112xi32, #tpu.memory_space<vmem>>, vector<16xi32>,
    %broadcast_in_dim3A_29 = arith.constant 0 : i32
    %broadcast_in_dim3A_30 = vector.broadcast %broadcast_in_dim3A_29 : i32 to vector<16xi32>
    %swap3A_31 = arith.index_cast %add3A_16 : i32 to index
    %swap3A_32 = tpu.vector_load %arg14[%swap3A_31] {strides = array<i32>} : memref<10112xi32, #tpu.memory_space<vmem>>, vector<16xi32>,
    tpu.vector_store %arg14[%swap3A_31], %broadcast_in_dim3A_30 {strides = array<i32>} : memref<10112xi32, #tpu.memory_space<vmem>>, vector<16xi32>,
    %add3A_33 = arith.constant 16 : i32
    %add3A_34 = arith.addi %scan3A_13, %add3A_33 : i32
    %add3A_35 = arith.constant 16 : i32
    %add3A_36 = vector.broadcast %add3A_35 : i32 to vector<16xi32>
    %add3A_37 = arith.addi %iota3A, %add3A_36 : vector<16xi32>
    %and3A_38 = arith.constant 63 : i32
    %and3A_39 = vector.broadcast %and3A_38 : i32 to vector<16xi32>
    %and3A_40 = arith.andi %add3A_37, %and3A_39 : vector<16xi32>
    %convert_element_type3A_41 = arith.sitofp %and3A_40 : vector<16xi32> to vector<16xf32>
    %add3A_42 = arith.constant 8.200000e+03 : f32
    %add3A_43 = vector.broadcast %add3A_42 : f32 to vector<16xf32>
    %add3A_44 = arith.addf %add3A_43, %convert_element_type3A_41 : vector<16xf32>
    %swap3A_45 = arith.index_cast %add3A_34 : i32 to index
    %swap3A_46 = tpu.vector_load %arg12[%swap3A_45] {strides = array<i32>} : memref<10112xf32, #tpu.memory_space<vmem>>, vector<16xf32>,
    tpu.vector_store %arg12[%swap3A_45], %add3A_44 {strides = array<i32>} : memref<10112xf32, #tpu.memory_space<vmem>>, vector<16xf32>,
    %broadcast_in_dim3A_47 = arith.constant 0 : i32
    %broadcast_in_dim3A_48 = vector.broadcast %broadcast_in_dim3A_47 : i32 to vector<16xi32>
    %swap3A_49 = arith.index_cast %add3A_34 : i32 to index
    %swap3A_50 = tpu.vector_load %arg13[%swap3A_49] {strides = array<i32>} : memref<10112xi32, #tpu.memory_space<vmem>>, vector<16xi32>,
    tpu.vector_store %arg13[%swap3A_49], %broadcast_in_dim3A_48 {strides = array<i32>} : memref<10112xi32, #tpu.memory_space<vmem>>, vector<16xi32>,
    %broadcast_in_dim3A_51 = arith.constant 0 : i32
    %broadcast_in_dim3A_52 = vector.broadcast %broadcast_in_dim3A_51 : i32 to vector<16xi32>
    %swap3A_53 = arith.index_cast %add3A_34 : i32 to index
    %swap3A_54 = tpu.vector_load %arg14[%swap3A_53] {strides = array<i32>} : memref<10112xi32, #tpu.memory_space<vmem>>, vector<16xi32>,
    tpu.vector_store %arg14[%swap3A_53], %broadcast_in_dim3A_52 {strides = array<i32>} : memref<10112xi32, #tpu.memory_space<vmem>>, vector<16xi32>,
    %add3A_55 = arith.constant 32 : i32
    %add3A_56 = arith.addi %scan3A_13, %add3A_55 : i32
    %add3A_57 = arith.constant 32 : i32
    %add3A_58 = vector.broadcast %add3A_57 : i32 to vector<16xi32>
    %add3A_59 = arith.addi %iota3A, %add3A_58 : vector<16xi32>
    %and3A_60 = arith.constant 63 : i32
    %and3A_61 = vector.broadcast %and3A_60 : i32 to vector<16xi32>
    %and3A_62 = arith.andi %add3A_59, %and3A_61 : vector<16xi32>
    %convert_element_type3A_63 = arith.sitofp %and3A_62 : vector<16xi32> to vector<16xf32>
    %add3A_64 = arith.constant 8.200000e+03 : f32
    %add3A_65 = vector.broadcast %add3A_64 : f32 to vector<16xf32>
    %add3A_66 = arith.addf %add3A_65, %convert_element_type3A_63 : vector<16xf32>
    %swap3A_67 = arith.index_cast %add3A_56 : i32 to index
    %swap3A_68 = tpu.vector_load %arg12[%swap3A_67] {strides = array<i32>} : memref<10112xf32, #tpu.memory_space<vmem>>, vector<16xf32>,
    tpu.vector_store %arg12[%swap3A_67], %add3A_66 {strides = array<i32>} : memref<10112xf32, #tpu.memory_space<vmem>>, vector<16xf32>,
    %broadcast_in_dim3A_69 = arith.constant 0 : i32
    %broadcast_in_dim3A_70 = vector.broadcast %broadcast_in_dim3A_69 : i32 to vector<16xi32>
    %swap3A_71 = arith.index_cast %add3A_56 : i32 to index
    %swap3A_72 = tpu.vector_load %arg13[%swap3A_71] {strides = array<i32>} : memref<10112xi32, #tpu.memory_space<vmem>>, vector<16xi32>,
    tpu.vector_store %arg13[%swap3A_71], %broadcast_in_dim3A_70 {strides = array<i32>} : memref<10112xi32, #tpu.memory_space<vmem>>, vector<16xi32>,
    %broadcast_in_dim3A_73 = arith.constant 0 : i32
    %broadcast_in_dim3A_74 = vector.broadcast %broadcast_in_dim3A_73 : i32 to vector<16xi32>
    %swap3A_75 = arith.index_cast %add3A_56 : i32 to index
    %swap3A_76 = tpu.vector_load %arg14[%swap3A_75] {strides = array<i32>} : memref<10112xi32, #tpu.memory_space<vmem>>, vector<16xi32>,
    tpu.vector_store %arg14[%swap3A_75], %broadcast_in_dim3A_74 {strides = array<i32>} : memref<10112xi32, #tpu.memory_space<vmem>>, vector<16xi32>,
    %add3A_77 = arith.constant 48 : i32
    %add3A_78 = arith.addi %scan3A_13, %add3A_77 : i32
    %add3A_79 = arith.constant 48 : i32
    %add3A_80 = vector.broadcast %add3A_79 : i32 to vector<16xi32>
    %add3A_81 = arith.addi %iota3A, %add3A_80 : vector<16xi32>
    %and3A_82 = arith.constant 63 : i32
    %and3A_83 = vector.broadcast %and3A_82 : i32 to vector<16xi32>
    %and3A_84 = arith.andi %add3A_81, %and3A_83 : vector<16xi32>
    %convert_element_type3A_85 = arith.sitofp %and3A_84 : vector<16xi32> to vector<16xf32>
    %add3A_86 = arith.constant 8.200000e+03 : f32
    %add3A_87 = vector.broadcast %add3A_86 : f32 to vector<16xf32>
    %add3A_88 = arith.addf %add3A_87, %convert_element_type3A_85 : vector<16xf32>
    %swap3A_89 = arith.index_cast %add3A_78 : i32 to index
    %swap3A_90 = tpu.vector_load %arg12[%swap3A_89] {strides = array<i32>} : memref<10112xf32, #tpu.memory_space<vmem>>, vector<16xf32>,
    tpu.vector_store %arg12[%swap3A_89], %add3A_88 {strides = array<i32>} : memref<10112xf32, #tpu.memory_space<vmem>>, vector<16xf32>,
    %broadcast_in_dim3A_91 = arith.constant 0 : i32
    %broadcast_in_dim3A_92 = vector.broadcast %broadcast_in_dim3A_91 : i32 to vector<16xi32>
    %swap3A_93 = arith.index_cast %add3A_78 : i32 to index
    %swap3A_94 = tpu.vector_load %arg13[%swap3A_93] {strides = array<i32>} : memref<10112xi32, #tpu.memory_space<vmem>>, vector<16xi32>,
    tpu.vector_store %arg13[%swap3A_93], %broadcast_in_dim3A_92 {strides = array<i32>} : memref<10112xi32, #tpu.memory_space<vmem>>, vector<16xi32>,
    %broadcast_in_dim3A_95 = arith.constant 0 : i32
    %broadcast_in_dim3A_96 = vector.broadcast %broadcast_in_dim3A_95 : i32 to vector<16xi32>
    %swap3A_97 = arith.index_cast %add3A_78 : i32 to index
    %swap3A_98 = tpu.vector_load %arg14[%swap3A_97] {strides = array<i32>} : memref<10112xi32, #tpu.memory_space<vmem>>, vector<16xi32>,
    tpu.vector_store %arg14[%swap3A_97], %broadcast_in_dim3A_96 {strides = array<i32>} : memref<10112xi32, #tpu.memory_space<vmem>>, vector<16xi32>,
    %add3A_99 = arith.constant 64 : i32
    %add3A_100 = arith.addi %scan3A_13, %add3A_99 : i32
    %add3A_101 = arith.constant 64 : i32
    %add3A_102 = vector.broadcast %add3A_101 : i32 to vector<16xi32>
    %add3A_103 = arith.addi %iota3A, %add3A_102 : vector<16xi32>
    %and3A_104 = arith.constant 63 : i32
    %and3A_105 = vector.broadcast %and3A_104 : i32 to vector<16xi32>
    %and3A_106 = arith.andi %add3A_103, %and3A_105 : vector<16xi32>
    %convert_element_type3A_107 = arith.sitofp %and3A_106 : vector<16xi32> to vector<16xf32>
    %add3A_108 = arith.constant 8.200000e+03 : f32
    %add3A_109 = vector.broadcast %add3A_108 : f32 to vector<16xf32>
    %add3A_110 = arith.addf %add3A_109, %convert_element_type3A_107 : vector<16xf32>
    %swap3A_111 = arith.index_cast %add3A_100 : i32 to index
    %swap3A_112 = tpu.vector_load %arg12[%swap3A_111] {strides = array<i32>} : memref<10112xf32, #tpu.memory_space<vmem>>, vector<16xf32>,
    tpu.vector_store %arg12[%swap3A_111], %add3A_110 {strides = array<i32>} : memref<10112xf32, #tpu.memory_space<vmem>>, vector<16xf32>,
    %broadcast_in_dim3A_113 = arith.constant 0 : i32
    %broadcast_in_dim3A_114 = vector.broadcast %broadcast_in_dim3A_113 : i32 to vector<16xi32>
    %swap3A_115 = arith.index_cast %add3A_100 : i32 to index
    %swap3A_116 = tpu.vector_load %arg13[%swap3A_115] {strides = array<i32>} : memref<10112xi32, #tpu.memory_space<vmem>>, vector<16xi32>,
    tpu.vector_store %arg13[%swap3A_115], %broadcast_in_dim3A_114 {strides = array<i32>} : memref<10112xi32, #tpu.memory_space<vmem>>, vector<16xi32>,
    %broadcast_in_dim3A_117 = arith.constant 0 : i32
    %broadcast_in_dim3A_118 = vector.broadcast %broadcast_in_dim3A_117 : i32 to vector<16xi32>
    %swap3A_119 = arith.index_cast %add3A_100 : i32 to index
    %swap3A_120 = tpu.vector_load %arg14[%swap3A_119] {strides = array<i32>} : memref<10112xi32, #tpu.memory_space<vmem>>, vector<16xi32>,
    tpu.vector_store %arg14[%swap3A_119], %broadcast_in_dim3A_118 {strides = array<i32>} : memref<10112xi32, #tpu.memory_space<vmem>>, vector<16xi32>,
    %add3A_121 = arith.constant 80 : i32
    %add3A_122 = arith.addi %scan3A_13, %add3A_121 : i32
    %add3A_123 = arith.constant 80 : i32
    %add3A_124 = vector.broadcast %add3A_123 : i32 to vector<16xi32>
    %add3A_125 = arith.addi %iota3A, %add3A_124 : vector<16xi32>
    %and3A_126 = arith.constant 63 : i32
    %and3A_127 = vector.broadcast %and3A_126 : i32 to vector<16xi32>
    %and3A_128 = arith.andi %add3A_125, %and3A_127 : vector<16xi32>
    %convert_element_type3A_129 = arith.sitofp %and3A_128 : vector<16xi32> to vector<16xf32>
    %add3A_130 = arith.constant 8.200000e+03 : f32
    %add3A_131 = vector.broadcast %add3A_130 : f32 to vector<16xf32>
    %add3A_132 = arith.addf %add3A_131, %convert_element_type3A_129 : vector<16xf32>
    %swap3A_133 = arith.index_cast %add3A_122 : i32 to index
    %swap3A_134 = tpu.vector_load %arg12[%swap3A_133] {strides = array<i32>} : memref<10112xf32, #tpu.memory_space<vmem>>, vector<16xf32>,
    tpu.vector_store %arg12[%swap3A_133], %add3A_132 {strides = array<i32>} : memref<10112xf32, #tpu.memory_space<vmem>>, vector<16xf32>,
    %broadcast_in_dim3A_135 = arith.constant 0 : i32
    %broadcast_in_dim3A_136 = vector.broadcast %broadcast_in_dim3A_135 : i32 to vector<16xi32>
    %swap3A_137 = arith.index_cast %add3A_122 : i32 to index
    %swap3A_138 = tpu.vector_load %arg13[%swap3A_137] {strides = array<i32>} : memref<10112xi32, #tpu.memory_space<vmem>>, vector<16xi32>,
    tpu.vector_store %arg13[%swap3A_137], %broadcast_in_dim3A_136 {strides = array<i32>} : memref<10112xi32, #tpu.memory_space<vmem>>, vector<16xi32>,
    %broadcast_in_dim3A_139 = arith.constant 0 : i32
    %broadcast_in_dim3A_140 = vector.broadcast %broadcast_in_dim3A_139 : i32 to vector<16xi32>
    %swap3A_141 = arith.index_cast %add3A_122 : i32 to index
    %swap3A_142 = tpu.vector_load %arg14[%swap3A_141] {strides = array<i32>} : memref<10112xi32, #tpu.memory_space<vmem>>, vector<16xi32>,
    tpu.vector_store %arg14[%swap3A_141], %broadcast_in_dim3A_140 {strides = array<i32>} : memref<10112xi32, #tpu.memory_space<vmem>>, vector<16xi32>,
    %add3A_143 = arith.constant 80 : i32
    %add3A_144 = arith.addi %scan3A_13, %add3A_143 : i32
    %sub3A = arith.constant 1 : i32
    %sub3A_145 = arith.subi %add3A_144, %sub3A : i32
    %jit3A = arith.constant 80 : i32
    %div3A = arith.divsi %sub3A_145, %jit3A : i32
    %sign3A = arith.constant 0 : i32
    %sign3A_146 = arith.cmpi sgt, %sub3A_145, %sign3A : i32
    %sign3A_147 = arith.extui %sign3A_146 : i1 to i32
    %sign3A_148 = arith.constant 0 : i32
    %sign3A_149 = arith.cmpi slt, %sub3A_145, %sign3A_148 : i32
    %sign3A_150 = arith.extui %sign3A_149 : i1 to i32
    %sign3A_151 = arith.subi %sign3A_147, %sign3A_150 : i32
    %sign3A_152 = arith.constant 0 : i32
    %sign3A_153 = arith.cmpi sgt, %jit3A, %sign3A_152 : i32
    %sign3A_154 = arith.extui %sign3A_153 : i1 to i32
    %sign3A_155 = arith.constant 0 : i32
    %sign3A_156 = arith.cmpi slt, %jit3A, %sign3A_155 : i32
    %sign3A_157 = arith.extui %sign3A_156 : i1 to i32
    %sign3A_158 = arith.subi %sign3A_154, %sign3A_157 : i32
    %ne3A = arith.cmpi ne, %sign3A_151, %sign3A_158 : i32
    %rem3A = arith.remsi %sub3A_145, %jit3A : i32
    %ne3A_159 = arith.constant 0 : i32
    %ne3A_160 = arith.cmpi ne, %rem3A, %ne3A_159 : i32
    %and3A_161 = arith.andi %ne3A, %ne3A_160 : i1
    %sub3A_162 = arith.constant 1 : i32
    %sub3A_163 = arith.subi %div3A, %sub3A_162 : i32
    %select_n3A = arith.select %and3A_161, %sub3A_163, %div3A : i32
    %mul3A_164 = arith.constant 80 : i32
    %mul3A_165 = arith.muli %select_n3A, %mul3A_164 : i32
    %mul3A_166 = arith.constant 10112 : i32
    %mul3A_167 = arith.muli %add3A, %mul3A_166 : i32
    "tpu.region"() ({
      %run_scoped3A = tpu.sem_alloc : memref<!tpu.dma_semaphore, #tpu.memory_space<semaphore_mem>>
      %dma_start3A_173 = tpu.memref_slice %arg5[%mul3A_167] : memref<323584xf32, #tpu.memory_space<hbm>> -> memref<10112xf32, #tpu.memory_space<hbm>>
      %dma_start3A_174 = tpu.memref_slice %arg5[%mul3A_167] : memref<323584xf32, #tpu.memory_space<hbm>> -> memref<10112xf32, #tpu.memory_space<hbm>>
      tpu.enqueue_dma source(%arg12 : memref<10112xf32, #tpu.memory_space<vmem>>) target(%dma_start3A_174 : memref<10112xf32, #tpu.memory_space<hbm>>) target_semaphore(%run_scoped3A : memref<!tpu.dma_semaphore, #tpu.memory_space<semaphore_mem>>)
      %dma_wait3A_175 = tpu.memref_slice %arg5[%mul3A_167] : memref<323584xf32, #tpu.memory_space<hbm>> -> memref<10112xf32, #tpu.memory_space<hbm>>
      %dma_wait3A_176 = tpu.memref_slice %arg5[%mul3A_167] : memref<323584xf32, #tpu.memory_space<hbm>> -> memref<10112xf32, #tpu.memory_space<hbm>>
      tpu.wait_dma2 semaphore(%run_scoped3A : memref<!tpu.dma_semaphore, #tpu.memory_space<semaphore_mem>>) src(%arg12 : memref<10112xf32, #tpu.memory_space<vmem>>) dst(%dma_wait3A_176 : memref<10112xf32, #tpu.memory_space<hbm>>)
      tpu.yield
    }) : () -> ()
    "tpu.region"() ({
      %run_scoped3A = tpu.sem_alloc : memref<!tpu.dma_semaphore, #tpu.memory_space<semaphore_mem>>
      %dma_start3A_173 = tpu.memref_slice %arg6[%mul3A_167] : memref<323584xi32, #tpu.memory_space<hbm>> -> memref<10112xi32, #tpu.memory_space<hbm>>
      %dma_start3A_174 = tpu.memref_slice %arg6[%mul3A_167] : memref<323584xi32, #tpu.memory_space<hbm>> -> memref<10112xi32, #tpu.memory_space<hbm>>
      tpu.enqueue_dma source(%arg13 : memref<10112xi32, #tpu.memory_space<vmem>>) target(%dma_start3A_174 : memref<10112xi32, #tpu.memory_space<hbm>>) target_semaphore(%run_scoped3A : memref<!tpu.dma_semaphore, #tpu.memory_space<semaphore_mem>>)
      %dma_wait3A_175 = tpu.memref_slice %arg6[%mul3A_167] : memref<323584xi32, #tpu.memory_space<hbm>> -> memref<10112xi32, #tpu.memory_space<hbm>>
      %dma_wait3A_176 = tpu.memref_slice %arg6[%mul3A_167] : memref<323584xi32, #tpu.memory_space<hbm>> -> memref<10112xi32, #tpu.memory_space<hbm>>
      tpu.wait_dma2 semaphore(%run_scoped3A : memref<!tpu.dma_semaphore, #tpu.memory_space<semaphore_mem>>) src(%arg13 : memref<10112xi32, #tpu.memory_space<vmem>>) dst(%dma_wait3A_176 : memref<10112xi32, #tpu.memory_space<hbm>>)
      tpu.yield
    }) : () -> ()
    "tpu.region"() ({
      %run_scoped3A = tpu.sem_alloc : memref<!tpu.dma_semaphore, #tpu.memory_space<semaphore_mem>>
      %dma_start3A_173 = tpu.memref_slice %arg7[%mul3A_167] : memref<323584xi32, #tpu.memory_space<hbm>> -> memref<10112xi32, #tpu.memory_space<hbm>>
      %dma_start3A_174 = tpu.memref_slice %arg7[%mul3A_167] : memref<323584xi32, #tpu.memory_space<hbm>> -> memref<10112xi32, #tpu.memory_space<hbm>>
      tpu.enqueue_dma source(%arg14 : memref<10112xi32, #tpu.memory_space<vmem>>) target(%dma_start3A_174 : memref<10112xi32, #tpu.memory_space<hbm>>) target_semaphore(%run_scoped3A : memref<!tpu.dma_semaphore, #tpu.memory_space<semaphore_mem>>)
      %dma_wait3A_175 = tpu.memref_slice %arg7[%mul3A_167] : memref<323584xi32, #tpu.memory_space<hbm>> -> memref<10112xi32, #tpu.memory_space<hbm>>
      %dma_wait3A_176 = tpu.memref_slice %arg7[%mul3A_167] : memref<323584xi32, #tpu.memory_space<hbm>> -> memref<10112xi32, #tpu.memory_space<hbm>>
      tpu.wait_dma2 semaphore(%run_scoped3A : memref<!tpu.dma_semaphore, #tpu.memory_space<semaphore_mem>>) src(%arg14 : memref<10112xi32, #tpu.memory_space<vmem>>) dst(%dma_wait3A_176 : memref<10112xi32, #tpu.memory_space<hbm>>)
      tpu.yield
    }) : () -> ()
    %broadcast_in_dim3A_168 = vector.broadcast %mul3A_165 : i32 to vector<16xi32>
    %swap3A_169 = arith.constant 0 : index
    %swap3A_170 = tpu.vector_load %arg14[%swap3A_169] {strides = array<i32>} : memref<10112xi32, #tpu.memory_space<vmem>>, vector<16xi32>,
    tpu.vector_store %arg14[%swap3A_169], %broadcast_in_dim3A_168 {strides = array<i32>} : memref<10112xi32, #tpu.memory_space<vmem>>, vector<16xi32>,
    %mul3A_171 = arith.constant 16 : i32
    %mul3A_172 = arith.muli %add3A, %mul3A_171 : i32
    "tpu.region"() ({
      %run_scoped3A = tpu.sem_alloc : memref<!tpu.dma_semaphore, #tpu.memory_space<semaphore_mem>>
      %dma_start3A_173 = arith.constant 0 : i32
      %dma_start3A_174 = tpu.memref_slice %arg14[%dma_start3A_173] : memref<10112xi32, #tpu.memory_space<vmem>> -> memref<16xi32, #tpu.memory_space<vmem>>
      %dma_start3A_175 = tpu.memref_slice %arg8[%mul3A_172] : memref<512xi32, #tpu.memory_space<hbm>> -> memref<16xi32, #tpu.memory_space<hbm>>
      %dma_start3A_176 = tpu.memref_slice %arg8[%mul3A_172] : memref<512xi32, #tpu.memory_space<hbm>> -> memref<16xi32, #tpu.memory_space<hbm>>
      %dma_start3A_177 = arith.constant 0 : i32
      %dma_start3A_178 = tpu.memref_slice %arg14[%dma_start3A_177] : memref<10112xi32, #tpu.memory_space<vmem>> -> memref<16xi32, #tpu.memory_space<vmem>>
      tpu.enqueue_dma source(%dma_start3A_178 : memref<16xi32, #tpu.memory_space<vmem>>) target(%dma_start3A_176 : memref<16xi32, #tpu.memory_space<hbm>>) target_semaphore(%run_scoped3A : memref<!tpu.dma_semaphore, #tpu.memory_space<semaphore_mem>>)
      %dma_wait3A_179 = arith.constant 0 : i32
      %dma_wait3A_180 = tpu.memref_slice %arg14[%dma_wait3A_179] : memref<10112xi32, #tpu.memory_space<vmem>> -> memref<16xi32, #tpu.memory_space<vmem>>
      %dma_wait3A_181 = tpu.memref_slice %arg8[%mul3A_172] : memref<512xi32, #tpu.memory_space<hbm>> -> memref<16xi32, #tpu.memory_space<hbm>>
      %dma_wait3A_182 = tpu.memref_slice %arg8[%mul3A_172] : memref<512xi32, #tpu.memory_space<hbm>> -> memref<16xi32, #tpu.memory_space<hbm>>
      %dma_wait3A_183 = arith.constant 0 : i32
      %dma_wait3A_184 = tpu.memref_slice %arg14[%dma_wait3A_183] : memref<10112xi32, #tpu.memory_space<vmem>> -> memref<16xi32, #tpu.memory_space<vmem>>
      tpu.wait_dma2 semaphore(%run_scoped3A : memref<!tpu.dma_semaphore, #tpu.memory_space<semaphore_mem>>) src(%dma_wait3A_184 : memref<16xi32, #tpu.memory_space<vmem>>) dst(%dma_wait3A_182 : memref<16xi32, #tpu.memory_space<hbm>>)
      tpu.yield
    }) : () -> ()
    return
  }
}

#map = affine_map<(d0, d1) -> (0, 0)>
#map1 = affine_map<(d0, d1) -> (0)>
module attributes {stable_mosaic.version = 14 : i64} {
  func.func @_scatter_body(%arg0: i32, %arg1: i32, %arg2: memref<10000x128xf32, #tpu.memory_space<hbm>>, %arg3: memref<323584xi32, #tpu.memory_space<hbm>>, %arg4: memref<323584xi32, #tpu.memory_space<hbm>>, %arg5: memref<323584xf32, #tpu.memory_space<hbm>>, %arg6: memref<512xi32, #tpu.memory_space<hbm>>, %arg7: memref<8320x128xf32, #tpu.memory_space<hbm>>, %arg8: memref<20000x128xf32, #tpu.memory_space<hbm>>, %arg9: memref<10000x128xf32, #tpu.memory_space<vmem_shared>>, %arg10: memref<80xf32, #tpu.memory_space<vmem>>, %arg11: memref<80xf32, #tpu.memory_space<vmem>>, %arg12: memref<80xf32, #tpu.memory_space<vmem>>, %arg13: memref<80xi32, #tpu.memory_space<vmem>>, %arg14: memref<80xi32, #tpu.memory_space<vmem>>, %arg15: memref<80xi32, #tpu.memory_space<vmem>>, %arg16: memref<80xi32, #tpu.memory_space<vmem>>, %arg17: memref<80xi32, #tpu.memory_space<vmem>>, %arg18: memref<80xi32, #tpu.memory_space<vmem>>, %arg19: memref<80xi32, #tpu.memory_space<vmem>>, %arg20: memref<80xi32, #tpu.memory_space<vmem>>, %arg21: memref<16xi32, #tpu.memory_space<vmem>>, %arg22: memref<80x128xf32, #tpu.memory_space<vmem>>, %arg23: memref<80x128xf32, #tpu.memory_space<vmem>>, %arg24: memref<80x128xf32, #tpu.memory_space<vmem>>, %arg25: memref<80x128xf32, #tpu.memory_space<vmem>>, %arg26: memref<!tpu.dma_semaphore, #tpu.memory_space<semaphore_mem>>, %arg27: memref<!tpu.dma_semaphore, #tpu.memory_space<semaphore_mem>>, %arg28: memref<!tpu.dma_semaphore, #tpu.memory_space<semaphore_mem>>, %arg29: memref<!tpu.dma_semaphore, #tpu.memory_space<semaphore_mem>>, %arg30: memref<!tpu.dma_semaphore, #tpu.memory_space<semaphore_mem>>, %arg31: memref<!tpu.dma_semaphore, #tpu.memory_space<semaphore_mem>>, %arg32: memref<!tpu.dma_semaphore, #tpu.memory_space<semaphore_mem>>) attributes {dimension_semantics = [#tpu.dimension_semantics<core_parallel>, #tpu.dimension_semantics<subcore_parallel>], iteration_bounds = array<i64: 2, 16>, scalar_prefetch = 0 : i64, scratch_operands = 24 : i64, tpu.core_type = #tpu.core_type<sc_vector_subcore>, window_params = [{transform_indices = #map}, {transform_indices = #map1}, {transform_indices = #map1}, {transform_indices = #map1}, {transform_indices = #map1}, {transform_indices = #map}, {transform_indices = #map}]} {
    %mul3A = arith.constant 2 : i32
    %mul3A_0 = arith.muli %arg1, %mul3A : i32
    %add3A = arith.addi %mul3A_0, %arg0 : i32
    %mul3A_1 = arith.constant 16 : i32
    %mul3A_2 = arith.muli %add3A, %mul3A_1 : i32
    "tpu.region"() ({
      %run_scoped3A = tpu.sem_alloc : memref<!tpu.dma_semaphore, #tpu.memory_space<semaphore_mem>>
      %dma_start3A = tpu.memref_slice %arg6[%mul3A_2] : memref<512xi32, #tpu.memory_space<hbm>> -> memref<16xi32, #tpu.memory_space<hbm>>
      %dma_start3A_115 = tpu.memref_slice %arg6[%mul3A_2] : memref<512xi32, #tpu.memory_space<hbm>> -> memref<16xi32, #tpu.memory_space<hbm>>
      tpu.enqueue_dma source(%dma_start3A_115 : memref<16xi32, #tpu.memory_space<hbm>>) target(%arg21 : memref<16xi32, #tpu.memory_space<vmem>>) target_semaphore(%run_scoped3A : memref<!tpu.dma_semaphore, #tpu.memory_space<semaphore_mem>>)
      %dma_wait3A = tpu.memref_slice %arg6[%mul3A_2] : memref<512xi32, #tpu.memory_space<hbm>> -> memref<16xi32, #tpu.memory_space<hbm>>
      %dma_wait3A_116 = tpu.memref_slice %arg6[%mul3A_2] : memref<512xi32, #tpu.memory_space<hbm>> -> memref<16xi32, #tpu.memory_space<hbm>>
      tpu.wait_dma2 semaphore(%run_scoped3A : memref<!tpu.dma_semaphore, #tpu.memory_space<semaphore_mem>>) src(%dma_wait3A_116 : memref<16xi32, #tpu.memory_space<hbm>>) dst(%arg21 : memref<16xi32, #tpu.memory_space<vmem>>)
      tpu.yield
    }) : () -> ()
    %get3A = arith.constant 0 : index
    %get3A_3 = tpu.vector_load %arg21[%get3A] {strides = array<i32>} : memref<16xi32, #tpu.memory_space<vmem>>, vector<16xi32>,
    %reduce_max3A = arith.constant true
    %reduce_max3A_4 = vector.broadcast %reduce_max3A : i1 to vector<16xi1>
    %reduce_max3A_5 = arith.constant -2147483648 : i32
    %reduce_max3A_6 = vector.broadcast %reduce_max3A_5 : i32 to vector<16xi32>
    %reduce_max3A_7 = arith.xori %get3A_3, %reduce_max3A_6 : vector<16xi32>
    %reduce_max3A_8 = tpu.scan <max>, %reduce_max3A_7 masked %reduce_max3A_4 : vector<16xi32>, vector<16xi1> -> vector<16xi32>
    %reduce_max3A_9 = arith.xori %reduce_max3A_8, %reduce_max3A_6 : vector<16xi32>
    %reduce_max3A_10 = vector.extract %reduce_max3A_9[15] : i32 from vector<16xi32>
    %jit3A = arith.constant 80 : i32
    %div3A = arith.divsi %reduce_max3A_10, %jit3A : i32
    %sign3A = arith.constant 0 : i32
    %sign3A_11 = arith.cmpi sgt, %reduce_max3A_10, %sign3A : i32
    %sign3A_12 = arith.extui %sign3A_11 : i1 to i32
    %sign3A_13 = arith.constant 0 : i32
    %sign3A_14 = arith.cmpi slt, %reduce_max3A_10, %sign3A_13 : i32
    %sign3A_15 = arith.extui %sign3A_14 : i1 to i32
    %sign3A_16 = arith.subi %sign3A_12, %sign3A_15 : i32
    %sign3A_17 = arith.constant 0 : i32
    %sign3A_18 = arith.cmpi sgt, %jit3A, %sign3A_17 : i32
    %sign3A_19 = arith.extui %sign3A_18 : i1 to i32
    %sign3A_20 = arith.constant 0 : i32
    %sign3A_21 = arith.cmpi slt, %jit3A, %sign3A_20 : i32
    %sign3A_22 = arith.extui %sign3A_21 : i1 to i32
    %sign3A_23 = arith.subi %sign3A_19, %sign3A_22 : i32
    %ne3A = arith.cmpi ne, %sign3A_16, %sign3A_23 : i32
    %rem3A = arith.remsi %reduce_max3A_10, %jit3A : i32
    %ne3A_24 = arith.constant 0 : i32
    %ne3A_25 = arith.cmpi ne, %rem3A, %ne3A_24 : i32
    %and3A = arith.andi %ne3A, %ne3A_25 : i1
    %sub3A = arith.constant 1 : i32
    %sub3A_26 = arith.subi %div3A, %sub3A : i32
    %select_n3A = arith.select %and3A, %sub3A_26, %div3A : i32
    %scan3A = arith.constant 0 : i32
    %scan3A_27 = arith.constant 0 : i32
    %scan3A_28 = arith.constant 80 : i32
    %scan3A_29 = arith.addi %scan3A_27, %scan3A_28 : i32
    %scan3A_30 = arith.constant 1 : i32
    %scan3A_31 = scf.for %scan3A_115 = %scan3A_27 to %scan3A_29 step %scan3A_30 iter_args(%scan3A_116 = %scan3A) -> (i32)  : i32 {
      %broadcast_in_dim3A = arith.constant 0.000000e+00 : f32
      %broadcast_in_dim3A_117 = vector.broadcast %broadcast_in_dim3A : f32 to vector<16xf32>
      %swap3A = arith.index_cast %scan3A_115 : i32 to index
      %swap3A_118 = arith.constant 0 : index
      %swap3A_119 = tpu.vector_load %arg22[%swap3A, %swap3A_118] {strides = array<i32>} : memref<80x128xf32, #tpu.memory_space<vmem>>, vector<16xf32>,
      tpu.vector_store %arg22[%swap3A, %swap3A_118], %broadcast_in_dim3A_117 {strides = array<i32>} : memref<80x128xf32, #tpu.memory_space<vmem>>, vector<16xf32>,
      %broadcast_in_dim3A_120 = arith.constant 0.000000e+00 : f32
      %broadcast_in_dim3A_121 = vector.broadcast %broadcast_in_dim3A_120 : f32 to vector<16xf32>
      %swap3A_122 = arith.index_cast %scan3A_115 : i32 to index
      %swap3A_123 = arith.constant 16 : index
      %swap3A_124 = tpu.vector_load %arg22[%swap3A_122, %swap3A_123] {strides = array<i32>} : memref<80x128xf32, #tpu.memory_space<vmem>>, vector<16xf32>,
      tpu.vector_store %arg22[%swap3A_122, %swap3A_123], %broadcast_in_dim3A_121 {strides = array<i32>} : memref<80x128xf32, #tpu.memory_space<vmem>>, vector<16xf32>,
      %broadcast_in_dim3A_125 = arith.constant 0.000000e+00 : f32
      %broadcast_in_dim3A_126 = vector.broadcast %broadcast_in_dim3A_125 : f32 to vector<16xf32>
      %swap3A_127 = arith.index_cast %scan3A_115 : i32 to index
      %swap3A_128 = arith.constant 32 : index
      %swap3A_129 = tpu.vector_load %arg22[%swap3A_127, %swap3A_128] {strides = array<i32>} : memref<80x128xf32, #tpu.memory_space<vmem>>, vector<16xf32>,
      tpu.vector_store %arg22[%swap3A_127, %swap3A_128], %broadcast_in_dim3A_126 {strides = array<i32>} : memref<80x128xf32, #tpu.memory_space<vmem>>, vector<16xf32>,
      %broadcast_in_dim3A_130 = arith.constant 0.000000e+00 : f32
      %broadcast_in_dim3A_131 = vector.broadcast %broadcast_in_dim3A_130 : f32 to vector<16xf32>
      %swap3A_132 = arith.index_cast %scan3A_115 : i32 to index
      %swap3A_133 = arith.constant 48 : index
      %swap3A_134 = tpu.vector_load %arg22[%swap3A_132, %swap3A_133] {strides = array<i32>} : memref<80x128xf32, #tpu.memory_space<vmem>>, vector<16xf32>,
      tpu.vector_store %arg22[%swap3A_132, %swap3A_133], %broadcast_in_dim3A_131 {strides = array<i32>} : memref<80x128xf32, #tpu.memory_space<vmem>>, vector<16xf32>,
      %broadcast_in_dim3A_135 = arith.constant 0.000000e+00 : f32
      %broadcast_in_dim3A_136 = vector.broadcast %broadcast_in_dim3A_135 : f32 to vector<16xf32>
      %swap3A_137 = arith.index_cast %scan3A_115 : i32 to index
      %swap3A_138 = arith.constant 64 : index
      %swap3A_139 = tpu.vector_load %arg22[%swap3A_137, %swap3A_138] {strides = array<i32>} : memref<80x128xf32, #tpu.memory_space<vmem>>, vector<16xf32>,
      tpu.vector_store %arg22[%swap3A_137, %swap3A_138], %broadcast_in_dim3A_136 {strides = array<i32>} : memref<80x128xf32, #tpu.memory_space<vmem>>, vector<16xf32>,
      %broadcast_in_dim3A_140 = arith.constant 0.000000e+00 : f32
      %broadcast_in_dim3A_141 = vector.broadcast %broadcast_in_dim3A_140 : f32 to vector<16xf32>
      %swap3A_142 = arith.index_cast %scan3A_115 : i32 to index
      %swap3A_143 = arith.constant 80 : index
      %swap3A_144 = tpu.vector_load %arg22[%swap3A_142, %swap3A_143] {strides = array<i32>} : memref<80x128xf32, #tpu.memory_space<vmem>>, vector<16xf32>,
      tpu.vector_store %arg22[%swap3A_142, %swap3A_143], %broadcast_in_dim3A_141 {strides = array<i32>} : memref<80x128xf32, #tpu.memory_space<vmem>>, vector<16xf32>,
      %broadcast_in_dim3A_145 = arith.constant 0.000000e+00 : f32
      %broadcast_in_dim3A_146 = vector.broadcast %broadcast_in_dim3A_145 : f32 to vector<16xf32>
      %swap3A_147 = arith.index_cast %scan3A_115 : i32 to index
      %swap3A_148 = arith.constant 96 : index
      %swap3A_149 = tpu.vector_load %arg22[%swap3A_147, %swap3A_148] {strides = array<i32>} : memref<80x128xf32, #tpu.memory_space<vmem>>, vector<16xf32>,
      tpu.vector_store %arg22[%swap3A_147, %swap3A_148], %broadcast_in_dim3A_146 {strides = array<i32>} : memref<80x128xf32, #tpu.memory_space<vmem>>, vector<16xf32>,
      %broadcast_in_dim3A_150 = arith.constant 0.000000e+00 : f32
      %broadcast_in_dim3A_151 = vector.broadcast %broadcast_in_dim3A_150 : f32 to vector<16xf32>
      %swap3A_152 = arith.index_cast %scan3A_115 : i32 to index
      %swap3A_153 = arith.constant 112 : index
      %swap3A_154 = tpu.vector_load %arg22[%swap3A_152, %swap3A_153] {strides = array<i32>} : memref<80x128xf32, #tpu.memory_space<vmem>>, vector<16xf32>,
      tpu.vector_store %arg22[%swap3A_152, %swap3A_153], %broadcast_in_dim3A_151 {strides = array<i32>} : memref<80x128xf32, #tpu.memory_space<vmem>>, vector<16xf32>,
      %scan3A_155 = arith.constant 0 : i32
      scf.yield %scan3A_155 : i32
    }
    %scan3A_32 = arith.constant 80 : i32
    %scan3A_33 = arith.constant 0 : i32
    %scan3A_34 = arith.constant 0 : i32
    %scan3A_35 = arith.constant 8 : i32
    %scan3A_36 = arith.addi %scan3A_34, %scan3A_35 : i32
    %scan3A_37 = arith.constant 1 : i32
    %scan3A_38 = scf.for %scan3A_115 = %scan3A_34 to %scan3A_36 step %scan3A_37 iter_args(%scan3A_116 = %scan3A_33) -> (i32)  : i32 {
      %mul3A_117 = arith.constant 16 : i32
      %mul3A_118 = arith.muli %scan3A_115, %mul3A_117 : i32
      %add3A_119 = arith.addi %arg1, %mul3A_118 : i32
      %lt3A = arith.constant 125 : i32
      %lt3A_120 = arith.cmpi slt, %add3A_119, %lt3A : i32
      %convert_element_type3A_121 = arith.extui %lt3A_120 : i1 to i32
      %cond3A_122 = arith.constant 0 : i32
      %cond3A_123 = arith.cmpi ne, %convert_element_type3A_121, %cond3A_122 : i32
      scf.if %cond3A_123 {
        %mul3A_125 = arith.constant 80 : i32
        %mul3A_126 = arith.muli %add3A_119, %mul3A_125 : i32
        "tpu.region"() ({
          %run_scoped3A = tpu.sem_alloc : memref<!tpu.dma_semaphore, #tpu.memory_space<semaphore_mem>>
          %dma_start3A = arith.constant 0 : i32
          %dma_start3A_127 = tpu.memref_slice %arg9[%mul3A_126, %dma_start3A] : memref<10000x128xf32, #tpu.memory_space<vmem_shared>> -> memref<80x128xf32, #tpu.memory_space<vmem_shared>>
          %dma_start3A_128 = arith.constant 0 : i32
          %dma_start3A_129 = tpu.memref_slice %arg9[%mul3A_126, %dma_start3A_128] : memref<10000x128xf32, #tpu.memory_space<vmem_shared>> -> memref<80x128xf32, #tpu.memory_space<vmem_shared>>
          tpu.enqueue_dma source(%arg22 : memref<80x128xf32, #tpu.memory_space<vmem>>) target(%dma_start3A_129 : memref<80x128xf32, #tpu.memory_space<vmem_shared>>) target_semaphore(%run_scoped3A : memref<!tpu.dma_semaphore, #tpu.memory_space<semaphore_mem>>)
          %dma_wait3A = arith.constant 0 : i32
          %dma_wait3A_130 = tpu.memref_slice %arg9[%mul3A_126, %dma_wait3A] : memref<10000x128xf32, #tpu.memory_space<vmem_shared>> -> memref<80x128xf32, #tpu.memory_space<vmem_shared>>
          %dma_wait3A_131 = arith.constant 0 : i32
          %dma_wait3A_132 = tpu.memref_slice %arg9[%mul3A_126, %dma_wait3A_131] : memref<10000x128xf32, #tpu.memory_space<vmem_shared>> -> memref<80x128xf32, #tpu.memory_space<vmem_shared>>
          tpu.wait_dma2 semaphore(%run_scoped3A : memref<!tpu.dma_semaphore, #tpu.memory_space<semaphore_mem>>) src(%arg22 : memref<80x128xf32, #tpu.memory_space<vmem>>) dst(%dma_wait3A_132 : memref<80x128xf32, #tpu.memory_space<vmem_shared>>)
          tpu.yield
        }) : () -> ()
      } else {
      }
      %scan3A_124 = arith.constant 0 : i32
      scf.yield %scan3A_124 : i32
    }
    %scan3A_39 = arith.constant 8 : i32
    %barrier3A = arith.constant 0 : index
    tpu.barrier barrier_id(%barrier3A)
    %gt3A = arith.constant 0 : i32
    %gt3A_40 = arith.cmpi sgt, %select_n3A, %gt3A : i32
    %convert_element_type3A = arith.extui %gt3A_40 : i1 to i32
    %cond3A = arith.constant 0 : i32
    %cond3A_41 = arith.cmpi ne, %convert_element_type3A, %cond3A : i32
    scf.if %cond3A_41 {
      %mul3A_115 = arith.constant 10112 : i32
      %mul3A_116 = arith.muli %add3A, %mul3A_115 : i32
      %add3A_117 = arith.constant 0 : i32
      %add3A_118 = arith.addi %mul3A_116, %add3A_117 : i32
      %dma_start3A = tpu.memref_slice %arg5[%add3A_118] : memref<323584xf32, #tpu.memory_space<hbm>> -> memref<80xf32, #tpu.memory_space<hbm>>
      %dma_start3A_119 = tpu.memref_slice %arg5[%add3A_118] : memref<323584xf32, #tpu.memory_space<hbm>> -> memref<80xf32, #tpu.memory_space<hbm>>
      tpu.enqueue_dma source(%dma_start3A_119 : memref<80xf32, #tpu.memory_space<hbm>>) target(%arg10 : memref<80xf32, #tpu.memory_space<vmem>>) target_semaphore(%arg26 : memref<!tpu.dma_semaphore, #tpu.memory_space<semaphore_mem>>)
      %dma_start3A_120 = tpu.memref_slice %arg3[%add3A_118] : memref<323584xi32, #tpu.memory_space<hbm>> -> memref<80xi32, #tpu.memory_space<hbm>>
      %dma_start3A_121 = tpu.memref_slice %arg3[%add3A_118] : memref<323584xi32, #tpu.memory_space<hbm>> -> memref<80xi32, #tpu.memory_space<hbm>>
      tpu.enqueue_dma source(%dma_start3A_121 : memref<80xi32, #tpu.memory_space<hbm>>) target(%arg13 : memref<80xi32, #tpu.memory_space<vmem>>) target_semaphore(%arg26 : memref<!tpu.dma_semaphore, #tpu.memory_space<semaphore_mem>>)
      %dma_start3A_122 = tpu.memref_slice %arg4[%add3A_118] : memref<323584xi32, #tpu.memory_space<hbm>> -> memref<80xi32, #tpu.memory_space<hbm>>
      %dma_start3A_123 = tpu.memref_slice %arg4[%add3A_118] : memref<323584xi32, #tpu.memory_space<hbm>> -> memref<80xi32, #tpu.memory_space<hbm>>
      tpu.enqueue_dma source(%dma_start3A_123 : memref<80xi32, #tpu.memory_space<hbm>>) target(%arg16 : memref<80xi32, #tpu.memory_space<vmem>>) target_semaphore(%arg26 : memref<!tpu.dma_semaphore, #tpu.memory_space<semaphore_mem>>)
      %mul3A_124 = arith.constant 10112 : i32
      %mul3A_125 = arith.muli %add3A, %mul3A_124 : i32
      %dma_wait3A = tpu.memref_slice %arg5[%mul3A_125] : memref<323584xf32, #tpu.memory_space<hbm>> -> memref<80xf32, #tpu.memory_space<hbm>>
      %dma_wait3A_126 = tpu.memref_slice %arg5[%mul3A_125] : memref<323584xf32, #tpu.memory_space<hbm>> -> memref<80xf32, #tpu.memory_space<hbm>>
      tpu.wait_dma2 semaphore(%arg26 : memref<!tpu.dma_semaphore, #tpu.memory_space<semaphore_mem>>) src(%dma_wait3A_126 : memref<80xf32, #tpu.memory_space<hbm>>) dst(%arg10 : memref<80xf32, #tpu.memory_space<vmem>>)
      %dma_wait3A_127 = tpu.memref_slice %arg3[%mul3A_125] : memref<323584xi32, #tpu.memory_space<hbm>> -> memref<80xi32, #tpu.memory_space<hbm>>
      %dma_wait3A_128 = tpu.memref_slice %arg3[%mul3A_125] : memref<323584xi32, #tpu.memory_space<hbm>> -> memref<80xi32, #tpu.memory_space<hbm>>
      tpu.wait_dma2 semaphore(%arg26 : memref<!tpu.dma_semaphore, #tpu.memory_space<semaphore_mem>>) src(%dma_wait3A_128 : memref<80xi32, #tpu.memory_space<hbm>>) dst(%arg13 : memref<80xi32, #tpu.memory_space<vmem>>)
      %dma_wait3A_129 = tpu.memref_slice %arg4[%mul3A_125] : memref<323584xi32, #tpu.memory_space<hbm>> -> memref<80xi32, #tpu.memory_space<hbm>>
      %dma_wait3A_130 = tpu.memref_slice %arg4[%mul3A_125] : memref<323584xi32, #tpu.memory_space<hbm>> -> memref<80xi32, #tpu.memory_space<hbm>>
      tpu.wait_dma2 semaphore(%arg26 : memref<!tpu.dma_semaphore, #tpu.memory_space<semaphore_mem>>) src(%dma_wait3A_130 : memref<80xi32, #tpu.memory_space<hbm>>) dst(%arg16 : memref<80xi32, #tpu.memory_space<vmem>>)
      %scan3A_131 = arith.constant 0 : i32
      %scan3A_132 = arith.constant 0 : i32
      %scan3A_133 = arith.constant 5 : i32
      %scan3A_134 = arith.addi %scan3A_132, %scan3A_133 : i32
      %scan3A_135 = arith.constant 1 : i32
      %scan3A_136 = scf.for %scan3A_144 = %scan3A_132 to %scan3A_134 step %scan3A_135 iter_args(%scan3A_145 = %scan3A_131) -> (i32)  : i32 {
        %mul3A_146 = arith.constant 16 : i32
        %mul3A_147 = arith.muli %scan3A_144, %mul3A_146 : i32
        %get3A_148 = arith.index_cast %mul3A_147 : i32 to index
        %get3A_149 = tpu.vector_load %arg10[%get3A_148] {strides = array<i32>} : memref<80xf32, #tpu.memory_space<vmem>>, vector<16xf32>,
        %convert_element_type3A_150 = arith.fptosi %get3A_149 : vector<16xf32> to vector<16xi32>
        %swap3A = arith.index_cast %mul3A_147 : i32 to index
        %swap3A_151 = tpu.vector_load %arg19[%swap3A] {strides = array<i32>} : memref<80xi32, #tpu.memory_space<vmem>>, vector<16xi32>,
        tpu.vector_store %arg19[%swap3A], %convert_element_type3A_150 {strides = array<i32>} : memref<80xi32, #tpu.memory_space<vmem>>, vector<16xi32>,
        %scan3A_152 = arith.constant 0 : i32
        scf.yield %scan3A_152 : i32
      }
      %scan3A_137 = arith.constant 5 : i32
      %dma_start3A_138 = arith.constant 0 : i32
      %dma_start3A_139 = arith.constant 0 : i32
      %dma_start3A_140 = tpu.memref_slice %arg2[%dma_start3A_138, %dma_start3A_139] : memref<10000x128xf32, #tpu.memory_space<hbm>> -> memref<10000x128xf32, #tpu.memory_space<hbm>>
      tpu.enqueue_indirect_dma source(%dma_start3A_140 : memref<10000x128xf32, #tpu.memory_space<hbm>>) target(%arg22 : memref<80x128xf32, #tpu.memory_space<vmem>>) offsets(%arg13 : memref<80xi32, #tpu.memory_space<vmem>>) semaphore(%arg29 : memref<!tpu.dma_semaphore, #tpu.memory_space<semaphore_mem>>)
      %dma_start3A_141 = arith.constant 0 : i32
      %dma_start3A_142 = arith.constant 0 : i32
      %dma_start3A_143 = tpu.memref_slice %arg7[%dma_start3A_141, %dma_start3A_142] : memref<8320x128xf32, #tpu.memory_space<hbm>> -> memref<8320x128xf32, #tpu.memory_space<hbm>>
      tpu.enqueue_indirect_dma source(%dma_start3A_143 : memref<8320x128xf32, #tpu.memory_space<hbm>>) target(%arg24 : memref<80x128xf32, #tpu.memory_space<vmem>>) offsets(%arg19 : memref<80xi32, #tpu.memory_space<vmem>>) semaphore(%arg29 : memref<!tpu.dma_semaphore, #tpu.memory_space<semaphore_mem>>)
    } else {
    }
    %gt3A_42 = arith.constant 1 : i32
    %gt3A_43 = arith.cmpi sgt, %select_n3A, %gt3A_42 : i32
    %convert_element_type3A_44 = arith.extui %gt3A_43 : i1 to i32
    %cond3A_45 = arith.constant 0 : i32
    %cond3A_46 = arith.cmpi ne, %convert_element_type3A_44, %cond3A_45 : i32
    scf.if %cond3A_46 {
      %mul3A_115 = arith.constant 10112 : i32
      %mul3A_116 = arith.muli %add3A, %mul3A_115 : i32
      %add3A_117 = arith.constant 80 : i32
      %add3A_118 = arith.addi %mul3A_116, %add3A_117 : i32
      %dma_start3A = tpu.memref_slice %arg5[%add3A_118] : memref<323584xf32, #tpu.memory_space<hbm>> -> memref<80xf32, #tpu.memory_space<hbm>>
      %dma_start3A_119 = tpu.memref_slice %arg5[%add3A_118] : memref<323584xf32, #tpu.memory_space<hbm>> -> memref<80xf32, #tpu.memory_space<hbm>>
      tpu.enqueue_dma source(%dma_start3A_119 : memref<80xf32, #tpu.memory_space<hbm>>) target(%arg11 : memref<80xf32, #tpu.memory_space<vmem>>) target_semaphore(%arg27 : memref<!tpu.dma_semaphore, #tpu.memory_space<semaphore_mem>>)
      %dma_start3A_120 = tpu.memref_slice %arg3[%add3A_118] : memref<323584xi32, #tpu.memory_space<hbm>> -> memref<80xi32, #tpu.memory_space<hbm>>
      %dma_start3A_121 = tpu.memref_slice %arg3[%add3A_118] : memref<323584xi32, #tpu.memory_space<hbm>> -> memref<80xi32, #tpu.memory_space<hbm>>
      tpu.enqueue_dma source(%dma_start3A_121 : memref<80xi32, #tpu.memory_space<hbm>>) target(%arg14 : memref<80xi32, #tpu.memory_space<vmem>>) target_semaphore(%arg27 : memref<!tpu.dma_semaphore, #tpu.memory_space<semaphore_mem>>)
      %dma_start3A_122 = tpu.memref_slice %arg4[%add3A_118] : memref<323584xi32, #tpu.memory_space<hbm>> -> memref<80xi32, #tpu.memory_space<hbm>>
      %dma_start3A_123 = tpu.memref_slice %arg4[%add3A_118] : memref<323584xi32, #tpu.memory_space<hbm>> -> memref<80xi32, #tpu.memory_space<hbm>>
      tpu.enqueue_dma source(%dma_start3A_123 : memref<80xi32, #tpu.memory_space<hbm>>) target(%arg17 : memref<80xi32, #tpu.memory_space<vmem>>) target_semaphore(%arg27 : memref<!tpu.dma_semaphore, #tpu.memory_space<semaphore_mem>>)
    } else {
    }
    %add3A_47 = arith.constant 5 : i32
    %add3A_48 = arith.addi %select_n3A, %add3A_47 : i32
    %jit3A_49 = arith.constant 6 : i32
    %div3A_50 = arith.divsi %add3A_48, %jit3A_49 : i32
    %sign3A_51 = arith.constant 0 : i32
    %sign3A_52 = arith.cmpi sgt, %add3A_48, %sign3A_51 : i32
    %sign3A_53 = arith.extui %sign3A_52 : i1 to i32
    %sign3A_54 = arith.constant 0 : i32
    %sign3A_55 = arith.cmpi slt, %add3A_48, %sign3A_54 : i32
    %sign3A_56 = arith.extui %sign3A_55 : i1 to i32
    %sign3A_57 = arith.subi %sign3A_53, %sign3A_56 : i32
    %sign3A_58 = arith.constant 0 : i32
    %sign3A_59 = arith.cmpi sgt, %jit3A_49, %sign3A_58 : i32
    %sign3A_60 = arith.extui %sign3A_59 : i1 to i32
    %sign3A_61 = arith.constant 0 : i32
    %sign3A_62 = arith.cmpi slt, %jit3A_49, %sign3A_61 : i32
    %sign3A_63 = arith.extui %sign3A_62 : i1 to i32
    %sign3A_64 = arith.subi %sign3A_60, %sign3A_63 : i32
    %ne3A_65 = arith.cmpi ne, %sign3A_57, %sign3A_64 : i32
    %rem3A_66 = arith.remsi %add3A_48, %jit3A_49 : i32
    %ne3A_67 = arith.constant 0 : i32
    %ne3A_68 = arith.cmpi ne, %rem3A_66, %ne3A_67 : i32
    %and3A_69 = arith.andi %ne3A_65, %ne3A_68 : i1
    %sub3A_70 = arith.constant 1 : i32
    %sub3A_71 = arith.subi %div3A_50, %sub3A_70 : i32
    %select_n3A_72 = arith.select %and3A_69, %sub3A_71, %div3A_50 : i32
    %while3A = arith.constant 0 : i32
    %while3A_73 = arith.constant 0 : i32
    %while3A_74 = arith.subi %select_n3A_72, %while3A : i32
    %while3A_75 = arith.addi %while3A, %while3A_74 : i32
    %while3A_76 = arith.constant 1 : i32
    %while3A_77 = arith.divsi %while3A_74, %while3A_76 : i32
    %while3A_78 = arith.muli %while3A_77, %while3A_76 : i32
    %while3A_79 = arith.addi %while3A, %while3A_78 : i32
    %while3A_80 = arith.constant 1 : i32
    %while3A_81 = scf.for %while3A_115 = %while3A to %while3A_79 step %while3A_80 iter_args(%while3A_116 = %while3A_73) -> (i32)  : i32 {
      %mul3A_117 = arith.constant 6 : i32
      %mul3A_118 = arith.muli %while3A_115, %mul3A_117 : i32
      %add3A_119 = arith.constant 0 : i32
      %add3A_120 = arith.addi %mul3A_118, %add3A_119 : i32
      %lt3A = arith.cmpi slt, %add3A_120, %select_n3A : i32
      %convert_element_type3A_121 = arith.extui %lt3A : i1 to i32
      %cond3A_122 = arith.constant 0 : i32
      %cond3A_123 = arith.cmpi ne, %convert_element_type3A_121, %cond3A_122 : i32
      scf.if %cond3A_123 {
        %dma_wait3A = arith.constant 0 : i32
        %dma_wait3A_165 = arith.constant 0 : i32
        %dma_wait3A_166 = tpu.memref_slice %arg2[%dma_wait3A, %dma_wait3A_165] : memref<10000x128xf32, #tpu.memory_space<hbm>> -> memref<10000x128xf32, #tpu.memory_space<hbm>>
        tpu.wait_indirect_dma semaphore(%arg29 : memref<!tpu.dma_semaphore, #tpu.memory_space<semaphore_mem>>) src(%dma_wait3A_166 : memref<10000x128xf32, #tpu.memory_space<hbm>>) dst(%arg22 : memref<80x128xf32, #tpu.memory_space<vmem>>)
        %dma_wait3A_167 = arith.constant 0 : i32
        %dma_wait3A_168 = arith.constant 0 : i32
        %dma_wait3A_169 = tpu.memref_slice %arg7[%dma_wait3A_167, %dma_wait3A_168] : memref<8320x128xf32, #tpu.memory_space<hbm>> -> memref<8320x128xf32, #tpu.memory_space<hbm>>
        tpu.wait_indirect_dma semaphore(%arg29 : memref<!tpu.dma_semaphore, #tpu.memory_space<semaphore_mem>>) src(%dma_wait3A_169 : memref<8320x128xf32, #tpu.memory_space<hbm>>) dst(%arg24 : memref<80x128xf32, #tpu.memory_space<vmem>>)
        %ge3A = arith.constant 1 : i32
        %ge3A_170 = arith.cmpi sge, %add3A_120, %ge3A : i32
        %convert_element_type3A_171 = arith.extui %ge3A_170 : i1 to i32
        %cond3A_172 = arith.constant 0 : i32
        %cond3A_173 = arith.cmpi ne, %convert_element_type3A_171, %cond3A_172 : i32
        scf.if %cond3A_173 {
          %dma_wait3A_195 = arith.constant 0 : i32
          %dma_wait3A_196 = arith.constant 0 : i32
          %dma_wait3A_197 = tpu.memref_slice %arg9[%dma_wait3A_195, %dma_wait3A_196] : memref<10000x128xf32, #tpu.memory_space<vmem_shared>> -> memref<10000x128xf32, #tpu.memory_space<vmem_shared>>
          tpu.wait_indirect_dma semaphore(%arg32 : memref<!tpu.dma_semaphore, #tpu.memory_space<semaphore_mem>>) src(%arg23 : memref<80x128xf32, #tpu.memory_space<vmem>>) dst(%dma_wait3A_197 : memref<10000x128xf32, #tpu.memory_space<vmem_shared>>)
        } else {
        }
        %scan3A_174 = arith.constant 0 : i32
        %scan3A_175 = arith.constant 0 : i32
        %scan3A_176 = arith.constant 80 : i32
        %scan3A_177 = arith.addi %scan3A_175, %scan3A_176 : i32
        %scan3A_178 = arith.constant 1 : i32
        %scan3A_179 = scf.for %scan3A_195 = %scan3A_175 to %scan3A_177 step %scan3A_178 iter_args(%scan3A_196 = %scan3A_174) -> (i32)  : i32 {
          %get3A_197 = arith.index_cast %scan3A_195 : i32 to index
          %get3A_198 = arith.constant 0 : index
          %get3A_199 = tpu.vector_load %arg22[%get3A_197, %get3A_198] {strides = array<i32>} : memref<80x128xf32, #tpu.memory_space<vmem>>, vector<16xf32>,
          %get3A_200 = arith.index_cast %scan3A_195 : i32 to index
          %get3A_201 = arith.constant 0 : index
          %get3A_202 = tpu.vector_load %arg24[%get3A_200, %get3A_201] {strides = array<i32>} : memref<80x128xf32, #tpu.memory_space<vmem>>, vector<16xf32>,
          %mul3A_203 = arith.mulf %get3A_199, %get3A_202 : vector<16xf32>
          %swap3A = arith.index_cast %scan3A_195 : i32 to index
          %swap3A_204 = arith.constant 0 : index
          %swap3A_205 = tpu.vector_load %arg22[%swap3A, %swap3A_204] {strides = array<i32>} : memref<80x128xf32, #tpu.memory_space<vmem>>, vector<16xf32>,
          tpu.vector_store %arg22[%swap3A, %swap3A_204], %mul3A_203 {strides = array<i32>} : memref<80x128xf32, #tpu.memory_space<vmem>>, vector<16xf32>,
          %get3A_206 = arith.index_cast %scan3A_195 : i32 to index
          %get3A_207 = arith.constant 16 : index
          %get3A_208 = tpu.vector_load %arg22[%get3A_206, %get3A_207] {strides = array<i32>} : memref<80x128xf32, #tpu.memory_space<vmem>>, vector<16xf32>,
          %get3A_209 = arith.index_cast %scan3A_195 : i32 to index
          %get3A_210 = arith.constant 16 : index
          %get3A_211 = tpu.vector_load %arg24[%get3A_209, %get3A_210] {strides = array<i32>} : memref<80x128xf32, #tpu.memory_space<vmem>>, vector<16xf32>,
          %mul3A_212 = arith.mulf %get3A_208, %get3A_211 : vector<16xf32>
          %swap3A_213 = arith.index_cast %scan3A_195 : i32 to index
          %swap3A_214 = arith.constant 16 : index
          %swap3A_215 = tpu.vector_load %arg22[%swap3A_213, %swap3A_214] {strides = array<i32>} : memref<80x128xf32, #tpu.memory_space<vmem>>, vector<16xf32>,
          tpu.vector_store %arg22[%swap3A_213, %swap3A_214], %mul3A_212 {strides = array<i32>} : memref<80x128xf32, #tpu.memory_space<vmem>>, vector<16xf32>,
          %get3A_216 = arith.index_cast %scan3A_195 : i32 to index
          %get3A_217 = arith.constant 32 : index
          %get3A_218 = tpu.vector_load %arg22[%get3A_216, %get3A_217] {strides = array<i32>} : memref<80x128xf32, #tpu.memory_space<vmem>>, vector<16xf32>,
          %get3A_219 = arith.index_cast %scan3A_195 : i32 to index
          %get3A_220 = arith.constant 32 : index
          %get3A_221 = tpu.vector_load %arg24[%get3A_219, %get3A_220] {strides = array<i32>} : memref<80x128xf32, #tpu.memory_space<vmem>>, vector<16xf32>,
          %mul3A_222 = arith.mulf %get3A_218, %get3A_221 : vector<16xf32>
          %swap3A_223 = arith.index_cast %scan3A_195 : i32 to index
          %swap3A_224 = arith.constant 32 : index
          %swap3A_225 = tpu.vector_load %arg22[%swap3A_223, %swap3A_224] {strides = array<i32>} : memref<80x128xf32, #tpu.memory_space<vmem>>, vector<16xf32>,
          tpu.vector_store %arg22[%swap3A_223, %swap3A_224], %mul3A_222 {strides = array<i32>} : memref<80x128xf32, #tpu.memory_space<vmem>>, vector<16xf32>,
          %get3A_226 = arith.index_cast %scan3A_195 : i32 to index
          %get3A_227 = arith.constant 48 : index
          %get3A_228 = tpu.vector_load %arg22[%get3A_226, %get3A_227] {strides = array<i32>} : memref<80x128xf32, #tpu.memory_space<vmem>>, vector<16xf32>,
          %get3A_229 = arith.index_cast %scan3A_195 : i32 to index
          %get3A_230 = arith.constant 48 : index
          %get3A_231 = tpu.vector_load %arg24[%get3A_229, %get3A_230] {strides = array<i32>} : memref<80x128xf32, #tpu.memory_space<vmem>>, vector<16xf32>,
          %mul3A_232 = arith.mulf %get3A_228, %get3A_231 : vector<16xf32>
          %swap3A_233 = arith.index_cast %scan3A_195 : i32 to index
          %swap3A_234 = arith.constant 48 : index
          %swap3A_235 = tpu.vector_load %arg22[%swap3A_233, %swap3A_234] {strides = array<i32>} : memref<80x128xf32, #tpu.memory_space<vmem>>, vector<16xf32>,
          tpu.vector_store %arg22[%swap3A_233, %swap3A_234], %mul3A_232 {strides = array<i32>} : memref<80x128xf32, #tpu.memory_space<vmem>>, vector<16xf32>,
          %get3A_236 = arith.index_cast %scan3A_195 : i32 to index
          %get3A_237 = arith.constant 64 : index
          %get3A_238 = tpu.vector_load %arg22[%get3A_236, %get3A_237] {strides = array<i32>} : memref<80x128xf32, #tpu.memory_space<vmem>>, vector<16xf32>,
          %get3A_239 = arith.index_cast %scan3A_195 : i32 to index
          %get3A_240 = arith.constant 64 : index
          %get3A_241 = tpu.vector_load %arg24[%get3A_239, %get3A_240] {strides = array<i32>} : memref<80x128xf32, #tpu.memory_space<vmem>>, vector<16xf32>,
          %mul3A_242 = arith.mulf %get3A_238, %get3A_241 : vector<16xf32>
          %swap3A_243 = arith.index_cast %scan3A_195 : i32 to index
          %swap3A_244 = arith.constant 64 : index
          %swap3A_245 = tpu.vector_load %arg22[%swap3A_243, %swap3A_244] {strides = array<i32>} : memref<80x128xf32, #tpu.memory_space<vmem>>, vector<16xf32>,
          tpu.vector_store %arg22[%swap3A_243, %swap3A_244], %mul3A_242 {strides = array<i32>} : memref<80x128xf32, #tpu.memory_space<vmem>>, vector<16xf32>,
          %get3A_246 = arith.index_cast %scan3A_195 : i32 to index
          %get3A_247 = arith.constant 80 : index
          %get3A_248 = tpu.vector_load %arg22[%get3A_246, %get3A_247] {strides = array<i32>} : memref<80x128xf32, #tpu.memory_space<vmem>>, vector<16xf32>,
          %get3A_249 = arith.index_cast %scan3A_195 : i32 to index
          %get3A_250 = arith.constant 80 : index
          %get3A_251 = tpu.vector_load %arg24[%get3A_249, %get3A_250] {strides = array<i32>} : memref<80x128xf32, #tpu.memory_space<vmem>>, vector<16xf32>,
          %mul3A_252 = arith.mulf %get3A_248, %get3A_251 : vector<16xf32>
          %swap3A_253 = arith.index_cast %scan3A_195 : i32 to index
          %swap3A_254 = arith.constant 80 : index
          %swap3A_255 = tpu.vector_load %arg22[%swap3A_253, %swap3A_254] {strides = array<i32>} : memref<80x128xf32, #tpu.memory_space<vmem>>, vector<16xf32>,
          tpu.vector_store %arg22[%swap3A_253, %swap3A_254], %mul3A_252 {strides = array<i32>} : memref<80x128xf32, #tpu.memory_space<vmem>>, vector<16xf32>,
          %get3A_256 = arith.index_cast %scan3A_195 : i32 to index
          %get3A_257 = arith.constant 96 : index
          %get3A_258 = tpu.vector_load %arg22[%get3A_256, %get3A_257] {strides = array<i32>} : memref<80x128xf32, #tpu.memory_space<vmem>>, vector<16xf32>,
          %get3A_259 = arith.index_cast %scan3A_195 : i32 to index
          %get3A_260 = arith.constant 96 : index
          %get3A_261 = tpu.vector_load %arg24[%get3A_259, %get3A_260] {strides = array<i32>} : memref<80x128xf32, #tpu.memory_space<vmem>>, vector<16xf32>,
          %mul3A_262 = arith.mulf %get3A_258, %get3A_261 : vector<16xf32>
          %swap3A_263 = arith.index_cast %scan3A_195 : i32 to index
          %swap3A_264 = arith.constant 96 : index
          %swap3A_265 = tpu.vector_load %arg22[%swap3A_263, %swap3A_264] {strides = array<i32>} : memref<80x128xf32, #tpu.memory_space<vmem>>, vector<16xf32>,
          tpu.vector_store %arg22[%swap3A_263, %swap3A_264], %mul3A_262 {strides = array<i32>} : memref<80x128xf32, #tpu.memory_space<vmem>>, vector<16xf32>,
          %get3A_266 = arith.index_cast %scan3A_195 : i32 to index
          %get3A_267 = arith.constant 112 : index
          %get3A_268 = tpu.vector_load %arg22[%get3A_266, %get3A_267] {strides = array<i32>} : memref<80x128xf32, #tpu.memory_space<vmem>>, vector<16xf32>,
          %get3A_269 = arith.index_cast %scan3A_195 : i32 to index
          %get3A_270 = arith.constant 112 : index
          %get3A_271 = tpu.vector_load %arg24[%get3A_269, %get3A_270] {strides = array<i32>} : memref<80x128xf32, #tpu.memory_space<vmem>>, vector<16xf32>,
          %mul3A_272 = arith.mulf %get3A_268, %get3A_271 : vector<16xf32>
          %swap3A_273 = arith.index_cast %scan3A_195 : i32 to index
          %swap3A_274 = arith.constant 112 : index
          %swap3A_275 = tpu.vector_load %arg22[%swap3A_273, %swap3A_274] {strides = array<i32>} : memref<80x128xf32, #tpu.memory_space<vmem>>, vector<16xf32>,
          tpu.vector_store %arg22[%swap3A_273, %swap3A_274], %mul3A_272 {strides = array<i32>} : memref<80x128xf32, #tpu.memory_space<vmem>>, vector<16xf32>,
          %scan3A_276 = arith.constant 0 : i32
          scf.yield %scan3A_276 : i32
        }
        %scan3A_180 = arith.constant 80 : i32
        %dma_start3A = arith.constant 0 : i32
        %dma_start3A_181 = arith.constant 0 : i32
        %dma_start3A_182 = tpu.memref_slice %arg9[%dma_start3A, %dma_start3A_181] : memref<10000x128xf32, #tpu.memory_space<vmem_shared>> -> memref<10000x128xf32, #tpu.memory_space<vmem_shared>>
        tpu.enqueue_indirect_dma source(%arg22 : memref<80x128xf32, #tpu.memory_space<vmem>>) target(%dma_start3A_182 : memref<10000x128xf32, #tpu.memory_space<vmem_shared>>) offsets(%arg16 : memref<80xi32, #tpu.memory_space<vmem>>) semaphore(%arg31 : memref<!tpu.dma_semaphore, #tpu.memory_space<semaphore_mem>>) {add = true}
        %add3A_183 = arith.constant 1 : i32
        %add3A_184 = arith.addi %add3A_120, %add3A_183 : i32
        %lt3A_185 = arith.cmpi slt, %add3A_184, %select_n3A : i32
        %convert_element_type3A_186 = arith.extui %lt3A_185 : i1 to i32
        %cond3A_187 = arith.constant 0 : i32
        %cond3A_188 = arith.cmpi ne, %convert_element_type3A_186, %cond3A_187 : i32
        scf.if %cond3A_188 {
          %mul3A_195 = arith.constant 10112 : i32
          %mul3A_196 = arith.muli %add3A, %mul3A_195 : i32
          %dma_wait3A_197 = tpu.memref_slice %arg5[%mul3A_196] : memref<323584xf32, #tpu.memory_space<hbm>> -> memref<80xf32, #tpu.memory_space<hbm>>
          %dma_wait3A_198 = tpu.memref_slice %arg5[%mul3A_196] : memref<323584xf32, #tpu.memory_space<hbm>> -> memref<80xf32, #tpu.memory_space<hbm>>
          tpu.wait_dma2 semaphore(%arg27 : memref<!tpu.dma_semaphore, #tpu.memory_space<semaphore_mem>>) src(%dma_wait3A_198 : memref<80xf32, #tpu.memory_space<hbm>>) dst(%arg11 : memref<80xf32, #tpu.memory_space<vmem>>)
          %dma_wait3A_199 = tpu.memref_slice %arg3[%mul3A_196] : memref<323584xi32, #tpu.memory_space<hbm>> -> memref<80xi32, #tpu.memory_space<hbm>>
          %dma_wait3A_200 = tpu.memref_slice %arg3[%mul3A_196] : memref<323584xi32, #tpu.memory_space<hbm>> -> memref<80xi32, #tpu.memory_space<hbm>>
          tpu.wait_dma2 semaphore(%arg27 : memref<!tpu.dma_semaphore, #tpu.memory_space<semaphore_mem>>) src(%dma_wait3A_200 : memref<80xi32, #tpu.memory_space<hbm>>) dst(%arg14 : memref<80xi32, #tpu.memory_space<vmem>>)
          %dma_wait3A_201 = tpu.memref_slice %arg4[%mul3A_196] : memref<323584xi32, #tpu.memory_space<hbm>> -> memref<80xi32, #tpu.memory_space<hbm>>
          %dma_wait3A_202 = tpu.memref_slice %arg4[%mul3A_196] : memref<323584xi32, #tpu.memory_space<hbm>> -> memref<80xi32, #tpu.memory_space<hbm>>
          tpu.wait_dma2 semaphore(%arg27 : memref<!tpu.dma_semaphore, #tpu.memory_space<semaphore_mem>>) src(%dma_wait3A_202 : memref<80xi32, #tpu.memory_space<hbm>>) dst(%arg17 : memref<80xi32, #tpu.memory_space<vmem>>)
          %scan3A_203 = arith.constant 0 : i32
          %scan3A_204 = arith.constant 0 : i32
          %scan3A_205 = arith.constant 5 : i32
          %scan3A_206 = arith.addi %scan3A_204, %scan3A_205 : i32
          %scan3A_207 = arith.constant 1 : i32
          %scan3A_208 = scf.for %scan3A_216 = %scan3A_204 to %scan3A_206 step %scan3A_207 iter_args(%scan3A_217 = %scan3A_203) -> (i32)  : i32 {
            %mul3A_218 = arith.constant 16 : i32
            %mul3A_219 = arith.muli %scan3A_216, %mul3A_218 : i32
            %get3A_220 = arith.index_cast %mul3A_219 : i32 to index
            %get3A_221 = tpu.vector_load %arg11[%get3A_220] {strides = array<i32>} : memref<80xf32, #tpu.memory_space<vmem>>, vector<16xf32>,
            %convert_element_type3A_222 = arith.fptosi %get3A_221 : vector<16xf32> to vector<16xi32>
            %swap3A = arith.index_cast %mul3A_219 : i32 to index
            %swap3A_223 = tpu.vector_load %arg20[%swap3A] {strides = array<i32>} : memref<80xi32, #tpu.memory_space<vmem>>, vector<16xi32>,
            tpu.vector_store %arg20[%swap3A], %convert_element_type3A_222 {strides = array<i32>} : memref<80xi32, #tpu.memory_space<vmem>>, vector<16xi32>,
            %scan3A_224 = arith.constant 0 : i32
            scf.yield %scan3A_224 : i32
          }
          %scan3A_209 = arith.constant 5 : i32
          %dma_start3A_210 = arith.constant 0 : i32
          %dma_start3A_211 = arith.constant 0 : i32
          %dma_start3A_212 = tpu.memref_slice %arg2[%dma_start3A_210, %dma_start3A_211] : memref<10000x128xf32, #tpu.memory_space<hbm>> -> memref<10000x128xf32, #tpu.memory_space<hbm>>
          tpu.enqueue_indirect_dma source(%dma_start3A_212 : memref<10000x128xf32, #tpu.memory_space<hbm>>) target(%arg23 : memref<80x128xf32, #tpu.memory_space<vmem>>) offsets(%arg14 : memref<80xi32, #tpu.memory_space<vmem>>) semaphore(%arg30 : memref<!tpu.dma_semaphore, #tpu.memory_space<semaphore_mem>>)
          %dma_start3A_213 = arith.constant 0 : i32
          %dma_start3A_214 = arith.constant 0 : i32
          %dma_start3A_215 = tpu.memref_slice %arg7[%dma_start3A_213, %dma_start3A_214] : memref<8320x128xf32, #tpu.memory_space<hbm>> -> memref<8320x128xf32, #tpu.memory_space<hbm>>
          tpu.enqueue_indirect_dma source(%dma_start3A_215 : memref<8320x128xf32, #tpu.memory_space<hbm>>) target(%arg25 : memref<80x128xf32, #tpu.memory_space<vmem>>) offsets(%arg20 : memref<80xi32, #tpu.memory_space<vmem>>) semaphore(%arg30 : memref<!tpu.dma_semaphore, #tpu.memory_space<semaphore_mem>>)
        } else {
        }
        %add3A_189 = arith.constant 2 : i32
        %add3A_190 = arith.addi %add3A_120, %add3A_189 : i32
        %lt3A_191 = arith.cmpi slt, %add3A_190, %select_n3A : i32
        %convert_element_type3A_192 = arith.extui %lt3A_191 : i1 to i32
        %cond3A_193 = arith.constant 0 : i32
        %cond3A_194 = arith.cmpi ne, %convert_element_type3A_192, %cond3A_193 : i32
        scf.if %cond3A_194 {
          %add3A_195 = arith.constant 2 : i32
          %add3A_196 = arith.addi %add3A_120, %add3A_195 : i32
          %mul3A_197 = arith.constant 10112 : i32
          %mul3A_198 = arith.muli %add3A, %mul3A_197 : i32
          %mul3A_199 = arith.constant 80 : i32
          %mul3A_200 = arith.muli %add3A_196, %mul3A_199 : i32
          %add3A_201 = arith.addi %mul3A_198, %mul3A_200 : i32
          %dma_start3A_202 = tpu.memref_slice %arg5[%add3A_201] : memref<323584xf32, #tpu.memory_space<hbm>> -> memref<80xf32, #tpu.memory_space<hbm>>
          %dma_start3A_203 = tpu.memref_slice %arg5[%add3A_201] : memref<323584xf32, #tpu.memory_space<hbm>> -> memref<80xf32, #tpu.memory_space<hbm>>
          tpu.enqueue_dma source(%dma_start3A_203 : memref<80xf32, #tpu.memory_space<hbm>>) target(%arg12 : memref<80xf32, #tpu.memory_space<vmem>>) target_semaphore(%arg28 : memref<!tpu.dma_semaphore, #tpu.memory_space<semaphore_mem>>)
          %dma_start3A_204 = tpu.memref_slice %arg3[%add3A_201] : memref<323584xi32, #tpu.memory_space<hbm>> -> memref<80xi32, #tpu.memory_space<hbm>>
          %dma_start3A_205 = tpu.memref_slice %arg3[%add3A_201] : memref<323584xi32, #tpu.memory_space<hbm>> -> memref<80xi32, #tpu.memory_space<hbm>>
          tpu.enqueue_dma source(%dma_start3A_205 : memref<80xi32, #tpu.memory_space<hbm>>) target(%arg15 : memref<80xi32, #tpu.memory_space<vmem>>) target_semaphore(%arg28 : memref<!tpu.dma_semaphore, #tpu.memory_space<semaphore_mem>>)
          %dma_start3A_206 = tpu.memref_slice %arg4[%add3A_201] : memref<323584xi32, #tpu.memory_space<hbm>> -> memref<80xi32, #tpu.memory_space<hbm>>
          %dma_start3A_207 = tpu.memref_slice %arg4[%add3A_201] : memref<323584xi32, #tpu.memory_space<hbm>> -> memref<80xi32, #tpu.memory_space<hbm>>
          tpu.enqueue_dma source(%dma_start3A_207 : memref<80xi32, #tpu.memory_space<hbm>>) target(%arg18 : memref<80xi32, #tpu.memory_space<vmem>>) target_semaphore(%arg28 : memref<!tpu.dma_semaphore, #tpu.memory_space<semaphore_mem>>)
        } else {
        }
      } else {
      }
      %mul3A_124 = arith.constant 6 : i32
      %mul3A_125 = arith.muli %while3A_115, %mul3A_124 : i32
      %add3A_126 = arith.constant 1 : i32
      %add3A_127 = arith.addi %mul3A_125, %add3A_126 : i32
      %lt3A_128 = arith.cmpi slt, %add3A_127, %select_n3A : i32
      %convert_element_type3A_129 = arith.extui %lt3A_128 : i1 to i32
      %cond3A_130 = arith.constant 0 : i32
      %cond3A_131 = arith.cmpi ne, %convert_element_type3A_129, %cond3A_130 : i32
      scf.if %cond3A_131 {
        %dma_wait3A = arith.constant 0 : i32
        %dma_wait3A_165 = arith.constant 0 : i32
        %dma_wait3A_166 = tpu.memref_slice %arg2[%dma_wait3A, %dma_wait3A_165] : memref<10000x128xf32, #tpu.memory_space<hbm>> -> memref<10000x128xf32, #tpu.memory_space<hbm>>
        tpu.wait_indirect_dma semaphore(%arg30 : memref<!tpu.dma_semaphore, #tpu.memory_space<semaphore_mem>>) src(%dma_wait3A_166 : memref<10000x128xf32, #tpu.memory_space<hbm>>) dst(%arg23 : memref<80x128xf32, #tpu.memory_space<vmem>>)
        %dma_wait3A_167 = arith.constant 0 : i32
        %dma_wait3A_168 = arith.constant 0 : i32
        %dma_wait3A_169 = tpu.memref_slice %arg7[%dma_wait3A_167, %dma_wait3A_168] : memref<8320x128xf32, #tpu.memory_space<hbm>> -> memref<8320x128xf32, #tpu.memory_space<hbm>>
        tpu.wait_indirect_dma semaphore(%arg30 : memref<!tpu.dma_semaphore, #tpu.memory_space<semaphore_mem>>) src(%dma_wait3A_169 : memref<8320x128xf32, #tpu.memory_space<hbm>>) dst(%arg25 : memref<80x128xf32, #tpu.memory_space<vmem>>)
        %ge3A = arith.constant 1 : i32
        %ge3A_170 = arith.cmpi sge, %add3A_127, %ge3A : i32
        %convert_element_type3A_171 = arith.extui %ge3A_170 : i1 to i32
        %cond3A_172 = arith.constant 0 : i32
        %cond3A_173 = arith.cmpi ne, %convert_element_type3A_171, %cond3A_172 : i32
        scf.if %cond3A_173 {
          %dma_wait3A_195 = arith.constant 0 : i32
          %dma_wait3A_196 = arith.constant 0 : i32
          %dma_wait3A_197 = tpu.memref_slice %arg9[%dma_wait3A_195, %dma_wait3A_196] : memref<10000x128xf32, #tpu.memory_space<vmem_shared>> -> memref<10000x128xf32, #tpu.memory_space<vmem_shared>>
          tpu.wait_indirect_dma semaphore(%arg31 : memref<!tpu.dma_semaphore, #tpu.memory_space<semaphore_mem>>) src(%arg22 : memref<80x128xf32, #tpu.memory_space<vmem>>) dst(%dma_wait3A_197 : memref<10000x128xf32, #tpu.memory_space<vmem_shared>>)
        } else {
        }
        %scan3A_174 = arith.constant 0 : i32
        %scan3A_175 = arith.constant 0 : i32
        %scan3A_176 = arith.constant 80 : i32
        %scan3A_177 = arith.addi %scan3A_175, %scan3A_176 : i32
        %scan3A_178 = arith.constant 1 : i32
        %scan3A_179 = scf.for %scan3A_195 = %scan3A_175 to %scan3A_177 step %scan3A_178 iter_args(%scan3A_196 = %scan3A_174) -> (i32)  : i32 {
          %get3A_197 = arith.index_cast %scan3A_195 : i32 to index
          %get3A_198 = arith.constant 0 : index
          %get3A_199 = tpu.vector_load %arg23[%get3A_197, %get3A_198] {strides = array<i32>} : memref<80x128xf32, #tpu.memory_space<vmem>>, vector<16xf32>,
          %get3A_200 = arith.index_cast %scan3A_195 : i32 to index
          %get3A_201 = arith.constant 0 : index
          %get3A_202 = tpu.vector_load %arg25[%get3A_200, %get3A_201] {strides = array<i32>} : memref<80x128xf32, #tpu.memory_space<vmem>>, vector<16xf32>,
          %mul3A_203 = arith.mulf %get3A_199, %get3A_202 : vector<16xf32>
          %swap3A = arith.index_cast %scan3A_195 : i32 to index
          %swap3A_204 = arith.constant 0 : index
          %swap3A_205 = tpu.vector_load %arg23[%swap3A, %swap3A_204] {strides = array<i32>} : memref<80x128xf32, #tpu.memory_space<vmem>>, vector<16xf32>,
          tpu.vector_store %arg23[%swap3A, %swap3A_204], %mul3A_203 {strides = array<i32>} : memref<80x128xf32, #tpu.memory_space<vmem>>, vector<16xf32>,
          %get3A_206 = arith.index_cast %scan3A_195 : i32 to index
          %get3A_207 = arith.constant 16 : index
          %get3A_208 = tpu.vector_load %arg23[%get3A_206, %get3A_207] {strides = array<i32>} : memref<80x128xf32, #tpu.memory_space<vmem>>, vector<16xf32>,
          %get3A_209 = arith.index_cast %scan3A_195 : i32 to index
          %get3A_210 = arith.constant 16 : index
          %get3A_211 = tpu.vector_load %arg25[%get3A_209, %get3A_210] {strides = array<i32>} : memref<80x128xf32, #tpu.memory_space<vmem>>, vector<16xf32>,
          %mul3A_212 = arith.mulf %get3A_208, %get3A_211 : vector<16xf32>
          %swap3A_213 = arith.index_cast %scan3A_195 : i32 to index
          %swap3A_214 = arith.constant 16 : index
          %swap3A_215 = tpu.vector_load %arg23[%swap3A_213, %swap3A_214] {strides = array<i32>} : memref<80x128xf32, #tpu.memory_space<vmem>>, vector<16xf32>,
          tpu.vector_store %arg23[%swap3A_213, %swap3A_214], %mul3A_212 {strides = array<i32>} : memref<80x128xf32, #tpu.memory_space<vmem>>, vector<16xf32>,
          %get3A_216 = arith.index_cast %scan3A_195 : i32 to index
          %get3A_217 = arith.constant 32 : index
          %get3A_218 = tpu.vector_load %arg23[%get3A_216, %get3A_217] {strides = array<i32>} : memref<80x128xf32, #tpu.memory_space<vmem>>, vector<16xf32>,
          %get3A_219 = arith.index_cast %scan3A_195 : i32 to index
          %get3A_220 = arith.constant 32 : index
          %get3A_221 = tpu.vector_load %arg25[%get3A_219, %get3A_220] {strides = array<i32>} : memref<80x128xf32, #tpu.memory_space<vmem>>, vector<16xf32>,
          %mul3A_222 = arith.mulf %get3A_218, %get3A_221 : vector<16xf32>
          %swap3A_223 = arith.index_cast %scan3A_195 : i32 to index
          %swap3A_224 = arith.constant 32 : index
          %swap3A_225 = tpu.vector_load %arg23[%swap3A_223, %swap3A_224] {strides = array<i32>} : memref<80x128xf32, #tpu.memory_space<vmem>>, vector<16xf32>,
          tpu.vector_store %arg23[%swap3A_223, %swap3A_224], %mul3A_222 {strides = array<i32>} : memref<80x128xf32, #tpu.memory_space<vmem>>, vector<16xf32>,
          %get3A_226 = arith.index_cast %scan3A_195 : i32 to index
          %get3A_227 = arith.constant 48 : index
          %get3A_228 = tpu.vector_load %arg23[%get3A_226, %get3A_227] {strides = array<i32>} : memref<80x128xf32, #tpu.memory_space<vmem>>, vector<16xf32>,
          %get3A_229 = arith.index_cast %scan3A_195 : i32 to index
          %get3A_230 = arith.constant 48 : index
          %get3A_231 = tpu.vector_load %arg25[%get3A_229, %get3A_230] {strides = array<i32>} : memref<80x128xf32, #tpu.memory_space<vmem>>, vector<16xf32>,
          %mul3A_232 = arith.mulf %get3A_228, %get3A_231 : vector<16xf32>
          %swap3A_233 = arith.index_cast %scan3A_195 : i32 to index
          %swap3A_234 = arith.constant 48 : index
          %swap3A_235 = tpu.vector_load %arg23[%swap3A_233, %swap3A_234] {strides = array<i32>} : memref<80x128xf32, #tpu.memory_space<vmem>>, vector<16xf32>,
          tpu.vector_store %arg23[%swap3A_233, %swap3A_234], %mul3A_232 {strides = array<i32>} : memref<80x128xf32, #tpu.memory_space<vmem>>, vector<16xf32>,
          %get3A_236 = arith.index_cast %scan3A_195 : i32 to index
          %get3A_237 = arith.constant 64 : index
          %get3A_238 = tpu.vector_load %arg23[%get3A_236, %get3A_237] {strides = array<i32>} : memref<80x128xf32, #tpu.memory_space<vmem>>, vector<16xf32>,
          %get3A_239 = arith.index_cast %scan3A_195 : i32 to index
          %get3A_240 = arith.constant 64 : index
          %get3A_241 = tpu.vector_load %arg25[%get3A_239, %get3A_240] {strides = array<i32>} : memref<80x128xf32, #tpu.memory_space<vmem>>, vector<16xf32>,
          %mul3A_242 = arith.mulf %get3A_238, %get3A_241 : vector<16xf32>
          %swap3A_243 = arith.index_cast %scan3A_195 : i32 to index
          %swap3A_244 = arith.constant 64 : index
          %swap3A_245 = tpu.vector_load %arg23[%swap3A_243, %swap3A_244] {strides = array<i32>} : memref<80x128xf32, #tpu.memory_space<vmem>>, vector<16xf32>,
          tpu.vector_store %arg23[%swap3A_243, %swap3A_244], %mul3A_242 {strides = array<i32>} : memref<80x128xf32, #tpu.memory_space<vmem>>, vector<16xf32>,
          %get3A_246 = arith.index_cast %scan3A_195 : i32 to index
          %get3A_247 = arith.constant 80 : index
          %get3A_248 = tpu.vector_load %arg23[%get3A_246, %get3A_247] {strides = array<i32>} : memref<80x128xf32, #tpu.memory_space<vmem>>, vector<16xf32>,
          %get3A_249 = arith.index_cast %scan3A_195 : i32 to index
          %get3A_250 = arith.constant 80 : index
          %get3A_251 = tpu.vector_load %arg25[%get3A_249, %get3A_250] {strides = array<i32>} : memref<80x128xf32, #tpu.memory_space<vmem>>, vector<16xf32>,
          %mul3A_252 = arith.mulf %get3A_248, %get3A_251 : vector<16xf32>
          %swap3A_253 = arith.index_cast %scan3A_195 : i32 to index
          %swap3A_254 = arith.constant 80 : index
          %swap3A_255 = tpu.vector_load %arg23[%swap3A_253, %swap3A_254] {strides = array<i32>} : memref<80x128xf32, #tpu.memory_space<vmem>>, vector<16xf32>,
          tpu.vector_store %arg23[%swap3A_253, %swap3A_254], %mul3A_252 {strides = array<i32>} : memref<80x128xf32, #tpu.memory_space<vmem>>, vector<16xf32>,
          %get3A_256 = arith.index_cast %scan3A_195 : i32 to index
          %get3A_257 = arith.constant 96 : index
          %get3A_258 = tpu.vector_load %arg23[%get3A_256, %get3A_257] {strides = array<i32>} : memref<80x128xf32, #tpu.memory_space<vmem>>, vector<16xf32>,
          %get3A_259 = arith.index_cast %scan3A_195 : i32 to index
          %get3A_260 = arith.constant 96 : index
          %get3A_261 = tpu.vector_load %arg25[%get3A_259, %get3A_260] {strides = array<i32>} : memref<80x128xf32, #tpu.memory_space<vmem>>, vector<16xf32>,
          %mul3A_262 = arith.mulf %get3A_258, %get3A_261 : vector<16xf32>
          %swap3A_263 = arith.index_cast %scan3A_195 : i32 to index
          %swap3A_264 = arith.constant 96 : index
          %swap3A_265 = tpu.vector_load %arg23[%swap3A_263, %swap3A_264] {strides = array<i32>} : memref<80x128xf32, #tpu.memory_space<vmem>>, vector<16xf32>,
          tpu.vector_store %arg23[%swap3A_263, %swap3A_264], %mul3A_262 {strides = array<i32>} : memref<80x128xf32, #tpu.memory_space<vmem>>, vector<16xf32>,
          %get3A_266 = arith.index_cast %scan3A_195 : i32 to index
          %get3A_267 = arith.constant 112 : index
          %get3A_268 = tpu.vector_load %arg23[%get3A_266, %get3A_267] {strides = array<i32>} : memref<80x128xf32, #tpu.memory_space<vmem>>, vector<16xf32>,
          %get3A_269 = arith.index_cast %scan3A_195 : i32 to index
          %get3A_270 = arith.constant 112 : index
          %get3A_271 = tpu.vector_load %arg25[%get3A_269, %get3A_270] {strides = array<i32>} : memref<80x128xf32, #tpu.memory_space<vmem>>, vector<16xf32>,
          %mul3A_272 = arith.mulf %get3A_268, %get3A_271 : vector<16xf32>
          %swap3A_273 = arith.index_cast %scan3A_195 : i32 to index
          %swap3A_274 = arith.constant 112 : index
          %swap3A_275 = tpu.vector_load %arg23[%swap3A_273, %swap3A_274] {strides = array<i32>} : memref<80x128xf32, #tpu.memory_space<vmem>>, vector<16xf32>,
          tpu.vector_store %arg23[%swap3A_273, %swap3A_274], %mul3A_272 {strides = array<i32>} : memref<80x128xf32, #tpu.memory_space<vmem>>, vector<16xf32>,
          %scan3A_276 = arith.constant 0 : i32
          scf.yield %scan3A_276 : i32
        }
        %scan3A_180 = arith.constant 80 : i32
        %dma_start3A = arith.constant 0 : i32
        %dma_start3A_181 = arith.constant 0 : i32
        %dma_start3A_182 = tpu.memref_slice %arg9[%dma_start3A, %dma_start3A_181] : memref<10000x128xf32, #tpu.memory_space<vmem_shared>> -> memref<10000x128xf32, #tpu.memory_space<vmem_shared>>
        tpu.enqueue_indirect_dma source(%arg23 : memref<80x128xf32, #tpu.memory_space<vmem>>) target(%dma_start3A_182 : memref<10000x128xf32, #tpu.memory_space<vmem_shared>>) offsets(%arg17 : memref<80xi32, #tpu.memory_space<vmem>>) semaphore(%arg32 : memref<!tpu.dma_semaphore, #tpu.memory_space<semaphore_mem>>) {add = true}
        %add3A_183 = arith.constant 1 : i32
        %add3A_184 = arith.addi %add3A_127, %add3A_183 : i32
        %lt3A_185 = arith.cmpi slt, %add3A_184, %select_n3A : i32
        %convert_element_type3A_186 = arith.extui %lt3A_185 : i1 to i32
        %cond3A_187 = arith.constant 0 : i32
        %cond3A_188 = arith.cmpi ne, %convert_element_type3A_186, %cond3A_187 : i32
        scf.if %cond3A_188 {
          %mul3A_195 = arith.constant 10112 : i32
          %mul3A_196 = arith.muli %add3A, %mul3A_195 : i32
          %dma_wait3A_197 = tpu.memref_slice %arg5[%mul3A_196] : memref<323584xf32, #tpu.memory_space<hbm>> -> memref<80xf32, #tpu.memory_space<hbm>>
          %dma_wait3A_198 = tpu.memref_slice %arg5[%mul3A_196] : memref<323584xf32, #tpu.memory_space<hbm>> -> memref<80xf32, #tpu.memory_space<hbm>>
          tpu.wait_dma2 semaphore(%arg28 : memref<!tpu.dma_semaphore, #tpu.memory_space<semaphore_mem>>) src(%dma_wait3A_198 : memref<80xf32, #tpu.memory_space<hbm>>) dst(%arg12 : memref<80xf32, #tpu.memory_space<vmem>>)
          %dma_wait3A_199 = tpu.memref_slice %arg3[%mul3A_196] : memref<323584xi32, #tpu.memory_space<hbm>> -> memref<80xi32, #tpu.memory_space<hbm>>
          %dma_wait3A_200 = tpu.memref_slice %arg3[%mul3A_196] : memref<323584xi32, #tpu.memory_space<hbm>> -> memref<80xi32, #tpu.memory_space<hbm>>
          tpu.wait_dma2 semaphore(%arg28 : memref<!tpu.dma_semaphore, #tpu.memory_space<semaphore_mem>>) src(%dma_wait3A_200 : memref<80xi32, #tpu.memory_space<hbm>>) dst(%arg15 : memref<80xi32, #tpu.memory_space<vmem>>)
          %dma_wait3A_201 = tpu.memref_slice %arg4[%mul3A_196] : memref<323584xi32, #tpu.memory_space<hbm>> -> memref<80xi32, #tpu.memory_space<hbm>>
          %dma_wait3A_202 = tpu.memref_slice %arg4[%mul3A_196] : memref<323584xi32, #tpu.memory_space<hbm>> -> memref<80xi32, #tpu.memory_space<hbm>>
          tpu.wait_dma2 semaphore(%arg28 : memref<!tpu.dma_semaphore, #tpu.memory_space<semaphore_mem>>) src(%dma_wait3A_202 : memref<80xi32, #tpu.memory_space<hbm>>) dst(%arg18 : memref<80xi32, #tpu.memory_space<vmem>>)
          %scan3A_203 = arith.constant 0 : i32
          %scan3A_204 = arith.constant 0 : i32
          %scan3A_205 = arith.constant 5 : i32
          %scan3A_206 = arith.addi %scan3A_204, %scan3A_205 : i32
          %scan3A_207 = arith.constant 1 : i32
          %scan3A_208 = scf.for %scan3A_216 = %scan3A_204 to %scan3A_206 step %scan3A_207 iter_args(%scan3A_217 = %scan3A_203) -> (i32)  : i32 {
            %mul3A_218 = arith.constant 16 : i32
            %mul3A_219 = arith.muli %scan3A_216, %mul3A_218 : i32
            %get3A_220 = arith.index_cast %mul3A_219 : i32 to index
            %get3A_221 = tpu.vector_load %arg12[%get3A_220] {strides = array<i32>} : memref<80xf32, #tpu.memory_space<vmem>>, vector<16xf32>,
            %convert_element_type3A_222 = arith.fptosi %get3A_221 : vector<16xf32> to vector<16xi32>
            %swap3A = arith.index_cast %mul3A_219 : i32 to index
            %swap3A_223 = tpu.vector_load %arg19[%swap3A] {strides = array<i32>} : memref<80xi32, #tpu.memory_space<vmem>>, vector<16xi32>,
            tpu.vector_store %arg19[%swap3A], %convert_element_type3A_222 {strides = array<i32>} : memref<80xi32, #tpu.memory_space<vmem>>, vector<16xi32>,
            %scan3A_224 = arith.constant 0 : i32
            scf.yield %scan3A_224 : i32
          }
          %scan3A_209 = arith.constant 5 : i32
          %dma_start3A_210 = arith.constant 0 : i32
          %dma_start3A_211 = arith.constant 0 : i32
          %dma_start3A_212 = tpu.memref_slice %arg2[%dma_start3A_210, %dma_start3A_211] : memref<10000x128xf32, #tpu.memory_space<hbm>> -> memref<10000x128xf32, #tpu.memory_space<hbm>>
          tpu.enqueue_indirect_dma source(%dma_start3A_212 : memref<10000x128xf32, #tpu.memory_space<hbm>>) target(%arg22 : memref<80x128xf32, #tpu.memory_space<vmem>>) offsets(%arg15 : memref<80xi32, #tpu.memory_space<vmem>>) semaphore(%arg29 : memref<!tpu.dma_semaphore, #tpu.memory_space<semaphore_mem>>)
          %dma_start3A_213 = arith.constant 0 : i32
          %dma_start3A_214 = arith.constant 0 : i32
          %dma_start3A_215 = tpu.memref_slice %arg7[%dma_start3A_213, %dma_start3A_214] : memref<8320x128xf32, #tpu.memory_space<hbm>> -> memref<8320x128xf32, #tpu.memory_space<hbm>>
          tpu.enqueue_indirect_dma source(%dma_start3A_215 : memref<8320x128xf32, #tpu.memory_space<hbm>>) target(%arg24 : memref<80x128xf32, #tpu.memory_space<vmem>>) offsets(%arg19 : memref<80xi32, #tpu.memory_space<vmem>>) semaphore(%arg29 : memref<!tpu.dma_semaphore, #tpu.memory_space<semaphore_mem>>)
        } else {
        }
        %add3A_189 = arith.constant 2 : i32
        %add3A_190 = arith.addi %add3A_127, %add3A_189 : i32
        %lt3A_191 = arith.cmpi slt, %add3A_190, %select_n3A : i32
        %convert_element_type3A_192 = arith.extui %lt3A_191 : i1 to i32
        %cond3A_193 = arith.constant 0 : i32
        %cond3A_194 = arith.cmpi ne, %convert_element_type3A_192, %cond3A_193 : i32
        scf.if %cond3A_194 {
          %add3A_195 = arith.constant 2 : i32
          %add3A_196 = arith.addi %add3A_127, %add3A_195 : i32
          %mul3A_197 = arith.constant 10112 : i32
          %mul3A_198 = arith.muli %add3A, %mul3A_197 : i32
          %mul3A_199 = arith.constant 80 : i32
          %mul3A_200 = arith.muli %add3A_196, %mul3A_199 : i32
          %add3A_201 = arith.addi %mul3A_198, %mul3A_200 : i32
          %dma_start3A_202 = tpu.memref_slice %arg5[%add3A_201] : memref<323584xf32, #tpu.memory_space<hbm>> -> memref<80xf32, #tpu.memory_space<hbm>>
          %dma_start3A_203 = tpu.memref_slice %arg5[%add3A_201] : memref<323584xf32, #tpu.memory_space<hbm>> -> memref<80xf32, #tpu.memory_space<hbm>>
          tpu.enqueue_dma source(%dma_start3A_203 : memref<80xf32, #tpu.memory_space<hbm>>) target(%arg10 : memref<80xf32, #tpu.memory_space<vmem>>) target_semaphore(%arg26 : memref<!tpu.dma_semaphore, #tpu.memory_space<semaphore_mem>>)
          %dma_start3A_204 = tpu.memref_slice %arg3[%add3A_201] : memref<323584xi32, #tpu.memory_space<hbm>> -> memref<80xi32, #tpu.memory_space<hbm>>
          %dma_start3A_205 = tpu.memref_slice %arg3[%add3A_201] : memref<323584xi32, #tpu.memory_space<hbm>> -> memref<80xi32, #tpu.memory_space<hbm>>
          tpu.enqueue_dma source(%dma_start3A_205 : memref<80xi32, #tpu.memory_space<hbm>>) target(%arg13 : memref<80xi32, #tpu.memory_space<vmem>>) target_semaphore(%arg26 : memref<!tpu.dma_semaphore, #tpu.memory_space<semaphore_mem>>)
          %dma_start3A_206 = tpu.memref_slice %arg4[%add3A_201] : memref<323584xi32, #tpu.memory_space<hbm>> -> memref<80xi32, #tpu.memory_space<hbm>>
          %dma_start3A_207 = tpu.memref_slice %arg4[%add3A_201] : memref<323584xi32, #tpu.memory_space<hbm>> -> memref<80xi32, #tpu.memory_space<hbm>>
          tpu.enqueue_dma source(%dma_start3A_207 : memref<80xi32, #tpu.memory_space<hbm>>) target(%arg16 : memref<80xi32, #tpu.memory_space<vmem>>) target_semaphore(%arg26 : memref<!tpu.dma_semaphore, #tpu.memory_space<semaphore_mem>>)
        } else {
        }
      } else {
      }
      %mul3A_132 = arith.constant 6 : i32
      %mul3A_133 = arith.muli %while3A_115, %mul3A_132 : i32
      %add3A_134 = arith.constant 2 : i32
      %add3A_135 = arith.addi %mul3A_133, %add3A_134 : i32
      %lt3A_136 = arith.cmpi slt, %add3A_135, %select_n3A : i32
      %convert_element_type3A_137 = arith.extui %lt3A_136 : i1 to i32
      %cond3A_138 = arith.constant 0 : i32
      %cond3A_139 = arith.cmpi ne, %convert_element_type3A_137, %cond3A_138 : i32
      scf.if %cond3A_139 {
        %dma_wait3A = arith.constant 0 : i32
        %dma_wait3A_165 = arith.constant 0 : i32
        %dma_wait3A_166 = tpu.memref_slice %arg2[%dma_wait3A, %dma_wait3A_165] : memref<10000x128xf32, #tpu.memory_space<hbm>> -> memref<10000x128xf32, #tpu.memory_space<hbm>>
        tpu.wait_indirect_dma semaphore(%arg29 : memref<!tpu.dma_semaphore, #tpu.memory_space<semaphore_mem>>) src(%dma_wait3A_166 : memref<10000x128xf32, #tpu.memory_space<hbm>>) dst(%arg22 : memref<80x128xf32, #tpu.memory_space<vmem>>)
        %dma_wait3A_167 = arith.constant 0 : i32
        %dma_wait3A_168 = arith.constant 0 : i32
        %dma_wait3A_169 = tpu.memref_slice %arg7[%dma_wait3A_167, %dma_wait3A_168] : memref<8320x128xf32, #tpu.memory_space<hbm>> -> memref<8320x128xf32, #tpu.memory_space<hbm>>
        tpu.wait_indirect_dma semaphore(%arg29 : memref<!tpu.dma_semaphore, #tpu.memory_space<semaphore_mem>>) src(%dma_wait3A_169 : memref<8320x128xf32, #tpu.memory_space<hbm>>) dst(%arg24 : memref<80x128xf32, #tpu.memory_space<vmem>>)
        %ge3A = arith.constant 1 : i32
        %ge3A_170 = arith.cmpi sge, %add3A_135, %ge3A : i32
        %convert_element_type3A_171 = arith.extui %ge3A_170 : i1 to i32
        %cond3A_172 = arith.constant 0 : i32
        %cond3A_173 = arith.cmpi ne, %convert_element_type3A_171, %cond3A_172 : i32
        scf.if %cond3A_173 {
          %dma_wait3A_195 = arith.constant 0 : i32
          %dma_wait3A_196 = arith.constant 0 : i32
          %dma_wait3A_197 = tpu.memref_slice %arg9[%dma_wait3A_195, %dma_wait3A_196] : memref<10000x128xf32, #tpu.memory_space<vmem_shared>> -> memref<10000x128xf32, #tpu.memory_space<vmem_shared>>
          tpu.wait_indirect_dma semaphore(%arg32 : memref<!tpu.dma_semaphore, #tpu.memory_space<semaphore_mem>>) src(%arg23 : memref<80x128xf32, #tpu.memory_space<vmem>>) dst(%dma_wait3A_197 : memref<10000x128xf32, #tpu.memory_space<vmem_shared>>)
        } else {
        }
        %scan3A_174 = arith.constant 0 : i32
        %scan3A_175 = arith.constant 0 : i32
        %scan3A_176 = arith.constant 80 : i32
        %scan3A_177 = arith.addi %scan3A_175, %scan3A_176 : i32
        %scan3A_178 = arith.constant 1 : i32
        %scan3A_179 = scf.for %scan3A_195 = %scan3A_175 to %scan3A_177 step %scan3A_178 iter_args(%scan3A_196 = %scan3A_174) -> (i32)  : i32 {
          %get3A_197 = arith.index_cast %scan3A_195 : i32 to index
          %get3A_198 = arith.constant 0 : index
          %get3A_199 = tpu.vector_load %arg22[%get3A_197, %get3A_198] {strides = array<i32>} : memref<80x128xf32, #tpu.memory_space<vmem>>, vector<16xf32>,
          %get3A_200 = arith.index_cast %scan3A_195 : i32 to index
          %get3A_201 = arith.constant 0 : index
          %get3A_202 = tpu.vector_load %arg24[%get3A_200, %get3A_201] {strides = array<i32>} : memref<80x128xf32, #tpu.memory_space<vmem>>, vector<16xf32>,
          %mul3A_203 = arith.mulf %get3A_199, %get3A_202 : vector<16xf32>
          %swap3A = arith.index_cast %scan3A_195 : i32 to index
          %swap3A_204 = arith.constant 0 : index
          %swap3A_205 = tpu.vector_load %arg22[%swap3A, %swap3A_204] {strides = array<i32>} : memref<80x128xf32, #tpu.memory_space<vmem>>, vector<16xf32>,
          tpu.vector_store %arg22[%swap3A, %swap3A_204], %mul3A_203 {strides = array<i32>} : memref<80x128xf32, #tpu.memory_space<vmem>>, vector<16xf32>,
          %get3A_206 = arith.index_cast %scan3A_195 : i32 to index
          %get3A_207 = arith.constant 16 : index
          %get3A_208 = tpu.vector_load %arg22[%get3A_206, %get3A_207] {strides = array<i32>} : memref<80x128xf32, #tpu.memory_space<vmem>>, vector<16xf32>,
          %get3A_209 = arith.index_cast %scan3A_195 : i32 to index
          %get3A_210 = arith.constant 16 : index
          %get3A_211 = tpu.vector_load %arg24[%get3A_209, %get3A_210] {strides = array<i32>} : memref<80x128xf32, #tpu.memory_space<vmem>>, vector<16xf32>,
          %mul3A_212 = arith.mulf %get3A_208, %get3A_211 : vector<16xf32>
          %swap3A_213 = arith.index_cast %scan3A_195 : i32 to index
          %swap3A_214 = arith.constant 16 : index
          %swap3A_215 = tpu.vector_load %arg22[%swap3A_213, %swap3A_214] {strides = array<i32>} : memref<80x128xf32, #tpu.memory_space<vmem>>, vector<16xf32>,
          tpu.vector_store %arg22[%swap3A_213, %swap3A_214], %mul3A_212 {strides = array<i32>} : memref<80x128xf32, #tpu.memory_space<vmem>>, vector<16xf32>,
          %get3A_216 = arith.index_cast %scan3A_195 : i32 to index
          %get3A_217 = arith.constant 32 : index
          %get3A_218 = tpu.vector_load %arg22[%get3A_216, %get3A_217] {strides = array<i32>} : memref<80x128xf32, #tpu.memory_space<vmem>>, vector<16xf32>,
          %get3A_219 = arith.index_cast %scan3A_195 : i32 to index
          %get3A_220 = arith.constant 32 : index
          %get3A_221 = tpu.vector_load %arg24[%get3A_219, %get3A_220] {strides = array<i32>} : memref<80x128xf32, #tpu.memory_space<vmem>>, vector<16xf32>,
          %mul3A_222 = arith.mulf %get3A_218, %get3A_221 : vector<16xf32>
          %swap3A_223 = arith.index_cast %scan3A_195 : i32 to index
          %swap3A_224 = arith.constant 32 : index
          %swap3A_225 = tpu.vector_load %arg22[%swap3A_223, %swap3A_224] {strides = array<i32>} : memref<80x128xf32, #tpu.memory_space<vmem>>, vector<16xf32>,
          tpu.vector_store %arg22[%swap3A_223, %swap3A_224], %mul3A_222 {strides = array<i32>} : memref<80x128xf32, #tpu.memory_space<vmem>>, vector<16xf32>,
          %get3A_226 = arith.index_cast %scan3A_195 : i32 to index
          %get3A_227 = arith.constant 48 : index
          %get3A_228 = tpu.vector_load %arg22[%get3A_226, %get3A_227] {strides = array<i32>} : memref<80x128xf32, #tpu.memory_space<vmem>>, vector<16xf32>,
          %get3A_229 = arith.index_cast %scan3A_195 : i32 to index
          %get3A_230 = arith.constant 48 : index
          %get3A_231 = tpu.vector_load %arg24[%get3A_229, %get3A_230] {strides = array<i32>} : memref<80x128xf32, #tpu.memory_space<vmem>>, vector<16xf32>,
          %mul3A_232 = arith.mulf %get3A_228, %get3A_231 : vector<16xf32>
          %swap3A_233 = arith.index_cast %scan3A_195 : i32 to index
          %swap3A_234 = arith.constant 48 : index
          %swap3A_235 = tpu.vector_load %arg22[%swap3A_233, %swap3A_234] {strides = array<i32>} : memref<80x128xf32, #tpu.memory_space<vmem>>, vector<16xf32>,
          tpu.vector_store %arg22[%swap3A_233, %swap3A_234], %mul3A_232 {strides = array<i32>} : memref<80x128xf32, #tpu.memory_space<vmem>>, vector<16xf32>,
          %get3A_236 = arith.index_cast %scan3A_195 : i32 to index
          %get3A_237 = arith.constant 64 : index
          %get3A_238 = tpu.vector_load %arg22[%get3A_236, %get3A_237] {strides = array<i32>} : memref<80x128xf32, #tpu.memory_space<vmem>>, vector<16xf32>,
          %get3A_239 = arith.index_cast %scan3A_195 : i32 to index
          %get3A_240 = arith.constant 64 : index
          %get3A_241 = tpu.vector_load %arg24[%get3A_239, %get3A_240] {strides = array<i32>} : memref<80x128xf32, #tpu.memory_space<vmem>>, vector<16xf32>,
          %mul3A_242 = arith.mulf %get3A_238, %get3A_241 : vector<16xf32>
          %swap3A_243 = arith.index_cast %scan3A_195 : i32 to index
          %swap3A_244 = arith.constant 64 : index
          %swap3A_245 = tpu.vector_load %arg22[%swap3A_243, %swap3A_244] {strides = array<i32>} : memref<80x128xf32, #tpu.memory_space<vmem>>, vector<16xf32>,
          tpu.vector_store %arg22[%swap3A_243, %swap3A_244], %mul3A_242 {strides = array<i32>} : memref<80x128xf32, #tpu.memory_space<vmem>>, vector<16xf32>,
          %get3A_246 = arith.index_cast %scan3A_195 : i32 to index
          %get3A_247 = arith.constant 80 : index
          %get3A_248 = tpu.vector_load %arg22[%get3A_246, %get3A_247] {strides = array<i32>} : memref<80x128xf32, #tpu.memory_space<vmem>>, vector<16xf32>,
          %get3A_249 = arith.index_cast %scan3A_195 : i32 to index
          %get3A_250 = arith.constant 80 : index
          %get3A_251 = tpu.vector_load %arg24[%get3A_249, %get3A_250] {strides = array<i32>} : memref<80x128xf32, #tpu.memory_space<vmem>>, vector<16xf32>,
          %mul3A_252 = arith.mulf %get3A_248, %get3A_251 : vector<16xf32>
          %swap3A_253 = arith.index_cast %scan3A_195 : i32 to index
          %swap3A_254 = arith.constant 80 : index
          %swap3A_255 = tpu.vector_load %arg22[%swap3A_253, %swap3A_254] {strides = array<i32>} : memref<80x128xf32, #tpu.memory_space<vmem>>, vector<16xf32>,
          tpu.vector_store %arg22[%swap3A_253, %swap3A_254], %mul3A_252 {strides = array<i32>} : memref<80x128xf32, #tpu.memory_space<vmem>>, vector<16xf32>,
          %get3A_256 = arith.index_cast %scan3A_195 : i32 to index
          %get3A_257 = arith.constant 96 : index
          %get3A_258 = tpu.vector_load %arg22[%get3A_256, %get3A_257] {strides = array<i32>} : memref<80x128xf32, #tpu.memory_space<vmem>>, vector<16xf32>,
          %get3A_259 = arith.index_cast %scan3A_195 : i32 to index
          %get3A_260 = arith.constant 96 : index
          %get3A_261 = tpu.vector_load %arg24[%get3A_259, %get3A_260] {strides = array<i32>} : memref<80x128xf32, #tpu.memory_space<vmem>>, vector<16xf32>,
          %mul3A_262 = arith.mulf %get3A_258, %get3A_261 : vector<16xf32>
          %swap3A_263 = arith.index_cast %scan3A_195 : i32 to index
          %swap3A_264 = arith.constant 96 : index
          %swap3A_265 = tpu.vector_load %arg22[%swap3A_263, %swap3A_264] {strides = array<i32>} : memref<80x128xf32, #tpu.memory_space<vmem>>, vector<16xf32>,
          tpu.vector_store %arg22[%swap3A_263, %swap3A_264], %mul3A_262 {strides = array<i32>} : memref<80x128xf32, #tpu.memory_space<vmem>>, vector<16xf32>,
          %get3A_266 = arith.index_cast %scan3A_195 : i32 to index
          %get3A_267 = arith.constant 112 : index
          %get3A_268 = tpu.vector_load %arg22[%get3A_266, %get3A_267] {strides = array<i32>} : memref<80x128xf32, #tpu.memory_space<vmem>>, vector<16xf32>,
          %get3A_269 = arith.index_cast %scan3A_195 : i32 to index
          %get3A_270 = arith.constant 112 : index
          %get3A_271 = tpu.vector_load %arg24[%get3A_269, %get3A_270] {strides = array<i32>} : memref<80x128xf32, #tpu.memory_space<vmem>>, vector<16xf32>,
          %mul3A_272 = arith.mulf %get3A_268, %get3A_271 : vector<16xf32>
          %swap3A_273 = arith.index_cast %scan3A_195 : i32 to index
          %swap3A_274 = arith.constant 112 : index
          %swap3A_275 = tpu.vector_load %arg22[%swap3A_273, %swap3A_274] {strides = array<i32>} : memref<80x128xf32, #tpu.memory_space<vmem>>, vector<16xf32>,
          tpu.vector_store %arg22[%swap3A_273, %swap3A_274], %mul3A_272 {strides = array<i32>} : memref<80x128xf32, #tpu.memory_space<vmem>>, vector<16xf32>,
          %scan3A_276 = arith.constant 0 : i32
          scf.yield %scan3A_276 : i32
        }
        %scan3A_180 = arith.constant 80 : i32
        %dma_start3A = arith.constant 0 : i32
        %dma_start3A_181 = arith.constant 0 : i32
        %dma_start3A_182 = tpu.memref_slice %arg9[%dma_start3A, %dma_start3A_181] : memref<10000x128xf32, #tpu.memory_space<vmem_shared>> -> memref<10000x128xf32, #tpu.memory_space<vmem_shared>>
        tpu.enqueue_indirect_dma source(%arg22 : memref<80x128xf32, #tpu.memory_space<vmem>>) target(%dma_start3A_182 : memref<10000x128xf32, #tpu.memory_space<vmem_shared>>) offsets(%arg18 : memref<80xi32, #tpu.memory_space<vmem>>) semaphore(%arg31 : memref<!tpu.dma_semaphore, #tpu.memory_space<semaphore_mem>>) {add = true}
        %add3A_183 = arith.constant 1 : i32
        %add3A_184 = arith.addi %add3A_135, %add3A_183 : i32
        %lt3A_185 = arith.cmpi slt, %add3A_184, %select_n3A : i32
        %convert_element_type3A_186 = arith.extui %lt3A_185 : i1 to i32
        %cond3A_187 = arith.constant 0 : i32
        %cond3A_188 = arith.cmpi ne, %convert_element_type3A_186, %cond3A_187 : i32
        scf.if %cond3A_188 {
          %mul3A_195 = arith.constant 10112 : i32
          %mul3A_196 = arith.muli %add3A, %mul3A_195 : i32
          %dma_wait3A_197 = tpu.memref_slice %arg5[%mul3A_196] : memref<323584xf32, #tpu.memory_space<hbm>> -> memref<80xf32, #tpu.memory_space<hbm>>
          %dma_wait3A_198 = tpu.memref_slice %arg5[%mul3A_196] : memref<323584xf32, #tpu.memory_space<hbm>> -> memref<80xf32, #tpu.memory_space<hbm>>
          tpu.wait_dma2 semaphore(%arg26 : memref<!tpu.dma_semaphore, #tpu.memory_space<semaphore_mem>>) src(%dma_wait3A_198 : memref<80xf32, #tpu.memory_space<hbm>>) dst(%arg10 : memref<80xf32, #tpu.memory_space<vmem>>)
          %dma_wait3A_199 = tpu.memref_slice %arg3[%mul3A_196] : memref<323584xi32, #tpu.memory_space<hbm>> -> memref<80xi32, #tpu.memory_space<hbm>>
          %dma_wait3A_200 = tpu.memref_slice %arg3[%mul3A_196] : memref<323584xi32, #tpu.memory_space<hbm>> -> memref<80xi32, #tpu.memory_space<hbm>>
          tpu.wait_dma2 semaphore(%arg26 : memref<!tpu.dma_semaphore, #tpu.memory_space<semaphore_mem>>) src(%dma_wait3A_200 : memref<80xi32, #tpu.memory_space<hbm>>) dst(%arg13 : memref<80xi32, #tpu.memory_space<vmem>>)
          %dma_wait3A_201 = tpu.memref_slice %arg4[%mul3A_196] : memref<323584xi32, #tpu.memory_space<hbm>> -> memref<80xi32, #tpu.memory_space<hbm>>
          %dma_wait3A_202 = tpu.memref_slice %arg4[%mul3A_196] : memref<323584xi32, #tpu.memory_space<hbm>> -> memref<80xi32, #tpu.memory_space<hbm>>
          tpu.wait_dma2 semaphore(%arg26 : memref<!tpu.dma_semaphore, #tpu.memory_space<semaphore_mem>>) src(%dma_wait3A_202 : memref<80xi32, #tpu.memory_space<hbm>>) dst(%arg16 : memref<80xi32, #tpu.memory_space<vmem>>)
          %scan3A_203 = arith.constant 0 : i32
          %scan3A_204 = arith.constant 0 : i32
          %scan3A_205 = arith.constant 5 : i32
          %scan3A_206 = arith.addi %scan3A_204, %scan3A_205 : i32
          %scan3A_207 = arith.constant 1 : i32
          %scan3A_208 = scf.for %scan3A_216 = %scan3A_204 to %scan3A_206 step %scan3A_207 iter_args(%scan3A_217 = %scan3A_203) -> (i32)  : i32 {
            %mul3A_218 = arith.constant 16 : i32
            %mul3A_219 = arith.muli %scan3A_216, %mul3A_218 : i32
            %get3A_220 = arith.index_cast %mul3A_219 : i32 to index
            %get3A_221 = tpu.vector_load %arg10[%get3A_220] {strides = array<i32>} : memref<80xf32, #tpu.memory_space<vmem>>, vector<16xf32>,
            %convert_element_type3A_222 = arith.fptosi %get3A_221 : vector<16xf32> to vector<16xi32>
            %swap3A = arith.index_cast %mul3A_219 : i32 to index
            %swap3A_223 = tpu.vector_load %arg20[%swap3A] {strides = array<i32>} : memref<80xi32, #tpu.memory_space<vmem>>, vector<16xi32>,
            tpu.vector_store %arg20[%swap3A], %convert_element_type3A_222 {strides = array<i32>} : memref<80xi32, #tpu.memory_space<vmem>>, vector<16xi32>,
            %scan3A_224 = arith.constant 0 : i32
            scf.yield %scan3A_224 : i32
          }
          %scan3A_209 = arith.constant 5 : i32
          %dma_start3A_210 = arith.constant 0 : i32
          %dma_start3A_211 = arith.constant 0 : i32
          %dma_start3A_212 = tpu.memref_slice %arg2[%dma_start3A_210, %dma_start3A_211] : memref<10000x128xf32, #tpu.memory_space<hbm>> -> memref<10000x128xf32, #tpu.memory_space<hbm>>
          tpu.enqueue_indirect_dma source(%dma_start3A_212 : memref<10000x128xf32, #tpu.memory_space<hbm>>) target(%arg23 : memref<80x128xf32, #tpu.memory_space<vmem>>) offsets(%arg13 : memref<80xi32, #tpu.memory_space<vmem>>) semaphore(%arg30 : memref<!tpu.dma_semaphore, #tpu.memory_space<semaphore_mem>>)
          %dma_start3A_213 = arith.constant 0 : i32
          %dma_start3A_214 = arith.constant 0 : i32
          %dma_start3A_215 = tpu.memref_slice %arg7[%dma_start3A_213, %dma_start3A_214] : memref<8320x128xf32, #tpu.memory_space<hbm>> -> memref<8320x128xf32, #tpu.memory_space<hbm>>
          tpu.enqueue_indirect_dma source(%dma_start3A_215 : memref<8320x128xf32, #tpu.memory_space<hbm>>) target(%arg25 : memref<80x128xf32, #tpu.memory_space<vmem>>) offsets(%arg20 : memref<80xi32, #tpu.memory_space<vmem>>) semaphore(%arg30 : memref<!tpu.dma_semaphore, #tpu.memory_space<semaphore_mem>>)
        } else {
        }
        %add3A_189 = arith.constant 2 : i32
        %add3A_190 = arith.addi %add3A_135, %add3A_189 : i32
        %lt3A_191 = arith.cmpi slt, %add3A_190, %select_n3A : i32
        %convert_element_type3A_192 = arith.extui %lt3A_191 : i1 to i32
        %cond3A_193 = arith.constant 0 : i32
        %cond3A_194 = arith.cmpi ne, %convert_element_type3A_192, %cond3A_193 : i32
        scf.if %cond3A_194 {
          %add3A_195 = arith.constant 2 : i32
          %add3A_196 = arith.addi %add3A_135, %add3A_195 : i32
          %mul3A_197 = arith.constant 10112 : i32
          %mul3A_198 = arith.muli %add3A, %mul3A_197 : i32
          %mul3A_199 = arith.constant 80 : i32
          %mul3A_200 = arith.muli %add3A_196, %mul3A_199 : i32
          %add3A_201 = arith.addi %mul3A_198, %mul3A_200 : i32
          %dma_start3A_202 = tpu.memref_slice %arg5[%add3A_201] : memref<323584xf32, #tpu.memory_space<hbm>> -> memref<80xf32, #tpu.memory_space<hbm>>
          %dma_start3A_203 = tpu.memref_slice %arg5[%add3A_201] : memref<323584xf32, #tpu.memory_space<hbm>> -> memref<80xf32, #tpu.memory_space<hbm>>
          tpu.enqueue_dma source(%dma_start3A_203 : memref<80xf32, #tpu.memory_space<hbm>>) target(%arg11 : memref<80xf32, #tpu.memory_space<vmem>>) target_semaphore(%arg27 : memref<!tpu.dma_semaphore, #tpu.memory_space<semaphore_mem>>)
          %dma_start3A_204 = tpu.memref_slice %arg3[%add3A_201] : memref<323584xi32, #tpu.memory_space<hbm>> -> memref<80xi32, #tpu.memory_space<hbm>>
          %dma_start3A_205 = tpu.memref_slice %arg3[%add3A_201] : memref<323584xi32, #tpu.memory_space<hbm>> -> memref<80xi32, #tpu.memory_space<hbm>>
          tpu.enqueue_dma source(%dma_start3A_205 : memref<80xi32, #tpu.memory_space<hbm>>) target(%arg14 : memref<80xi32, #tpu.memory_space<vmem>>) target_semaphore(%arg27 : memref<!tpu.dma_semaphore, #tpu.memory_space<semaphore_mem>>)
          %dma_start3A_206 = tpu.memref_slice %arg4[%add3A_201] : memref<323584xi32, #tpu.memory_space<hbm>> -> memref<80xi32, #tpu.memory_space<hbm>>
          %dma_start3A_207 = tpu.memref_slice %arg4[%add3A_201] : memref<323584xi32, #tpu.memory_space<hbm>> -> memref<80xi32, #tpu.memory_space<hbm>>
          tpu.enqueue_dma source(%dma_start3A_207 : memref<80xi32, #tpu.memory_space<hbm>>) target(%arg17 : memref<80xi32, #tpu.memory_space<vmem>>) target_semaphore(%arg27 : memref<!tpu.dma_semaphore, #tpu.memory_space<semaphore_mem>>)
        } else {
        }
      } else {
      }
      %mul3A_140 = arith.constant 6 : i32
      %mul3A_141 = arith.muli %while3A_115, %mul3A_140 : i32
      %add3A_142 = arith.constant 3 : i32
      %add3A_143 = arith.addi %mul3A_141, %add3A_142 : i32
      %lt3A_144 = arith.cmpi slt, %add3A_143, %select_n3A : i32
      %convert_element_type3A_145 = arith.extui %lt3A_144 : i1 to i32
      %cond3A_146 = arith.constant 0 : i32
      %cond3A_147 = arith.cmpi ne, %convert_element_type3A_145, %cond3A_146 : i32
      scf.if %cond3A_147 {
        %dma_wait3A = arith.constant 0 : i32
        %dma_wait3A_165 = arith.constant 0 : i32
        %dma_wait3A_166 = tpu.memref_slice %arg2[%dma_wait3A, %dma_wait3A_165] : memref<10000x128xf32, #tpu.memory_space<hbm>> -> memref<10000x128xf32, #tpu.memory_space<hbm>>
        tpu.wait_indirect_dma semaphore(%arg30 : memref<!tpu.dma_semaphore, #tpu.memory_space<semaphore_mem>>) src(%dma_wait3A_166 : memref<10000x128xf32, #tpu.memory_space<hbm>>) dst(%arg23 : memref<80x128xf32, #tpu.memory_space<vmem>>)
        %dma_wait3A_167 = arith.constant 0 : i32
        %dma_wait3A_168 = arith.constant 0 : i32
        %dma_wait3A_169 = tpu.memref_slice %arg7[%dma_wait3A_167, %dma_wait3A_168] : memref<8320x128xf32, #tpu.memory_space<hbm>> -> memref<8320x128xf32, #tpu.memory_space<hbm>>
        tpu.wait_indirect_dma semaphore(%arg30 : memref<!tpu.dma_semaphore, #tpu.memory_space<semaphore_mem>>) src(%dma_wait3A_169 : memref<8320x128xf32, #tpu.memory_space<hbm>>) dst(%arg25 : memref<80x128xf32, #tpu.memory_space<vmem>>)
        %ge3A = arith.constant 1 : i32
        %ge3A_170 = arith.cmpi sge, %add3A_143, %ge3A : i32
        %convert_element_type3A_171 = arith.extui %ge3A_170 : i1 to i32
        %cond3A_172 = arith.constant 0 : i32
        %cond3A_173 = arith.cmpi ne, %convert_element_type3A_171, %cond3A_172 : i32
        scf.if %cond3A_173 {
          %dma_wait3A_195 = arith.constant 0 : i32
          %dma_wait3A_196 = arith.constant 0 : i32
          %dma_wait3A_197 = tpu.memref_slice %arg9[%dma_wait3A_195, %dma_wait3A_196] : memref<10000x128xf32, #tpu.memory_space<vmem_shared>> -> memref<10000x128xf32, #tpu.memory_space<vmem_shared>>
          tpu.wait_indirect_dma semaphore(%arg31 : memref<!tpu.dma_semaphore, #tpu.memory_space<semaphore_mem>>) src(%arg22 : memref<80x128xf32, #tpu.memory_space<vmem>>) dst(%dma_wait3A_197 : memref<10000x128xf32, #tpu.memory_space<vmem_shared>>)
        } else {
        }
        %scan3A_174 = arith.constant 0 : i32
        %scan3A_175 = arith.constant 0 : i32
        %scan3A_176 = arith.constant 80 : i32
        %scan3A_177 = arith.addi %scan3A_175, %scan3A_176 : i32
        %scan3A_178 = arith.constant 1 : i32
        %scan3A_179 = scf.for %scan3A_195 = %scan3A_175 to %scan3A_177 step %scan3A_178 iter_args(%scan3A_196 = %scan3A_174) -> (i32)  : i32 {
          %get3A_197 = arith.index_cast %scan3A_195 : i32 to index
          %get3A_198 = arith.constant 0 : index
          %get3A_199 = tpu.vector_load %arg23[%get3A_197, %get3A_198] {strides = array<i32>} : memref<80x128xf32, #tpu.memory_space<vmem>>, vector<16xf32>,
          %get3A_200 = arith.index_cast %scan3A_195 : i32 to index
          %get3A_201 = arith.constant 0 : index
          %get3A_202 = tpu.vector_load %arg25[%get3A_200, %get3A_201] {strides = array<i32>} : memref<80x128xf32, #tpu.memory_space<vmem>>, vector<16xf32>,
          %mul3A_203 = arith.mulf %get3A_199, %get3A_202 : vector<16xf32>
          %swap3A = arith.index_cast %scan3A_195 : i32 to index
          %swap3A_204 = arith.constant 0 : index
          %swap3A_205 = tpu.vector_load %arg23[%swap3A, %swap3A_204] {strides = array<i32>} : memref<80x128xf32, #tpu.memory_space<vmem>>, vector<16xf32>,
          tpu.vector_store %arg23[%swap3A, %swap3A_204], %mul3A_203 {strides = array<i32>} : memref<80x128xf32, #tpu.memory_space<vmem>>, vector<16xf32>,
          %get3A_206 = arith.index_cast %scan3A_195 : i32 to index
          %get3A_207 = arith.constant 16 : index
          %get3A_208 = tpu.vector_load %arg23[%get3A_206, %get3A_207] {strides = array<i32>} : memref<80x128xf32, #tpu.memory_space<vmem>>, vector<16xf32>,
          %get3A_209 = arith.index_cast %scan3A_195 : i32 to index
          %get3A_210 = arith.constant 16 : index
          %get3A_211 = tpu.vector_load %arg25[%get3A_209, %get3A_210] {strides = array<i32>} : memref<80x128xf32, #tpu.memory_space<vmem>>, vector<16xf32>,
          %mul3A_212 = arith.mulf %get3A_208, %get3A_211 : vector<16xf32>
          %swap3A_213 = arith.index_cast %scan3A_195 : i32 to index
          %swap3A_214 = arith.constant 16 : index
          %swap3A_215 = tpu.vector_load %arg23[%swap3A_213, %swap3A_214] {strides = array<i32>} : memref<80x128xf32, #tpu.memory_space<vmem>>, vector<16xf32>,
          tpu.vector_store %arg23[%swap3A_213, %swap3A_214], %mul3A_212 {strides = array<i32>} : memref<80x128xf32, #tpu.memory_space<vmem>>, vector<16xf32>,
          %get3A_216 = arith.index_cast %scan3A_195 : i32 to index
          %get3A_217 = arith.constant 32 : index
          %get3A_218 = tpu.vector_load %arg23[%get3A_216, %get3A_217] {strides = array<i32>} : memref<80x128xf32, #tpu.memory_space<vmem>>, vector<16xf32>,
          %get3A_219 = arith.index_cast %scan3A_195 : i32 to index
          %get3A_220 = arith.constant 32 : index
          %get3A_221 = tpu.vector_load %arg25[%get3A_219, %get3A_220] {strides = array<i32>} : memref<80x128xf32, #tpu.memory_space<vmem>>, vector<16xf32>,
          %mul3A_222 = arith.mulf %get3A_218, %get3A_221 : vector<16xf32>
          %swap3A_223 = arith.index_cast %scan3A_195 : i32 to index
          %swap3A_224 = arith.constant 32 : index
          %swap3A_225 = tpu.vector_load %arg23[%swap3A_223, %swap3A_224] {strides = array<i32>} : memref<80x128xf32, #tpu.memory_space<vmem>>, vector<16xf32>,
          tpu.vector_store %arg23[%swap3A_223, %swap3A_224], %mul3A_222 {strides = array<i32>} : memref<80x128xf32, #tpu.memory_space<vmem>>, vector<16xf32>,
          %get3A_226 = arith.index_cast %scan3A_195 : i32 to index
          %get3A_227 = arith.constant 48 : index
          %get3A_228 = tpu.vector_load %arg23[%get3A_226, %get3A_227] {strides = array<i32>} : memref<80x128xf32, #tpu.memory_space<vmem>>, vector<16xf32>,
          %get3A_229 = arith.index_cast %scan3A_195 : i32 to index
          %get3A_230 = arith.constant 48 : index
          %get3A_231 = tpu.vector_load %arg25[%get3A_229, %get3A_230] {strides = array<i32>} : memref<80x128xf32, #tpu.memory_space<vmem>>, vector<16xf32>,
          %mul3A_232 = arith.mulf %get3A_228, %get3A_231 : vector<16xf32>
          %swap3A_233 = arith.index_cast %scan3A_195 : i32 to index
          %swap3A_234 = arith.constant 48 : index
          %swap3A_235 = tpu.vector_load %arg23[%swap3A_233, %swap3A_234] {strides = array<i32>} : memref<80x128xf32, #tpu.memory_space<vmem>>, vector<16xf32>,
          tpu.vector_store %arg23[%swap3A_233, %swap3A_234], %mul3A_232 {strides = array<i32>} : memref<80x128xf32, #tpu.memory_space<vmem>>, vector<16xf32>,
          %get3A_236 = arith.index_cast %scan3A_195 : i32 to index
          %get3A_237 = arith.constant 64 : index
          %get3A_238 = tpu.vector_load %arg23[%get3A_236, %get3A_237] {strides = array<i32>} : memref<80x128xf32, #tpu.memory_space<vmem>>, vector<16xf32>,
          %get3A_239 = arith.index_cast %scan3A_195 : i32 to index
          %get3A_240 = arith.constant 64 : index
          %get3A_241 = tpu.vector_load %arg25[%get3A_239, %get3A_240] {strides = array<i32>} : memref<80x128xf32, #tpu.memory_space<vmem>>, vector<16xf32>,
          %mul3A_242 = arith.mulf %get3A_238, %get3A_241 : vector<16xf32>
          %swap3A_243 = arith.index_cast %scan3A_195 : i32 to index
          %swap3A_244 = arith.constant 64 : index
          %swap3A_245 = tpu.vector_load %arg23[%swap3A_243, %swap3A_244] {strides = array<i32>} : memref<80x128xf32, #tpu.memory_space<vmem>>, vector<16xf32>,
          tpu.vector_store %arg23[%swap3A_243, %swap3A_244], %mul3A_242 {strides = array<i32>} : memref<80x128xf32, #tpu.memory_space<vmem>>, vector<16xf32>,
          %get3A_246 = arith.index_cast %scan3A_195 : i32 to index
          %get3A_247 = arith.constant 80 : index
          %get3A_248 = tpu.vector_load %arg23[%get3A_246, %get3A_247] {strides = array<i32>} : memref<80x128xf32, #tpu.memory_space<vmem>>, vector<16xf32>,
          %get3A_249 = arith.index_cast %scan3A_195 : i32 to index
          %get3A_250 = arith.constant 80 : index
          %get3A_251 = tpu.vector_load %arg25[%get3A_249, %get3A_250] {strides = array<i32>} : memref<80x128xf32, #tpu.memory_space<vmem>>, vector<16xf32>,
          %mul3A_252 = arith.mulf %get3A_248, %get3A_251 : vector<16xf32>
          %swap3A_253 = arith.index_cast %scan3A_195 : i32 to index
          %swap3A_254 = arith.constant 80 : index
          %swap3A_255 = tpu.vector_load %arg23[%swap3A_253, %swap3A_254] {strides = array<i32>} : memref<80x128xf32, #tpu.memory_space<vmem>>, vector<16xf32>,
          tpu.vector_store %arg23[%swap3A_253, %swap3A_254], %mul3A_252 {strides = array<i32>} : memref<80x128xf32, #tpu.memory_space<vmem>>, vector<16xf32>,
          %get3A_256 = arith.index_cast %scan3A_195 : i32 to index
          %get3A_257 = arith.constant 96 : index
          %get3A_258 = tpu.vector_load %arg23[%get3A_256, %get3A_257] {strides = array<i32>} : memref<80x128xf32, #tpu.memory_space<vmem>>, vector<16xf32>,
          %get3A_259 = arith.index_cast %scan3A_195 : i32 to index
          %get3A_260 = arith.constant 96 : index
          %get3A_261 = tpu.vector_load %arg25[%get3A_259, %get3A_260] {strides = array<i32>} : memref<80x128xf32, #tpu.memory_space<vmem>>, vector<16xf32>,
          %mul3A_262 = arith.mulf %get3A_258, %get3A_261 : vector<16xf32>
          %swap3A_263 = arith.index_cast %scan3A_195 : i32 to index
          %swap3A_264 = arith.constant 96 : index
          %swap3A_265 = tpu.vector_load %arg23[%swap3A_263, %swap3A_264] {strides = array<i32>} : memref<80x128xf32, #tpu.memory_space<vmem>>, vector<16xf32>,
          tpu.vector_store %arg23[%swap3A_263, %swap3A_264], %mul3A_262 {strides = array<i32>} : memref<80x128xf32, #tpu.memory_space<vmem>>, vector<16xf32>,
          %get3A_266 = arith.index_cast %scan3A_195 : i32 to index
          %get3A_267 = arith.constant 112 : index
          %get3A_268 = tpu.vector_load %arg23[%get3A_266, %get3A_267] {strides = array<i32>} : memref<80x128xf32, #tpu.memory_space<vmem>>, vector<16xf32>,
          %get3A_269 = arith.index_cast %scan3A_195 : i32 to index
          %get3A_270 = arith.constant 112 : index
          %get3A_271 = tpu.vector_load %arg25[%get3A_269, %get3A_270] {strides = array<i32>} : memref<80x128xf32, #tpu.memory_space<vmem>>, vector<16xf32>,
          %mul3A_272 = arith.mulf %get3A_268, %get3A_271 : vector<16xf32>
          %swap3A_273 = arith.index_cast %scan3A_195 : i32 to index
          %swap3A_274 = arith.constant 112 : index
          %swap3A_275 = tpu.vector_load %arg23[%swap3A_273, %swap3A_274] {strides = array<i32>} : memref<80x128xf32, #tpu.memory_space<vmem>>, vector<16xf32>,
          tpu.vector_store %arg23[%swap3A_273, %swap3A_274], %mul3A_272 {strides = array<i32>} : memref<80x128xf32, #tpu.memory_space<vmem>>, vector<16xf32>,
          %scan3A_276 = arith.constant 0 : i32
          scf.yield %scan3A_276 : i32
        }
        %scan3A_180 = arith.constant 80 : i32
        %dma_start3A = arith.constant 0 : i32
        %dma_start3A_181 = arith.constant 0 : i32
        %dma_start3A_182 = tpu.memref_slice %arg9[%dma_start3A, %dma_start3A_181] : memref<10000x128xf32, #tpu.memory_space<vmem_shared>> -> memref<10000x128xf32, #tpu.memory_space<vmem_shared>>
        tpu.enqueue_indirect_dma source(%arg23 : memref<80x128xf32, #tpu.memory_space<vmem>>) target(%dma_start3A_182 : memref<10000x128xf32, #tpu.memory_space<vmem_shared>>) offsets(%arg16 : memref<80xi32, #tpu.memory_space<vmem>>) semaphore(%arg32 : memref<!tpu.dma_semaphore, #tpu.memory_space<semaphore_mem>>) {add = true}
        %add3A_183 = arith.constant 1 : i32
        %add3A_184 = arith.addi %add3A_143, %add3A_183 : i32
        %lt3A_185 = arith.cmpi slt, %add3A_184, %select_n3A : i32
        %convert_element_type3A_186 = arith.extui %lt3A_185 : i1 to i32
        %cond3A_187 = arith.constant 0 : i32
        %cond3A_188 = arith.cmpi ne, %convert_element_type3A_186, %cond3A_187 : i32
        scf.if %cond3A_188 {
          %mul3A_195 = arith.constant 10112 : i32
          %mul3A_196 = arith.muli %add3A, %mul3A_195 : i32
          %dma_wait3A_197 = tpu.memref_slice %arg5[%mul3A_196] : memref<323584xf32, #tpu.memory_space<hbm>> -> memref<80xf32, #tpu.memory_space<hbm>>
          %dma_wait3A_198 = tpu.memref_slice %arg5[%mul3A_196] : memref<323584xf32, #tpu.memory_space<hbm>> -> memref<80xf32, #tpu.memory_space<hbm>>
          tpu.wait_dma2 semaphore(%arg27 : memref<!tpu.dma_semaphore, #tpu.memory_space<semaphore_mem>>) src(%dma_wait3A_198 : memref<80xf32, #tpu.memory_space<hbm>>) dst(%arg11 : memref<80xf32, #tpu.memory_space<vmem>>)
          %dma_wait3A_199 = tpu.memref_slice %arg3[%mul3A_196] : memref<323584xi32, #tpu.memory_space<hbm>> -> memref<80xi32, #tpu.memory_space<hbm>>
          %dma_wait3A_200 = tpu.memref_slice %arg3[%mul3A_196] : memref<323584xi32, #tpu.memory_space<hbm>> -> memref<80xi32, #tpu.memory_space<hbm>>
          tpu.wait_dma2 semaphore(%arg27 : memref<!tpu.dma_semaphore, #tpu.memory_space<semaphore_mem>>) src(%dma_wait3A_200 : memref<80xi32, #tpu.memory_space<hbm>>) dst(%arg14 : memref<80xi32, #tpu.memory_space<vmem>>)
          %dma_wait3A_201 = tpu.memref_slice %arg4[%mul3A_196] : memref<323584xi32, #tpu.memory_space<hbm>> -> memref<80xi32, #tpu.memory_space<hbm>>
          %dma_wait3A_202 = tpu.memref_slice %arg4[%mul3A_196] : memref<323584xi32, #tpu.memory_space<hbm>> -> memref<80xi32, #tpu.memory_space<hbm>>
          tpu.wait_dma2 semaphore(%arg27 : memref<!tpu.dma_semaphore, #tpu.memory_space<semaphore_mem>>) src(%dma_wait3A_202 : memref<80xi32, #tpu.memory_space<hbm>>) dst(%arg17 : memref<80xi32, #tpu.memory_space<vmem>>)
          %scan3A_203 = arith.constant 0 : i32
          %scan3A_204 = arith.constant 0 : i32
          %scan3A_205 = arith.constant 5 : i32
          %scan3A_206 = arith.addi %scan3A_204, %scan3A_205 : i32
          %scan3A_207 = arith.constant 1 : i32
          %scan3A_208 = scf.for %scan3A_216 = %scan3A_204 to %scan3A_206 step %scan3A_207 iter_args(%scan3A_217 = %scan3A_203) -> (i32)  : i32 {
            %mul3A_218 = arith.constant 16 : i32
            %mul3A_219 = arith.muli %scan3A_216, %mul3A_218 : i32
            %get3A_220 = arith.index_cast %mul3A_219 : i32 to index
            %get3A_221 = tpu.vector_load %arg11[%get3A_220] {strides = array<i32>} : memref<80xf32, #tpu.memory_space<vmem>>, vector<16xf32>,
            %convert_element_type3A_222 = arith.fptosi %get3A_221 : vector<16xf32> to vector<16xi32>
            %swap3A = arith.index_cast %mul3A_219 : i32 to index
            %swap3A_223 = tpu.vector_load %arg19[%swap3A] {strides = array<i32>} : memref<80xi32, #tpu.memory_space<vmem>>, vector<16xi32>,
            tpu.vector_store %arg19[%swap3A], %convert_element_type3A_222 {strides = array<i32>} : memref<80xi32, #tpu.memory_space<vmem>>, vector<16xi32>,
            %scan3A_224 = arith.constant 0 : i32
            scf.yield %scan3A_224 : i32
          }
          %scan3A_209 = arith.constant 5 : i32
          %dma_start3A_210 = arith.constant 0 : i32
          %dma_start3A_211 = arith.constant 0 : i32
          %dma_start3A_212 = tpu.memref_slice %arg2[%dma_start3A_210, %dma_start3A_211] : memref<10000x128xf32, #tpu.memory_space<hbm>> -> memref<10000x128xf32, #tpu.memory_space<hbm>>
          tpu.enqueue_indirect_dma source(%dma_start3A_212 : memref<10000x128xf32, #tpu.memory_space<hbm>>) target(%arg22 : memref<80x128xf32, #tpu.memory_space<vmem>>) offsets(%arg14 : memref<80xi32, #tpu.memory_space<vmem>>) semaphore(%arg29 : memref<!tpu.dma_semaphore, #tpu.memory_space<semaphore_mem>>)
          %dma_start3A_213 = arith.constant 0 : i32
          %dma_start3A_214 = arith.constant 0 : i32
          %dma_start3A_215 = tpu.memref_slice %arg7[%dma_start3A_213, %dma_start3A_214] : memref<8320x128xf32, #tpu.memory_space<hbm>> -> memref<8320x128xf32, #tpu.memory_space<hbm>>
          tpu.enqueue_indirect_dma source(%dma_start3A_215 : memref<8320x128xf32, #tpu.memory_space<hbm>>) target(%arg24 : memref<80x128xf32, #tpu.memory_space<vmem>>) offsets(%arg19 : memref<80xi32, #tpu.memory_space<vmem>>) semaphore(%arg29 : memref<!tpu.dma_semaphore, #tpu.memory_space<semaphore_mem>>)
        } else {
        }
        %add3A_189 = arith.constant 2 : i32
        %add3A_190 = arith.addi %add3A_143, %add3A_189 : i32
        %lt3A_191 = arith.cmpi slt, %add3A_190, %select_n3A : i32
        %convert_element_type3A_192 = arith.extui %lt3A_191 : i1 to i32
        %cond3A_193 = arith.constant 0 : i32
        %cond3A_194 = arith.cmpi ne, %convert_element_type3A_192, %cond3A_193 : i32
        scf.if %cond3A_194 {
          %add3A_195 = arith.constant 2 : i32
          %add3A_196 = arith.addi %add3A_143, %add3A_195 : i32
          %mul3A_197 = arith.constant 10112 : i32
          %mul3A_198 = arith.muli %add3A, %mul3A_197 : i32
          %mul3A_199 = arith.constant 80 : i32
          %mul3A_200 = arith.muli %add3A_196, %mul3A_199 : i32
          %add3A_201 = arith.addi %mul3A_198, %mul3A_200 : i32
          %dma_start3A_202 = tpu.memref_slice %arg5[%add3A_201] : memref<323584xf32, #tpu.memory_space<hbm>> -> memref<80xf32, #tpu.memory_space<hbm>>
          %dma_start3A_203 = tpu.memref_slice %arg5[%add3A_201] : memref<323584xf32, #tpu.memory_space<hbm>> -> memref<80xf32, #tpu.memory_space<hbm>>
          tpu.enqueue_dma source(%dma_start3A_203 : memref<80xf32, #tpu.memory_space<hbm>>) target(%arg12 : memref<80xf32, #tpu.memory_space<vmem>>) target_semaphore(%arg28 : memref<!tpu.dma_semaphore, #tpu.memory_space<semaphore_mem>>)
          %dma_start3A_204 = tpu.memref_slice %arg3[%add3A_201] : memref<323584xi32, #tpu.memory_space<hbm>> -> memref<80xi32, #tpu.memory_space<hbm>>
          %dma_start3A_205 = tpu.memref_slice %arg3[%add3A_201] : memref<323584xi32, #tpu.memory_space<hbm>> -> memref<80xi32, #tpu.memory_space<hbm>>
          tpu.enqueue_dma source(%dma_start3A_205 : memref<80xi32, #tpu.memory_space<hbm>>) target(%arg15 : memref<80xi32, #tpu.memory_space<vmem>>) target_semaphore(%arg28 : memref<!tpu.dma_semaphore, #tpu.memory_space<semaphore_mem>>)
          %dma_start3A_206 = tpu.memref_slice %arg4[%add3A_201] : memref<323584xi32, #tpu.memory_space<hbm>> -> memref<80xi32, #tpu.memory_space<hbm>>
          %dma_start3A_207 = tpu.memref_slice %arg4[%add3A_201] : memref<323584xi32, #tpu.memory_space<hbm>> -> memref<80xi32, #tpu.memory_space<hbm>>
          tpu.enqueue_dma source(%dma_start3A_207 : memref<80xi32, #tpu.memory_space<hbm>>) target(%arg18 : memref<80xi32, #tpu.memory_space<vmem>>) target_semaphore(%arg28 : memref<!tpu.dma_semaphore, #tpu.memory_space<semaphore_mem>>)
        } else {
        }
      } else {
      }
      %mul3A_148 = arith.constant 6 : i32
      %mul3A_149 = arith.muli %while3A_115, %mul3A_148 : i32
      %add3A_150 = arith.constant 4 : i32
      %add3A_151 = arith.addi %mul3A_149, %add3A_150 : i32
      %lt3A_152 = arith.cmpi slt, %add3A_151, %select_n3A : i32
      %convert_element_type3A_153 = arith.extui %lt3A_152 : i1 to i32
      %cond3A_154 = arith.constant 0 : i32
      %cond3A_155 = arith.cmpi ne, %convert_element_type3A_153, %cond3A_154 : i32
      scf.if %cond3A_155 {
        %dma_wait3A = arith.constant 0 : i32
        %dma_wait3A_165 = arith.constant 0 : i32
        %dma_wait3A_166 = tpu.memref_slice %arg2[%dma_wait3A, %dma_wait3A_165] : memref<10000x128xf32, #tpu.memory_space<hbm>> -> memref<10000x128xf32, #tpu.memory_space<hbm>>
        tpu.wait_indirect_dma semaphore(%arg29 : memref<!tpu.dma_semaphore, #tpu.memory_space<semaphore_mem>>) src(%dma_wait3A_166 : memref<10000x128xf32, #tpu.memory_space<hbm>>) dst(%arg22 : memref<80x128xf32, #tpu.memory_space<vmem>>)
        %dma_wait3A_167 = arith.constant 0 : i32
        %dma_wait3A_168 = arith.constant 0 : i32
        %dma_wait3A_169 = tpu.memref_slice %arg7[%dma_wait3A_167, %dma_wait3A_168] : memref<8320x128xf32, #tpu.memory_space<hbm>> -> memref<8320x128xf32, #tpu.memory_space<hbm>>
        tpu.wait_indirect_dma semaphore(%arg29 : memref<!tpu.dma_semaphore, #tpu.memory_space<semaphore_mem>>) src(%dma_wait3A_169 : memref<8320x128xf32, #tpu.memory_space<hbm>>) dst(%arg24 : memref<80x128xf32, #tpu.memory_space<vmem>>)
        %ge3A = arith.constant 1 : i32
        %ge3A_170 = arith.cmpi sge, %add3A_151, %ge3A : i32
        %convert_element_type3A_171 = arith.extui %ge3A_170 : i1 to i32
        %cond3A_172 = arith.constant 0 : i32
        %cond3A_173 = arith.cmpi ne, %convert_element_type3A_171, %cond3A_172 : i32
        scf.if %cond3A_173 {
          %dma_wait3A_195 = arith.constant 0 : i32
          %dma_wait3A_196 = arith.constant 0 : i32
          %dma_wait3A_197 = tpu.memref_slice %arg9[%dma_wait3A_195, %dma_wait3A_196] : memref<10000x128xf32, #tpu.memory_space<vmem_shared>> -> memref<10000x128xf32, #tpu.memory_space<vmem_shared>>
          tpu.wait_indirect_dma semaphore(%arg32 : memref<!tpu.dma_semaphore, #tpu.memory_space<semaphore_mem>>) src(%arg23 : memref<80x128xf32, #tpu.memory_space<vmem>>) dst(%dma_wait3A_197 : memref<10000x128xf32, #tpu.memory_space<vmem_shared>>)
        } else {
        }
        %scan3A_174 = arith.constant 0 : i32
        %scan3A_175 = arith.constant 0 : i32
        %scan3A_176 = arith.constant 80 : i32
        %scan3A_177 = arith.addi %scan3A_175, %scan3A_176 : i32
        %scan3A_178 = arith.constant 1 : i32
        %scan3A_179 = scf.for %scan3A_195 = %scan3A_175 to %scan3A_177 step %scan3A_178 iter_args(%scan3A_196 = %scan3A_174) -> (i32)  : i32 {
          %get3A_197 = arith.index_cast %scan3A_195 : i32 to index
          %get3A_198 = arith.constant 0 : index
          %get3A_199 = tpu.vector_load %arg22[%get3A_197, %get3A_198] {strides = array<i32>} : memref<80x128xf32, #tpu.memory_space<vmem>>, vector<16xf32>,
          %get3A_200 = arith.index_cast %scan3A_195 : i32 to index
          %get3A_201 = arith.constant 0 : index
          %get3A_202 = tpu.vector_load %arg24[%get3A_200, %get3A_201] {strides = array<i32>} : memref<80x128xf32, #tpu.memory_space<vmem>>, vector<16xf32>,
          %mul3A_203 = arith.mulf %get3A_199, %get3A_202 : vector<16xf32>
          %swap3A = arith.index_cast %scan3A_195 : i32 to index
          %swap3A_204 = arith.constant 0 : index
          %swap3A_205 = tpu.vector_load %arg22[%swap3A, %swap3A_204] {strides = array<i32>} : memref<80x128xf32, #tpu.memory_space<vmem>>, vector<16xf32>,
          tpu.vector_store %arg22[%swap3A, %swap3A_204], %mul3A_203 {strides = array<i32>} : memref<80x128xf32, #tpu.memory_space<vmem>>, vector<16xf32>,
          %get3A_206 = arith.index_cast %scan3A_195 : i32 to index
          %get3A_207 = arith.constant 16 : index
          %get3A_208 = tpu.vector_load %arg22[%get3A_206, %get3A_207] {strides = array<i32>} : memref<80x128xf32, #tpu.memory_space<vmem>>, vector<16xf32>,
          %get3A_209 = arith.index_cast %scan3A_195 : i32 to index
          %get3A_210 = arith.constant 16 : index
          %get3A_211 = tpu.vector_load %arg24[%get3A_209, %get3A_210] {strides = array<i32>} : memref<80x128xf32, #tpu.memory_space<vmem>>, vector<16xf32>,
          %mul3A_212 = arith.mulf %get3A_208, %get3A_211 : vector<16xf32>
          %swap3A_213 = arith.index_cast %scan3A_195 : i32 to index
          %swap3A_214 = arith.constant 16 : index
          %swap3A_215 = tpu.vector_load %arg22[%swap3A_213, %swap3A_214] {strides = array<i32>} : memref<80x128xf32, #tpu.memory_space<vmem>>, vector<16xf32>,
          tpu.vector_store %arg22[%swap3A_213, %swap3A_214], %mul3A_212 {strides = array<i32>} : memref<80x128xf32, #tpu.memory_space<vmem>>, vector<16xf32>,
          %get3A_216 = arith.index_cast %scan3A_195 : i32 to index
          %get3A_217 = arith.constant 32 : index
          %get3A_218 = tpu.vector_load %arg22[%get3A_216, %get3A_217] {strides = array<i32>} : memref<80x128xf32, #tpu.memory_space<vmem>>, vector<16xf32>,
          %get3A_219 = arith.index_cast %scan3A_195 : i32 to index
          %get3A_220 = arith.constant 32 : index
          %get3A_221 = tpu.vector_load %arg24[%get3A_219, %get3A_220] {strides = array<i32>} : memref<80x128xf32, #tpu.memory_space<vmem>>, vector<16xf32>,
          %mul3A_222 = arith.mulf %get3A_218, %get3A_221 : vector<16xf32>
          %swap3A_223 = arith.index_cast %scan3A_195 : i32 to index
          %swap3A_224 = arith.constant 32 : index
          %swap3A_225 = tpu.vector_load %arg22[%swap3A_223, %swap3A_224] {strides = array<i32>} : memref<80x128xf32, #tpu.memory_space<vmem>>, vector<16xf32>,
          tpu.vector_store %arg22[%swap3A_223, %swap3A_224], %mul3A_222 {strides = array<i32>} : memref<80x128xf32, #tpu.memory_space<vmem>>, vector<16xf32>,
          %get3A_226 = arith.index_cast %scan3A_195 : i32 to index
          %get3A_227 = arith.constant 48 : index
          %get3A_228 = tpu.vector_load %arg22[%get3A_226, %get3A_227] {strides = array<i32>} : memref<80x128xf32, #tpu.memory_space<vmem>>, vector<16xf32>,
          %get3A_229 = arith.index_cast %scan3A_195 : i32 to index
          %get3A_230 = arith.constant 48 : index
          %get3A_231 = tpu.vector_load %arg24[%get3A_229, %get3A_230] {strides = array<i32>} : memref<80x128xf32, #tpu.memory_space<vmem>>, vector<16xf32>,
          %mul3A_232 = arith.mulf %get3A_228, %get3A_231 : vector<16xf32>
          %swap3A_233 = arith.index_cast %scan3A_195 : i32 to index
          %swap3A_234 = arith.constant 48 : index
          %swap3A_235 = tpu.vector_load %arg22[%swap3A_233, %swap3A_234] {strides = array<i32>} : memref<80x128xf32, #tpu.memory_space<vmem>>, vector<16xf32>,
          tpu.vector_store %arg22[%swap3A_233, %swap3A_234], %mul3A_232 {strides = array<i32>} : memref<80x128xf32, #tpu.memory_space<vmem>>, vector<16xf32>,
          %get3A_236 = arith.index_cast %scan3A_195 : i32 to index
          %get3A_237 = arith.constant 64 : index
          %get3A_238 = tpu.vector_load %arg22[%get3A_236, %get3A_237] {strides = array<i32>} : memref<80x128xf32, #tpu.memory_space<vmem>>, vector<16xf32>,
          %get3A_239 = arith.index_cast %scan3A_195 : i32 to index
          %get3A_240 = arith.constant 64 : index
          %get3A_241 = tpu.vector_load %arg24[%get3A_239, %get3A_240] {strides = array<i32>} : memref<80x128xf32, #tpu.memory_space<vmem>>, vector<16xf32>,
          %mul3A_242 = arith.mulf %get3A_238, %get3A_241 : vector<16xf32>
          %swap3A_243 = arith.index_cast %scan3A_195 : i32 to index
          %swap3A_244 = arith.constant 64 : index
          %swap3A_245 = tpu.vector_load %arg22[%swap3A_243, %swap3A_244] {strides = array<i32>} : memref<80x128xf32, #tpu.memory_space<vmem>>, vector<16xf32>,
          tpu.vector_store %arg22[%swap3A_243, %swap3A_244], %mul3A_242 {strides = array<i32>} : memref<80x128xf32, #tpu.memory_space<vmem>>, vector<16xf32>,
          %get3A_246 = arith.index_cast %scan3A_195 : i32 to index
          %get3A_247 = arith.constant 80 : index
          %get3A_248 = tpu.vector_load %arg22[%get3A_246, %get3A_247] {strides = array<i32>} : memref<80x128xf32, #tpu.memory_space<vmem>>, vector<16xf32>,
          %get3A_249 = arith.index_cast %scan3A_195 : i32 to index
          %get3A_250 = arith.constant 80 : index
          %get3A_251 = tpu.vector_load %arg24[%get3A_249, %get3A_250] {strides = array<i32>} : memref<80x128xf32, #tpu.memory_space<vmem>>, vector<16xf32>,
          %mul3A_252 = arith.mulf %get3A_248, %get3A_251 : vector<16xf32>
          %swap3A_253 = arith.index_cast %scan3A_195 : i32 to index
          %swap3A_254 = arith.constant 80 : index
          %swap3A_255 = tpu.vector_load %arg22[%swap3A_253, %swap3A_254] {strides = array<i32>} : memref<80x128xf32, #tpu.memory_space<vmem>>, vector<16xf32>,
          tpu.vector_store %arg22[%swap3A_253, %swap3A_254], %mul3A_252 {strides = array<i32>} : memref<80x128xf32, #tpu.memory_space<vmem>>, vector<16xf32>,
          %get3A_256 = arith.index_cast %scan3A_195 : i32 to index
          %get3A_257 = arith.constant 96 : index
          %get3A_258 = tpu.vector_load %arg22[%get3A_256, %get3A_257] {strides = array<i32>} : memref<80x128xf32, #tpu.memory_space<vmem>>, vector<16xf32>,
          %get3A_259 = arith.index_cast %scan3A_195 : i32 to index
          %get3A_260 = arith.constant 96 : index
          %get3A_261 = tpu.vector_load %arg24[%get3A_259, %get3A_260] {strides = array<i32>} : memref<80x128xf32, #tpu.memory_space<vmem>>, vector<16xf32>,
          %mul3A_262 = arith.mulf %get3A_258, %get3A_261 : vector<16xf32>
          %swap3A_263 = arith.index_cast %scan3A_195 : i32 to index
          %swap3A_264 = arith.constant 96 : index
          %swap3A_265 = tpu.vector_load %arg22[%swap3A_263, %swap3A_264] {strides = array<i32>} : memref<80x128xf32, #tpu.memory_space<vmem>>, vector<16xf32>,
          tpu.vector_store %arg22[%swap3A_263, %swap3A_264], %mul3A_262 {strides = array<i32>} : memref<80x128xf32, #tpu.memory_space<vmem>>, vector<16xf32>,
          %get3A_266 = arith.index_cast %scan3A_195 : i32 to index
          %get3A_267 = arith.constant 112 : index
          %get3A_268 = tpu.vector_load %arg22[%get3A_266, %get3A_267] {strides = array<i32>} : memref<80x128xf32, #tpu.memory_space<vmem>>, vector<16xf32>,
          %get3A_269 = arith.index_cast %scan3A_195 : i32 to index
          %get3A_270 = arith.constant 112 : index
          %get3A_271 = tpu.vector_load %arg24[%get3A_269, %get3A_270] {strides = array<i32>} : memref<80x128xf32, #tpu.memory_space<vmem>>, vector<16xf32>,
          %mul3A_272 = arith.mulf %get3A_268, %get3A_271 : vector<16xf32>
          %swap3A_273 = arith.index_cast %scan3A_195 : i32 to index
          %swap3A_274 = arith.constant 112 : index
          %swap3A_275 = tpu.vector_load %arg22[%swap3A_273, %swap3A_274] {strides = array<i32>} : memref<80x128xf32, #tpu.memory_space<vmem>>, vector<16xf32>,
          tpu.vector_store %arg22[%swap3A_273, %swap3A_274], %mul3A_272 {strides = array<i32>} : memref<80x128xf32, #tpu.memory_space<vmem>>, vector<16xf32>,
          %scan3A_276 = arith.constant 0 : i32
          scf.yield %scan3A_276 : i32
        }
        %scan3A_180 = arith.constant 80 : i32
        %dma_start3A = arith.constant 0 : i32
        %dma_start3A_181 = arith.constant 0 : i32
        %dma_start3A_182 = tpu.memref_slice %arg9[%dma_start3A, %dma_start3A_181] : memref<10000x128xf32, #tpu.memory_space<vmem_shared>> -> memref<10000x128xf32, #tpu.memory_space<vmem_shared>>
        tpu.enqueue_indirect_dma source(%arg22 : memref<80x128xf32, #tpu.memory_space<vmem>>) target(%dma_start3A_182 : memref<10000x128xf32, #tpu.memory_space<vmem_shared>>) offsets(%arg17 : memref<80xi32, #tpu.memory_space<vmem>>) semaphore(%arg31 : memref<!tpu.dma_semaphore, #tpu.memory_space<semaphore_mem>>) {add = true}
        %add3A_183 = arith.constant 1 : i32
        %add3A_184 = arith.addi %add3A_151, %add3A_183 : i32
        %lt3A_185 = arith.cmpi slt, %add3A_184, %select_n3A : i32
        %convert_element_type3A_186 = arith.extui %lt3A_185 : i1 to i32
        %cond3A_187 = arith.constant 0 : i32
        %cond3A_188 = arith.cmpi ne, %convert_element_type3A_186, %cond3A_187 : i32
        scf.if %cond3A_188 {
          %mul3A_195 = arith.constant 10112 : i32
          %mul3A_196 = arith.muli %add3A, %mul3A_195 : i32
          %dma_wait3A_197 = tpu.memref_slice %arg5[%mul3A_196] : memref<323584xf32, #tpu.memory_space<hbm>> -> memref<80xf32, #tpu.memory_space<hbm>>
          %dma_wait3A_198 = tpu.memref_slice %arg5[%mul3A_196] : memref<323584xf32, #tpu.memory_space<hbm>> -> memref<80xf32, #tpu.memory_space<hbm>>
          tpu.wait_dma2 semaphore(%arg28 : memref<!tpu.dma_semaphore, #tpu.memory_space<semaphore_mem>>) src(%dma_wait3A_198 : memref<80xf32, #tpu.memory_space<hbm>>) dst(%arg12 : memref<80xf32, #tpu.memory_space<vmem>>)
          %dma_wait3A_199 = tpu.memref_slice %arg3[%mul3A_196] : memref<323584xi32, #tpu.memory_space<hbm>> -> memref<80xi32, #tpu.memory_space<hbm>>
          %dma_wait3A_200 = tpu.memref_slice %arg3[%mul3A_196] : memref<323584xi32, #tpu.memory_space<hbm>> -> memref<80xi32, #tpu.memory_space<hbm>>
          tpu.wait_dma2 semaphore(%arg28 : memref<!tpu.dma_semaphore, #tpu.memory_space<semaphore_mem>>) src(%dma_wait3A_200 : memref<80xi32, #tpu.memory_space<hbm>>) dst(%arg15 : memref<80xi32, #tpu.memory_space<vmem>>)
          %dma_wait3A_201 = tpu.memref_slice %arg4[%mul3A_196] : memref<323584xi32, #tpu.memory_space<hbm>> -> memref<80xi32, #tpu.memory_space<hbm>>
          %dma_wait3A_202 = tpu.memref_slice %arg4[%mul3A_196] : memref<323584xi32, #tpu.memory_space<hbm>> -> memref<80xi32, #tpu.memory_space<hbm>>
          tpu.wait_dma2 semaphore(%arg28 : memref<!tpu.dma_semaphore, #tpu.memory_space<semaphore_mem>>) src(%dma_wait3A_202 : memref<80xi32, #tpu.memory_space<hbm>>) dst(%arg18 : memref<80xi32, #tpu.memory_space<vmem>>)
          %scan3A_203 = arith.constant 0 : i32
          %scan3A_204 = arith.constant 0 : i32
          %scan3A_205 = arith.constant 5 : i32
          %scan3A_206 = arith.addi %scan3A_204, %scan3A_205 : i32
          %scan3A_207 = arith.constant 1 : i32
          %scan3A_208 = scf.for %scan3A_216 = %scan3A_204 to %scan3A_206 step %scan3A_207 iter_args(%scan3A_217 = %scan3A_203) -> (i32)  : i32 {
            %mul3A_218 = arith.constant 16 : i32
            %mul3A_219 = arith.muli %scan3A_216, %mul3A_218 : i32
            %get3A_220 = arith.index_cast %mul3A_219 : i32 to index
            %get3A_221 = tpu.vector_load %arg12[%get3A_220] {strides = array<i32>} : memref<80xf32, #tpu.memory_space<vmem>>, vector<16xf32>,
            %convert_element_type3A_222 = arith.fptosi %get3A_221 : vector<16xf32> to vector<16xi32>
            %swap3A = arith.index_cast %mul3A_219 : i32 to index
            %swap3A_223 = tpu.vector_load %arg20[%swap3A] {strides = array<i32>} : memref<80xi32, #tpu.memory_space<vmem>>, vector<16xi32>,
            tpu.vector_store %arg20[%swap3A], %convert_element_type3A_222 {strides = array<i32>} : memref<80xi32, #tpu.memory_space<vmem>>, vector<16xi32>,
            %scan3A_224 = arith.constant 0 : i32
            scf.yield %scan3A_224 : i32
          }
          %scan3A_209 = arith.constant 5 : i32
          %dma_start3A_210 = arith.constant 0 : i32
          %dma_start3A_211 = arith.constant 0 : i32
          %dma_start3A_212 = tpu.memref_slice %arg2[%dma_start3A_210, %dma_start3A_211] : memref<10000x128xf32, #tpu.memory_space<hbm>> -> memref<10000x128xf32, #tpu.memory_space<hbm>>
          tpu.enqueue_indirect_dma source(%dma_start3A_212 : memref<10000x128xf32, #tpu.memory_space<hbm>>) target(%arg23 : memref<80x128xf32, #tpu.memory_space<vmem>>) offsets(%arg15 : memref<80xi32, #tpu.memory_space<vmem>>) semaphore(%arg30 : memref<!tpu.dma_semaphore, #tpu.memory_space<semaphore_mem>>)
          %dma_start3A_213 = arith.constant 0 : i32
          %dma_start3A_214 = arith.constant 0 : i32
          %dma_start3A_215 = tpu.memref_slice %arg7[%dma_start3A_213, %dma_start3A_214] : memref<8320x128xf32, #tpu.memory_space<hbm>> -> memref<8320x128xf32, #tpu.memory_space<hbm>>
          tpu.enqueue_indirect_dma source(%dma_start3A_215 : memref<8320x128xf32, #tpu.memory_space<hbm>>) target(%arg25 : memref<80x128xf32, #tpu.memory_space<vmem>>) offsets(%arg20 : memref<80xi32, #tpu.memory_space<vmem>>) semaphore(%arg30 : memref<!tpu.dma_semaphore, #tpu.memory_space<semaphore_mem>>)
        } else {
        }
        %add3A_189 = arith.constant 2 : i32
        %add3A_190 = arith.addi %add3A_151, %add3A_189 : i32
        %lt3A_191 = arith.cmpi slt, %add3A_190, %select_n3A : i32
        %convert_element_type3A_192 = arith.extui %lt3A_191 : i1 to i32
        %cond3A_193 = arith.constant 0 : i32
        %cond3A_194 = arith.cmpi ne, %convert_element_type3A_192, %cond3A_193 : i32
        scf.if %cond3A_194 {
          %add3A_195 = arith.constant 2 : i32
          %add3A_196 = arith.addi %add3A_151, %add3A_195 : i32
          %mul3A_197 = arith.constant 10112 : i32
          %mul3A_198 = arith.muli %add3A, %mul3A_197 : i32
          %mul3A_199 = arith.constant 80 : i32
          %mul3A_200 = arith.muli %add3A_196, %mul3A_199 : i32
          %add3A_201 = arith.addi %mul3A_198, %mul3A_200 : i32
          %dma_start3A_202 = tpu.memref_slice %arg5[%add3A_201] : memref<323584xf32, #tpu.memory_space<hbm>> -> memref<80xf32, #tpu.memory_space<hbm>>
          %dma_start3A_203 = tpu.memref_slice %arg5[%add3A_201] : memref<323584xf32, #tpu.memory_space<hbm>> -> memref<80xf32, #tpu.memory_space<hbm>>
          tpu.enqueue_dma source(%dma_start3A_203 : memref<80xf32, #tpu.memory_space<hbm>>) target(%arg10 : memref<80xf32, #tpu.memory_space<vmem>>) target_semaphore(%arg26 : memref<!tpu.dma_semaphore, #tpu.memory_space<semaphore_mem>>)
          %dma_start3A_204 = tpu.memref_slice %arg3[%add3A_201] : memref<323584xi32, #tpu.memory_space<hbm>> -> memref<80xi32, #tpu.memory_space<hbm>>
          %dma_start3A_205 = tpu.memref_slice %arg3[%add3A_201] : memref<323584xi32, #tpu.memory_space<hbm>> -> memref<80xi32, #tpu.memory_space<hbm>>
          tpu.enqueue_dma source(%dma_start3A_205 : memref<80xi32, #tpu.memory_space<hbm>>) target(%arg13 : memref<80xi32, #tpu.memory_space<vmem>>) target_semaphore(%arg26 : memref<!tpu.dma_semaphore, #tpu.memory_space<semaphore_mem>>)
          %dma_start3A_206 = tpu.memref_slice %arg4[%add3A_201] : memref<323584xi32, #tpu.memory_space<hbm>> -> memref<80xi32, #tpu.memory_space<hbm>>
          %dma_start3A_207 = tpu.memref_slice %arg4[%add3A_201] : memref<323584xi32, #tpu.memory_space<hbm>> -> memref<80xi32, #tpu.memory_space<hbm>>
          tpu.enqueue_dma source(%dma_start3A_207 : memref<80xi32, #tpu.memory_space<hbm>>) target(%arg16 : memref<80xi32, #tpu.memory_space<vmem>>) target_semaphore(%arg26 : memref<!tpu.dma_semaphore, #tpu.memory_space<semaphore_mem>>)
        } else {
        }
      } else {
      }
      %mul3A_156 = arith.constant 6 : i32
      %mul3A_157 = arith.muli %while3A_115, %mul3A_156 : i32
      %add3A_158 = arith.constant 5 : i32
      %add3A_159 = arith.addi %mul3A_157, %add3A_158 : i32
      %lt3A_160 = arith.cmpi slt, %add3A_159, %select_n3A : i32
      %convert_element_type3A_161 = arith.extui %lt3A_160 : i1 to i32
      %cond3A_162 = arith.constant 0 : i32
      %cond3A_163 = arith.cmpi ne, %convert_element_type3A_161, %cond3A_162 : i32
      scf.if %cond3A_163 {
        %dma_wait3A = arith.constant 0 : i32
        %dma_wait3A_165 = arith.constant 0 : i32
        %dma_wait3A_166 = tpu.memref_slice %arg2[%dma_wait3A, %dma_wait3A_165] : memref<10000x128xf32, #tpu.memory_space<hbm>> -> memref<10000x128xf32, #tpu.memory_space<hbm>>
        tpu.wait_indirect_dma semaphore(%arg30 : memref<!tpu.dma_semaphore, #tpu.memory_space<semaphore_mem>>) src(%dma_wait3A_166 : memref<10000x128xf32, #tpu.memory_space<hbm>>) dst(%arg23 : memref<80x128xf32, #tpu.memory_space<vmem>>)
        %dma_wait3A_167 = arith.constant 0 : i32
        %dma_wait3A_168 = arith.constant 0 : i32
        %dma_wait3A_169 = tpu.memref_slice %arg7[%dma_wait3A_167, %dma_wait3A_168] : memref<8320x128xf32, #tpu.memory_space<hbm>> -> memref<8320x128xf32, #tpu.memory_space<hbm>>
        tpu.wait_indirect_dma semaphore(%arg30 : memref<!tpu.dma_semaphore, #tpu.memory_space<semaphore_mem>>) src(%dma_wait3A_169 : memref<8320x128xf32, #tpu.memory_space<hbm>>) dst(%arg25 : memref<80x128xf32, #tpu.memory_space<vmem>>)
        %ge3A = arith.constant 1 : i32
        %ge3A_170 = arith.cmpi sge, %add3A_159, %ge3A : i32
        %convert_element_type3A_171 = arith.extui %ge3A_170 : i1 to i32
        %cond3A_172 = arith.constant 0 : i32
        %cond3A_173 = arith.cmpi ne, %convert_element_type3A_171, %cond3A_172 : i32
        scf.if %cond3A_173 {
          %dma_wait3A_195 = arith.constant 0 : i32
          %dma_wait3A_196 = arith.constant 0 : i32
          %dma_wait3A_197 = tpu.memref_slice %arg9[%dma_wait3A_195, %dma_wait3A_196] : memref<10000x128xf32, #tpu.memory_space<vmem_shared>> -> memref<10000x128xf32, #tpu.memory_space<vmem_shared>>
          tpu.wait_indirect_dma semaphore(%arg31 : memref<!tpu.dma_semaphore, #tpu.memory_space<semaphore_mem>>) src(%arg22 : memref<80x128xf32, #tpu.memory_space<vmem>>) dst(%dma_wait3A_197 : memref<10000x128xf32, #tpu.memory_space<vmem_shared>>)
        } else {
        }
        %scan3A_174 = arith.constant 0 : i32
        %scan3A_175 = arith.constant 0 : i32
        %scan3A_176 = arith.constant 80 : i32
        %scan3A_177 = arith.addi %scan3A_175, %scan3A_176 : i32
        %scan3A_178 = arith.constant 1 : i32
        %scan3A_179 = scf.for %scan3A_195 = %scan3A_175 to %scan3A_177 step %scan3A_178 iter_args(%scan3A_196 = %scan3A_174) -> (i32)  : i32 {
          %get3A_197 = arith.index_cast %scan3A_195 : i32 to index
          %get3A_198 = arith.constant 0 : index
          %get3A_199 = tpu.vector_load %arg23[%get3A_197, %get3A_198] {strides = array<i32>} : memref<80x128xf32, #tpu.memory_space<vmem>>, vector<16xf32>,
          %get3A_200 = arith.index_cast %scan3A_195 : i32 to index
          %get3A_201 = arith.constant 0 : index
          %get3A_202 = tpu.vector_load %arg25[%get3A_200, %get3A_201] {strides = array<i32>} : memref<80x128xf32, #tpu.memory_space<vmem>>, vector<16xf32>,
          %mul3A_203 = arith.mulf %get3A_199, %get3A_202 : vector<16xf32>
          %swap3A = arith.index_cast %scan3A_195 : i32 to index
          %swap3A_204 = arith.constant 0 : index
          %swap3A_205 = tpu.vector_load %arg23[%swap3A, %swap3A_204] {strides = array<i32>} : memref<80x128xf32, #tpu.memory_space<vmem>>, vector<16xf32>,
          tpu.vector_store %arg23[%swap3A, %swap3A_204], %mul3A_203 {strides = array<i32>} : memref<80x128xf32, #tpu.memory_space<vmem>>, vector<16xf32>,
          %get3A_206 = arith.index_cast %scan3A_195 : i32 to index
          %get3A_207 = arith.constant 16 : index
          %get3A_208 = tpu.vector_load %arg23[%get3A_206, %get3A_207] {strides = array<i32>} : memref<80x128xf32, #tpu.memory_space<vmem>>, vector<16xf32>,
          %get3A_209 = arith.index_cast %scan3A_195 : i32 to index
          %get3A_210 = arith.constant 16 : index
          %get3A_211 = tpu.vector_load %arg25[%get3A_209, %get3A_210] {strides = array<i32>} : memref<80x128xf32, #tpu.memory_space<vmem>>, vector<16xf32>,
          %mul3A_212 = arith.mulf %get3A_208, %get3A_211 : vector<16xf32>
          %swap3A_213 = arith.index_cast %scan3A_195 : i32 to index
          %swap3A_214 = arith.constant 16 : index
          %swap3A_215 = tpu.vector_load %arg23[%swap3A_213, %swap3A_214] {strides = array<i32>} : memref<80x128xf32, #tpu.memory_space<vmem>>, vector<16xf32>,
          tpu.vector_store %arg23[%swap3A_213, %swap3A_214], %mul3A_212 {strides = array<i32>} : memref<80x128xf32, #tpu.memory_space<vmem>>, vector<16xf32>,
          %get3A_216 = arith.index_cast %scan3A_195 : i32 to index
          %get3A_217 = arith.constant 32 : index
          %get3A_218 = tpu.vector_load %arg23[%get3A_216, %get3A_217] {strides = array<i32>} : memref<80x128xf32, #tpu.memory_space<vmem>>, vector<16xf32>,
          %get3A_219 = arith.index_cast %scan3A_195 : i32 to index
          %get3A_220 = arith.constant 32 : index
          %get3A_221 = tpu.vector_load %arg25[%get3A_219, %get3A_220] {strides = array<i32>} : memref<80x128xf32, #tpu.memory_space<vmem>>, vector<16xf32>,
          %mul3A_222 = arith.mulf %get3A_218, %get3A_221 : vector<16xf32>
          %swap3A_223 = arith.index_cast %scan3A_195 : i32 to index
          %swap3A_224 = arith.constant 32 : index
          %swap3A_225 = tpu.vector_load %arg23[%swap3A_223, %swap3A_224] {strides = array<i32>} : memref<80x128xf32, #tpu.memory_space<vmem>>, vector<16xf32>,
          tpu.vector_store %arg23[%swap3A_223, %swap3A_224], %mul3A_222 {strides = array<i32>} : memref<80x128xf32, #tpu.memory_space<vmem>>, vector<16xf32>,
          %get3A_226 = arith.index_cast %scan3A_195 : i32 to index
          %get3A_227 = arith.constant 48 : index
          %get3A_228 = tpu.vector_load %arg23[%get3A_226, %get3A_227] {strides = array<i32>} : memref<80x128xf32, #tpu.memory_space<vmem>>, vector<16xf32>,
          %get3A_229 = arith.index_cast %scan3A_195 : i32 to index
          %get3A_230 = arith.constant 48 : index
          %get3A_231 = tpu.vector_load %arg25[%get3A_229, %get3A_230] {strides = array<i32>} : memref<80x128xf32, #tpu.memory_space<vmem>>, vector<16xf32>,
          %mul3A_232 = arith.mulf %get3A_228, %get3A_231 : vector<16xf32>
          %swap3A_233 = arith.index_cast %scan3A_195 : i32 to index
          %swap3A_234 = arith.constant 48 : index
          %swap3A_235 = tpu.vector_load %arg23[%swap3A_233, %swap3A_234] {strides = array<i32>} : memref<80x128xf32, #tpu.memory_space<vmem>>, vector<16xf32>,
          tpu.vector_store %arg23[%swap3A_233, %swap3A_234], %mul3A_232 {strides = array<i32>} : memref<80x128xf32, #tpu.memory_space<vmem>>, vector<16xf32>,
          %get3A_236 = arith.index_cast %scan3A_195 : i32 to index
          %get3A_237 = arith.constant 64 : index
          %get3A_238 = tpu.vector_load %arg23[%get3A_236, %get3A_237] {strides = array<i32>} : memref<80x128xf32, #tpu.memory_space<vmem>>, vector<16xf32>,
          %get3A_239 = arith.index_cast %scan3A_195 : i32 to index
          %get3A_240 = arith.constant 64 : index
          %get3A_241 = tpu.vector_load %arg25[%get3A_239, %get3A_240] {strides = array<i32>} : memref<80x128xf32, #tpu.memory_space<vmem>>, vector<16xf32>,
          %mul3A_242 = arith.mulf %get3A_238, %get3A_241 : vector<16xf32>
          %swap3A_243 = arith.index_cast %scan3A_195 : i32 to index
          %swap3A_244 = arith.constant 64 : index
          %swap3A_245 = tpu.vector_load %arg23[%swap3A_243, %swap3A_244] {strides = array<i32>} : memref<80x128xf32, #tpu.memory_space<vmem>>, vector<16xf32>,
          tpu.vector_store %arg23[%swap3A_243, %swap3A_244], %mul3A_242 {strides = array<i32>} : memref<80x128xf32, #tpu.memory_space<vmem>>, vector<16xf32>,
          %get3A_246 = arith.index_cast %scan3A_195 : i32 to index
          %get3A_247 = arith.constant 80 : index
          %get3A_248 = tpu.vector_load %arg23[%get3A_246, %get3A_247] {strides = array<i32>} : memref<80x128xf32, #tpu.memory_space<vmem>>, vector<16xf32>,
          %get3A_249 = arith.index_cast %scan3A_195 : i32 to index
          %get3A_250 = arith.constant 80 : index
          %get3A_251 = tpu.vector_load %arg25[%get3A_249, %get3A_250] {strides = array<i32>} : memref<80x128xf32, #tpu.memory_space<vmem>>, vector<16xf32>,
          %mul3A_252 = arith.mulf %get3A_248, %get3A_251 : vector<16xf32>
          %swap3A_253 = arith.index_cast %scan3A_195 : i32 to index
          %swap3A_254 = arith.constant 80 : index
          %swap3A_255 = tpu.vector_load %arg23[%swap3A_253, %swap3A_254] {strides = array<i32>} : memref<80x128xf32, #tpu.memory_space<vmem>>, vector<16xf32>,
          tpu.vector_store %arg23[%swap3A_253, %swap3A_254], %mul3A_252 {strides = array<i32>} : memref<80x128xf32, #tpu.memory_space<vmem>>, vector<16xf32>,
          %get3A_256 = arith.index_cast %scan3A_195 : i32 to index
          %get3A_257 = arith.constant 96 : index
          %get3A_258 = tpu.vector_load %arg23[%get3A_256, %get3A_257] {strides = array<i32>} : memref<80x128xf32, #tpu.memory_space<vmem>>, vector<16xf32>,
          %get3A_259 = arith.index_cast %scan3A_195 : i32 to index
          %get3A_260 = arith.constant 96 : index
          %get3A_261 = tpu.vector_load %arg25[%get3A_259, %get3A_260] {strides = array<i32>} : memref<80x128xf32, #tpu.memory_space<vmem>>, vector<16xf32>,
          %mul3A_262 = arith.mulf %get3A_258, %get3A_261 : vector<16xf32>
          %swap3A_263 = arith.index_cast %scan3A_195 : i32 to index
          %swap3A_264 = arith.constant 96 : index
          %swap3A_265 = tpu.vector_load %arg23[%swap3A_263, %swap3A_264] {strides = array<i32>} : memref<80x128xf32, #tpu.memory_space<vmem>>, vector<16xf32>,
          tpu.vector_store %arg23[%swap3A_263, %swap3A_264], %mul3A_262 {strides = array<i32>} : memref<80x128xf32, #tpu.memory_space<vmem>>, vector<16xf32>,
          %get3A_266 = arith.index_cast %scan3A_195 : i32 to index
          %get3A_267 = arith.constant 112 : index
          %get3A_268 = tpu.vector_load %arg23[%get3A_266, %get3A_267] {strides = array<i32>} : memref<80x128xf32, #tpu.memory_space<vmem>>, vector<16xf32>,
          %get3A_269 = arith.index_cast %scan3A_195 : i32 to index
          %get3A_270 = arith.constant 112 : index
          %get3A_271 = tpu.vector_load %arg25[%get3A_269, %get3A_270] {strides = array<i32>} : memref<80x128xf32, #tpu.memory_space<vmem>>, vector<16xf32>,
          %mul3A_272 = arith.mulf %get3A_268, %get3A_271 : vector<16xf32>
          %swap3A_273 = arith.index_cast %scan3A_195 : i32 to index
          %swap3A_274 = arith.constant 112 : index
          %swap3A_275 = tpu.vector_load %arg23[%swap3A_273, %swap3A_274] {strides = array<i32>} : memref<80x128xf32, #tpu.memory_space<vmem>>, vector<16xf32>,
          tpu.vector_store %arg23[%swap3A_273, %swap3A_274], %mul3A_272 {strides = array<i32>} : memref<80x128xf32, #tpu.memory_space<vmem>>, vector<16xf32>,
          %scan3A_276 = arith.constant 0 : i32
          scf.yield %scan3A_276 : i32
        }
        %scan3A_180 = arith.constant 80 : i32
        %dma_start3A = arith.constant 0 : i32
        %dma_start3A_181 = arith.constant 0 : i32
        %dma_start3A_182 = tpu.memref_slice %arg9[%dma_start3A, %dma_start3A_181] : memref<10000x128xf32, #tpu.memory_space<vmem_shared>> -> memref<10000x128xf32, #tpu.memory_space<vmem_shared>>
        tpu.enqueue_indirect_dma source(%arg23 : memref<80x128xf32, #tpu.memory_space<vmem>>) target(%dma_start3A_182 : memref<10000x128xf32, #tpu.memory_space<vmem_shared>>) offsets(%arg18 : memref<80xi32, #tpu.memory_space<vmem>>) semaphore(%arg32 : memref<!tpu.dma_semaphore, #tpu.memory_space<semaphore_mem>>) {add = true}
        %add3A_183 = arith.constant 1 : i32
        %add3A_184 = arith.addi %add3A_159, %add3A_183 : i32
        %lt3A_185 = arith.cmpi slt, %add3A_184, %select_n3A : i32
        %convert_element_type3A_186 = arith.extui %lt3A_185 : i1 to i32
        %cond3A_187 = arith.constant 0 : i32
        %cond3A_188 = arith.cmpi ne, %convert_element_type3A_186, %cond3A_187 : i32
        scf.if %cond3A_188 {
          %mul3A_195 = arith.constant 10112 : i32
          %mul3A_196 = arith.muli %add3A, %mul3A_195 : i32
          %dma_wait3A_197 = tpu.memref_slice %arg5[%mul3A_196] : memref<323584xf32, #tpu.memory_space<hbm>> -> memref<80xf32, #tpu.memory_space<hbm>>
          %dma_wait3A_198 = tpu.memref_slice %arg5[%mul3A_196] : memref<323584xf32, #tpu.memory_space<hbm>> -> memref<80xf32, #tpu.memory_space<hbm>>
          tpu.wait_dma2 semaphore(%arg26 : memref<!tpu.dma_semaphore, #tpu.memory_space<semaphore_mem>>) src(%dma_wait3A_198 : memref<80xf32, #tpu.memory_space<hbm>>) dst(%arg10 : memref<80xf32, #tpu.memory_space<vmem>>)
          %dma_wait3A_199 = tpu.memref_slice %arg3[%mul3A_196] : memref<323584xi32, #tpu.memory_space<hbm>> -> memref<80xi32, #tpu.memory_space<hbm>>
          %dma_wait3A_200 = tpu.memref_slice %arg3[%mul3A_196] : memref<323584xi32, #tpu.memory_space<hbm>> -> memref<80xi32, #tpu.memory_space<hbm>>
          tpu.wait_dma2 semaphore(%arg26 : memref<!tpu.dma_semaphore, #tpu.memory_space<semaphore_mem>>) src(%dma_wait3A_200 : memref<80xi32, #tpu.memory_space<hbm>>) dst(%arg13 : memref<80xi32, #tpu.memory_space<vmem>>)
          %dma_wait3A_201 = tpu.memref_slice %arg4[%mul3A_196] : memref<323584xi32, #tpu.memory_space<hbm>> -> memref<80xi32, #tpu.memory_space<hbm>>
          %dma_wait3A_202 = tpu.memref_slice %arg4[%mul3A_196] : memref<323584xi32, #tpu.memory_space<hbm>> -> memref<80xi32, #tpu.memory_space<hbm>>
          tpu.wait_dma2 semaphore(%arg26 : memref<!tpu.dma_semaphore, #tpu.memory_space<semaphore_mem>>) src(%dma_wait3A_202 : memref<80xi32, #tpu.memory_space<hbm>>) dst(%arg16 : memref<80xi32, #tpu.memory_space<vmem>>)
          %scan3A_203 = arith.constant 0 : i32
          %scan3A_204 = arith.constant 0 : i32
          %scan3A_205 = arith.constant 5 : i32
          %scan3A_206 = arith.addi %scan3A_204, %scan3A_205 : i32
          %scan3A_207 = arith.constant 1 : i32
          %scan3A_208 = scf.for %scan3A_216 = %scan3A_204 to %scan3A_206 step %scan3A_207 iter_args(%scan3A_217 = %scan3A_203) -> (i32)  : i32 {
            %mul3A_218 = arith.constant 16 : i32
            %mul3A_219 = arith.muli %scan3A_216, %mul3A_218 : i32
            %get3A_220 = arith.index_cast %mul3A_219 : i32 to index
            %get3A_221 = tpu.vector_load %arg10[%get3A_220] {strides = array<i32>} : memref<80xf32, #tpu.memory_space<vmem>>, vector<16xf32>,
            %convert_element_type3A_222 = arith.fptosi %get3A_221 : vector<16xf32> to vector<16xi32>
            %swap3A = arith.index_cast %mul3A_219 : i32 to index
            %swap3A_223 = tpu.vector_load %arg19[%swap3A] {strides = array<i32>} : memref<80xi32, #tpu.memory_space<vmem>>, vector<16xi32>,
            tpu.vector_store %arg19[%swap3A], %convert_element_type3A_222 {strides = array<i32>} : memref<80xi32, #tpu.memory_space<vmem>>, vector<16xi32>,
            %scan3A_224 = arith.constant 0 : i32
            scf.yield %scan3A_224 : i32
          }
          %scan3A_209 = arith.constant 5 : i32
          %dma_start3A_210 = arith.constant 0 : i32
          %dma_start3A_211 = arith.constant 0 : i32
          %dma_start3A_212 = tpu.memref_slice %arg2[%dma_start3A_210, %dma_start3A_211] : memref<10000x128xf32, #tpu.memory_space<hbm>> -> memref<10000x128xf32, #tpu.memory_space<hbm>>
          tpu.enqueue_indirect_dma source(%dma_start3A_212 : memref<10000x128xf32, #tpu.memory_space<hbm>>) target(%arg22 : memref<80x128xf32, #tpu.memory_space<vmem>>) offsets(%arg13 : memref<80xi32, #tpu.memory_space<vmem>>) semaphore(%arg29 : memref<!tpu.dma_semaphore, #tpu.memory_space<semaphore_mem>>)
          %dma_start3A_213 = arith.constant 0 : i32
          %dma_start3A_214 = arith.constant 0 : i32
          %dma_start3A_215 = tpu.memref_slice %arg7[%dma_start3A_213, %dma_start3A_214] : memref<8320x128xf32, #tpu.memory_space<hbm>> -> memref<8320x128xf32, #tpu.memory_space<hbm>>
          tpu.enqueue_indirect_dma source(%dma_start3A_215 : memref<8320x128xf32, #tpu.memory_space<hbm>>) target(%arg24 : memref<80x128xf32, #tpu.memory_space<vmem>>) offsets(%arg19 : memref<80xi32, #tpu.memory_space<vmem>>) semaphore(%arg29 : memref<!tpu.dma_semaphore, #tpu.memory_space<semaphore_mem>>)
        } else {
        }
        %add3A_189 = arith.constant 2 : i32
        %add3A_190 = arith.addi %add3A_159, %add3A_189 : i32
        %lt3A_191 = arith.cmpi slt, %add3A_190, %select_n3A : i32
        %convert_element_type3A_192 = arith.extui %lt3A_191 : i1 to i32
        %cond3A_193 = arith.constant 0 : i32
        %cond3A_194 = arith.cmpi ne, %convert_element_type3A_192, %cond3A_193 : i32
        scf.if %cond3A_194 {
          %add3A_195 = arith.constant 2 : i32
          %add3A_196 = arith.addi %add3A_159, %add3A_195 : i32
          %mul3A_197 = arith.constant 10112 : i32
          %mul3A_198 = arith.muli %add3A, %mul3A_197 : i32
          %mul3A_199 = arith.constant 80 : i32
          %mul3A_200 = arith.muli %add3A_196, %mul3A_199 : i32
          %add3A_201 = arith.addi %mul3A_198, %mul3A_200 : i32
          %dma_start3A_202 = tpu.memref_slice %arg5[%add3A_201] : memref<323584xf32, #tpu.memory_space<hbm>> -> memref<80xf32, #tpu.memory_space<hbm>>
          %dma_start3A_203 = tpu.memref_slice %arg5[%add3A_201] : memref<323584xf32, #tpu.memory_space<hbm>> -> memref<80xf32, #tpu.memory_space<hbm>>
          tpu.enqueue_dma source(%dma_start3A_203 : memref<80xf32, #tpu.memory_space<hbm>>) target(%arg11 : memref<80xf32, #tpu.memory_space<vmem>>) target_semaphore(%arg27 : memref<!tpu.dma_semaphore, #tpu.memory_space<semaphore_mem>>)
          %dma_start3A_204 = tpu.memref_slice %arg3[%add3A_201] : memref<323584xi32, #tpu.memory_space<hbm>> -> memref<80xi32, #tpu.memory_space<hbm>>
          %dma_start3A_205 = tpu.memref_slice %arg3[%add3A_201] : memref<323584xi32, #tpu.memory_space<hbm>> -> memref<80xi32, #tpu.memory_space<hbm>>
          tpu.enqueue_dma source(%dma_start3A_205 : memref<80xi32, #tpu.memory_space<hbm>>) target(%arg14 : memref<80xi32, #tpu.memory_space<vmem>>) target_semaphore(%arg27 : memref<!tpu.dma_semaphore, #tpu.memory_space<semaphore_mem>>)
          %dma_start3A_206 = tpu.memref_slice %arg4[%add3A_201] : memref<323584xi32, #tpu.memory_space<hbm>> -> memref<80xi32, #tpu.memory_space<hbm>>
          %dma_start3A_207 = tpu.memref_slice %arg4[%add3A_201] : memref<323584xi32, #tpu.memory_space<hbm>> -> memref<80xi32, #tpu.memory_space<hbm>>
          tpu.enqueue_dma source(%dma_start3A_207 : memref<80xi32, #tpu.memory_space<hbm>>) target(%arg17 : memref<80xi32, #tpu.memory_space<vmem>>) target_semaphore(%arg27 : memref<!tpu.dma_semaphore, #tpu.memory_space<semaphore_mem>>)
        } else {
        }
      } else {
      }
      %while3A_164 = arith.constant 0 : i32
      scf.yield %while3A_164 : i32
    }
    %while3A_82 = arith.constant 1 : i32
    %while3A_83 = scf.for %while3A_115 = %while3A_79 to %while3A_75 step %while3A_82 iter_args(%while3A_116 = %while3A_81) -> (i32)  : i32 {
      %mul3A_117 = arith.constant 6 : i32
      %mul3A_118 = arith.muli %while3A_115, %mul3A_117 : i32
      %add3A_119 = arith.constant 0 : i32
      %add3A_120 = arith.addi %mul3A_118, %add3A_119 : i32
      %lt3A = arith.cmpi slt, %add3A_120, %select_n3A : i32
      %convert_element_type3A_121 = arith.extui %lt3A : i1 to i32
      %cond3A_122 = arith.constant 0 : i32
      %cond3A_123 = arith.cmpi ne, %convert_element_type3A_121, %cond3A_122 : i32
      scf.if %cond3A_123 {
        %dma_wait3A = arith.constant 0 : i32
        %dma_wait3A_165 = arith.constant 0 : i32
        %dma_wait3A_166 = tpu.memref_slice %arg2[%dma_wait3A, %dma_wait3A_165] : memref<10000x128xf32, #tpu.memory_space<hbm>> -> memref<10000x128xf32, #tpu.memory_space<hbm>>
        tpu.wait_indirect_dma semaphore(%arg29 : memref<!tpu.dma_semaphore, #tpu.memory_space<semaphore_mem>>) src(%dma_wait3A_166 : memref<10000x128xf32, #tpu.memory_space<hbm>>) dst(%arg22 : memref<80x128xf32, #tpu.memory_space<vmem>>)
        %dma_wait3A_167 = arith.constant 0 : i32
        %dma_wait3A_168 = arith.constant 0 : i32
        %dma_wait3A_169 = tpu.memref_slice %arg7[%dma_wait3A_167, %dma_wait3A_168] : memref<8320x128xf32, #tpu.memory_space<hbm>> -> memref<8320x128xf32, #tpu.memory_space<hbm>>
        tpu.wait_indirect_dma semaphore(%arg29 : memref<!tpu.dma_semaphore, #tpu.memory_space<semaphore_mem>>) src(%dma_wait3A_169 : memref<8320x128xf32, #tpu.memory_space<hbm>>) dst(%arg24 : memref<80x128xf32, #tpu.memory_space<vmem>>)
        %ge3A = arith.constant 1 : i32
        %ge3A_170 = arith.cmpi sge, %add3A_120, %ge3A : i32
        %convert_element_type3A_171 = arith.extui %ge3A_170 : i1 to i32
        %cond3A_172 = arith.constant 0 : i32
        %cond3A_173 = arith.cmpi ne, %convert_element_type3A_171, %cond3A_172 : i32
        scf.if %cond3A_173 {
          %dma_wait3A_195 = arith.constant 0 : i32
          %dma_wait3A_196 = arith.constant 0 : i32
          %dma_wait3A_197 = tpu.memref_slice %arg9[%dma_wait3A_195, %dma_wait3A_196] : memref<10000x128xf32, #tpu.memory_space<vmem_shared>> -> memref<10000x128xf32, #tpu.memory_space<vmem_shared>>
          tpu.wait_indirect_dma semaphore(%arg32 : memref<!tpu.dma_semaphore, #tpu.memory_space<semaphore_mem>>) src(%arg23 : memref<80x128xf32, #tpu.memory_space<vmem>>) dst(%dma_wait3A_197 : memref<10000x128xf32, #tpu.memory_space<vmem_shared>>)
        } else {
        }
        %scan3A_174 = arith.constant 0 : i32
        %scan3A_175 = arith.constant 0 : i32
        %scan3A_176 = arith.constant 80 : i32
        %scan3A_177 = arith.addi %scan3A_175, %scan3A_176 : i32
        %scan3A_178 = arith.constant 1 : i32
        %scan3A_179 = scf.for %scan3A_195 = %scan3A_175 to %scan3A_177 step %scan3A_178 iter_args(%scan3A_196 = %scan3A_174) -> (i32)  : i32 {
          %get3A_197 = arith.index_cast %scan3A_195 : i32 to index
          %get3A_198 = arith.constant 0 : index
          %get3A_199 = tpu.vector_load %arg22[%get3A_197, %get3A_198] {strides = array<i32>} : memref<80x128xf32, #tpu.memory_space<vmem>>, vector<16xf32>,
          %get3A_200 = arith.index_cast %scan3A_195 : i32 to index
          %get3A_201 = arith.constant 0 : index
          %get3A_202 = tpu.vector_load %arg24[%get3A_200, %get3A_201] {strides = array<i32>} : memref<80x128xf32, #tpu.memory_space<vmem>>, vector<16xf32>,
          %mul3A_203 = arith.mulf %get3A_199, %get3A_202 : vector<16xf32>
          %swap3A = arith.index_cast %scan3A_195 : i32 to index
          %swap3A_204 = arith.constant 0 : index
          %swap3A_205 = tpu.vector_load %arg22[%swap3A, %swap3A_204] {strides = array<i32>} : memref<80x128xf32, #tpu.memory_space<vmem>>, vector<16xf32>,
          tpu.vector_store %arg22[%swap3A, %swap3A_204], %mul3A_203 {strides = array<i32>} : memref<80x128xf32, #tpu.memory_space<vmem>>, vector<16xf32>,
          %get3A_206 = arith.index_cast %scan3A_195 : i32 to index
          %get3A_207 = arith.constant 16 : index
          %get3A_208 = tpu.vector_load %arg22[%get3A_206, %get3A_207] {strides = array<i32>} : memref<80x128xf32, #tpu.memory_space<vmem>>, vector<16xf32>,
          %get3A_209 = arith.index_cast %scan3A_195 : i32 to index
          %get3A_210 = arith.constant 16 : index
          %get3A_211 = tpu.vector_load %arg24[%get3A_209, %get3A_210] {strides = array<i32>} : memref<80x128xf32, #tpu.memory_space<vmem>>, vector<16xf32>,
          %mul3A_212 = arith.mulf %get3A_208, %get3A_211 : vector<16xf32>
          %swap3A_213 = arith.index_cast %scan3A_195 : i32 to index
          %swap3A_214 = arith.constant 16 : index
          %swap3A_215 = tpu.vector_load %arg22[%swap3A_213, %swap3A_214] {strides = array<i32>} : memref<80x128xf32, #tpu.memory_space<vmem>>, vector<16xf32>,
          tpu.vector_store %arg22[%swap3A_213, %swap3A_214], %mul3A_212 {strides = array<i32>} : memref<80x128xf32, #tpu.memory_space<vmem>>, vector<16xf32>,
          %get3A_216 = arith.index_cast %scan3A_195 : i32 to index
          %get3A_217 = arith.constant 32 : index
          %get3A_218 = tpu.vector_load %arg22[%get3A_216, %get3A_217] {strides = array<i32>} : memref<80x128xf32, #tpu.memory_space<vmem>>, vector<16xf32>,
          %get3A_219 = arith.index_cast %scan3A_195 : i32 to index
          %get3A_220 = arith.constant 32 : index
          %get3A_221 = tpu.vector_load %arg24[%get3A_219, %get3A_220] {strides = array<i32>} : memref<80x128xf32, #tpu.memory_space<vmem>>, vector<16xf32>,
          %mul3A_222 = arith.mulf %get3A_218, %get3A_221 : vector<16xf32>
          %swap3A_223 = arith.index_cast %scan3A_195 : i32 to index
          %swap3A_224 = arith.constant 32 : index
          %swap3A_225 = tpu.vector_load %arg22[%swap3A_223, %swap3A_224] {strides = array<i32>} : memref<80x128xf32, #tpu.memory_space<vmem>>, vector<16xf32>,
          tpu.vector_store %arg22[%swap3A_223, %swap3A_224], %mul3A_222 {strides = array<i32>} : memref<80x128xf32, #tpu.memory_space<vmem>>, vector<16xf32>,
          %get3A_226 = arith.index_cast %scan3A_195 : i32 to index
          %get3A_227 = arith.constant 48 : index
          %get3A_228 = tpu.vector_load %arg22[%get3A_226, %get3A_227] {strides = array<i32>} : memref<80x128xf32, #tpu.memory_space<vmem>>, vector<16xf32>,
          %get3A_229 = arith.index_cast %scan3A_195 : i32 to index
          %get3A_230 = arith.constant 48 : index
          %get3A_231 = tpu.vector_load %arg24[%get3A_229, %get3A_230] {strides = array<i32>} : memref<80x128xf32, #tpu.memory_space<vmem>>, vector<16xf32>,
          %mul3A_232 = arith.mulf %get3A_228, %get3A_231 : vector<16xf32>
          %swap3A_233 = arith.index_cast %scan3A_195 : i32 to index
          %swap3A_234 = arith.constant 48 : index
          %swap3A_235 = tpu.vector_load %arg22[%swap3A_233, %swap3A_234] {strides = array<i32>} : memref<80x128xf32, #tpu.memory_space<vmem>>, vector<16xf32>,
          tpu.vector_store %arg22[%swap3A_233, %swap3A_234], %mul3A_232 {strides = array<i32>} : memref<80x128xf32, #tpu.memory_space<vmem>>, vector<16xf32>,
          %get3A_236 = arith.index_cast %scan3A_195 : i32 to index
          %get3A_237 = arith.constant 64 : index
          %get3A_238 = tpu.vector_load %arg22[%get3A_236, %get3A_237] {strides = array<i32>} : memref<80x128xf32, #tpu.memory_space<vmem>>, vector<16xf32>,
          %get3A_239 = arith.index_cast %scan3A_195 : i32 to index
          %get3A_240 = arith.constant 64 : index
          %get3A_241 = tpu.vector_load %arg24[%get3A_239, %get3A_240] {strides = array<i32>} : memref<80x128xf32, #tpu.memory_space<vmem>>, vector<16xf32>,
          %mul3A_242 = arith.mulf %get3A_238, %get3A_241 : vector<16xf32>
          %swap3A_243 = arith.index_cast %scan3A_195 : i32 to index
          %swap3A_244 = arith.constant 64 : index
          %swap3A_245 = tpu.vector_load %arg22[%swap3A_243, %swap3A_244] {strides = array<i32>} : memref<80x128xf32, #tpu.memory_space<vmem>>, vector<16xf32>,
          tpu.vector_store %arg22[%swap3A_243, %swap3A_244], %mul3A_242 {strides = array<i32>} : memref<80x128xf32, #tpu.memory_space<vmem>>, vector<16xf32>,
          %get3A_246 = arith.index_cast %scan3A_195 : i32 to index
          %get3A_247 = arith.constant 80 : index
          %get3A_248 = tpu.vector_load %arg22[%get3A_246, %get3A_247] {strides = array<i32>} : memref<80x128xf32, #tpu.memory_space<vmem>>, vector<16xf32>,
          %get3A_249 = arith.index_cast %scan3A_195 : i32 to index
          %get3A_250 = arith.constant 80 : index
          %get3A_251 = tpu.vector_load %arg24[%get3A_249, %get3A_250] {strides = array<i32>} : memref<80x128xf32, #tpu.memory_space<vmem>>, vector<16xf32>,
          %mul3A_252 = arith.mulf %get3A_248, %get3A_251 : vector<16xf32>
          %swap3A_253 = arith.index_cast %scan3A_195 : i32 to index
          %swap3A_254 = arith.constant 80 : index
          %swap3A_255 = tpu.vector_load %arg22[%swap3A_253, %swap3A_254] {strides = array<i32>} : memref<80x128xf32, #tpu.memory_space<vmem>>, vector<16xf32>,
          tpu.vector_store %arg22[%swap3A_253, %swap3A_254], %mul3A_252 {strides = array<i32>} : memref<80x128xf32, #tpu.memory_space<vmem>>, vector<16xf32>,
          %get3A_256 = arith.index_cast %scan3A_195 : i32 to index
          %get3A_257 = arith.constant 96 : index
          %get3A_258 = tpu.vector_load %arg22[%get3A_256, %get3A_257] {strides = array<i32>} : memref<80x128xf32, #tpu.memory_space<vmem>>, vector<16xf32>,
          %get3A_259 = arith.index_cast %scan3A_195 : i32 to index
          %get3A_260 = arith.constant 96 : index
          %get3A_261 = tpu.vector_load %arg24[%get3A_259, %get3A_260] {strides = array<i32>} : memref<80x128xf32, #tpu.memory_space<vmem>>, vector<16xf32>,
          %mul3A_262 = arith.mulf %get3A_258, %get3A_261 : vector<16xf32>
          %swap3A_263 = arith.index_cast %scan3A_195 : i32 to index
          %swap3A_264 = arith.constant 96 : index
          %swap3A_265 = tpu.vector_load %arg22[%swap3A_263, %swap3A_264] {strides = array<i32>} : memref<80x128xf32, #tpu.memory_space<vmem>>, vector<16xf32>,
          tpu.vector_store %arg22[%swap3A_263, %swap3A_264], %mul3A_262 {strides = array<i32>} : memref<80x128xf32, #tpu.memory_space<vmem>>, vector<16xf32>,
          %get3A_266 = arith.index_cast %scan3A_195 : i32 to index
          %get3A_267 = arith.constant 112 : index
          %get3A_268 = tpu.vector_load %arg22[%get3A_266, %get3A_267] {strides = array<i32>} : memref<80x128xf32, #tpu.memory_space<vmem>>, vector<16xf32>,
          %get3A_269 = arith.index_cast %scan3A_195 : i32 to index
          %get3A_270 = arith.constant 112 : index
          %get3A_271 = tpu.vector_load %arg24[%get3A_269, %get3A_270] {strides = array<i32>} : memref<80x128xf32, #tpu.memory_space<vmem>>, vector<16xf32>,
          %mul3A_272 = arith.mulf %get3A_268, %get3A_271 : vector<16xf32>
          %swap3A_273 = arith.index_cast %scan3A_195 : i32 to index
          %swap3A_274 = arith.constant 112 : index
          %swap3A_275 = tpu.vector_load %arg22[%swap3A_273, %swap3A_274] {strides = array<i32>} : memref<80x128xf32, #tpu.memory_space<vmem>>, vector<16xf32>,
          tpu.vector_store %arg22[%swap3A_273, %swap3A_274], %mul3A_272 {strides = array<i32>} : memref<80x128xf32, #tpu.memory_space<vmem>>, vector<16xf32>,
          %scan3A_276 = arith.constant 0 : i32
          scf.yield %scan3A_276 : i32
        }
        %scan3A_180 = arith.constant 80 : i32
        %dma_start3A = arith.constant 0 : i32
        %dma_start3A_181 = arith.constant 0 : i32
        %dma_start3A_182 = tpu.memref_slice %arg9[%dma_start3A, %dma_start3A_181] : memref<10000x128xf32, #tpu.memory_space<vmem_shared>> -> memref<10000x128xf32, #tpu.memory_space<vmem_shared>>
        tpu.enqueue_indirect_dma source(%arg22 : memref<80x128xf32, #tpu.memory_space<vmem>>) target(%dma_start3A_182 : memref<10000x128xf32, #tpu.memory_space<vmem_shared>>) offsets(%arg16 : memref<80xi32, #tpu.memory_space<vmem>>) semaphore(%arg31 : memref<!tpu.dma_semaphore, #tpu.memory_space<semaphore_mem>>) {add = true}
        %add3A_183 = arith.constant 1 : i32
        %add3A_184 = arith.addi %add3A_120, %add3A_183 : i32
        %lt3A_185 = arith.cmpi slt, %add3A_184, %select_n3A : i32
        %convert_element_type3A_186 = arith.extui %lt3A_185 : i1 to i32
        %cond3A_187 = arith.constant 0 : i32
        %cond3A_188 = arith.cmpi ne, %convert_element_type3A_186, %cond3A_187 : i32
        scf.if %cond3A_188 {
          %mul3A_195 = arith.constant 10112 : i32
          %mul3A_196 = arith.muli %add3A, %mul3A_195 : i32
          %dma_wait3A_197 = tpu.memref_slice %arg5[%mul3A_196] : memref<323584xf32, #tpu.memory_space<hbm>> -> memref<80xf32, #tpu.memory_space<hbm>>
          %dma_wait3A_198 = tpu.memref_slice %arg5[%mul3A_196] : memref<323584xf32, #tpu.memory_space<hbm>> -> memref<80xf32, #tpu.memory_space<hbm>>
          tpu.wait_dma2 semaphore(%arg27 : memref<!tpu.dma_semaphore, #tpu.memory_space<semaphore_mem>>) src(%dma_wait3A_198 : memref<80xf32, #tpu.memory_space<hbm>>) dst(%arg11 : memref<80xf32, #tpu.memory_space<vmem>>)
          %dma_wait3A_199 = tpu.memref_slice %arg3[%mul3A_196] : memref<323584xi32, #tpu.memory_space<hbm>> -> memref<80xi32, #tpu.memory_space<hbm>>
          %dma_wait3A_200 = tpu.memref_slice %arg3[%mul3A_196] : memref<323584xi32, #tpu.memory_space<hbm>> -> memref<80xi32, #tpu.memory_space<hbm>>
          tpu.wait_dma2 semaphore(%arg27 : memref<!tpu.dma_semaphore, #tpu.memory_space<semaphore_mem>>) src(%dma_wait3A_200 : memref<80xi32, #tpu.memory_space<hbm>>) dst(%arg14 : memref<80xi32, #tpu.memory_space<vmem>>)
          %dma_wait3A_201 = tpu.memref_slice %arg4[%mul3A_196] : memref<323584xi32, #tpu.memory_space<hbm>> -> memref<80xi32, #tpu.memory_space<hbm>>
          %dma_wait3A_202 = tpu.memref_slice %arg4[%mul3A_196] : memref<323584xi32, #tpu.memory_space<hbm>> -> memref<80xi32, #tpu.memory_space<hbm>>
          tpu.wait_dma2 semaphore(%arg27 : memref<!tpu.dma_semaphore, #tpu.memory_space<semaphore_mem>>) src(%dma_wait3A_202 : memref<80xi32, #tpu.memory_space<hbm>>) dst(%arg17 : memref<80xi32, #tpu.memory_space<vmem>>)
          %scan3A_203 = arith.constant 0 : i32
          %scan3A_204 = arith.constant 0 : i32
          %scan3A_205 = arith.constant 5 : i32
          %scan3A_206 = arith.addi %scan3A_204, %scan3A_205 : i32
          %scan3A_207 = arith.constant 1 : i32
          %scan3A_208 = scf.for %scan3A_216 = %scan3A_204 to %scan3A_206 step %scan3A_207 iter_args(%scan3A_217 = %scan3A_203) -> (i32)  : i32 {
            %mul3A_218 = arith.constant 16 : i32
            %mul3A_219 = arith.muli %scan3A_216, %mul3A_218 : i32
            %get3A_220 = arith.index_cast %mul3A_219 : i32 to index
            %get3A_221 = tpu.vector_load %arg11[%get3A_220] {strides = array<i32>} : memref<80xf32, #tpu.memory_space<vmem>>, vector<16xf32>,
            %convert_element_type3A_222 = arith.fptosi %get3A_221 : vector<16xf32> to vector<16xi32>
            %swap3A = arith.index_cast %mul3A_219 : i32 to index
            %swap3A_223 = tpu.vector_load %arg20[%swap3A] {strides = array<i32>} : memref<80xi32, #tpu.memory_space<vmem>>, vector<16xi32>,
            tpu.vector_store %arg20[%swap3A], %convert_element_type3A_222 {strides = array<i32>} : memref<80xi32, #tpu.memory_space<vmem>>, vector<16xi32>,
            %scan3A_224 = arith.constant 0 : i32
            scf.yield %scan3A_224 : i32
          }
          %scan3A_209 = arith.constant 5 : i32
          %dma_start3A_210 = arith.constant 0 : i32
          %dma_start3A_211 = arith.constant 0 : i32
          %dma_start3A_212 = tpu.memref_slice %arg2[%dma_start3A_210, %dma_start3A_211] : memref<10000x128xf32, #tpu.memory_space<hbm>> -> memref<10000x128xf32, #tpu.memory_space<hbm>>
          tpu.enqueue_indirect_dma source(%dma_start3A_212 : memref<10000x128xf32, #tpu.memory_space<hbm>>) target(%arg23 : memref<80x128xf32, #tpu.memory_space<vmem>>) offsets(%arg14 : memref<80xi32, #tpu.memory_space<vmem>>) semaphore(%arg30 : memref<!tpu.dma_semaphore, #tpu.memory_space<semaphore_mem>>)
          %dma_start3A_213 = arith.constant 0 : i32
          %dma_start3A_214 = arith.constant 0 : i32
          %dma_start3A_215 = tpu.memref_slice %arg7[%dma_start3A_213, %dma_start3A_214] : memref<8320x128xf32, #tpu.memory_space<hbm>> -> memref<8320x128xf32, #tpu.memory_space<hbm>>
          tpu.enqueue_indirect_dma source(%dma_start3A_215 : memref<8320x128xf32, #tpu.memory_space<hbm>>) target(%arg25 : memref<80x128xf32, #tpu.memory_space<vmem>>) offsets(%arg20 : memref<80xi32, #tpu.memory_space<vmem>>) semaphore(%arg30 : memref<!tpu.dma_semaphore, #tpu.memory_space<semaphore_mem>>)
        } else {
        }
        %add3A_189 = arith.constant 2 : i32
        %add3A_190 = arith.addi %add3A_120, %add3A_189 : i32
        %lt3A_191 = arith.cmpi slt, %add3A_190, %select_n3A : i32
        %convert_element_type3A_192 = arith.extui %lt3A_191 : i1 to i32
        %cond3A_193 = arith.constant 0 : i32
        %cond3A_194 = arith.cmpi ne, %convert_element_type3A_192, %cond3A_193 : i32
        scf.if %cond3A_194 {
          %add3A_195 = arith.constant 2 : i32
          %add3A_196 = arith.addi %add3A_120, %add3A_195 : i32
          %mul3A_197 = arith.constant 10112 : i32
          %mul3A_198 = arith.muli %add3A, %mul3A_197 : i32
          %mul3A_199 = arith.constant 80 : i32
          %mul3A_200 = arith.muli %add3A_196, %mul3A_199 : i32
          %add3A_201 = arith.addi %mul3A_198, %mul3A_200 : i32
          %dma_start3A_202 = tpu.memref_slice %arg5[%add3A_201] : memref<323584xf32, #tpu.memory_space<hbm>> -> memref<80xf32, #tpu.memory_space<hbm>>
          %dma_start3A_203 = tpu.memref_slice %arg5[%add3A_201] : memref<323584xf32, #tpu.memory_space<hbm>> -> memref<80xf32, #tpu.memory_space<hbm>>
          tpu.enqueue_dma source(%dma_start3A_203 : memref<80xf32, #tpu.memory_space<hbm>>) target(%arg12 : memref<80xf32, #tpu.memory_space<vmem>>) target_semaphore(%arg28 : memref<!tpu.dma_semaphore, #tpu.memory_space<semaphore_mem>>)
          %dma_start3A_204 = tpu.memref_slice %arg3[%add3A_201] : memref<323584xi32, #tpu.memory_space<hbm>> -> memref<80xi32, #tpu.memory_space<hbm>>
          %dma_start3A_205 = tpu.memref_slice %arg3[%add3A_201] : memref<323584xi32, #tpu.memory_space<hbm>> -> memref<80xi32, #tpu.memory_space<hbm>>
          tpu.enqueue_dma source(%dma_start3A_205 : memref<80xi32, #tpu.memory_space<hbm>>) target(%arg15 : memref<80xi32, #tpu.memory_space<vmem>>) target_semaphore(%arg28 : memref<!tpu.dma_semaphore, #tpu.memory_space<semaphore_mem>>)
          %dma_start3A_206 = tpu.memref_slice %arg4[%add3A_201] : memref<323584xi32, #tpu.memory_space<hbm>> -> memref<80xi32, #tpu.memory_space<hbm>>
          %dma_start3A_207 = tpu.memref_slice %arg4[%add3A_201] : memref<323584xi32, #tpu.memory_space<hbm>> -> memref<80xi32, #tpu.memory_space<hbm>>
          tpu.enqueue_dma source(%dma_start3A_207 : memref<80xi32, #tpu.memory_space<hbm>>) target(%arg18 : memref<80xi32, #tpu.memory_space<vmem>>) target_semaphore(%arg28 : memref<!tpu.dma_semaphore, #tpu.memory_space<semaphore_mem>>)
        } else {
        }
      } else {
      }
      %mul3A_124 = arith.constant 6 : i32
      %mul3A_125 = arith.muli %while3A_115, %mul3A_124 : i32
      %add3A_126 = arith.constant 1 : i32
      %add3A_127 = arith.addi %mul3A_125, %add3A_126 : i32
      %lt3A_128 = arith.cmpi slt, %add3A_127, %select_n3A : i32
      %convert_element_type3A_129 = arith.extui %lt3A_128 : i1 to i32
      %cond3A_130 = arith.constant 0 : i32
      %cond3A_131 = arith.cmpi ne, %convert_element_type3A_129, %cond3A_130 : i32
      scf.if %cond3A_131 {
        %dma_wait3A = arith.constant 0 : i32
        %dma_wait3A_165 = arith.constant 0 : i32
        %dma_wait3A_166 = tpu.memref_slice %arg2[%dma_wait3A, %dma_wait3A_165] : memref<10000x128xf32, #tpu.memory_space<hbm>> -> memref<10000x128xf32, #tpu.memory_space<hbm>>
        tpu.wait_indirect_dma semaphore(%arg30 : memref<!tpu.dma_semaphore, #tpu.memory_space<semaphore_mem>>) src(%dma_wait3A_166 : memref<10000x128xf32, #tpu.memory_space<hbm>>) dst(%arg23 : memref<80x128xf32, #tpu.memory_space<vmem>>)
        %dma_wait3A_167 = arith.constant 0 : i32
        %dma_wait3A_168 = arith.constant 0 : i32
        %dma_wait3A_169 = tpu.memref_slice %arg7[%dma_wait3A_167, %dma_wait3A_168] : memref<8320x128xf32, #tpu.memory_space<hbm>> -> memref<8320x128xf32, #tpu.memory_space<hbm>>
        tpu.wait_indirect_dma semaphore(%arg30 : memref<!tpu.dma_semaphore, #tpu.memory_space<semaphore_mem>>) src(%dma_wait3A_169 : memref<8320x128xf32, #tpu.memory_space<hbm>>) dst(%arg25 : memref<80x128xf32, #tpu.memory_space<vmem>>)
        %ge3A = arith.constant 1 : i32
        %ge3A_170 = arith.cmpi sge, %add3A_127, %ge3A : i32
        %convert_element_type3A_171 = arith.extui %ge3A_170 : i1 to i32
        %cond3A_172 = arith.constant 0 : i32
        %cond3A_173 = arith.cmpi ne, %convert_element_type3A_171, %cond3A_172 : i32
        scf.if %cond3A_173 {
          %dma_wait3A_195 = arith.constant 0 : i32
          %dma_wait3A_196 = arith.constant 0 : i32
          %dma_wait3A_197 = tpu.memref_slice %arg9[%dma_wait3A_195, %dma_wait3A_196] : memref<10000x128xf32, #tpu.memory_space<vmem_shared>> -> memref<10000x128xf32, #tpu.memory_space<vmem_shared>>
          tpu.wait_indirect_dma semaphore(%arg31 : memref<!tpu.dma_semaphore, #tpu.memory_space<semaphore_mem>>) src(%arg22 : memref<80x128xf32, #tpu.memory_space<vmem>>) dst(%dma_wait3A_197 : memref<10000x128xf32, #tpu.memory_space<vmem_shared>>)
        } else {
        }
        %scan3A_174 = arith.constant 0 : i32
        %scan3A_175 = arith.constant 0 : i32
        %scan3A_176 = arith.constant 80 : i32
        %scan3A_177 = arith.addi %scan3A_175, %scan3A_176 : i32
        %scan3A_178 = arith.constant 1 : i32
        %scan3A_179 = scf.for %scan3A_195 = %scan3A_175 to %scan3A_177 step %scan3A_178 iter_args(%scan3A_196 = %scan3A_174) -> (i32)  : i32 {
          %get3A_197 = arith.index_cast %scan3A_195 : i32 to index
          %get3A_198 = arith.constant 0 : index
          %get3A_199 = tpu.vector_load %arg23[%get3A_197, %get3A_198] {strides = array<i32>} : memref<80x128xf32, #tpu.memory_space<vmem>>, vector<16xf32>,
          %get3A_200 = arith.index_cast %scan3A_195 : i32 to index
          %get3A_201 = arith.constant 0 : index
          %get3A_202 = tpu.vector_load %arg25[%get3A_200, %get3A_201] {strides = array<i32>} : memref<80x128xf32, #tpu.memory_space<vmem>>, vector<16xf32>,
          %mul3A_203 = arith.mulf %get3A_199, %get3A_202 : vector<16xf32>
          %swap3A = arith.index_cast %scan3A_195 : i32 to index
          %swap3A_204 = arith.constant 0 : index
          %swap3A_205 = tpu.vector_load %arg23[%swap3A, %swap3A_204] {strides = array<i32>} : memref<80x128xf32, #tpu.memory_space<vmem>>, vector<16xf32>,
          tpu.vector_store %arg23[%swap3A, %swap3A_204], %mul3A_203 {strides = array<i32>} : memref<80x128xf32, #tpu.memory_space<vmem>>, vector<16xf32>,
          %get3A_206 = arith.index_cast %scan3A_195 : i32 to index
          %get3A_207 = arith.constant 16 : index
          %get3A_208 = tpu.vector_load %arg23[%get3A_206, %get3A_207] {strides = array<i32>} : memref<80x128xf32, #tpu.memory_space<vmem>>, vector<16xf32>,
          %get3A_209 = arith.index_cast %scan3A_195 : i32 to index
          %get3A_210 = arith.constant 16 : index
          %get3A_211 = tpu.vector_load %arg25[%get3A_209, %get3A_210] {strides = array<i32>} : memref<80x128xf32, #tpu.memory_space<vmem>>, vector<16xf32>,
          %mul3A_212 = arith.mulf %get3A_208, %get3A_211 : vector<16xf32>
          %swap3A_213 = arith.index_cast %scan3A_195 : i32 to index
          %swap3A_214 = arith.constant 16 : index
          %swap3A_215 = tpu.vector_load %arg23[%swap3A_213, %swap3A_214] {strides = array<i32>} : memref<80x128xf32, #tpu.memory_space<vmem>>, vector<16xf32>,
          tpu.vector_store %arg23[%swap3A_213, %swap3A_214], %mul3A_212 {strides = array<i32>} : memref<80x128xf32, #tpu.memory_space<vmem>>, vector<16xf32>,
          %get3A_216 = arith.index_cast %scan3A_195 : i32 to index
          %get3A_217 = arith.constant 32 : index
          %get3A_218 = tpu.vector_load %arg23[%get3A_216, %get3A_217] {strides = array<i32>} : memref<80x128xf32, #tpu.memory_space<vmem>>, vector<16xf32>,
          %get3A_219 = arith.index_cast %scan3A_195 : i32 to index
          %get3A_220 = arith.constant 32 : index
          %get3A_221 = tpu.vector_load %arg25[%get3A_219, %get3A_220] {strides = array<i32>} : memref<80x128xf32, #tpu.memory_space<vmem>>, vector<16xf32>,
          %mul3A_222 = arith.mulf %get3A_218, %get3A_221 : vector<16xf32>
          %swap3A_223 = arith.index_cast %scan3A_195 : i32 to index
          %swap3A_224 = arith.constant 32 : index
          %swap3A_225 = tpu.vector_load %arg23[%swap3A_223, %swap3A_224] {strides = array<i32>} : memref<80x128xf32, #tpu.memory_space<vmem>>, vector<16xf32>,
          tpu.vector_store %arg23[%swap3A_223, %swap3A_224], %mul3A_222 {strides = array<i32>} : memref<80x128xf32, #tpu.memory_space<vmem>>, vector<16xf32>,
          %get3A_226 = arith.index_cast %scan3A_195 : i32 to index
          %get3A_227 = arith.constant 48 : index
          %get3A_228 = tpu.vector_load %arg23[%get3A_226, %get3A_227] {strides = array<i32>} : memref<80x128xf32, #tpu.memory_space<vmem>>, vector<16xf32>,
          %get3A_229 = arith.index_cast %scan3A_195 : i32 to index
          %get3A_230 = arith.constant 48 : index
          %get3A_231 = tpu.vector_load %arg25[%get3A_229, %get3A_230] {strides = array<i32>} : memref<80x128xf32, #tpu.memory_space<vmem>>, vector<16xf32>,
          %mul3A_232 = arith.mulf %get3A_228, %get3A_231 : vector<16xf32>
          %swap3A_233 = arith.index_cast %scan3A_195 : i32 to index
          %swap3A_234 = arith.constant 48 : index
          %swap3A_235 = tpu.vector_load %arg23[%swap3A_233, %swap3A_234] {strides = array<i32>} : memref<80x128xf32, #tpu.memory_space<vmem>>, vector<16xf32>,
          tpu.vector_store %arg23[%swap3A_233, %swap3A_234], %mul3A_232 {strides = array<i32>} : memref<80x128xf32, #tpu.memory_space<vmem>>, vector<16xf32>,
          %get3A_236 = arith.index_cast %scan3A_195 : i32 to index
          %get3A_237 = arith.constant 64 : index
          %get3A_238 = tpu.vector_load %arg23[%get3A_236, %get3A_237] {strides = array<i32>} : memref<80x128xf32, #tpu.memory_space<vmem>>, vector<16xf32>,
          %get3A_239 = arith.index_cast %scan3A_195 : i32 to index
          %get3A_240 = arith.constant 64 : index
          %get3A_241 = tpu.vector_load %arg25[%get3A_239, %get3A_240] {strides = array<i32>} : memref<80x128xf32, #tpu.memory_space<vmem>>, vector<16xf32>,
          %mul3A_242 = arith.mulf %get3A_238, %get3A_241 : vector<16xf32>
          %swap3A_243 = arith.index_cast %scan3A_195 : i32 to index
          %swap3A_244 = arith.constant 64 : index
          %swap3A_245 = tpu.vector_load %arg23[%swap3A_243, %swap3A_244] {strides = array<i32>} : memref<80x128xf32, #tpu.memory_space<vmem>>, vector<16xf32>,
          tpu.vector_store %arg23[%swap3A_243, %swap3A_244], %mul3A_242 {strides = array<i32>} : memref<80x128xf32, #tpu.memory_space<vmem>>, vector<16xf32>,
          %get3A_246 = arith.index_cast %scan3A_195 : i32 to index
          %get3A_247 = arith.constant 80 : index
          %get3A_248 = tpu.vector_load %arg23[%get3A_246, %get3A_247] {strides = array<i32>} : memref<80x128xf32, #tpu.memory_space<vmem>>, vector<16xf32>,
          %get3A_249 = arith.index_cast %scan3A_195 : i32 to index
          %get3A_250 = arith.constant 80 : index
          %get3A_251 = tpu.vector_load %arg25[%get3A_249, %get3A_250] {strides = array<i32>} : memref<80x128xf32, #tpu.memory_space<vmem>>, vector<16xf32>,
          %mul3A_252 = arith.mulf %get3A_248, %get3A_251 : vector<16xf32>
          %swap3A_253 = arith.index_cast %scan3A_195 : i32 to index
          %swap3A_254 = arith.constant 80 : index
          %swap3A_255 = tpu.vector_load %arg23[%swap3A_253, %swap3A_254] {strides = array<i32>} : memref<80x128xf32, #tpu.memory_space<vmem>>, vector<16xf32>,
          tpu.vector_store %arg23[%swap3A_253, %swap3A_254], %mul3A_252 {strides = array<i32>} : memref<80x128xf32, #tpu.memory_space<vmem>>, vector<16xf32>,
          %get3A_256 = arith.index_cast %scan3A_195 : i32 to index
          %get3A_257 = arith.constant 96 : index
          %get3A_258 = tpu.vector_load %arg23[%get3A_256, %get3A_257] {strides = array<i32>} : memref<80x128xf32, #tpu.memory_space<vmem>>, vector<16xf32>,
          %get3A_259 = arith.index_cast %scan3A_195 : i32 to index
          %get3A_260 = arith.constant 96 : index
          %get3A_261 = tpu.vector_load %arg25[%get3A_259, %get3A_260] {strides = array<i32>} : memref<80x128xf32, #tpu.memory_space<vmem>>, vector<16xf32>,
          %mul3A_262 = arith.mulf %get3A_258, %get3A_261 : vector<16xf32>
          %swap3A_263 = arith.index_cast %scan3A_195 : i32 to index
          %swap3A_264 = arith.constant 96 : index
          %swap3A_265 = tpu.vector_load %arg23[%swap3A_263, %swap3A_264] {strides = array<i32>} : memref<80x128xf32, #tpu.memory_space<vmem>>, vector<16xf32>,
          tpu.vector_store %arg23[%swap3A_263, %swap3A_264], %mul3A_262 {strides = array<i32>} : memref<80x128xf32, #tpu.memory_space<vmem>>, vector<16xf32>,
          %get3A_266 = arith.index_cast %scan3A_195 : i32 to index
          %get3A_267 = arith.constant 112 : index
          %get3A_268 = tpu.vector_load %arg23[%get3A_266, %get3A_267] {strides = array<i32>} : memref<80x128xf32, #tpu.memory_space<vmem>>, vector<16xf32>,
          %get3A_269 = arith.index_cast %scan3A_195 : i32 to index
          %get3A_270 = arith.constant 112 : index
          %get3A_271 = tpu.vector_load %arg25[%get3A_269, %get3A_270] {strides = array<i32>} : memref<80x128xf32, #tpu.memory_space<vmem>>, vector<16xf32>,
          %mul3A_272 = arith.mulf %get3A_268, %get3A_271 : vector<16xf32>
          %swap3A_273 = arith.index_cast %scan3A_195 : i32 to index
          %swap3A_274 = arith.constant 112 : index
          %swap3A_275 = tpu.vector_load %arg23[%swap3A_273, %swap3A_274] {strides = array<i32>} : memref<80x128xf32, #tpu.memory_space<vmem>>, vector<16xf32>,
          tpu.vector_store %arg23[%swap3A_273, %swap3A_274], %mul3A_272 {strides = array<i32>} : memref<80x128xf32, #tpu.memory_space<vmem>>, vector<16xf32>,
          %scan3A_276 = arith.constant 0 : i32
          scf.yield %scan3A_276 : i32
        }
        %scan3A_180 = arith.constant 80 : i32
        %dma_start3A = arith.constant 0 : i32
        %dma_start3A_181 = arith.constant 0 : i32
        %dma_start3A_182 = tpu.memref_slice %arg9[%dma_start3A, %dma_start3A_181] : memref<10000x128xf32, #tpu.memory_space<vmem_shared>> -> memref<10000x128xf32, #tpu.memory_space<vmem_shared>>
        tpu.enqueue_indirect_dma source(%arg23 : memref<80x128xf32, #tpu.memory_space<vmem>>) target(%dma_start3A_182 : memref<10000x128xf32, #tpu.memory_space<vmem_shared>>) offsets(%arg17 : memref<80xi32, #tpu.memory_space<vmem>>) semaphore(%arg32 : memref<!tpu.dma_semaphore, #tpu.memory_space<semaphore_mem>>) {add = true}
        %add3A_183 = arith.constant 1 : i32
        %add3A_184 = arith.addi %add3A_127, %add3A_183 : i32
        %lt3A_185 = arith.cmpi slt, %add3A_184, %select_n3A : i32
        %convert_element_type3A_186 = arith.extui %lt3A_185 : i1 to i32
        %cond3A_187 = arith.constant 0 : i32
        %cond3A_188 = arith.cmpi ne, %convert_element_type3A_186, %cond3A_187 : i32
        scf.if %cond3A_188 {
          %mul3A_195 = arith.constant 10112 : i32
          %mul3A_196 = arith.muli %add3A, %mul3A_195 : i32
          %dma_wait3A_197 = tpu.memref_slice %arg5[%mul3A_196] : memref<323584xf32, #tpu.memory_space<hbm>> -> memref<80xf32, #tpu.memory_space<hbm>>
          %dma_wait3A_198 = tpu.memref_slice %arg5[%mul3A_196] : memref<323584xf32, #tpu.memory_space<hbm>> -> memref<80xf32, #tpu.memory_space<hbm>>
          tpu.wait_dma2 semaphore(%arg28 : memref<!tpu.dma_semaphore, #tpu.memory_space<semaphore_mem>>) src(%dma_wait3A_198 : memref<80xf32, #tpu.memory_space<hbm>>) dst(%arg12 : memref<80xf32, #tpu.memory_space<vmem>>)
          %dma_wait3A_199 = tpu.memref_slice %arg3[%mul3A_196] : memref<323584xi32, #tpu.memory_space<hbm>> -> memref<80xi32, #tpu.memory_space<hbm>>
          %dma_wait3A_200 = tpu.memref_slice %arg3[%mul3A_196] : memref<323584xi32, #tpu.memory_space<hbm>> -> memref<80xi32, #tpu.memory_space<hbm>>
          tpu.wait_dma2 semaphore(%arg28 : memref<!tpu.dma_semaphore, #tpu.memory_space<semaphore_mem>>) src(%dma_wait3A_200 : memref<80xi32, #tpu.memory_space<hbm>>) dst(%arg15 : memref<80xi32, #tpu.memory_space<vmem>>)
          %dma_wait3A_201 = tpu.memref_slice %arg4[%mul3A_196] : memref<323584xi32, #tpu.memory_space<hbm>> -> memref<80xi32, #tpu.memory_space<hbm>>
          %dma_wait3A_202 = tpu.memref_slice %arg4[%mul3A_196] : memref<323584xi32, #tpu.memory_space<hbm>> -> memref<80xi32, #tpu.memory_space<hbm>>
          tpu.wait_dma2 semaphore(%arg28 : memref<!tpu.dma_semaphore, #tpu.memory_space<semaphore_mem>>) src(%dma_wait3A_202 : memref<80xi32, #tpu.memory_space<hbm>>) dst(%arg18 : memref<80xi32, #tpu.memory_space<vmem>>)
          %scan3A_203 = arith.constant 0 : i32
          %scan3A_204 = arith.constant 0 : i32
          %scan3A_205 = arith.constant 5 : i32
          %scan3A_206 = arith.addi %scan3A_204, %scan3A_205 : i32
          %scan3A_207 = arith.constant 1 : i32
          %scan3A_208 = scf.for %scan3A_216 = %scan3A_204 to %scan3A_206 step %scan3A_207 iter_args(%scan3A_217 = %scan3A_203) -> (i32)  : i32 {
            %mul3A_218 = arith.constant 16 : i32
            %mul3A_219 = arith.muli %scan3A_216, %mul3A_218 : i32
            %get3A_220 = arith.index_cast %mul3A_219 : i32 to index
            %get3A_221 = tpu.vector_load %arg12[%get3A_220] {strides = array<i32>} : memref<80xf32, #tpu.memory_space<vmem>>, vector<16xf32>,
            %convert_element_type3A_222 = arith.fptosi %get3A_221 : vector<16xf32> to vector<16xi32>
            %swap3A = arith.index_cast %mul3A_219 : i32 to index
            %swap3A_223 = tpu.vector_load %arg19[%swap3A] {strides = array<i32>} : memref<80xi32, #tpu.memory_space<vmem>>, vector<16xi32>,
            tpu.vector_store %arg19[%swap3A], %convert_element_type3A_222 {strides = array<i32>} : memref<80xi32, #tpu.memory_space<vmem>>, vector<16xi32>,
            %scan3A_224 = arith.constant 0 : i32
            scf.yield %scan3A_224 : i32
          }
          %scan3A_209 = arith.constant 5 : i32
          %dma_start3A_210 = arith.constant 0 : i32
          %dma_start3A_211 = arith.constant 0 : i32
          %dma_start3A_212 = tpu.memref_slice %arg2[%dma_start3A_210, %dma_start3A_211] : memref<10000x128xf32, #tpu.memory_space<hbm>> -> memref<10000x128xf32, #tpu.memory_space<hbm>>
          tpu.enqueue_indirect_dma source(%dma_start3A_212 : memref<10000x128xf32, #tpu.memory_space<hbm>>) target(%arg22 : memref<80x128xf32, #tpu.memory_space<vmem>>) offsets(%arg15 : memref<80xi32, #tpu.memory_space<vmem>>) semaphore(%arg29 : memref<!tpu.dma_semaphore, #tpu.memory_space<semaphore_mem>>)
          %dma_start3A_213 = arith.constant 0 : i32
          %dma_start3A_214 = arith.constant 0 : i32
          %dma_start3A_215 = tpu.memref_slice %arg7[%dma_start3A_213, %dma_start3A_214] : memref<8320x128xf32, #tpu.memory_space<hbm>> -> memref<8320x128xf32, #tpu.memory_space<hbm>>
          tpu.enqueue_indirect_dma source(%dma_start3A_215 : memref<8320x128xf32, #tpu.memory_space<hbm>>) target(%arg24 : memref<80x128xf32, #tpu.memory_space<vmem>>) offsets(%arg19 : memref<80xi32, #tpu.memory_space<vmem>>) semaphore(%arg29 : memref<!tpu.dma_semaphore, #tpu.memory_space<semaphore_mem>>)
        } else {
        }
        %add3A_189 = arith.constant 2 : i32
        %add3A_190 = arith.addi %add3A_127, %add3A_189 : i32
        %lt3A_191 = arith.cmpi slt, %add3A_190, %select_n3A : i32
        %convert_element_type3A_192 = arith.extui %lt3A_191 : i1 to i32
        %cond3A_193 = arith.constant 0 : i32
        %cond3A_194 = arith.cmpi ne, %convert_element_type3A_192, %cond3A_193 : i32
        scf.if %cond3A_194 {
          %add3A_195 = arith.constant 2 : i32
          %add3A_196 = arith.addi %add3A_127, %add3A_195 : i32
          %mul3A_197 = arith.constant 10112 : i32
          %mul3A_198 = arith.muli %add3A, %mul3A_197 : i32
          %mul3A_199 = arith.constant 80 : i32
          %mul3A_200 = arith.muli %add3A_196, %mul3A_199 : i32
          %add3A_201 = arith.addi %mul3A_198, %mul3A_200 : i32
          %dma_start3A_202 = tpu.memref_slice %arg5[%add3A_201] : memref<323584xf32, #tpu.memory_space<hbm>> -> memref<80xf32, #tpu.memory_space<hbm>>
          %dma_start3A_203 = tpu.memref_slice %arg5[%add3A_201] : memref<323584xf32, #tpu.memory_space<hbm>> -> memref<80xf32, #tpu.memory_space<hbm>>
          tpu.enqueue_dma source(%dma_start3A_203 : memref<80xf32, #tpu.memory_space<hbm>>) target(%arg10 : memref<80xf32, #tpu.memory_space<vmem>>) target_semaphore(%arg26 : memref<!tpu.dma_semaphore, #tpu.memory_space<semaphore_mem>>)
          %dma_start3A_204 = tpu.memref_slice %arg3[%add3A_201] : memref<323584xi32, #tpu.memory_space<hbm>> -> memref<80xi32, #tpu.memory_space<hbm>>
          %dma_start3A_205 = tpu.memref_slice %arg3[%add3A_201] : memref<323584xi32, #tpu.memory_space<hbm>> -> memref<80xi32, #tpu.memory_space<hbm>>
          tpu.enqueue_dma source(%dma_start3A_205 : memref<80xi32, #tpu.memory_space<hbm>>) target(%arg13 : memref<80xi32, #tpu.memory_space<vmem>>) target_semaphore(%arg26 : memref<!tpu.dma_semaphore, #tpu.memory_space<semaphore_mem>>)
          %dma_start3A_206 = tpu.memref_slice %arg4[%add3A_201] : memref<323584xi32, #tpu.memory_space<hbm>> -> memref<80xi32, #tpu.memory_space<hbm>>
          %dma_start3A_207 = tpu.memref_slice %arg4[%add3A_201] : memref<323584xi32, #tpu.memory_space<hbm>> -> memref<80xi32, #tpu.memory_space<hbm>>
          tpu.enqueue_dma source(%dma_start3A_207 : memref<80xi32, #tpu.memory_space<hbm>>) target(%arg16 : memref<80xi32, #tpu.memory_space<vmem>>) target_semaphore(%arg26 : memref<!tpu.dma_semaphore, #tpu.memory_space<semaphore_mem>>)
        } else {
        }
      } else {
      }
      %mul3A_132 = arith.constant 6 : i32
      %mul3A_133 = arith.muli %while3A_115, %mul3A_132 : i32
      %add3A_134 = arith.constant 2 : i32
      %add3A_135 = arith.addi %mul3A_133, %add3A_134 : i32
      %lt3A_136 = arith.cmpi slt, %add3A_135, %select_n3A : i32
      %convert_element_type3A_137 = arith.extui %lt3A_136 : i1 to i32
      %cond3A_138 = arith.constant 0 : i32
      %cond3A_139 = arith.cmpi ne, %convert_element_type3A_137, %cond3A_138 : i32
      scf.if %cond3A_139 {
        %dma_wait3A = arith.constant 0 : i32
        %dma_wait3A_165 = arith.constant 0 : i32
        %dma_wait3A_166 = tpu.memref_slice %arg2[%dma_wait3A, %dma_wait3A_165] : memref<10000x128xf32, #tpu.memory_space<hbm>> -> memref<10000x128xf32, #tpu.memory_space<hbm>>
        tpu.wait_indirect_dma semaphore(%arg29 : memref<!tpu.dma_semaphore, #tpu.memory_space<semaphore_mem>>) src(%dma_wait3A_166 : memref<10000x128xf32, #tpu.memory_space<hbm>>) dst(%arg22 : memref<80x128xf32, #tpu.memory_space<vmem>>)
        %dma_wait3A_167 = arith.constant 0 : i32
        %dma_wait3A_168 = arith.constant 0 : i32
        %dma_wait3A_169 = tpu.memref_slice %arg7[%dma_wait3A_167, %dma_wait3A_168] : memref<8320x128xf32, #tpu.memory_space<hbm>> -> memref<8320x128xf32, #tpu.memory_space<hbm>>
        tpu.wait_indirect_dma semaphore(%arg29 : memref<!tpu.dma_semaphore, #tpu.memory_space<semaphore_mem>>) src(%dma_wait3A_169 : memref<8320x128xf32, #tpu.memory_space<hbm>>) dst(%arg24 : memref<80x128xf32, #tpu.memory_space<vmem>>)
        %ge3A = arith.constant 1 : i32
        %ge3A_170 = arith.cmpi sge, %add3A_135, %ge3A : i32
        %convert_element_type3A_171 = arith.extui %ge3A_170 : i1 to i32
        %cond3A_172 = arith.constant 0 : i32
        %cond3A_173 = arith.cmpi ne, %convert_element_type3A_171, %cond3A_172 : i32
        scf.if %cond3A_173 {
          %dma_wait3A_195 = arith.constant 0 : i32
          %dma_wait3A_196 = arith.constant 0 : i32
          %dma_wait3A_197 = tpu.memref_slice %arg9[%dma_wait3A_195, %dma_wait3A_196] : memref<10000x128xf32, #tpu.memory_space<vmem_shared>> -> memref<10000x128xf32, #tpu.memory_space<vmem_shared>>
          tpu.wait_indirect_dma semaphore(%arg32 : memref<!tpu.dma_semaphore, #tpu.memory_space<semaphore_mem>>) src(%arg23 : memref<80x128xf32, #tpu.memory_space<vmem>>) dst(%dma_wait3A_197 : memref<10000x128xf32, #tpu.memory_space<vmem_shared>>)
        } else {
        }
        %scan3A_174 = arith.constant 0 : i32
        %scan3A_175 = arith.constant 0 : i32
        %scan3A_176 = arith.constant 80 : i32
        %scan3A_177 = arith.addi %scan3A_175, %scan3A_176 : i32
        %scan3A_178 = arith.constant 1 : i32
        %scan3A_179 = scf.for %scan3A_195 = %scan3A_175 to %scan3A_177 step %scan3A_178 iter_args(%scan3A_196 = %scan3A_174) -> (i32)  : i32 {
          %get3A_197 = arith.index_cast %scan3A_195 : i32 to index
          %get3A_198 = arith.constant 0 : index
          %get3A_199 = tpu.vector_load %arg22[%get3A_197, %get3A_198] {strides = array<i32>} : memref<80x128xf32, #tpu.memory_space<vmem>>, vector<16xf32>,
          %get3A_200 = arith.index_cast %scan3A_195 : i32 to index
          %get3A_201 = arith.constant 0 : index
          %get3A_202 = tpu.vector_load %arg24[%get3A_200, %get3A_201] {strides = array<i32>} : memref<80x128xf32, #tpu.memory_space<vmem>>, vector<16xf32>,
          %mul3A_203 = arith.mulf %get3A_199, %get3A_202 : vector<16xf32>
          %swap3A = arith.index_cast %scan3A_195 : i32 to index
          %swap3A_204 = arith.constant 0 : index
          %swap3A_205 = tpu.vector_load %arg22[%swap3A, %swap3A_204] {strides = array<i32>} : memref<80x128xf32, #tpu.memory_space<vmem>>, vector<16xf32>,
          tpu.vector_store %arg22[%swap3A, %swap3A_204], %mul3A_203 {strides = array<i32>} : memref<80x128xf32, #tpu.memory_space<vmem>>, vector<16xf32>,
          %get3A_206 = arith.index_cast %scan3A_195 : i32 to index
          %get3A_207 = arith.constant 16 : index
          %get3A_208 = tpu.vector_load %arg22[%get3A_206, %get3A_207] {strides = array<i32>} : memref<80x128xf32, #tpu.memory_space<vmem>>, vector<16xf32>,
          %get3A_209 = arith.index_cast %scan3A_195 : i32 to index
          %get3A_210 = arith.constant 16 : index
          %get3A_211 = tpu.vector_load %arg24[%get3A_209, %get3A_210] {strides = array<i32>} : memref<80x128xf32, #tpu.memory_space<vmem>>, vector<16xf32>,
          %mul3A_212 = arith.mulf %get3A_208, %get3A_211 : vector<16xf32>
          %swap3A_213 = arith.index_cast %scan3A_195 : i32 to index
          %swap3A_214 = arith.constant 16 : index
          %swap3A_215 = tpu.vector_load %arg22[%swap3A_213, %swap3A_214] {strides = array<i32>} : memref<80x128xf32, #tpu.memory_space<vmem>>, vector<16xf32>,
          tpu.vector_store %arg22[%swap3A_213, %swap3A_214], %mul3A_212 {strides = array<i32>} : memref<80x128xf32, #tpu.memory_space<vmem>>, vector<16xf32>,
          %get3A_216 = arith.index_cast %scan3A_195 : i32 to index
          %get3A_217 = arith.constant 32 : index
          %get3A_218 = tpu.vector_load %arg22[%get3A_216, %get3A_217] {strides = array<i32>} : memref<80x128xf32, #tpu.memory_space<vmem>>, vector<16xf32>,
          %get3A_219 = arith.index_cast %scan3A_195 : i32 to index
          %get3A_220 = arith.constant 32 : index
          %get3A_221 = tpu.vector_load %arg24[%get3A_219, %get3A_220] {strides = array<i32>} : memref<80x128xf32, #tpu.memory_space<vmem>>, vector<16xf32>,
          %mul3A_222 = arith.mulf %get3A_218, %get3A_221 : vector<16xf32>
          %swap3A_223 = arith.index_cast %scan3A_195 : i32 to index
          %swap3A_224 = arith.constant 32 : index
          %swap3A_225 = tpu.vector_load %arg22[%swap3A_223, %swap3A_224] {strides = array<i32>} : memref<80x128xf32, #tpu.memory_space<vmem>>, vector<16xf32>,
          tpu.vector_store %arg22[%swap3A_223, %swap3A_224], %mul3A_222 {strides = array<i32>} : memref<80x128xf32, #tpu.memory_space<vmem>>, vector<16xf32>,
          %get3A_226 = arith.index_cast %scan3A_195 : i32 to index
          %get3A_227 = arith.constant 48 : index
          %get3A_228 = tpu.vector_load %arg22[%get3A_226, %get3A_227] {strides = array<i32>} : memref<80x128xf32, #tpu.memory_space<vmem>>, vector<16xf32>,
          %get3A_229 = arith.index_cast %scan3A_195 : i32 to index
          %get3A_230 = arith.constant 48 : index
          %get3A_231 = tpu.vector_load %arg24[%get3A_229, %get3A_230] {strides = array<i32>} : memref<80x128xf32, #tpu.memory_space<vmem>>, vector<16xf32>,
          %mul3A_232 = arith.mulf %get3A_228, %get3A_231 : vector<16xf32>
          %swap3A_233 = arith.index_cast %scan3A_195 : i32 to index
          %swap3A_234 = arith.constant 48 : index
          %swap3A_235 = tpu.vector_load %arg22[%swap3A_233, %swap3A_234] {strides = array<i32>} : memref<80x128xf32, #tpu.memory_space<vmem>>, vector<16xf32>,
          tpu.vector_store %arg22[%swap3A_233, %swap3A_234], %mul3A_232 {strides = array<i32>} : memref<80x128xf32, #tpu.memory_space<vmem>>, vector<16xf32>,
          %get3A_236 = arith.index_cast %scan3A_195 : i32 to index
          %get3A_237 = arith.constant 64 : index
          %get3A_238 = tpu.vector_load %arg22[%get3A_236, %get3A_237] {strides = array<i32>} : memref<80x128xf32, #tpu.memory_space<vmem>>, vector<16xf32>,
          %get3A_239 = arith.index_cast %scan3A_195 : i32 to index
          %get3A_240 = arith.constant 64 : index
          %get3A_241 = tpu.vector_load %arg24[%get3A_239, %get3A_240] {strides = array<i32>} : memref<80x128xf32, #tpu.memory_space<vmem>>, vector<16xf32>,
          %mul3A_242 = arith.mulf %get3A_238, %get3A_241 : vector<16xf32>
          %swap3A_243 = arith.index_cast %scan3A_195 : i32 to index
          %swap3A_244 = arith.constant 64 : index
          %swap3A_245 = tpu.vector_load %arg22[%swap3A_243, %swap3A_244] {strides = array<i32>} : memref<80x128xf32, #tpu.memory_space<vmem>>, vector<16xf32>,
          tpu.vector_store %arg22[%swap3A_243, %swap3A_244], %mul3A_242 {strides = array<i32>} : memref<80x128xf32, #tpu.memory_space<vmem>>, vector<16xf32>,
          %get3A_246 = arith.index_cast %scan3A_195 : i32 to index
          %get3A_247 = arith.constant 80 : index
          %get3A_248 = tpu.vector_load %arg22[%get3A_246, %get3A_247] {strides = array<i32>} : memref<80x128xf32, #tpu.memory_space<vmem>>, vector<16xf32>,
          %get3A_249 = arith.index_cast %scan3A_195 : i32 to index
          %get3A_250 = arith.constant 80 : index
          %get3A_251 = tpu.vector_load %arg24[%get3A_249, %get3A_250] {strides = array<i32>} : memref<80x128xf32, #tpu.memory_space<vmem>>, vector<16xf32>,
          %mul3A_252 = arith.mulf %get3A_248, %get3A_251 : vector<16xf32>
          %swap3A_253 = arith.index_cast %scan3A_195 : i32 to index
          %swap3A_254 = arith.constant 80 : index
          %swap3A_255 = tpu.vector_load %arg22[%swap3A_253, %swap3A_254] {strides = array<i32>} : memref<80x128xf32, #tpu.memory_space<vmem>>, vector<16xf32>,
          tpu.vector_store %arg22[%swap3A_253, %swap3A_254], %mul3A_252 {strides = array<i32>} : memref<80x128xf32, #tpu.memory_space<vmem>>, vector<16xf32>,
          %get3A_256 = arith.index_cast %scan3A_195 : i32 to index
          %get3A_257 = arith.constant 96 : index
          %get3A_258 = tpu.vector_load %arg22[%get3A_256, %get3A_257] {strides = array<i32>} : memref<80x128xf32, #tpu.memory_space<vmem>>, vector<16xf32>,
          %get3A_259 = arith.index_cast %scan3A_195 : i32 to index
          %get3A_260 = arith.constant 96 : index
          %get3A_261 = tpu.vector_load %arg24[%get3A_259, %get3A_260] {strides = array<i32>} : memref<80x128xf32, #tpu.memory_space<vmem>>, vector<16xf32>,
          %mul3A_262 = arith.mulf %get3A_258, %get3A_261 : vector<16xf32>
          %swap3A_263 = arith.index_cast %scan3A_195 : i32 to index
          %swap3A_264 = arith.constant 96 : index
          %swap3A_265 = tpu.vector_load %arg22[%swap3A_263, %swap3A_264] {strides = array<i32>} : memref<80x128xf32, #tpu.memory_space<vmem>>, vector<16xf32>,
          tpu.vector_store %arg22[%swap3A_263, %swap3A_264], %mul3A_262 {strides = array<i32>} : memref<80x128xf32, #tpu.memory_space<vmem>>, vector<16xf32>,
          %get3A_266 = arith.index_cast %scan3A_195 : i32 to index
          %get3A_267 = arith.constant 112 : index
          %get3A_268 = tpu.vector_load %arg22[%get3A_266, %get3A_267] {strides = array<i32>} : memref<80x128xf32, #tpu.memory_space<vmem>>, vector<16xf32>,
          %get3A_269 = arith.index_cast %scan3A_195 : i32 to index
          %get3A_270 = arith.constant 112 : index
          %get3A_271 = tpu.vector_load %arg24[%get3A_269, %get3A_270] {strides = array<i32>} : memref<80x128xf32, #tpu.memory_space<vmem>>, vector<16xf32>,
          %mul3A_272 = arith.mulf %get3A_268, %get3A_271 : vector<16xf32>
          %swap3A_273 = arith.index_cast %scan3A_195 : i32 to index
          %swap3A_274 = arith.constant 112 : index
          %swap3A_275 = tpu.vector_load %arg22[%swap3A_273, %swap3A_274] {strides = array<i32>} : memref<80x128xf32, #tpu.memory_space<vmem>>, vector<16xf32>,
          tpu.vector_store %arg22[%swap3A_273, %swap3A_274], %mul3A_272 {strides = array<i32>} : memref<80x128xf32, #tpu.memory_space<vmem>>, vector<16xf32>,
          %scan3A_276 = arith.constant 0 : i32
          scf.yield %scan3A_276 : i32
        }
        %scan3A_180 = arith.constant 80 : i32
        %dma_start3A = arith.constant 0 : i32
        %dma_start3A_181 = arith.constant 0 : i32
        %dma_start3A_182 = tpu.memref_slice %arg9[%dma_start3A, %dma_start3A_181] : memref<10000x128xf32, #tpu.memory_space<vmem_shared>> -> memref<10000x128xf32, #tpu.memory_space<vmem_shared>>
        tpu.enqueue_indirect_dma source(%arg22 : memref<80x128xf32, #tpu.memory_space<vmem>>) target(%dma_start3A_182 : memref<10000x128xf32, #tpu.memory_space<vmem_shared>>) offsets(%arg18 : memref<80xi32, #tpu.memory_space<vmem>>) semaphore(%arg31 : memref<!tpu.dma_semaphore, #tpu.memory_space<semaphore_mem>>) {add = true}
        %add3A_183 = arith.constant 1 : i32
        %add3A_184 = arith.addi %add3A_135, %add3A_183 : i32
        %lt3A_185 = arith.cmpi slt, %add3A_184, %select_n3A : i32
        %convert_element_type3A_186 = arith.extui %lt3A_185 : i1 to i32
        %cond3A_187 = arith.constant 0 : i32
        %cond3A_188 = arith.cmpi ne, %convert_element_type3A_186, %cond3A_187 : i32
        scf.if %cond3A_188 {
          %mul3A_195 = arith.constant 10112 : i32
          %mul3A_196 = arith.muli %add3A, %mul3A_195 : i32
          %dma_wait3A_197 = tpu.memref_slice %arg5[%mul3A_196] : memref<323584xf32, #tpu.memory_space<hbm>> -> memref<80xf32, #tpu.memory_space<hbm>>
          %dma_wait3A_198 = tpu.memref_slice %arg5[%mul3A_196] : memref<323584xf32, #tpu.memory_space<hbm>> -> memref<80xf32, #tpu.memory_space<hbm>>
          tpu.wait_dma2 semaphore(%arg26 : memref<!tpu.dma_semaphore, #tpu.memory_space<semaphore_mem>>) src(%dma_wait3A_198 : memref<80xf32, #tpu.memory_space<hbm>>) dst(%arg10 : memref<80xf32, #tpu.memory_space<vmem>>)
          %dma_wait3A_199 = tpu.memref_slice %arg3[%mul3A_196] : memref<323584xi32, #tpu.memory_space<hbm>> -> memref<80xi32, #tpu.memory_space<hbm>>
          %dma_wait3A_200 = tpu.memref_slice %arg3[%mul3A_196] : memref<323584xi32, #tpu.memory_space<hbm>> -> memref<80xi32, #tpu.memory_space<hbm>>
          tpu.wait_dma2 semaphore(%arg26 : memref<!tpu.dma_semaphore, #tpu.memory_space<semaphore_mem>>) src(%dma_wait3A_200 : memref<80xi32, #tpu.memory_space<hbm>>) dst(%arg13 : memref<80xi32, #tpu.memory_space<vmem>>)
          %dma_wait3A_201 = tpu.memref_slice %arg4[%mul3A_196] : memref<323584xi32, #tpu.memory_space<hbm>> -> memref<80xi32, #tpu.memory_space<hbm>>
          %dma_wait3A_202 = tpu.memref_slice %arg4[%mul3A_196] : memref<323584xi32, #tpu.memory_space<hbm>> -> memref<80xi32, #tpu.memory_space<hbm>>
          tpu.wait_dma2 semaphore(%arg26 : memref<!tpu.dma_semaphore, #tpu.memory_space<semaphore_mem>>) src(%dma_wait3A_202 : memref<80xi32, #tpu.memory_space<hbm>>) dst(%arg16 : memref<80xi32, #tpu.memory_space<vmem>>)
          %scan3A_203 = arith.constant 0 : i32
          %scan3A_204 = arith.constant 0 : i32
          %scan3A_205 = arith.constant 5 : i32
          %scan3A_206 = arith.addi %scan3A_204, %scan3A_205 : i32
          %scan3A_207 = arith.constant 1 : i32
          %scan3A_208 = scf.for %scan3A_216 = %scan3A_204 to %scan3A_206 step %scan3A_207 iter_args(%scan3A_217 = %scan3A_203) -> (i32)  : i32 {
            %mul3A_218 = arith.constant 16 : i32
            %mul3A_219 = arith.muli %scan3A_216, %mul3A_218 : i32
            %get3A_220 = arith.index_cast %mul3A_219 : i32 to index
            %get3A_221 = tpu.vector_load %arg10[%get3A_220] {strides = array<i32>} : memref<80xf32, #tpu.memory_space<vmem>>, vector<16xf32>,
            %convert_element_type3A_222 = arith.fptosi %get3A_221 : vector<16xf32> to vector<16xi32>
            %swap3A = arith.index_cast %mul3A_219 : i32 to index
            %swap3A_223 = tpu.vector_load %arg20[%swap3A] {strides = array<i32>} : memref<80xi32, #tpu.memory_space<vmem>>, vector<16xi32>,
            tpu.vector_store %arg20[%swap3A], %convert_element_type3A_222 {strides = array<i32>} : memref<80xi32, #tpu.memory_space<vmem>>, vector<16xi32>,
            %scan3A_224 = arith.constant 0 : i32
            scf.yield %scan3A_224 : i32
          }
          %scan3A_209 = arith.constant 5 : i32
          %dma_start3A_210 = arith.constant 0 : i32
          %dma_start3A_211 = arith.constant 0 : i32
          %dma_start3A_212 = tpu.memref_slice %arg2[%dma_start3A_210, %dma_start3A_211] : memref<10000x128xf32, #tpu.memory_space<hbm>> -> memref<10000x128xf32, #tpu.memory_space<hbm>>
          tpu.enqueue_indirect_dma source(%dma_start3A_212 : memref<10000x128xf32, #tpu.memory_space<hbm>>) target(%arg23 : memref<80x128xf32, #tpu.memory_space<vmem>>) offsets(%arg13 : memref<80xi32, #tpu.memory_space<vmem>>) semaphore(%arg30 : memref<!tpu.dma_semaphore, #tpu.memory_space<semaphore_mem>>)
          %dma_start3A_213 = arith.constant 0 : i32
          %dma_start3A_214 = arith.constant 0 : i32
          %dma_start3A_215 = tpu.memref_slice %arg7[%dma_start3A_213, %dma_start3A_214] : memref<8320x128xf32, #tpu.memory_space<hbm>> -> memref<8320x128xf32, #tpu.memory_space<hbm>>
          tpu.enqueue_indirect_dma source(%dma_start3A_215 : memref<8320x128xf32, #tpu.memory_space<hbm>>) target(%arg25 : memref<80x128xf32, #tpu.memory_space<vmem>>) offsets(%arg20 : memref<80xi32, #tpu.memory_space<vmem>>) semaphore(%arg30 : memref<!tpu.dma_semaphore, #tpu.memory_space<semaphore_mem>>)
        } else {
        }
        %add3A_189 = arith.constant 2 : i32
        %add3A_190 = arith.addi %add3A_135, %add3A_189 : i32
        %lt3A_191 = arith.cmpi slt, %add3A_190, %select_n3A : i32
        %convert_element_type3A_192 = arith.extui %lt3A_191 : i1 to i32
        %cond3A_193 = arith.constant 0 : i32
        %cond3A_194 = arith.cmpi ne, %convert_element_type3A_192, %cond3A_193 : i32
        scf.if %cond3A_194 {
          %add3A_195 = arith.constant 2 : i32
          %add3A_196 = arith.addi %add3A_135, %add3A_195 : i32
          %mul3A_197 = arith.constant 10112 : i32
          %mul3A_198 = arith.muli %add3A, %mul3A_197 : i32
          %mul3A_199 = arith.constant 80 : i32
          %mul3A_200 = arith.muli %add3A_196, %mul3A_199 : i32
          %add3A_201 = arith.addi %mul3A_198, %mul3A_200 : i32
          %dma_start3A_202 = tpu.memref_slice %arg5[%add3A_201] : memref<323584xf32, #tpu.memory_space<hbm>> -> memref<80xf32, #tpu.memory_space<hbm>>
          %dma_start3A_203 = tpu.memref_slice %arg5[%add3A_201] : memref<323584xf32, #tpu.memory_space<hbm>> -> memref<80xf32, #tpu.memory_space<hbm>>
          tpu.enqueue_dma source(%dma_start3A_203 : memref<80xf32, #tpu.memory_space<hbm>>) target(%arg11 : memref<80xf32, #tpu.memory_space<vmem>>) target_semaphore(%arg27 : memref<!tpu.dma_semaphore, #tpu.memory_space<semaphore_mem>>)
          %dma_start3A_204 = tpu.memref_slice %arg3[%add3A_201] : memref<323584xi32, #tpu.memory_space<hbm>> -> memref<80xi32, #tpu.memory_space<hbm>>
          %dma_start3A_205 = tpu.memref_slice %arg3[%add3A_201] : memref<323584xi32, #tpu.memory_space<hbm>> -> memref<80xi32, #tpu.memory_space<hbm>>
          tpu.enqueue_dma source(%dma_start3A_205 : memref<80xi32, #tpu.memory_space<hbm>>) target(%arg14 : memref<80xi32, #tpu.memory_space<vmem>>) target_semaphore(%arg27 : memref<!tpu.dma_semaphore, #tpu.memory_space<semaphore_mem>>)
          %dma_start3A_206 = tpu.memref_slice %arg4[%add3A_201] : memref<323584xi32, #tpu.memory_space<hbm>> -> memref<80xi32, #tpu.memory_space<hbm>>
          %dma_start3A_207 = tpu.memref_slice %arg4[%add3A_201] : memref<323584xi32, #tpu.memory_space<hbm>> -> memref<80xi32, #tpu.memory_space<hbm>>
          tpu.enqueue_dma source(%dma_start3A_207 : memref<80xi32, #tpu.memory_space<hbm>>) target(%arg17 : memref<80xi32, #tpu.memory_space<vmem>>) target_semaphore(%arg27 : memref<!tpu.dma_semaphore, #tpu.memory_space<semaphore_mem>>)
        } else {
        }
      } else {
      }
      %mul3A_140 = arith.constant 6 : i32
      %mul3A_141 = arith.muli %while3A_115, %mul3A_140 : i32
      %add3A_142 = arith.constant 3 : i32
      %add3A_143 = arith.addi %mul3A_141, %add3A_142 : i32
      %lt3A_144 = arith.cmpi slt, %add3A_143, %select_n3A : i32
      %convert_element_type3A_145 = arith.extui %lt3A_144 : i1 to i32
      %cond3A_146 = arith.constant 0 : i32
      %cond3A_147 = arith.cmpi ne, %convert_element_type3A_145, %cond3A_146 : i32
      scf.if %cond3A_147 {
        %dma_wait3A = arith.constant 0 : i32
        %dma_wait3A_165 = arith.constant 0 : i32
        %dma_wait3A_166 = tpu.memref_slice %arg2[%dma_wait3A, %dma_wait3A_165] : memref<10000x128xf32, #tpu.memory_space<hbm>> -> memref<10000x128xf32, #tpu.memory_space<hbm>>
        tpu.wait_indirect_dma semaphore(%arg30 : memref<!tpu.dma_semaphore, #tpu.memory_space<semaphore_mem>>) src(%dma_wait3A_166 : memref<10000x128xf32, #tpu.memory_space<hbm>>) dst(%arg23 : memref<80x128xf32, #tpu.memory_space<vmem>>)
        %dma_wait3A_167 = arith.constant 0 : i32
        %dma_wait3A_168 = arith.constant 0 : i32
        %dma_wait3A_169 = tpu.memref_slice %arg7[%dma_wait3A_167, %dma_wait3A_168] : memref<8320x128xf32, #tpu.memory_space<hbm>> -> memref<8320x128xf32, #tpu.memory_space<hbm>>
        tpu.wait_indirect_dma semaphore(%arg30 : memref<!tpu.dma_semaphore, #tpu.memory_space<semaphore_mem>>) src(%dma_wait3A_169 : memref<8320x128xf32, #tpu.memory_space<hbm>>) dst(%arg25 : memref<80x128xf32, #tpu.memory_space<vmem>>)
        %ge3A = arith.constant 1 : i32
        %ge3A_170 = arith.cmpi sge, %add3A_143, %ge3A : i32
        %convert_element_type3A_171 = arith.extui %ge3A_170 : i1 to i32
        %cond3A_172 = arith.constant 0 : i32
        %cond3A_173 = arith.cmpi ne, %convert_element_type3A_171, %cond3A_172 : i32
        scf.if %cond3A_173 {
          %dma_wait3A_195 = arith.constant 0 : i32
          %dma_wait3A_196 = arith.constant 0 : i32
          %dma_wait3A_197 = tpu.memref_slice %arg9[%dma_wait3A_195, %dma_wait3A_196] : memref<10000x128xf32, #tpu.memory_space<vmem_shared>> -> memref<10000x128xf32, #tpu.memory_space<vmem_shared>>
          tpu.wait_indirect_dma semaphore(%arg31 : memref<!tpu.dma_semaphore, #tpu.memory_space<semaphore_mem>>) src(%arg22 : memref<80x128xf32, #tpu.memory_space<vmem>>) dst(%dma_wait3A_197 : memref<10000x128xf32, #tpu.memory_space<vmem_shared>>)
        } else {
        }
        %scan3A_174 = arith.constant 0 : i32
        %scan3A_175 = arith.constant 0 : i32
        %scan3A_176 = arith.constant 80 : i32
        %scan3A_177 = arith.addi %scan3A_175, %scan3A_176 : i32
        %scan3A_178 = arith.constant 1 : i32
        %scan3A_179 = scf.for %scan3A_195 = %scan3A_175 to %scan3A_177 step %scan3A_178 iter_args(%scan3A_196 = %scan3A_174) -> (i32)  : i32 {
          %get3A_197 = arith.index_cast %scan3A_195 : i32 to index
          %get3A_198 = arith.constant 0 : index
          %get3A_199 = tpu.vector_load %arg23[%get3A_197, %get3A_198] {strides = array<i32>} : memref<80x128xf32, #tpu.memory_space<vmem>>, vector<16xf32>,
          %get3A_200 = arith.index_cast %scan3A_195 : i32 to index
          %get3A_201 = arith.constant 0 : index
          %get3A_202 = tpu.vector_load %arg25[%get3A_200, %get3A_201] {strides = array<i32>} : memref<80x128xf32, #tpu.memory_space<vmem>>, vector<16xf32>,
          %mul3A_203 = arith.mulf %get3A_199, %get3A_202 : vector<16xf32>
          %swap3A = arith.index_cast %scan3A_195 : i32 to index
          %swap3A_204 = arith.constant 0 : index
          %swap3A_205 = tpu.vector_load %arg23[%swap3A, %swap3A_204] {strides = array<i32>} : memref<80x128xf32, #tpu.memory_space<vmem>>, vector<16xf32>,
          tpu.vector_store %arg23[%swap3A, %swap3A_204], %mul3A_203 {strides = array<i32>} : memref<80x128xf32, #tpu.memory_space<vmem>>, vector<16xf32>,
          %get3A_206 = arith.index_cast %scan3A_195 : i32 to index
          %get3A_207 = arith.constant 16 : index
          %get3A_208 = tpu.vector_load %arg23[%get3A_206, %get3A_207] {strides = array<i32>} : memref<80x128xf32, #tpu.memory_space<vmem>>, vector<16xf32>,
          %get3A_209 = arith.index_cast %scan3A_195 : i32 to index
          %get3A_210 = arith.constant 16 : index
          %get3A_211 = tpu.vector_load %arg25[%get3A_209, %get3A_210] {strides = array<i32>} : memref<80x128xf32, #tpu.memory_space<vmem>>, vector<16xf32>,
          %mul3A_212 = arith.mulf %get3A_208, %get3A_211 : vector<16xf32>
          %swap3A_213 = arith.index_cast %scan3A_195 : i32 to index
          %swap3A_214 = arith.constant 16 : index
          %swap3A_215 = tpu.vector_load %arg23[%swap3A_213, %swap3A_214] {strides = array<i32>} : memref<80x128xf32, #tpu.memory_space<vmem>>, vector<16xf32>,
          tpu.vector_store %arg23[%swap3A_213, %swap3A_214], %mul3A_212 {strides = array<i32>} : memref<80x128xf32, #tpu.memory_space<vmem>>, vector<16xf32>,
          %get3A_216 = arith.index_cast %scan3A_195 : i32 to index
          %get3A_217 = arith.constant 32 : index
          %get3A_218 = tpu.vector_load %arg23[%get3A_216, %get3A_217] {strides = array<i32>} : memref<80x128xf32, #tpu.memory_space<vmem>>, vector<16xf32>,
          %get3A_219 = arith.index_cast %scan3A_195 : i32 to index
          %get3A_220 = arith.constant 32 : index
          %get3A_221 = tpu.vector_load %arg25[%get3A_219, %get3A_220] {strides = array<i32>} : memref<80x128xf32, #tpu.memory_space<vmem>>, vector<16xf32>,
          %mul3A_222 = arith.mulf %get3A_218, %get3A_221 : vector<16xf32>
          %swap3A_223 = arith.index_cast %scan3A_195 : i32 to index
          %swap3A_224 = arith.constant 32 : index
          %swap3A_225 = tpu.vector_load %arg23[%swap3A_223, %swap3A_224] {strides = array<i32>} : memref<80x128xf32, #tpu.memory_space<vmem>>, vector<16xf32>,
          tpu.vector_store %arg23[%swap3A_223, %swap3A_224], %mul3A_222 {strides = array<i32>} : memref<80x128xf32, #tpu.memory_space<vmem>>, vector<16xf32>,
          %get3A_226 = arith.index_cast %scan3A_195 : i32 to index
          %get3A_227 = arith.constant 48 : index
          %get3A_228 = tpu.vector_load %arg23[%get3A_226, %get3A_227] {strides = array<i32>} : memref<80x128xf32, #tpu.memory_space<vmem>>, vector<16xf32>,
          %get3A_229 = arith.index_cast %scan3A_195 : i32 to index
          %get3A_230 = arith.constant 48 : index
          %get3A_231 = tpu.vector_load %arg25[%get3A_229, %get3A_230] {strides = array<i32>} : memref<80x128xf32, #tpu.memory_space<vmem>>, vector<16xf32>,
          %mul3A_232 = arith.mulf %get3A_228, %get3A_231 : vector<16xf32>
          %swap3A_233 = arith.index_cast %scan3A_195 : i32 to index
          %swap3A_234 = arith.constant 48 : index
          %swap3A_235 = tpu.vector_load %arg23[%swap3A_233, %swap3A_234] {strides = array<i32>} : memref<80x128xf32, #tpu.memory_space<vmem>>, vector<16xf32>,
          tpu.vector_store %arg23[%swap3A_233, %swap3A_234], %mul3A_232 {strides = array<i32>} : memref<80x128xf32, #tpu.memory_space<vmem>>, vector<16xf32>,
          %get3A_236 = arith.index_cast %scan3A_195 : i32 to index
          %get3A_237 = arith.constant 64 : index
          %get3A_238 = tpu.vector_load %arg23[%get3A_236, %get3A_237] {strides = array<i32>} : memref<80x128xf32, #tpu.memory_space<vmem>>, vector<16xf32>,
          %get3A_239 = arith.index_cast %scan3A_195 : i32 to index
          %get3A_240 = arith.constant 64 : index
          %get3A_241 = tpu.vector_load %arg25[%get3A_239, %get3A_240] {strides = array<i32>} : memref<80x128xf32, #tpu.memory_space<vmem>>, vector<16xf32>,
          %mul3A_242 = arith.mulf %get3A_238, %get3A_241 : vector<16xf32>
          %swap3A_243 = arith.index_cast %scan3A_195 : i32 to index
          %swap3A_244 = arith.constant 64 : index
          %swap3A_245 = tpu.vector_load %arg23[%swap3A_243, %swap3A_244] {strides = array<i32>} : memref<80x128xf32, #tpu.memory_space<vmem>>, vector<16xf32>,
          tpu.vector_store %arg23[%swap3A_243, %swap3A_244], %mul3A_242 {strides = array<i32>} : memref<80x128xf32, #tpu.memory_space<vmem>>, vector<16xf32>,
          %get3A_246 = arith.index_cast %scan3A_195 : i32 to index
          %get3A_247 = arith.constant 80 : index
          %get3A_248 = tpu.vector_load %arg23[%get3A_246, %get3A_247] {strides = array<i32>} : memref<80x128xf32, #tpu.memory_space<vmem>>, vector<16xf32>,
          %get3A_249 = arith.index_cast %scan3A_195 : i32 to index
          %get3A_250 = arith.constant 80 : index
          %get3A_251 = tpu.vector_load %arg25[%get3A_249, %get3A_250] {strides = array<i32>} : memref<80x128xf32, #tpu.memory_space<vmem>>, vector<16xf32>,
          %mul3A_252 = arith.mulf %get3A_248, %get3A_251 : vector<16xf32>
          %swap3A_253 = arith.index_cast %scan3A_195 : i32 to index
          %swap3A_254 = arith.constant 80 : index
          %swap3A_255 = tpu.vector_load %arg23[%swap3A_253, %swap3A_254] {strides = array<i32>} : memref<80x128xf32, #tpu.memory_space<vmem>>, vector<16xf32>,
          tpu.vector_store %arg23[%swap3A_253, %swap3A_254], %mul3A_252 {strides = array<i32>} : memref<80x128xf32, #tpu.memory_space<vmem>>, vector<16xf32>,
          %get3A_256 = arith.index_cast %scan3A_195 : i32 to index
          %get3A_257 = arith.constant 96 : index
          %get3A_258 = tpu.vector_load %arg23[%get3A_256, %get3A_257] {strides = array<i32>} : memref<80x128xf32, #tpu.memory_space<vmem>>, vector<16xf32>,
          %get3A_259 = arith.index_cast %scan3A_195 : i32 to index
          %get3A_260 = arith.constant 96 : index
          %get3A_261 = tpu.vector_load %arg25[%get3A_259, %get3A_260] {strides = array<i32>} : memref<80x128xf32, #tpu.memory_space<vmem>>, vector<16xf32>,
          %mul3A_262 = arith.mulf %get3A_258, %get3A_261 : vector<16xf32>
          %swap3A_263 = arith.index_cast %scan3A_195 : i32 to index
          %swap3A_264 = arith.constant 96 : index
          %swap3A_265 = tpu.vector_load %arg23[%swap3A_263, %swap3A_264] {strides = array<i32>} : memref<80x128xf32, #tpu.memory_space<vmem>>, vector<16xf32>,
          tpu.vector_store %arg23[%swap3A_263, %swap3A_264], %mul3A_262 {strides = array<i32>} : memref<80x128xf32, #tpu.memory_space<vmem>>, vector<16xf32>,
          %get3A_266 = arith.index_cast %scan3A_195 : i32 to index
          %get3A_267 = arith.constant 112 : index
          %get3A_268 = tpu.vector_load %arg23[%get3A_266, %get3A_267] {strides = array<i32>} : memref<80x128xf32, #tpu.memory_space<vmem>>, vector<16xf32>,
          %get3A_269 = arith.index_cast %scan3A_195 : i32 to index
          %get3A_270 = arith.constant 112 : index
          %get3A_271 = tpu.vector_load %arg25[%get3A_269, %get3A_270] {strides = array<i32>} : memref<80x128xf32, #tpu.memory_space<vmem>>, vector<16xf32>,
          %mul3A_272 = arith.mulf %get3A_268, %get3A_271 : vector<16xf32>
          %swap3A_273 = arith.index_cast %scan3A_195 : i32 to index
          %swap3A_274 = arith.constant 112 : index
          %swap3A_275 = tpu.vector_load %arg23[%swap3A_273, %swap3A_274] {strides = array<i32>} : memref<80x128xf32, #tpu.memory_space<vmem>>, vector<16xf32>,
          tpu.vector_store %arg23[%swap3A_273, %swap3A_274], %mul3A_272 {strides = array<i32>} : memref<80x128xf32, #tpu.memory_space<vmem>>, vector<16xf32>,
          %scan3A_276 = arith.constant 0 : i32
          scf.yield %scan3A_276 : i32
        }
        %scan3A_180 = arith.constant 80 : i32
        %dma_start3A = arith.constant 0 : i32
        %dma_start3A_181 = arith.constant 0 : i32
        %dma_start3A_182 = tpu.memref_slice %arg9[%dma_start3A, %dma_start3A_181] : memref<10000x128xf32, #tpu.memory_space<vmem_shared>> -> memref<10000x128xf32, #tpu.memory_space<vmem_shared>>
        tpu.enqueue_indirect_dma source(%arg23 : memref<80x128xf32, #tpu.memory_space<vmem>>) target(%dma_start3A_182 : memref<10000x128xf32, #tpu.memory_space<vmem_shared>>) offsets(%arg16 : memref<80xi32, #tpu.memory_space<vmem>>) semaphore(%arg32 : memref<!tpu.dma_semaphore, #tpu.memory_space<semaphore_mem>>) {add = true}
        %add3A_183 = arith.constant 1 : i32
        %add3A_184 = arith.addi %add3A_143, %add3A_183 : i32
        %lt3A_185 = arith.cmpi slt, %add3A_184, %select_n3A : i32
        %convert_element_type3A_186 = arith.extui %lt3A_185 : i1 to i32
        %cond3A_187 = arith.constant 0 : i32
        %cond3A_188 = arith.cmpi ne, %convert_element_type3A_186, %cond3A_187 : i32
        scf.if %cond3A_188 {
          %mul3A_195 = arith.constant 10112 : i32
          %mul3A_196 = arith.muli %add3A, %mul3A_195 : i32
          %dma_wait3A_197 = tpu.memref_slice %arg5[%mul3A_196] : memref<323584xf32, #tpu.memory_space<hbm>> -> memref<80xf32, #tpu.memory_space<hbm>>
          %dma_wait3A_198 = tpu.memref_slice %arg5[%mul3A_196] : memref<323584xf32, #tpu.memory_space<hbm>> -> memref<80xf32, #tpu.memory_space<hbm>>
          tpu.wait_dma2 semaphore(%arg27 : memref<!tpu.dma_semaphore, #tpu.memory_space<semaphore_mem>>) src(%dma_wait3A_198 : memref<80xf32, #tpu.memory_space<hbm>>) dst(%arg11 : memref<80xf32, #tpu.memory_space<vmem>>)
          %dma_wait3A_199 = tpu.memref_slice %arg3[%mul3A_196] : memref<323584xi32, #tpu.memory_space<hbm>> -> memref<80xi32, #tpu.memory_space<hbm>>
          %dma_wait3A_200 = tpu.memref_slice %arg3[%mul3A_196] : memref<323584xi32, #tpu.memory_space<hbm>> -> memref<80xi32, #tpu.memory_space<hbm>>
          tpu.wait_dma2 semaphore(%arg27 : memref<!tpu.dma_semaphore, #tpu.memory_space<semaphore_mem>>) src(%dma_wait3A_200 : memref<80xi32, #tpu.memory_space<hbm>>) dst(%arg14 : memref<80xi32, #tpu.memory_space<vmem>>)
          %dma_wait3A_201 = tpu.memref_slice %arg4[%mul3A_196] : memref<323584xi32, #tpu.memory_space<hbm>> -> memref<80xi32, #tpu.memory_space<hbm>>
          %dma_wait3A_202 = tpu.memref_slice %arg4[%mul3A_196] : memref<323584xi32, #tpu.memory_space<hbm>> -> memref<80xi32, #tpu.memory_space<hbm>>
          tpu.wait_dma2 semaphore(%arg27 : memref<!tpu.dma_semaphore, #tpu.memory_space<semaphore_mem>>) src(%dma_wait3A_202 : memref<80xi32, #tpu.memory_space<hbm>>) dst(%arg17 : memref<80xi32, #tpu.memory_space<vmem>>)
          %scan3A_203 = arith.constant 0 : i32
          %scan3A_204 = arith.constant 0 : i32
          %scan3A_205 = arith.constant 5 : i32
          %scan3A_206 = arith.addi %scan3A_204, %scan3A_205 : i32
          %scan3A_207 = arith.constant 1 : i32
          %scan3A_208 = scf.for %scan3A_216 = %scan3A_204 to %scan3A_206 step %scan3A_207 iter_args(%scan3A_217 = %scan3A_203) -> (i32)  : i32 {
            %mul3A_218 = arith.constant 16 : i32
            %mul3A_219 = arith.muli %scan3A_216, %mul3A_218 : i32
            %get3A_220 = arith.index_cast %mul3A_219 : i32 to index
            %get3A_221 = tpu.vector_load %arg11[%get3A_220] {strides = array<i32>} : memref<80xf32, #tpu.memory_space<vmem>>, vector<16xf32>,
            %convert_element_type3A_222 = arith.fptosi %get3A_221 : vector<16xf32> to vector<16xi32>
            %swap3A = arith.index_cast %mul3A_219 : i32 to index
            %swap3A_223 = tpu.vector_load %arg19[%swap3A] {strides = array<i32>} : memref<80xi32, #tpu.memory_space<vmem>>, vector<16xi32>,
            tpu.vector_store %arg19[%swap3A], %convert_element_type3A_222 {strides = array<i32>} : memref<80xi32, #tpu.memory_space<vmem>>, vector<16xi32>,
            %scan3A_224 = arith.constant 0 : i32
            scf.yield %scan3A_224 : i32
          }
          %scan3A_209 = arith.constant 5 : i32
          %dma_start3A_210 = arith.constant 0 : i32
          %dma_start3A_211 = arith.constant 0 : i32
          %dma_start3A_212 = tpu.memref_slice %arg2[%dma_start3A_210, %dma_start3A_211] : memref<10000x128xf32, #tpu.memory_space<hbm>> -> memref<10000x128xf32, #tpu.memory_space<hbm>>
          tpu.enqueue_indirect_dma source(%dma_start3A_212 : memref<10000x128xf32, #tpu.memory_space<hbm>>) target(%arg22 : memref<80x128xf32, #tpu.memory_space<vmem>>) offsets(%arg14 : memref<80xi32, #tpu.memory_space<vmem>>) semaphore(%arg29 : memref<!tpu.dma_semaphore, #tpu.memory_space<semaphore_mem>>)
          %dma_start3A_213 = arith.constant 0 : i32
          %dma_start3A_214 = arith.constant 0 : i32
          %dma_start3A_215 = tpu.memref_slice %arg7[%dma_start3A_213, %dma_start3A_214] : memref<8320x128xf32, #tpu.memory_space<hbm>> -> memref<8320x128xf32, #tpu.memory_space<hbm>>
          tpu.enqueue_indirect_dma source(%dma_start3A_215 : memref<8320x128xf32, #tpu.memory_space<hbm>>) target(%arg24 : memref<80x128xf32, #tpu.memory_space<vmem>>) offsets(%arg19 : memref<80xi32, #tpu.memory_space<vmem>>) semaphore(%arg29 : memref<!tpu.dma_semaphore, #tpu.memory_space<semaphore_mem>>)
        } else {
        }
        %add3A_189 = arith.constant 2 : i32
        %add3A_190 = arith.addi %add3A_143, %add3A_189 : i32
        %lt3A_191 = arith.cmpi slt, %add3A_190, %select_n3A : i32
        %convert_element_type3A_192 = arith.extui %lt3A_191 : i1 to i32
        %cond3A_193 = arith.constant 0 : i32
        %cond3A_194 = arith.cmpi ne, %convert_element_type3A_192, %cond3A_193 : i32
        scf.if %cond3A_194 {
          %add3A_195 = arith.constant 2 : i32
          %add3A_196 = arith.addi %add3A_143, %add3A_195 : i32
          %mul3A_197 = arith.constant 10112 : i32
          %mul3A_198 = arith.muli %add3A, %mul3A_197 : i32
          %mul3A_199 = arith.constant 80 : i32
          %mul3A_200 = arith.muli %add3A_196, %mul3A_199 : i32
          %add3A_201 = arith.addi %mul3A_198, %mul3A_200 : i32
          %dma_start3A_202 = tpu.memref_slice %arg5[%add3A_201] : memref<323584xf32, #tpu.memory_space<hbm>> -> memref<80xf32, #tpu.memory_space<hbm>>
          %dma_start3A_203 = tpu.memref_slice %arg5[%add3A_201] : memref<323584xf32, #tpu.memory_space<hbm>> -> memref<80xf32, #tpu.memory_space<hbm>>
          tpu.enqueue_dma source(%dma_start3A_203 : memref<80xf32, #tpu.memory_space<hbm>>) target(%arg12 : memref<80xf32, #tpu.memory_space<vmem>>) target_semaphore(%arg28 : memref<!tpu.dma_semaphore, #tpu.memory_space<semaphore_mem>>)
          %dma_start3A_204 = tpu.memref_slice %arg3[%add3A_201] : memref<323584xi32, #tpu.memory_space<hbm>> -> memref<80xi32, #tpu.memory_space<hbm>>
          %dma_start3A_205 = tpu.memref_slice %arg3[%add3A_201] : memref<323584xi32, #tpu.memory_space<hbm>> -> memref<80xi32, #tpu.memory_space<hbm>>
          tpu.enqueue_dma source(%dma_start3A_205 : memref<80xi32, #tpu.memory_space<hbm>>) target(%arg15 : memref<80xi32, #tpu.memory_space<vmem>>) target_semaphore(%arg28 : memref<!tpu.dma_semaphore, #tpu.memory_space<semaphore_mem>>)
          %dma_start3A_206 = tpu.memref_slice %arg4[%add3A_201] : memref<323584xi32, #tpu.memory_space<hbm>> -> memref<80xi32, #tpu.memory_space<hbm>>
          %dma_start3A_207 = tpu.memref_slice %arg4[%add3A_201] : memref<323584xi32, #tpu.memory_space<hbm>> -> memref<80xi32, #tpu.memory_space<hbm>>
          tpu.enqueue_dma source(%dma_start3A_207 : memref<80xi32, #tpu.memory_space<hbm>>) target(%arg18 : memref<80xi32, #tpu.memory_space<vmem>>) target_semaphore(%arg28 : memref<!tpu.dma_semaphore, #tpu.memory_space<semaphore_mem>>)
        } else {
        }
      } else {
      }
      %mul3A_148 = arith.constant 6 : i32
      %mul3A_149 = arith.muli %while3A_115, %mul3A_148 : i32
      %add3A_150 = arith.constant 4 : i32
      %add3A_151 = arith.addi %mul3A_149, %add3A_150 : i32
      %lt3A_152 = arith.cmpi slt, %add3A_151, %select_n3A : i32
      %convert_element_type3A_153 = arith.extui %lt3A_152 : i1 to i32
      %cond3A_154 = arith.constant 0 : i32
      %cond3A_155 = arith.cmpi ne, %convert_element_type3A_153, %cond3A_154 : i32
      scf.if %cond3A_155 {
        %dma_wait3A = arith.constant 0 : i32
        %dma_wait3A_165 = arith.constant 0 : i32
        %dma_wait3A_166 = tpu.memref_slice %arg2[%dma_wait3A, %dma_wait3A_165] : memref<10000x128xf32, #tpu.memory_space<hbm>> -> memref<10000x128xf32, #tpu.memory_space<hbm>>
        tpu.wait_indirect_dma semaphore(%arg29 : memref<!tpu.dma_semaphore, #tpu.memory_space<semaphore_mem>>) src(%dma_wait3A_166 : memref<10000x128xf32, #tpu.memory_space<hbm>>) dst(%arg22 : memref<80x128xf32, #tpu.memory_space<vmem>>)
        %dma_wait3A_167 = arith.constant 0 : i32
        %dma_wait3A_168 = arith.constant 0 : i32
        %dma_wait3A_169 = tpu.memref_slice %arg7[%dma_wait3A_167, %dma_wait3A_168] : memref<8320x128xf32, #tpu.memory_space<hbm>> -> memref<8320x128xf32, #tpu.memory_space<hbm>>
        tpu.wait_indirect_dma semaphore(%arg29 : memref<!tpu.dma_semaphore, #tpu.memory_space<semaphore_mem>>) src(%dma_wait3A_169 : memref<8320x128xf32, #tpu.memory_space<hbm>>) dst(%arg24 : memref<80x128xf32, #tpu.memory_space<vmem>>)
        %ge3A = arith.constant 1 : i32
        %ge3A_170 = arith.cmpi sge, %add3A_151, %ge3A : i32
        %convert_element_type3A_171 = arith.extui %ge3A_170 : i1 to i32
        %cond3A_172 = arith.constant 0 : i32
        %cond3A_173 = arith.cmpi ne, %convert_element_type3A_171, %cond3A_172 : i32
        scf.if %cond3A_173 {
          %dma_wait3A_195 = arith.constant 0 : i32
          %dma_wait3A_196 = arith.constant 0 : i32
          %dma_wait3A_197 = tpu.memref_slice %arg9[%dma_wait3A_195, %dma_wait3A_196] : memref<10000x128xf32, #tpu.memory_space<vmem_shared>> -> memref<10000x128xf32, #tpu.memory_space<vmem_shared>>
          tpu.wait_indirect_dma semaphore(%arg32 : memref<!tpu.dma_semaphore, #tpu.memory_space<semaphore_mem>>) src(%arg23 : memref<80x128xf32, #tpu.memory_space<vmem>>) dst(%dma_wait3A_197 : memref<10000x128xf32, #tpu.memory_space<vmem_shared>>)
        } else {
        }
        %scan3A_174 = arith.constant 0 : i32
        %scan3A_175 = arith.constant 0 : i32
        %scan3A_176 = arith.constant 80 : i32
        %scan3A_177 = arith.addi %scan3A_175, %scan3A_176 : i32
        %scan3A_178 = arith.constant 1 : i32
        %scan3A_179 = scf.for %scan3A_195 = %scan3A_175 to %scan3A_177 step %scan3A_178 iter_args(%scan3A_196 = %scan3A_174) -> (i32)  : i32 {
          %get3A_197 = arith.index_cast %scan3A_195 : i32 to index
          %get3A_198 = arith.constant 0 : index
          %get3A_199 = tpu.vector_load %arg22[%get3A_197, %get3A_198] {strides = array<i32>} : memref<80x128xf32, #tpu.memory_space<vmem>>, vector<16xf32>,
          %get3A_200 = arith.index_cast %scan3A_195 : i32 to index
          %get3A_201 = arith.constant 0 : index
          %get3A_202 = tpu.vector_load %arg24[%get3A_200, %get3A_201] {strides = array<i32>} : memref<80x128xf32, #tpu.memory_space<vmem>>, vector<16xf32>,
          %mul3A_203 = arith.mulf %get3A_199, %get3A_202 : vector<16xf32>
          %swap3A = arith.index_cast %scan3A_195 : i32 to index
          %swap3A_204 = arith.constant 0 : index
          %swap3A_205 = tpu.vector_load %arg22[%swap3A, %swap3A_204] {strides = array<i32>} : memref<80x128xf32, #tpu.memory_space<vmem>>, vector<16xf32>,
          tpu.vector_store %arg22[%swap3A, %swap3A_204], %mul3A_203 {strides = array<i32>} : memref<80x128xf32, #tpu.memory_space<vmem>>, vector<16xf32>,
          %get3A_206 = arith.index_cast %scan3A_195 : i32 to index
          %get3A_207 = arith.constant 16 : index
          %get3A_208 = tpu.vector_load %arg22[%get3A_206, %get3A_207] {strides = array<i32>} : memref<80x128xf32, #tpu.memory_space<vmem>>, vector<16xf32>,
          %get3A_209 = arith.index_cast %scan3A_195 : i32 to index
          %get3A_210 = arith.constant 16 : index
          %get3A_211 = tpu.vector_load %arg24[%get3A_209, %get3A_210] {strides = array<i32>} : memref<80x128xf32, #tpu.memory_space<vmem>>, vector<16xf32>,
          %mul3A_212 = arith.mulf %get3A_208, %get3A_211 : vector<16xf32>
          %swap3A_213 = arith.index_cast %scan3A_195 : i32 to index
          %swap3A_214 = arith.constant 16 : index
          %swap3A_215 = tpu.vector_load %arg22[%swap3A_213, %swap3A_214] {strides = array<i32>} : memref<80x128xf32, #tpu.memory_space<vmem>>, vector<16xf32>,
          tpu.vector_store %arg22[%swap3A_213, %swap3A_214], %mul3A_212 {strides = array<i32>} : memref<80x128xf32, #tpu.memory_space<vmem>>, vector<16xf32>,
          %get3A_216 = arith.index_cast %scan3A_195 : i32 to index
          %get3A_217 = arith.constant 32 : index
          %get3A_218 = tpu.vector_load %arg22[%get3A_216, %get3A_217] {strides = array<i32>} : memref<80x128xf32, #tpu.memory_space<vmem>>, vector<16xf32>,
          %get3A_219 = arith.index_cast %scan3A_195 : i32 to index
          %get3A_220 = arith.constant 32 : index
          %get3A_221 = tpu.vector_load %arg24[%get3A_219, %get3A_220] {strides = array<i32>} : memref<80x128xf32, #tpu.memory_space<vmem>>, vector<16xf32>,
          %mul3A_222 = arith.mulf %get3A_218, %get3A_221 : vector<16xf32>
          %swap3A_223 = arith.index_cast %scan3A_195 : i32 to index
          %swap3A_224 = arith.constant 32 : index
          %swap3A_225 = tpu.vector_load %arg22[%swap3A_223, %swap3A_224] {strides = array<i32>} : memref<80x128xf32, #tpu.memory_space<vmem>>, vector<16xf32>,
          tpu.vector_store %arg22[%swap3A_223, %swap3A_224], %mul3A_222 {strides = array<i32>} : memref<80x128xf32, #tpu.memory_space<vmem>>, vector<16xf32>,
          %get3A_226 = arith.index_cast %scan3A_195 : i32 to index
          %get3A_227 = arith.constant 48 : index
          %get3A_228 = tpu.vector_load %arg22[%get3A_226, %get3A_227] {strides = array<i32>} : memref<80x128xf32, #tpu.memory_space<vmem>>, vector<16xf32>,
          %get3A_229 = arith.index_cast %scan3A_195 : i32 to index
          %get3A_230 = arith.constant 48 : index
          %get3A_231 = tpu.vector_load %arg24[%get3A_229, %get3A_230] {strides = array<i32>} : memref<80x128xf32, #tpu.memory_space<vmem>>, vector<16xf32>,
          %mul3A_232 = arith.mulf %get3A_228, %get3A_231 : vector<16xf32>
          %swap3A_233 = arith.index_cast %scan3A_195 : i32 to index
          %swap3A_234 = arith.constant 48 : index
          %swap3A_235 = tpu.vector_load %arg22[%swap3A_233, %swap3A_234] {strides = array<i32>} : memref<80x128xf32, #tpu.memory_space<vmem>>, vector<16xf32>,
          tpu.vector_store %arg22[%swap3A_233, %swap3A_234], %mul3A_232 {strides = array<i32>} : memref<80x128xf32, #tpu.memory_space<vmem>>, vector<16xf32>,
          %get3A_236 = arith.index_cast %scan3A_195 : i32 to index
          %get3A_237 = arith.constant 64 : index
          %get3A_238 = tpu.vector_load %arg22[%get3A_236, %get3A_237] {strides = array<i32>} : memref<80x128xf32, #tpu.memory_space<vmem>>, vector<16xf32>,
          %get3A_239 = arith.index_cast %scan3A_195 : i32 to index
          %get3A_240 = arith.constant 64 : index
          %get3A_241 = tpu.vector_load %arg24[%get3A_239, %get3A_240] {strides = array<i32>} : memref<80x128xf32, #tpu.memory_space<vmem>>, vector<16xf32>,
          %mul3A_242 = arith.mulf %get3A_238, %get3A_241 : vector<16xf32>
          %swap3A_243 = arith.index_cast %scan3A_195 : i32 to index
          %swap3A_244 = arith.constant 64 : index
          %swap3A_245 = tpu.vector_load %arg22[%swap3A_243, %swap3A_244] {strides = array<i32>} : memref<80x128xf32, #tpu.memory_space<vmem>>, vector<16xf32>,
          tpu.vector_store %arg22[%swap3A_243, %swap3A_244], %mul3A_242 {strides = array<i32>} : memref<80x128xf32, #tpu.memory_space<vmem>>, vector<16xf32>,
          %get3A_246 = arith.index_cast %scan3A_195 : i32 to index
          %get3A_247 = arith.constant 80 : index
          %get3A_248 = tpu.vector_load %arg22[%get3A_246, %get3A_247] {strides = array<i32>} : memref<80x128xf32, #tpu.memory_space<vmem>>, vector<16xf32>,
          %get3A_249 = arith.index_cast %scan3A_195 : i32 to index
          %get3A_250 = arith.constant 80 : index
          %get3A_251 = tpu.vector_load %arg24[%get3A_249, %get3A_250] {strides = array<i32>} : memref<80x128xf32, #tpu.memory_space<vmem>>, vector<16xf32>,
          %mul3A_252 = arith.mulf %get3A_248, %get3A_251 : vector<16xf32>
          %swap3A_253 = arith.index_cast %scan3A_195 : i32 to index
          %swap3A_254 = arith.constant 80 : index
          %swap3A_255 = tpu.vector_load %arg22[%swap3A_253, %swap3A_254] {strides = array<i32>} : memref<80x128xf32, #tpu.memory_space<vmem>>, vector<16xf32>,
          tpu.vector_store %arg22[%swap3A_253, %swap3A_254], %mul3A_252 {strides = array<i32>} : memref<80x128xf32, #tpu.memory_space<vmem>>, vector<16xf32>,
          %get3A_256 = arith.index_cast %scan3A_195 : i32 to index
          %get3A_257 = arith.constant 96 : index
          %get3A_258 = tpu.vector_load %arg22[%get3A_256, %get3A_257] {strides = array<i32>} : memref<80x128xf32, #tpu.memory_space<vmem>>, vector<16xf32>,
          %get3A_259 = arith.index_cast %scan3A_195 : i32 to index
          %get3A_260 = arith.constant 96 : index
          %get3A_261 = tpu.vector_load %arg24[%get3A_259, %get3A_260] {strides = array<i32>} : memref<80x128xf32, #tpu.memory_space<vmem>>, vector<16xf32>,
          %mul3A_262 = arith.mulf %get3A_258, %get3A_261 : vector<16xf32>
          %swap3A_263 = arith.index_cast %scan3A_195 : i32 to index
          %swap3A_264 = arith.constant 96 : index
          %swap3A_265 = tpu.vector_load %arg22[%swap3A_263, %swap3A_264] {strides = array<i32>} : memref<80x128xf32, #tpu.memory_space<vmem>>, vector<16xf32>,
          tpu.vector_store %arg22[%swap3A_263, %swap3A_264], %mul3A_262 {strides = array<i32>} : memref<80x128xf32, #tpu.memory_space<vmem>>, vector<16xf32>,
          %get3A_266 = arith.index_cast %scan3A_195 : i32 to index
          %get3A_267 = arith.constant 112 : index
          %get3A_268 = tpu.vector_load %arg22[%get3A_266, %get3A_267] {strides = array<i32>} : memref<80x128xf32, #tpu.memory_space<vmem>>, vector<16xf32>,
          %get3A_269 = arith.index_cast %scan3A_195 : i32 to index
          %get3A_270 = arith.constant 112 : index
          %get3A_271 = tpu.vector_load %arg24[%get3A_269, %get3A_270] {strides = array<i32>} : memref<80x128xf32, #tpu.memory_space<vmem>>, vector<16xf32>,
          %mul3A_272 = arith.mulf %get3A_268, %get3A_271 : vector<16xf32>
          %swap3A_273 = arith.index_cast %scan3A_195 : i32 to index
          %swap3A_274 = arith.constant 112 : index
          %swap3A_275 = tpu.vector_load %arg22[%swap3A_273, %swap3A_274] {strides = array<i32>} : memref<80x128xf32, #tpu.memory_space<vmem>>, vector<16xf32>,
          tpu.vector_store %arg22[%swap3A_273, %swap3A_274], %mul3A_272 {strides = array<i32>} : memref<80x128xf32, #tpu.memory_space<vmem>>, vector<16xf32>,
          %scan3A_276 = arith.constant 0 : i32
          scf.yield %scan3A_276 : i32
        }
        %scan3A_180 = arith.constant 80 : i32
        %dma_start3A = arith.constant 0 : i32
        %dma_start3A_181 = arith.constant 0 : i32
        %dma_start3A_182 = tpu.memref_slice %arg9[%dma_start3A, %dma_start3A_181] : memref<10000x128xf32, #tpu.memory_space<vmem_shared>> -> memref<10000x128xf32, #tpu.memory_space<vmem_shared>>
        tpu.enqueue_indirect_dma source(%arg22 : memref<80x128xf32, #tpu.memory_space<vmem>>) target(%dma_start3A_182 : memref<10000x128xf32, #tpu.memory_space<vmem_shared>>) offsets(%arg17 : memref<80xi32, #tpu.memory_space<vmem>>) semaphore(%arg31 : memref<!tpu.dma_semaphore, #tpu.memory_space<semaphore_mem>>) {add = true}
        %add3A_183 = arith.constant 1 : i32
        %add3A_184 = arith.addi %add3A_151, %add3A_183 : i32
        %lt3A_185 = arith.cmpi slt, %add3A_184, %select_n3A : i32
        %convert_element_type3A_186 = arith.extui %lt3A_185 : i1 to i32
        %cond3A_187 = arith.constant 0 : i32
        %cond3A_188 = arith.cmpi ne, %convert_element_type3A_186, %cond3A_187 : i32
        scf.if %cond3A_188 {
          %mul3A_195 = arith.constant 10112 : i32
          %mul3A_196 = arith.muli %add3A, %mul3A_195 : i32
          %dma_wait3A_197 = tpu.memref_slice %arg5[%mul3A_196] : memref<323584xf32, #tpu.memory_space<hbm>> -> memref<80xf32, #tpu.memory_space<hbm>>
          %dma_wait3A_198 = tpu.memref_slice %arg5[%mul3A_196] : memref<323584xf32, #tpu.memory_space<hbm>> -> memref<80xf32, #tpu.memory_space<hbm>>
          tpu.wait_dma2 semaphore(%arg28 : memref<!tpu.dma_semaphore, #tpu.memory_space<semaphore_mem>>) src(%dma_wait3A_198 : memref<80xf32, #tpu.memory_space<hbm>>) dst(%arg12 : memref<80xf32, #tpu.memory_space<vmem>>)
          %dma_wait3A_199 = tpu.memref_slice %arg3[%mul3A_196] : memref<323584xi32, #tpu.memory_space<hbm>> -> memref<80xi32, #tpu.memory_space<hbm>>
          %dma_wait3A_200 = tpu.memref_slice %arg3[%mul3A_196] : memref<323584xi32, #tpu.memory_space<hbm>> -> memref<80xi32, #tpu.memory_space<hbm>>
          tpu.wait_dma2 semaphore(%arg28 : memref<!tpu.dma_semaphore, #tpu.memory_space<semaphore_mem>>) src(%dma_wait3A_200 : memref<80xi32, #tpu.memory_space<hbm>>) dst(%arg15 : memref<80xi32, #tpu.memory_space<vmem>>)
          %dma_wait3A_201 = tpu.memref_slice %arg4[%mul3A_196] : memref<323584xi32, #tpu.memory_space<hbm>> -> memref<80xi32, #tpu.memory_space<hbm>>
          %dma_wait3A_202 = tpu.memref_slice %arg4[%mul3A_196] : memref<323584xi32, #tpu.memory_space<hbm>> -> memref<80xi32, #tpu.memory_space<hbm>>
          tpu.wait_dma2 semaphore(%arg28 : memref<!tpu.dma_semaphore, #tpu.memory_space<semaphore_mem>>) src(%dma_wait3A_202 : memref<80xi32, #tpu.memory_space<hbm>>) dst(%arg18 : memref<80xi32, #tpu.memory_space<vmem>>)
          %scan3A_203 = arith.constant 0 : i32
          %scan3A_204 = arith.constant 0 : i32
          %scan3A_205 = arith.constant 5 : i32
          %scan3A_206 = arith.addi %scan3A_204, %scan3A_205 : i32
          %scan3A_207 = arith.constant 1 : i32
          %scan3A_208 = scf.for %scan3A_216 = %scan3A_204 to %scan3A_206 step %scan3A_207 iter_args(%scan3A_217 = %scan3A_203) -> (i32)  : i32 {
            %mul3A_218 = arith.constant 16 : i32
            %mul3A_219 = arith.muli %scan3A_216, %mul3A_218 : i32
            %get3A_220 = arith.index_cast %mul3A_219 : i32 to index
            %get3A_221 = tpu.vector_load %arg12[%get3A_220] {strides = array<i32>} : memref<80xf32, #tpu.memory_space<vmem>>, vector<16xf32>,
            %convert_element_type3A_222 = arith.fptosi %get3A_221 : vector<16xf32> to vector<16xi32>
            %swap3A = arith.index_cast %mul3A_219 : i32 to index
            %swap3A_223 = tpu.vector_load %arg20[%swap3A] {strides = array<i32>} : memref<80xi32, #tpu.memory_space<vmem>>, vector<16xi32>,
            tpu.vector_store %arg20[%swap3A], %convert_element_type3A_222 {strides = array<i32>} : memref<80xi32, #tpu.memory_space<vmem>>, vector<16xi32>,
            %scan3A_224 = arith.constant 0 : i32
            scf.yield %scan3A_224 : i32
          }
          %scan3A_209 = arith.constant 5 : i32
          %dma_start3A_210 = arith.constant 0 : i32
          %dma_start3A_211 = arith.constant 0 : i32
          %dma_start3A_212 = tpu.memref_slice %arg2[%dma_start3A_210, %dma_start3A_211] : memref<10000x128xf32, #tpu.memory_space<hbm>> -> memref<10000x128xf32, #tpu.memory_space<hbm>>
          tpu.enqueue_indirect_dma source(%dma_start3A_212 : memref<10000x128xf32, #tpu.memory_space<hbm>>) target(%arg23 : memref<80x128xf32, #tpu.memory_space<vmem>>) offsets(%arg15 : memref<80xi32, #tpu.memory_space<vmem>>) semaphore(%arg30 : memref<!tpu.dma_semaphore, #tpu.memory_space<semaphore_mem>>)
          %dma_start3A_213 = arith.constant 0 : i32
          %dma_start3A_214 = arith.constant 0 : i32
          %dma_start3A_215 = tpu.memref_slice %arg7[%dma_start3A_213, %dma_start3A_214] : memref<8320x128xf32, #tpu.memory_space<hbm>> -> memref<8320x128xf32, #tpu.memory_space<hbm>>
          tpu.enqueue_indirect_dma source(%dma_start3A_215 : memref<8320x128xf32, #tpu.memory_space<hbm>>) target(%arg25 : memref<80x128xf32, #tpu.memory_space<vmem>>) offsets(%arg20 : memref<80xi32, #tpu.memory_space<vmem>>) semaphore(%arg30 : memref<!tpu.dma_semaphore, #tpu.memory_space<semaphore_mem>>)
        } else {
        }
        %add3A_189 = arith.constant 2 : i32
        %add3A_190 = arith.addi %add3A_151, %add3A_189 : i32
        %lt3A_191 = arith.cmpi slt, %add3A_190, %select_n3A : i32
        %convert_element_type3A_192 = arith.extui %lt3A_191 : i1 to i32
        %cond3A_193 = arith.constant 0 : i32
        %cond3A_194 = arith.cmpi ne, %convert_element_type3A_192, %cond3A_193 : i32
        scf.if %cond3A_194 {
          %add3A_195 = arith.constant 2 : i32
          %add3A_196 = arith.addi %add3A_151, %add3A_195 : i32
          %mul3A_197 = arith.constant 10112 : i32
          %mul3A_198 = arith.muli %add3A, %mul3A_197 : i32
          %mul3A_199 = arith.constant 80 : i32
          %mul3A_200 = arith.muli %add3A_196, %mul3A_199 : i32
          %add3A_201 = arith.addi %mul3A_198, %mul3A_200 : i32
          %dma_start3A_202 = tpu.memref_slice %arg5[%add3A_201] : memref<323584xf32, #tpu.memory_space<hbm>> -> memref<80xf32, #tpu.memory_space<hbm>>
          %dma_start3A_203 = tpu.memref_slice %arg5[%add3A_201] : memref<323584xf32, #tpu.memory_space<hbm>> -> memref<80xf32, #tpu.memory_space<hbm>>
          tpu.enqueue_dma source(%dma_start3A_203 : memref<80xf32, #tpu.memory_space<hbm>>) target(%arg10 : memref<80xf32, #tpu.memory_space<vmem>>) target_semaphore(%arg26 : memref<!tpu.dma_semaphore, #tpu.memory_space<semaphore_mem>>)
          %dma_start3A_204 = tpu.memref_slice %arg3[%add3A_201] : memref<323584xi32, #tpu.memory_space<hbm>> -> memref<80xi32, #tpu.memory_space<hbm>>
          %dma_start3A_205 = tpu.memref_slice %arg3[%add3A_201] : memref<323584xi32, #tpu.memory_space<hbm>> -> memref<80xi32, #tpu.memory_space<hbm>>
          tpu.enqueue_dma source(%dma_start3A_205 : memref<80xi32, #tpu.memory_space<hbm>>) target(%arg13 : memref<80xi32, #tpu.memory_space<vmem>>) target_semaphore(%arg26 : memref<!tpu.dma_semaphore, #tpu.memory_space<semaphore_mem>>)
          %dma_start3A_206 = tpu.memref_slice %arg4[%add3A_201] : memref<323584xi32, #tpu.memory_space<hbm>> -> memref<80xi32, #tpu.memory_space<hbm>>
          %dma_start3A_207 = tpu.memref_slice %arg4[%add3A_201] : memref<323584xi32, #tpu.memory_space<hbm>> -> memref<80xi32, #tpu.memory_space<hbm>>
          tpu.enqueue_dma source(%dma_start3A_207 : memref<80xi32, #tpu.memory_space<hbm>>) target(%arg16 : memref<80xi32, #tpu.memory_space<vmem>>) target_semaphore(%arg26 : memref<!tpu.dma_semaphore, #tpu.memory_space<semaphore_mem>>)
        } else {
        }
      } else {
      }
      %mul3A_156 = arith.constant 6 : i32
      %mul3A_157 = arith.muli %while3A_115, %mul3A_156 : i32
      %add3A_158 = arith.constant 5 : i32
      %add3A_159 = arith.addi %mul3A_157, %add3A_158 : i32
      %lt3A_160 = arith.cmpi slt, %add3A_159, %select_n3A : i32
      %convert_element_type3A_161 = arith.extui %lt3A_160 : i1 to i32
      %cond3A_162 = arith.constant 0 : i32
      %cond3A_163 = arith.cmpi ne, %convert_element_type3A_161, %cond3A_162 : i32
      scf.if %cond3A_163 {
        %dma_wait3A = arith.constant 0 : i32
        %dma_wait3A_165 = arith.constant 0 : i32
        %dma_wait3A_166 = tpu.memref_slice %arg2[%dma_wait3A, %dma_wait3A_165] : memref<10000x128xf32, #tpu.memory_space<hbm>> -> memref<10000x128xf32, #tpu.memory_space<hbm>>
        tpu.wait_indirect_dma semaphore(%arg30 : memref<!tpu.dma_semaphore, #tpu.memory_space<semaphore_mem>>) src(%dma_wait3A_166 : memref<10000x128xf32, #tpu.memory_space<hbm>>) dst(%arg23 : memref<80x128xf32, #tpu.memory_space<vmem>>)
        %dma_wait3A_167 = arith.constant 0 : i32
        %dma_wait3A_168 = arith.constant 0 : i32
        %dma_wait3A_169 = tpu.memref_slice %arg7[%dma_wait3A_167, %dma_wait3A_168] : memref<8320x128xf32, #tpu.memory_space<hbm>> -> memref<8320x128xf32, #tpu.memory_space<hbm>>
        tpu.wait_indirect_dma semaphore(%arg30 : memref<!tpu.dma_semaphore, #tpu.memory_space<semaphore_mem>>) src(%dma_wait3A_169 : memref<8320x128xf32, #tpu.memory_space<hbm>>) dst(%arg25 : memref<80x128xf32, #tpu.memory_space<vmem>>)
        %ge3A = arith.constant 1 : i32
        %ge3A_170 = arith.cmpi sge, %add3A_159, %ge3A : i32
        %convert_element_type3A_171 = arith.extui %ge3A_170 : i1 to i32
        %cond3A_172 = arith.constant 0 : i32
        %cond3A_173 = arith.cmpi ne, %convert_element_type3A_171, %cond3A_172 : i32
        scf.if %cond3A_173 {
          %dma_wait3A_195 = arith.constant 0 : i32
          %dma_wait3A_196 = arith.constant 0 : i32
          %dma_wait3A_197 = tpu.memref_slice %arg9[%dma_wait3A_195, %dma_wait3A_196] : memref<10000x128xf32, #tpu.memory_space<vmem_shared>> -> memref<10000x128xf32, #tpu.memory_space<vmem_shared>>
          tpu.wait_indirect_dma semaphore(%arg31 : memref<!tpu.dma_semaphore, #tpu.memory_space<semaphore_mem>>) src(%arg22 : memref<80x128xf32, #tpu.memory_space<vmem>>) dst(%dma_wait3A_197 : memref<10000x128xf32, #tpu.memory_space<vmem_shared>>)
        } else {
        }
        %scan3A_174 = arith.constant 0 : i32
        %scan3A_175 = arith.constant 0 : i32
        %scan3A_176 = arith.constant 80 : i32
        %scan3A_177 = arith.addi %scan3A_175, %scan3A_176 : i32
        %scan3A_178 = arith.constant 1 : i32
        %scan3A_179 = scf.for %scan3A_195 = %scan3A_175 to %scan3A_177 step %scan3A_178 iter_args(%scan3A_196 = %scan3A_174) -> (i32)  : i32 {
          %get3A_197 = arith.index_cast %scan3A_195 : i32 to index
          %get3A_198 = arith.constant 0 : index
          %get3A_199 = tpu.vector_load %arg23[%get3A_197, %get3A_198] {strides = array<i32>} : memref<80x128xf32, #tpu.memory_space<vmem>>, vector<16xf32>,
          %get3A_200 = arith.index_cast %scan3A_195 : i32 to index
          %get3A_201 = arith.constant 0 : index
          %get3A_202 = tpu.vector_load %arg25[%get3A_200, %get3A_201] {strides = array<i32>} : memref<80x128xf32, #tpu.memory_space<vmem>>, vector<16xf32>,
          %mul3A_203 = arith.mulf %get3A_199, %get3A_202 : vector<16xf32>
          %swap3A = arith.index_cast %scan3A_195 : i32 to index
          %swap3A_204 = arith.constant 0 : index
          %swap3A_205 = tpu.vector_load %arg23[%swap3A, %swap3A_204] {strides = array<i32>} : memref<80x128xf32, #tpu.memory_space<vmem>>, vector<16xf32>,
          tpu.vector_store %arg23[%swap3A, %swap3A_204], %mul3A_203 {strides = array<i32>} : memref<80x128xf32, #tpu.memory_space<vmem>>, vector<16xf32>,
          %get3A_206 = arith.index_cast %scan3A_195 : i32 to index
          %get3A_207 = arith.constant 16 : index
          %get3A_208 = tpu.vector_load %arg23[%get3A_206, %get3A_207] {strides = array<i32>} : memref<80x128xf32, #tpu.memory_space<vmem>>, vector<16xf32>,
          %get3A_209 = arith.index_cast %scan3A_195 : i32 to index
          %get3A_210 = arith.constant 16 : index
          %get3A_211 = tpu.vector_load %arg25[%get3A_209, %get3A_210] {strides = array<i32>} : memref<80x128xf32, #tpu.memory_space<vmem>>, vector<16xf32>,
          %mul3A_212 = arith.mulf %get3A_208, %get3A_211 : vector<16xf32>
          %swap3A_213 = arith.index_cast %scan3A_195 : i32 to index
          %swap3A_214 = arith.constant 16 : index
          %swap3A_215 = tpu.vector_load %arg23[%swap3A_213, %swap3A_214] {strides = array<i32>} : memref<80x128xf32, #tpu.memory_space<vmem>>, vector<16xf32>,
          tpu.vector_store %arg23[%swap3A_213, %swap3A_214], %mul3A_212 {strides = array<i32>} : memref<80x128xf32, #tpu.memory_space<vmem>>, vector<16xf32>,
          %get3A_216 = arith.index_cast %scan3A_195 : i32 to index
          %get3A_217 = arith.constant 32 : index
          %get3A_218 = tpu.vector_load %arg23[%get3A_216, %get3A_217] {strides = array<i32>} : memref<80x128xf32, #tpu.memory_space<vmem>>, vector<16xf32>,
          %get3A_219 = arith.index_cast %scan3A_195 : i32 to index
          %get3A_220 = arith.constant 32 : index
          %get3A_221 = tpu.vector_load %arg25[%get3A_219, %get3A_220] {strides = array<i32>} : memref<80x128xf32, #tpu.memory_space<vmem>>, vector<16xf32>,
          %mul3A_222 = arith.mulf %get3A_218, %get3A_221 : vector<16xf32>
          %swap3A_223 = arith.index_cast %scan3A_195 : i32 to index
          %swap3A_224 = arith.constant 32 : index
          %swap3A_225 = tpu.vector_load %arg23[%swap3A_223, %swap3A_224] {strides = array<i32>} : memref<80x128xf32, #tpu.memory_space<vmem>>, vector<16xf32>,
          tpu.vector_store %arg23[%swap3A_223, %swap3A_224], %mul3A_222 {strides = array<i32>} : memref<80x128xf32, #tpu.memory_space<vmem>>, vector<16xf32>,
          %get3A_226 = arith.index_cast %scan3A_195 : i32 to index
          %get3A_227 = arith.constant 48 : index
          %get3A_228 = tpu.vector_load %arg23[%get3A_226, %get3A_227] {strides = array<i32>} : memref<80x128xf32, #tpu.memory_space<vmem>>, vector<16xf32>,
          %get3A_229 = arith.index_cast %scan3A_195 : i32 to index
          %get3A_230 = arith.constant 48 : index
          %get3A_231 = tpu.vector_load %arg25[%get3A_229, %get3A_230] {strides = array<i32>} : memref<80x128xf32, #tpu.memory_space<vmem>>, vector<16xf32>,
          %mul3A_232 = arith.mulf %get3A_228, %get3A_231 : vector<16xf32>
          %swap3A_233 = arith.index_cast %scan3A_195 : i32 to index
          %swap3A_234 = arith.constant 48 : index
          %swap3A_235 = tpu.vector_load %arg23[%swap3A_233, %swap3A_234] {strides = array<i32>} : memref<80x128xf32, #tpu.memory_space<vmem>>, vector<16xf32>,
          tpu.vector_store %arg23[%swap3A_233, %swap3A_234], %mul3A_232 {strides = array<i32>} : memref<80x128xf32, #tpu.memory_space<vmem>>, vector<16xf32>,
          %get3A_236 = arith.index_cast %scan3A_195 : i32 to index
          %get3A_237 = arith.constant 64 : index
          %get3A_238 = tpu.vector_load %arg23[%get3A_236, %get3A_237] {strides = array<i32>} : memref<80x128xf32, #tpu.memory_space<vmem>>, vector<16xf32>,
          %get3A_239 = arith.index_cast %scan3A_195 : i32 to index
          %get3A_240 = arith.constant 64 : index
          %get3A_241 = tpu.vector_load %arg25[%get3A_239, %get3A_240] {strides = array<i32>} : memref<80x128xf32, #tpu.memory_space<vmem>>, vector<16xf32>,
          %mul3A_242 = arith.mulf %get3A_238, %get3A_241 : vector<16xf32>
          %swap3A_243 = arith.index_cast %scan3A_195 : i32 to index
          %swap3A_244 = arith.constant 64 : index
          %swap3A_245 = tpu.vector_load %arg23[%swap3A_243, %swap3A_244] {strides = array<i32>} : memref<80x128xf32, #tpu.memory_space<vmem>>, vector<16xf32>,
          tpu.vector_store %arg23[%swap3A_243, %swap3A_244], %mul3A_242 {strides = array<i32>} : memref<80x128xf32, #tpu.memory_space<vmem>>, vector<16xf32>,
          %get3A_246 = arith.index_cast %scan3A_195 : i32 to index
          %get3A_247 = arith.constant 80 : index
          %get3A_248 = tpu.vector_load %arg23[%get3A_246, %get3A_247] {strides = array<i32>} : memref<80x128xf32, #tpu.memory_space<vmem>>, vector<16xf32>,
          %get3A_249 = arith.index_cast %scan3A_195 : i32 to index
          %get3A_250 = arith.constant 80 : index
          %get3A_251 = tpu.vector_load %arg25[%get3A_249, %get3A_250] {strides = array<i32>} : memref<80x128xf32, #tpu.memory_space<vmem>>, vector<16xf32>,
          %mul3A_252 = arith.mulf %get3A_248, %get3A_251 : vector<16xf32>
          %swap3A_253 = arith.index_cast %scan3A_195 : i32 to index
          %swap3A_254 = arith.constant 80 : index
          %swap3A_255 = tpu.vector_load %arg23[%swap3A_253, %swap3A_254] {strides = array<i32>} : memref<80x128xf32, #tpu.memory_space<vmem>>, vector<16xf32>,
          tpu.vector_store %arg23[%swap3A_253, %swap3A_254], %mul3A_252 {strides = array<i32>} : memref<80x128xf32, #tpu.memory_space<vmem>>, vector<16xf32>,
          %get3A_256 = arith.index_cast %scan3A_195 : i32 to index
          %get3A_257 = arith.constant 96 : index
          %get3A_258 = tpu.vector_load %arg23[%get3A_256, %get3A_257] {strides = array<i32>} : memref<80x128xf32, #tpu.memory_space<vmem>>, vector<16xf32>,
          %get3A_259 = arith.index_cast %scan3A_195 : i32 to index
          %get3A_260 = arith.constant 96 : index
          %get3A_261 = tpu.vector_load %arg25[%get3A_259, %get3A_260] {strides = array<i32>} : memref<80x128xf32, #tpu.memory_space<vmem>>, vector<16xf32>,
          %mul3A_262 = arith.mulf %get3A_258, %get3A_261 : vector<16xf32>
          %swap3A_263 = arith.index_cast %scan3A_195 : i32 to index
          %swap3A_264 = arith.constant 96 : index
          %swap3A_265 = tpu.vector_load %arg23[%swap3A_263, %swap3A_264] {strides = array<i32>} : memref<80x128xf32, #tpu.memory_space<vmem>>, vector<16xf32>,
          tpu.vector_store %arg23[%swap3A_263, %swap3A_264], %mul3A_262 {strides = array<i32>} : memref<80x128xf32, #tpu.memory_space<vmem>>, vector<16xf32>,
          %get3A_266 = arith.index_cast %scan3A_195 : i32 to index
          %get3A_267 = arith.constant 112 : index
          %get3A_268 = tpu.vector_load %arg23[%get3A_266, %get3A_267] {strides = array<i32>} : memref<80x128xf32, #tpu.memory_space<vmem>>, vector<16xf32>,
          %get3A_269 = arith.index_cast %scan3A_195 : i32 to index
          %get3A_270 = arith.constant 112 : index
          %get3A_271 = tpu.vector_load %arg25[%get3A_269, %get3A_270] {strides = array<i32>} : memref<80x128xf32, #tpu.memory_space<vmem>>, vector<16xf32>,
          %mul3A_272 = arith.mulf %get3A_268, %get3A_271 : vector<16xf32>
          %swap3A_273 = arith.index_cast %scan3A_195 : i32 to index
          %swap3A_274 = arith.constant 112 : index
          %swap3A_275 = tpu.vector_load %arg23[%swap3A_273, %swap3A_274] {strides = array<i32>} : memref<80x128xf32, #tpu.memory_space<vmem>>, vector<16xf32>,
          tpu.vector_store %arg23[%swap3A_273, %swap3A_274], %mul3A_272 {strides = array<i32>} : memref<80x128xf32, #tpu.memory_space<vmem>>, vector<16xf32>,
          %scan3A_276 = arith.constant 0 : i32
          scf.yield %scan3A_276 : i32
        }
        %scan3A_180 = arith.constant 80 : i32
        %dma_start3A = arith.constant 0 : i32
        %dma_start3A_181 = arith.constant 0 : i32
        %dma_start3A_182 = tpu.memref_slice %arg9[%dma_start3A, %dma_start3A_181] : memref<10000x128xf32, #tpu.memory_space<vmem_shared>> -> memref<10000x128xf32, #tpu.memory_space<vmem_shared>>
        tpu.enqueue_indirect_dma source(%arg23 : memref<80x128xf32, #tpu.memory_space<vmem>>) target(%dma_start3A_182 : memref<10000x128xf32, #tpu.memory_space<vmem_shared>>) offsets(%arg18 : memref<80xi32, #tpu.memory_space<vmem>>) semaphore(%arg32 : memref<!tpu.dma_semaphore, #tpu.memory_space<semaphore_mem>>) {add = true}
        %add3A_183 = arith.constant 1 : i32
        %add3A_184 = arith.addi %add3A_159, %add3A_183 : i32
        %lt3A_185 = arith.cmpi slt, %add3A_184, %select_n3A : i32
        %convert_element_type3A_186 = arith.extui %lt3A_185 : i1 to i32
        %cond3A_187 = arith.constant 0 : i32
        %cond3A_188 = arith.cmpi ne, %convert_element_type3A_186, %cond3A_187 : i32
        scf.if %cond3A_188 {
          %mul3A_195 = arith.constant 10112 : i32
          %mul3A_196 = arith.muli %add3A, %mul3A_195 : i32
          %dma_wait3A_197 = tpu.memref_slice %arg5[%mul3A_196] : memref<323584xf32, #tpu.memory_space<hbm>> -> memref<80xf32, #tpu.memory_space<hbm>>
          %dma_wait3A_198 = tpu.memref_slice %arg5[%mul3A_196] : memref<323584xf32, #tpu.memory_space<hbm>> -> memref<80xf32, #tpu.memory_space<hbm>>
          tpu.wait_dma2 semaphore(%arg26 : memref<!tpu.dma_semaphore, #tpu.memory_space<semaphore_mem>>) src(%dma_wait3A_198 : memref<80xf32, #tpu.memory_space<hbm>>) dst(%arg10 : memref<80xf32, #tpu.memory_space<vmem>>)
          %dma_wait3A_199 = tpu.memref_slice %arg3[%mul3A_196] : memref<323584xi32, #tpu.memory_space<hbm>> -> memref<80xi32, #tpu.memory_space<hbm>>
          %dma_wait3A_200 = tpu.memref_slice %arg3[%mul3A_196] : memref<323584xi32, #tpu.memory_space<hbm>> -> memref<80xi32, #tpu.memory_space<hbm>>
          tpu.wait_dma2 semaphore(%arg26 : memref<!tpu.dma_semaphore, #tpu.memory_space<semaphore_mem>>) src(%dma_wait3A_200 : memref<80xi32, #tpu.memory_space<hbm>>) dst(%arg13 : memref<80xi32, #tpu.memory_space<vmem>>)
          %dma_wait3A_201 = tpu.memref_slice %arg4[%mul3A_196] : memref<323584xi32, #tpu.memory_space<hbm>> -> memref<80xi32, #tpu.memory_space<hbm>>
          %dma_wait3A_202 = tpu.memref_slice %arg4[%mul3A_196] : memref<323584xi32, #tpu.memory_space<hbm>> -> memref<80xi32, #tpu.memory_space<hbm>>
          tpu.wait_dma2 semaphore(%arg26 : memref<!tpu.dma_semaphore, #tpu.memory_space<semaphore_mem>>) src(%dma_wait3A_202 : memref<80xi32, #tpu.memory_space<hbm>>) dst(%arg16 : memref<80xi32, #tpu.memory_space<vmem>>)
          %scan3A_203 = arith.constant 0 : i32
          %scan3A_204 = arith.constant 0 : i32
          %scan3A_205 = arith.constant 5 : i32
          %scan3A_206 = arith.addi %scan3A_204, %scan3A_205 : i32
          %scan3A_207 = arith.constant 1 : i32
          %scan3A_208 = scf.for %scan3A_216 = %scan3A_204 to %scan3A_206 step %scan3A_207 iter_args(%scan3A_217 = %scan3A_203) -> (i32)  : i32 {
            %mul3A_218 = arith.constant 16 : i32
            %mul3A_219 = arith.muli %scan3A_216, %mul3A_218 : i32
            %get3A_220 = arith.index_cast %mul3A_219 : i32 to index
            %get3A_221 = tpu.vector_load %arg10[%get3A_220] {strides = array<i32>} : memref<80xf32, #tpu.memory_space<vmem>>, vector<16xf32>,
            %convert_element_type3A_222 = arith.fptosi %get3A_221 : vector<16xf32> to vector<16xi32>
            %swap3A = arith.index_cast %mul3A_219 : i32 to index
            %swap3A_223 = tpu.vector_load %arg19[%swap3A] {strides = array<i32>} : memref<80xi32, #tpu.memory_space<vmem>>, vector<16xi32>,
            tpu.vector_store %arg19[%swap3A], %convert_element_type3A_222 {strides = array<i32>} : memref<80xi32, #tpu.memory_space<vmem>>, vector<16xi32>,
            %scan3A_224 = arith.constant 0 : i32
            scf.yield %scan3A_224 : i32
          }
          %scan3A_209 = arith.constant 5 : i32
          %dma_start3A_210 = arith.constant 0 : i32
          %dma_start3A_211 = arith.constant 0 : i32
          %dma_start3A_212 = tpu.memref_slice %arg2[%dma_start3A_210, %dma_start3A_211] : memref<10000x128xf32, #tpu.memory_space<hbm>> -> memref<10000x128xf32, #tpu.memory_space<hbm>>
          tpu.enqueue_indirect_dma source(%dma_start3A_212 : memref<10000x128xf32, #tpu.memory_space<hbm>>) target(%arg22 : memref<80x128xf32, #tpu.memory_space<vmem>>) offsets(%arg13 : memref<80xi32, #tpu.memory_space<vmem>>) semaphore(%arg29 : memref<!tpu.dma_semaphore, #tpu.memory_space<semaphore_mem>>)
          %dma_start3A_213 = arith.constant 0 : i32
          %dma_start3A_214 = arith.constant 0 : i32
          %dma_start3A_215 = tpu.memref_slice %arg7[%dma_start3A_213, %dma_start3A_214] : memref<8320x128xf32, #tpu.memory_space<hbm>> -> memref<8320x128xf32, #tpu.memory_space<hbm>>
          tpu.enqueue_indirect_dma source(%dma_start3A_215 : memref<8320x128xf32, #tpu.memory_space<hbm>>) target(%arg24 : memref<80x128xf32, #tpu.memory_space<vmem>>) offsets(%arg19 : memref<80xi32, #tpu.memory_space<vmem>>) semaphore(%arg29 : memref<!tpu.dma_semaphore, #tpu.memory_space<semaphore_mem>>)
        } else {
        }
        %add3A_189 = arith.constant 2 : i32
        %add3A_190 = arith.addi %add3A_159, %add3A_189 : i32
        %lt3A_191 = arith.cmpi slt, %add3A_190, %select_n3A : i32
        %convert_element_type3A_192 = arith.extui %lt3A_191 : i1 to i32
        %cond3A_193 = arith.constant 0 : i32
        %cond3A_194 = arith.cmpi ne, %convert_element_type3A_192, %cond3A_193 : i32
        scf.if %cond3A_194 {
          %add3A_195 = arith.constant 2 : i32
          %add3A_196 = arith.addi %add3A_159, %add3A_195 : i32
          %mul3A_197 = arith.constant 10112 : i32
          %mul3A_198 = arith.muli %add3A, %mul3A_197 : i32
          %mul3A_199 = arith.constant 80 : i32
          %mul3A_200 = arith.muli %add3A_196, %mul3A_199 : i32
          %add3A_201 = arith.addi %mul3A_198, %mul3A_200 : i32
          %dma_start3A_202 = tpu.memref_slice %arg5[%add3A_201] : memref<323584xf32, #tpu.memory_space<hbm>> -> memref<80xf32, #tpu.memory_space<hbm>>
          %dma_start3A_203 = tpu.memref_slice %arg5[%add3A_201] : memref<323584xf32, #tpu.memory_space<hbm>> -> memref<80xf32, #tpu.memory_space<hbm>>
          tpu.enqueue_dma source(%dma_start3A_203 : memref<80xf32, #tpu.memory_space<hbm>>) target(%arg11 : memref<80xf32, #tpu.memory_space<vmem>>) target_semaphore(%arg27 : memref<!tpu.dma_semaphore, #tpu.memory_space<semaphore_mem>>)
          %dma_start3A_204 = tpu.memref_slice %arg3[%add3A_201] : memref<323584xi32, #tpu.memory_space<hbm>> -> memref<80xi32, #tpu.memory_space<hbm>>
          %dma_start3A_205 = tpu.memref_slice %arg3[%add3A_201] : memref<323584xi32, #tpu.memory_space<hbm>> -> memref<80xi32, #tpu.memory_space<hbm>>
          tpu.enqueue_dma source(%dma_start3A_205 : memref<80xi32, #tpu.memory_space<hbm>>) target(%arg14 : memref<80xi32, #tpu.memory_space<vmem>>) target_semaphore(%arg27 : memref<!tpu.dma_semaphore, #tpu.memory_space<semaphore_mem>>)
          %dma_start3A_206 = tpu.memref_slice %arg4[%add3A_201] : memref<323584xi32, #tpu.memory_space<hbm>> -> memref<80xi32, #tpu.memory_space<hbm>>
          %dma_start3A_207 = tpu.memref_slice %arg4[%add3A_201] : memref<323584xi32, #tpu.memory_space<hbm>> -> memref<80xi32, #tpu.memory_space<hbm>>
          tpu.enqueue_dma source(%dma_start3A_207 : memref<80xi32, #tpu.memory_space<hbm>>) target(%arg17 : memref<80xi32, #tpu.memory_space<vmem>>) target_semaphore(%arg27 : memref<!tpu.dma_semaphore, #tpu.memory_space<semaphore_mem>>)
        } else {
        }
      } else {
      }
      %while3A_164 = arith.constant 0 : i32
      scf.yield %while3A_164 : i32
    }
    %gt3A_84 = arith.constant 0 : i32
    %gt3A_85 = arith.cmpi sgt, %select_n3A, %gt3A_84 : i32
    %sub3A_86 = arith.constant 1 : i32
    %sub3A_87 = arith.subi %select_n3A, %sub3A_86 : i32
    %and3A_88 = arith.constant 1 : i32
    %and3A_89 = arith.andi %sub3A_87, %and3A_88 : i32
    %eq3A = arith.constant 0 : i32
    %eq3A_90 = arith.cmpi eq, %and3A_89, %eq3A : i32
    %and3A_91 = arith.andi %gt3A_85, %eq3A_90 : i1
    %convert_element_type3A_92 = arith.extui %and3A_91 : i1 to i32
    %cond3A_93 = arith.constant 0 : i32
    %cond3A_94 = arith.cmpi ne, %convert_element_type3A_92, %cond3A_93 : i32
    scf.if %cond3A_94 {
      %dma_wait3A = arith.constant 0 : i32
      %dma_wait3A_115 = arith.constant 0 : i32
      %dma_wait3A_116 = tpu.memref_slice %arg9[%dma_wait3A, %dma_wait3A_115] : memref<10000x128xf32, #tpu.memory_space<vmem_shared>> -> memref<10000x128xf32, #tpu.memory_space<vmem_shared>>
      tpu.wait_indirect_dma semaphore(%arg31 : memref<!tpu.dma_semaphore, #tpu.memory_space<semaphore_mem>>) src(%arg22 : memref<80x128xf32, #tpu.memory_space<vmem>>) dst(%dma_wait3A_116 : memref<10000x128xf32, #tpu.memory_space<vmem_shared>>)
    } else {
    }
    %gt3A_95 = arith.constant 0 : i32
    %gt3A_96 = arith.cmpi sgt, %select_n3A, %gt3A_95 : i32
    %sub3A_97 = arith.constant 1 : i32
    %sub3A_98 = arith.subi %select_n3A, %sub3A_97 : i32
    %and3A_99 = arith.constant 1 : i32
    %and3A_100 = arith.andi %sub3A_98, %and3A_99 : i32
    %eq3A_101 = arith.constant 1 : i32
    %eq3A_102 = arith.cmpi eq, %and3A_100, %eq3A_101 : i32
    %and3A_103 = arith.andi %gt3A_96, %eq3A_102 : i1
    %convert_element_type3A_104 = arith.extui %and3A_103 : i1 to i32
    %cond3A_105 = arith.constant 0 : i32
    %cond3A_106 = arith.cmpi ne, %convert_element_type3A_104, %cond3A_105 : i32
    scf.if %cond3A_106 {
      %dma_wait3A = arith.constant 0 : i32
      %dma_wait3A_115 = arith.constant 0 : i32
      %dma_wait3A_116 = tpu.memref_slice %arg9[%dma_wait3A, %dma_wait3A_115] : memref<10000x128xf32, #tpu.memory_space<vmem_shared>> -> memref<10000x128xf32, #tpu.memory_space<vmem_shared>>
      tpu.wait_indirect_dma semaphore(%arg32 : memref<!tpu.dma_semaphore, #tpu.memory_space<semaphore_mem>>) src(%arg23 : memref<80x128xf32, #tpu.memory_space<vmem>>) dst(%dma_wait3A_116 : memref<10000x128xf32, #tpu.memory_space<vmem_shared>>)
    } else {
    }
    %barrier3A_107 = arith.constant 0 : index
    tpu.barrier barrier_id(%barrier3A_107)
    %scan3A_108 = arith.constant 0 : i32
    %scan3A_109 = arith.constant 0 : i32
    %scan3A_110 = arith.constant 8 : i32
    %scan3A_111 = arith.addi %scan3A_109, %scan3A_110 : i32
    %scan3A_112 = arith.constant 1 : i32
    %scan3A_113 = scf.for %scan3A_115 = %scan3A_109 to %scan3A_111 step %scan3A_112 iter_args(%scan3A_116 = %scan3A_108) -> (i32)  : i32 {
      %mul3A_117 = arith.constant 16 : i32
      %mul3A_118 = arith.muli %scan3A_115, %mul3A_117 : i32
      %add3A_119 = arith.addi %arg1, %mul3A_118 : i32
      %lt3A = arith.constant 125 : i32
      %lt3A_120 = arith.cmpi slt, %add3A_119, %lt3A : i32
      %convert_element_type3A_121 = arith.extui %lt3A_120 : i1 to i32
      %cond3A_122 = arith.constant 0 : i32
      %cond3A_123 = arith.cmpi ne, %convert_element_type3A_121, %cond3A_122 : i32
      scf.if %cond3A_123 {
        %mul3A_125 = arith.constant 80 : i32
        %mul3A_126 = arith.muli %add3A_119, %mul3A_125 : i32
        %mul3A_127 = arith.constant 10000 : i32
        %mul3A_128 = arith.muli %arg0, %mul3A_127 : i32
        %add3A_129 = arith.addi %mul3A_128, %mul3A_126 : i32
        "tpu.region"() ({
          %run_scoped3A = tpu.sem_alloc : memref<!tpu.dma_semaphore, #tpu.memory_space<semaphore_mem>>
          %dma_start3A = arith.constant 0 : i32
          %dma_start3A_130 = tpu.memref_slice %arg8[%add3A_129, %dma_start3A] : memref<20000x128xf32, #tpu.memory_space<hbm>> -> memref<80x128xf32, #tpu.memory_space<hbm>>
          %dma_start3A_131 = arith.constant 0 : i32
          %dma_start3A_132 = tpu.memref_slice %arg9[%mul3A_126, %dma_start3A_131] : memref<10000x128xf32, #tpu.memory_space<vmem_shared>> -> memref<80x128xf32, #tpu.memory_space<vmem_shared>>
          tpu.enqueue_dma source(%dma_start3A_132 : memref<80x128xf32, #tpu.memory_space<vmem_shared>>) target(%dma_start3A_130 : memref<80x128xf32, #tpu.memory_space<hbm>>) target_semaphore(%run_scoped3A : memref<!tpu.dma_semaphore, #tpu.memory_space<semaphore_mem>>)
          %dma_wait3A = arith.constant 0 : i32
          %dma_wait3A_133 = tpu.memref_slice %arg8[%add3A_129, %dma_wait3A] : memref<20000x128xf32, #tpu.memory_space<hbm>> -> memref<80x128xf32, #tpu.memory_space<hbm>>
          %dma_wait3A_134 = arith.constant 0 : i32
          %dma_wait3A_135 = tpu.memref_slice %arg9[%mul3A_126, %dma_wait3A_134] : memref<10000x128xf32, #tpu.memory_space<vmem_shared>> -> memref<80x128xf32, #tpu.memory_space<vmem_shared>>
          tpu.wait_dma2 semaphore(%run_scoped3A : memref<!tpu.dma_semaphore, #tpu.memory_space<semaphore_mem>>) src(%dma_wait3A_135 : memref<80x128xf32, #tpu.memory_space<vmem_shared>>) dst(%dma_wait3A_133 : memref<80x128xf32, #tpu.memory_space<hbm>>)
          tpu.yield
        }) : () -> ()
      } else {
      }
      %scan3A_124 = arith.constant 0 : i32
      scf.yield %scan3A_124 : i32
    }
    %scan3A_114 = arith.constant 8 : i32
    return
  }
}

module attributes {stable_mosaic.version = 14 : i64} {
  func.func @_table_body(%arg0: i32, %arg1: memref<128x128xf32, #tpu.memory_space<vmem>>, %arg2: memref<1x128xf32, #tpu.memory_space<vmem>>, %arg3: memref<128x128xf32, #tpu.memory_space<vmem>>, %arg4: memref<1x128xf32, #tpu.memory_space<vmem>>, %arg5: memref<128x128xf32, #tpu.memory_space<vmem>>) attributes {dimension_semantics = [#tpu.dimension_semantics<arbitrary>], iteration_bounds = array<i64: 65>, scalar_prefetch = 0 : i64, scratch_operands = 0 : i64, tpu.core_type = #tpu.core_type<tc>, window_params = [{pipeline_mode = #tpu.pipeline_mode<synchronous>, transform_indices = @transform_0, window_bounds = array<i64: 128, 128>}, {pipeline_mode = #tpu.pipeline_mode<synchronous>, transform_indices = @transform_1, window_bounds = array<i64: 1, 128>}, {pipeline_mode = #tpu.pipeline_mode<synchronous>, transform_indices = @transform_2, window_bounds = array<i64: 128, 128>}, {pipeline_mode = #tpu.pipeline_mode<synchronous>, transform_indices = @transform_3, window_bounds = array<i64: 1, 128>}, {transform_indices = @transform_4, window_bounds = array<i64: 128, 128>}]} {
    %iota3A = tpu.iota {dimensions = array<i32: 0>} : vector<128x1xi32>
    %mul3A = arith.constant 128 : i32
    %mul3A_0 = arith.muli %arg0, %mul3A : i32
    %add3A = vector.broadcast %mul3A_0 : i32 to vector<128x1xi32>
    %add3A_1 = arith.addi %iota3A, %add3A : vector<128x1xi32>
    %convert_element_type3A = arith.sitofp %add3A_1 : vector<128x1xi32> to vector<128x1xf32>
    %mul3A_2 = arith.constant 6.10351563E-4 : f32
    %mul3A_3 = vector.broadcast %mul3A_2 : f32 to vector<128x1xf32>
    %mul3A_4 = arith.mulf %convert_element_type3A, %mul3A_3 : vector<128x1xf32>
    %iota3A_5 = tpu.iota {dimensions = array<i32: 1>} : vector<1x128xi32>
    %convert_element_type3A_6 = arith.sitofp %iota3A_5 : vector<1x128xi32> to vector<1x128xf32>
    %mul3A_7 = arith.constant 0.0393700786 : f32
    %mul3A_8 = vector.broadcast %mul3A_7 : f32 to vector<1x128xf32>
    %mul3A_9 = arith.mulf %convert_element_type3A_6, %mul3A_8 : vector<1x128xf32>
    %sub3A = vector.broadcast %mul3A_4 : vector<128x1xf32> to vector<128x128xf32>
    %sub3A_10 = vector.broadcast %mul3A_9 : vector<1x128xf32> to vector<128x128xf32>
    %sub3A_11 = arith.subf %sub3A, %sub3A_10 : vector<128x128xf32>
    %mul3A_12 = arith.mulf %sub3A_11, %sub3A_11 : vector<128x128xf32>
    %neg3A = arith.constant 0.000000e+00 : f32
    %neg3A_13 = vector.broadcast %neg3A : f32 to vector<128x128xf32>
    %neg3A_14 = arith.subf %neg3A_13, %mul3A_12 : vector<128x128xf32>
    %mul3A_15 = arith.constant 3.225800e+02 : f32
    %mul3A_16 = vector.broadcast %mul3A_15 : f32 to vector<128x128xf32>
    %mul3A_17 = arith.mulf %neg3A_14, %mul3A_16 : vector<128x128xf32>
    %exp3A = math.exp %mul3A_17 : vector<128x128xf32>
    %get3A = arith.constant 0 : index
    %get3A_18 = arith.constant 0 : index
    %get3A_19 = vector.load %arg1[%get3A, %get3A_18] : memref<128x128xf32, #tpu.memory_space<vmem>>, vector<128x128xf32>
    %dot_general3A = arith.constant dense<0.000000e+00> : vector<128x128xf32>
    %dot_general3A_20 = tpu.matmul %exp3A, %get3A_19, %dot_general3A {dimension_numbers = #tpu.dot_dimension_numbers<[1], [0], [0], [1], [0, 0, 1, 1], [], []>, precision = #tpu.contract_precision<fp32>, transpose_lhs_hint = false} : vector<128x128xf32>, vector<128x128xf32>, vector<128x128xf32> -> vector<128x128xf32>
    %get3A_21 = arith.constant 0 : index
    %get3A_22 = arith.constant 0 : index
    %get3A_23 = vector.load %arg2[%get3A_21, %get3A_22] : memref<1x128xf32, #tpu.memory_space<vmem>>, vector<1x128xf32>
    %add3A_24 = vector.broadcast %get3A_23 : vector<1x128xf32> to vector<128x128xf32>
    %add3A_25 = arith.addf %dot_general3A_20, %add3A_24 : vector<128x128xf32>
    %max3A = arith.constant 0.000000e+00 : f32
    %max3A_26 = vector.broadcast %max3A : f32 to vector<128x128xf32>
    %max3A_27 = arith.maximumf %add3A_25, %max3A_26 : vector<128x128xf32>
    %sub3A_28 = arith.subf %add3A_25, %max3A_27 : vector<128x128xf32>
    %exp3A_29 = math.exp %sub3A_28 : vector<128x128xf32>
    %neg3A_30 = arith.constant 0.000000e+00 : f32
    %neg3A_31 = vector.broadcast %neg3A_30 : f32 to vector<128x128xf32>
    %neg3A_32 = arith.subf %neg3A_31, %max3A_27 : vector<128x128xf32>
    %exp3A_33 = math.exp %neg3A_32 : vector<128x128xf32>
    %add3A_34 = arith.addf %exp3A_29, %exp3A_33 : vector<128x128xf32>
    %log3A = math.log %add3A_34 : vector<128x128xf32>
    %add3A_35 = arith.addf %max3A_27, %log3A : vector<128x128xf32>
    %log3A_36 = arith.constant 2.000000e+00 : f32
    %log3A_37 = math.log %log3A_36 : f32
    %sub3A_38 = vector.broadcast %log3A_37 : f32 to vector<128x128xf32>
    %sub3A_39 = arith.subf %add3A_35, %sub3A_38 : vector<128x128xf32>
    %get3A_40 = arith.constant 0 : index
    %get3A_41 = arith.constant 0 : index
    %get3A_42 = vector.load %arg3[%get3A_40, %get3A_41] : memref<128x128xf32, #tpu.memory_space<vmem>>, vector<128x128xf32>
    %dot_general3A_43 = arith.constant dense<0.000000e+00> : vector<128x128xf32>
    %dot_general3A_44 = tpu.matmul %sub3A_39, %get3A_42, %dot_general3A_43 {dimension_numbers = #tpu.dot_dimension_numbers<[1], [0], [0], [1], [0, 0, 1, 1], [], []>, precision = #tpu.contract_precision<fp32>, transpose_lhs_hint = false} : vector<128x128xf32>, vector<128x128xf32>, vector<128x128xf32> -> vector<128x128xf32>
    %get3A_45 = arith.constant 0 : index
    %get3A_46 = arith.constant 0 : index
    %get3A_47 = vector.load %arg4[%get3A_45, %get3A_46] : memref<1x128xf32, #tpu.memory_space<vmem>>, vector<1x128xf32>
    %add3A_48 = vector.broadcast %get3A_47 : vector<1x128xf32> to vector<128x128xf32>
    %add3A_49 = arith.addf %dot_general3A_44, %add3A_48 : vector<128x128xf32>
    %max3A_50 = arith.constant 0.000000e+00 : f32
    %max3A_51 = vector.broadcast %max3A_50 : f32 to vector<128x128xf32>
    %max3A_52 = arith.maximumf %add3A_49, %max3A_51 : vector<128x128xf32>
    %sub3A_53 = arith.subf %add3A_49, %max3A_52 : vector<128x128xf32>
    %exp3A_54 = math.exp %sub3A_53 : vector<128x128xf32>
    %neg3A_55 = arith.constant 0.000000e+00 : f32
    %neg3A_56 = vector.broadcast %neg3A_55 : f32 to vector<128x128xf32>
    %neg3A_57 = arith.subf %neg3A_56, %max3A_52 : vector<128x128xf32>
    %exp3A_58 = math.exp %neg3A_57 : vector<128x128xf32>
    %add3A_59 = arith.addf %exp3A_54, %exp3A_58 : vector<128x128xf32>
    %log3A_60 = math.log %add3A_59 : vector<128x128xf32>
    %add3A_61 = arith.addf %max3A_52, %log3A_60 : vector<128x128xf32>
    %log3A_62 = arith.constant 2.000000e+00 : f32
    %log3A_63 = math.log %log3A_62 : f32
    %sub3A_64 = vector.broadcast %log3A_63 : f32 to vector<128x128xf32>
    %sub3A_65 = arith.subf %add3A_61, %sub3A_64 : vector<128x128xf32>
    %mul3A_66 = arith.constant 2.000000e-01 : f32
    %mul3A_67 = vector.broadcast %mul3A_66 : f32 to vector<128x1xf32>
    %mul3A_68 = arith.mulf %mul3A_4, %mul3A_67 : vector<128x1xf32>
    %sub3A_69 = arith.constant 5.000000e-01 : f32
    %sub3A_70 = vector.broadcast %sub3A_69 : f32 to vector<128x1xf32>
    %sub3A_71 = arith.subf %sub3A_70, %mul3A_68 : vector<128x1xf32>
    %jit3A = arith.constant -5.000000e-01 : f32
    %jit3A_72 = arith.constant 5.000000e-01 : f32
    %max3A_73 = vector.broadcast %jit3A : f32 to vector<128x1xf32>
    %max3A_74 = arith.maximumf %max3A_73, %sub3A_71 : vector<128x1xf32>
    %min3A = vector.broadcast %jit3A_72 : f32 to vector<128x1xf32>
    %min3A_75 = arith.minimumf %min3A, %max3A_74 : vector<128x1xf32>
    %mul3A_76 = arith.mulf %min3A_75, %min3A_75 : vector<128x1xf32>
    %mul3A_77 = arith.constant 0.0821458846 : f32
    %mul3A_78 = vector.broadcast %mul3A_77 : f32 to vector<128x1xf32>
    %mul3A_79 = arith.mulf %mul3A_76, %mul3A_78 : vector<128x1xf32>
    %add3A_80 = arith.constant -0.599264503 : f32
    %add3A_81 = vector.broadcast %add3A_80 : f32 to vector<128x1xf32>
    %add3A_82 = arith.addf %add3A_81, %mul3A_79 : vector<128x1xf32>
    %mul3A_83 = arith.mulf %mul3A_76, %add3A_82 : vector<128x1xf32>
    %add3A_84 = arith.constant 2.55016398 : f32
    %add3A_85 = vector.broadcast %add3A_84 : f32 to vector<128x1xf32>
    %add3A_86 = arith.addf %add3A_85, %mul3A_83 : vector<128x1xf32>
    %mul3A_87 = arith.mulf %mul3A_76, %add3A_86 : vector<128x1xf32>
    %add3A_88 = arith.constant -5.16771269 : f32
    %add3A_89 = vector.broadcast %add3A_88 : f32 to vector<128x1xf32>
    %add3A_90 = arith.addf %add3A_89, %mul3A_87 : vector<128x1xf32>
    %mul3A_91 = arith.mulf %mul3A_76, %add3A_90 : vector<128x1xf32>
    %add3A_92 = arith.constant 3.14159274 : f32
    %add3A_93 = vector.broadcast %add3A_92 : f32 to vector<128x1xf32>
    %add3A_94 = arith.addf %add3A_93, %mul3A_91 : vector<128x1xf32>
    %mul3A_95 = arith.mulf %min3A_75, %add3A_94 : vector<128x1xf32>
    %lt3A = arith.constant 5.000000e+00 : f32
    %lt3A_96 = vector.broadcast %lt3A : f32 to vector<128x1xf32>
    %lt3A_97 = arith.cmpf olt, %mul3A_4, %lt3A_96 : vector<128x1xf32>
    %mul3A_98 = arith.constant 5.000000e-01 : f32
    %mul3A_99 = vector.broadcast %mul3A_98 : f32 to vector<128x1xf32>
    %mul3A_100 = arith.mulf %mul3A_99, %mul3A_95 : vector<128x1xf32>
    %add3A_101 = arith.constant 5.000000e-01 : f32
    %add3A_102 = vector.broadcast %add3A_101 : f32 to vector<128x1xf32>
    %add3A_103 = arith.addf %mul3A_100, %add3A_102 : vector<128x1xf32>
    %jit3A_104 = arith.constant 0.000000e+00 : f32
    %broadcast_in_dim3A = vector.broadcast %jit3A_104 : f32 to vector<128x1xf32>
    %select_n3A = arith.select %lt3A_97, %add3A_103, %broadcast_in_dim3A : vector<128x1xi1>, vector<128x1xf32>
    %mul3A_105 = vector.broadcast %select_n3A : vector<128x1xf32> to vector<128x128xf32>
    %mul3A_106 = arith.mulf %sub3A_65, %mul3A_105 : vector<128x128xf32>
    %swap3A = arith.constant 0 : index
    %swap3A_107 = arith.constant 0 : index
    %swap3A_108 = vector.load %arg5[%swap3A, %swap3A_107] : memref<128x128xf32, #tpu.memory_space<vmem>>, vector<128x128xf32>
    tpu.vector_store %arg5[%swap3A, %swap3A_107], %mul3A_106 {strides = array<i32>} : memref<128x128xf32, #tpu.memory_space<vmem>>, vector<128x128xf32>,
    return
  }
  func.func @transform_0(%arg0: i32) -> (i32, i32) {
    %c0_i32 = arith.constant 0 : i32
    %c0_i32_0 = arith.constant 0 : i32
    %c0_i32_1 = arith.constant 0 : i32
    return %c0_i32, %c0_i32_0 : i32, i32
  }
  func.func @transform_1(%arg0: i32) -> (i32, i32) {
    %c0_i32 = arith.constant 0 : i32
    %c0_i32_0 = arith.constant 0 : i32
    %c0_i32_1 = arith.constant 0 : i32
    return %c0_i32, %c0_i32_0 : i32, i32
  }
  func.func @transform_2(%arg0: i32) -> (i32, i32) {
    %c0_i32 = arith.constant 0 : i32
    %c0_i32_0 = arith.constant 0 : i32
    %c0_i32_1 = arith.constant 0 : i32
    return %c0_i32, %c0_i32_0 : i32, i32
  }
  func.func @transform_3(%arg0: i32) -> (i32, i32) {
    %c0_i32 = arith.constant 0 : i32
    %c0_i32_0 = arith.constant 0 : i32
    %c0_i32_1 = arith.constant 0 : i32
    return %c0_i32, %c0_i32_0 : i32, i32
  }
  func.func @transform_4(%arg0: i32) -> (i32, i32) {
    %c0_i32 = arith.constant 0 : i32
    %c0_i32_0 = arith.constant 0 : i32
    return %arg0, %c0_i32 : i32, i32
  }
}

module attributes {stable_mosaic.version = 14 : i64} {
  func.func @_sum_body(%arg0: i32, %arg1: memref<1000x128xf32, #tpu.memory_space<vmem>>, %arg2: memref<1000x128xf32, #tpu.memory_space<vmem>>, %arg3: memref<1000x128xf32, #tpu.memory_space<vmem>>) attributes {dimension_semantics = [#tpu.dimension_semantics<arbitrary>], iteration_bounds = array<i64: 10>, scalar_prefetch = 0 : i64, scratch_operands = 0 : i64, tpu.core_type = #tpu.core_type<tc>, window_params = [{transform_indices = @transform_0, window_bounds = array<i64: 1000, 128>}, {transform_indices = @transform_1, window_bounds = array<i64: 1000, 128>}, {transform_indices = @transform_2, window_bounds = array<i64: 1000, 128>}]} {
    %get3A = arith.constant 0 : index
    %get3A_0 = arith.constant 0 : index
    %get3A_1 = vector.load %arg1[%get3A, %get3A_0] : memref<1000x128xf32, #tpu.memory_space<vmem>>, vector<1000x128xf32>
    %get3A_2 = arith.constant 0 : index
    %get3A_3 = arith.constant 0 : index
    %get3A_4 = vector.load %arg2[%get3A_2, %get3A_3] : memref<1000x128xf32, #tpu.memory_space<vmem>>, vector<1000x128xf32>
    %add3A = arith.addf %get3A_1, %get3A_4 : vector<1000x128xf32>
    %swap3A = arith.constant 0 : index
    %swap3A_5 = arith.constant 0 : index
    %swap3A_6 = vector.load %arg3[%swap3A, %swap3A_5] : memref<1000x128xf32, #tpu.memory_space<vmem>>, vector<1000x128xf32>
    tpu.vector_store %arg3[%swap3A, %swap3A_5], %add3A {strides = array<i32>} : memref<1000x128xf32, #tpu.memory_space<vmem>>, vector<1000x128xf32>,
    return
  }
  func.func @transform_0(%arg0: i32) -> (i32, i32) {
    %c0_i32 = arith.constant 0 : i32
    %c0_i32_0 = arith.constant 0 : i32
    return %arg0, %c0_i32 : i32, i32
  }
  func.func @transform_1(%arg0: i32) -> (i32, i32) {
    %c0_i32 = arith.constant 0 : i32
    %c0_i32_0 = arith.constant 0 : i32
    return %arg0, %c0_i32 : i32, i32
  }
  func.func @transform_2(%arg0: i32) -> (i32, i32) {
    %c0_i32 = arith.constant 0 : i32
    %c0_i32_0 = arith.constant 0 : i32
    return %arg0, %c0_i32 : i32, i32
  }
}

</mosaic_0001>

<sc_bundles>
// kernel: kernel.6.cloned.1.call-start
scs
__scs_entry_jumppad:
0x0: {  	(pc) =	sbr.rel $0x88, $3  }
0x1: {  	(tag) =	ssettag $0x0;
	lr =	simm.s32 $0x1  }
0x2: {  	[smem:$0x3F9A] =	sst lr;
	_ =	strace $0xD0000000  }
0x3: {  	_ = 	snop  }
0x4: {  	_ = 	snop  }
0x5: {  	_ = 	snop  }
0x6: {  	_ = 	snop  }
0x7: {  	_ = 	snop  }
__scs_overlays_trampoline_lowered:
0x8: {  	[smem:$0x3FA9] =	sst s0  }
0x9: {  	[smem:$0x3FAA] =	sst s1  }
0xa: {  	[smem:$0x3FAB] =	sst s2  }
0xb: {  	[smem:$0x3FAC] =	sst s3  }
0xc: {  	[smem:$0x3FAD] =	sst s4  }
0xd: {  	[smem:$0x3FAE] =	sst s5  }
0xe: {  	[smem:$0x3FAF] =	sst s6  }
0xf: {  	[smem:$0x3FB0] =	sst s7  }
0x10: {  	[smem:$0x3FB1] =	sst s8  }
0x11: {  	[smem:$0x3FB2] =	sst s9;
	s0 =	simm.s32 @!p0 $0x0  }
0x12: {  	s1 =	sld [smem:$0x3F98];
	s0 =	simm.s32 @p0 $0x1  }
0x13: {  	[smem:$0x3FB3] =	sst s0;
	s0 =	simm.s32 @!p1 $0x0  }
0x14: {  	s2 =	sld [smem:$0x3F97];
	s0 =	simm.s32 @p1 $0x1  }
0x15: {  	[smem:$0x3FB4] =	sst s0;
	s0 =	simm.s32 @!p2 $0x0  }
0x16: {  	s3 =	sld [smem:$0x3FDB];
	s0 =	simm.s32 @p2 $0x1  }
0x17: {  	s4 =	simm.s32 $0x1BF5;
	[smem:$0x3FB6] =	sst s0  }
0x18: {  	s0 =	sld [smem:$0x3F99];
	_ =	swait.ge [sflag:s4], $0x0  }
0x19: {  	s7 =	sld [smem:$0x3F9A]  }
0x1a: {  	s8 =	sadd.s32 $0xFFFFE003, lr  }
0x1b: {  	s9 =	sadd.s32 $0xFFFFFEF7, lr;
	s5 =	simm.s32 $0xFFFFFFFF;
	p2 =	slt.u32 s8, $0xFFFFF086  }
0x1c: {  	p1 =	slt.u32 s9, $0xF7A;
	s5 =	simm.s32 @!p2 $0x0  }
0x1d: {  	s5 =	simm.s32 @p1 $0x1;
	p0 =	seq.s32 s7, s2  }
0x1e: {  	s7 =	smul.u32 @!p0 $0xF7A, s2;
	p2 =	seq.s32 @!p0 s5, $0x0  }
0x1f: {  	s9 =	smul.u32 $0xF7A, s1;
	s8 =	simm.s32 @!p0 $0x1BF5;
	p2 =	por !p2, p0  }
0x20: {  	[sflag:s8] =	ssyncset.s32 @!p0 $0xFFFFF086;
	s6 =	sadd.s32 @!p0 s3, s7;
	s7 =	simm.s32 @!p0 $0x108  }
0x21: {  	s3 =	sadd.s32 s3, s9;
	s6 =	sadd.s32 @!p0 $0x88, s6;
	s7 =	simm.s32 @p2 $0x1082  }
0x22: {  	[simem:s7], [sflag:s8] =	dma.local @!p0 [hbm:s6], $0xF7A  }
0x23: {  	s9 =	sor.u32 $0xD0000000, s2;
	s6 =	simm.s32 $0x108;
	_ =	swait.ge @!p0 [sflag:s8], $0x0  }
0x24: {  	s3 =	sadd.s32 $0x88, s3;
	s6 =	simm.s32 @!p1 $0x1082;
	[sflag:s4] =	ssyncset.s32 $0xFFFFF086  }
0x25: {  	[simem:s6], [sflag:s4] =	dma.local [hbm:s3], $0xF7A  }
0x26: {  	[smem:$0x3F9A] =	sst s1;
	(tag) =	ssettag s2;
	_ =	strace s9  }
0x27: {  	s1 =	sld [smem:$0x3FAA]  }
0x28: {  	s2 =	sld [smem:$0x3FAB]  }
0x29: {  	s4 =	sld [smem:$0x3FAD]  }
0x2a: {  	p0 =	seq.s32 s5, $0x0;
	s5 =	sld [smem:$0x3FAE]  }
0x2b: {  	s6 =	sld [smem:$0x3FAF]  }
0x2c: {  	s7 =	sld [smem:$0x3FB0]  }
0x2d: {  	s3 =	simm.s32 $0x108;
	s8 =	sld [smem:$0x3FB1]  }
0x2e: {  	s3 =	simm.s32 @!p0 $0x1082;
	s9 =	sld [smem:$0x3FB2]  }
0x2f: {  	lr =	sadd.s32 s0, s3;
	s0 =	sld [smem:$0x3FA9]  }
0x30: {  	s3 =	sld [smem:$0x3FAC]  }
0x31: {  	[smem:$0x3FB5] =	sst s10  }
0x32: {  	s10 =	sld [smem:$0x3FB3];
	_ =	sdelay $0x3  }
0x33: {  	p0 =	seq.s32 s10, $0x1;
	s10 =	sld [smem:$0x3FB5];
	_ =	sdelay $0x3  }
0x34: {  	[smem:$0x3FB5] =	sst s10  }
0x35: {  	s10 =	sld [smem:$0x3FB4];
	_ =	sdelay $0x3  }
0x36: {  	p1 =	seq.s32 s10, $0x1;
	s10 =	sld [smem:$0x3FB5];
	_ =	sdelay $0x3  }
0x37: {  	[smem:$0x3FB5] =	sst s10  }
0x38: {  	s10 =	sld [smem:$0x3FB6]  }
0x39: {  	_ = 	snop;
	(pc) =	sbr.ind lr, $3  }
0x3a: {  	_ = 	snop  }
0x3b: {  	_ = 	snop  }
0x3c: {  	p2 =	seq.s32 s10, $0x1;
	s10 =	sld [smem:$0x3FB5]  }
0x3d: {  	_ =	shalt  }
0x3e: {  	_ =	shalt  }
0x3f: {  	_ =	shalt  }
0x40: {  	_ =	shalt  }
0x41: {  	_ =	shalt  }
0x42: {  	_ =	shalt  }
0x43: {  	_ =	shalt  }
0x44: {  	_ =	shalt  }
0x45: {  	_ =	shalt  }
0x46: {  	_ =	shalt  }
0x47: {  	_ =	shalt  }
0x48: {  	_ =	shalt  }
0x49: {  	_ =	shalt  }
0x4a: {  	_ =	shalt  }
0x4b: {  	_ =	shalt  }
0x4c: {  	_ =	shalt  }
0x4d: {  	_ =	shalt  }
0x4e: {  	_ =	shalt  }
0x4f: {  	_ =	shalt  }
0x50: {  	_ =	shalt  }
0x51: {  	_ =	shalt  }
0x52: {  	_ =	shalt  }
0x53: {  	_ =	shalt  }
0x54: {  	_ =	shalt  }
0x55: {  	_ =	shalt  }
0x56: {  	_ =	shalt  }
0x57: {  	_ =	shalt  }
0x58: {  	_ =	shalt  }
0x59: {  	_ =	shalt  }
0x5a: {  	_ =	shalt  }
0x5b: {  	_ =	shalt  }
0x5c: {  	_ =	shalt  }
0x5d: {  	_ =	shalt  }
0x5e: {  	_ =	shalt  }
0x5f: {  	_ =	shalt  }
0x60: {  	_ =	shalt  }
0x61: {  	_ =	shalt  }
0x62: {  	_ =	shalt  }
0x63: {  	_ =	shalt  }
0x64: {  	_ =	shalt  }
0x65: {  	_ =	shalt  }
0x66: {  	_ =	shalt  }
0x67: {  	_ =	shalt  }
0x68: {  	_ =	shalt  }
0x69: {  	_ =	shalt  }
0x6a: {  	_ =	shalt  }
0x6b: {  	_ =	shalt  }
0x6c: {  	_ =	shalt  }
0x6d: {  	_ =	shalt  }
0x6e: {  	_ =	shalt  }
0x6f: {  	_ =	shalt  }
0x70: {  	_ =	shalt  }
0x71: {  	_ =	shalt  }
0x72: {  	_ =	shalt  }
0x73: {  	_ =	shalt  }
0x74: {  	_ =	shalt  }
0x75: {  	_ =	shalt  }
0x76: {  	_ =	shalt  }
0x77: {  	_ =	shalt  }
0x78: {  	_ =	shalt  }
0x79: {  	_ =	shalt  }
0x7a: {  	_ =	shalt  }
0x7b: {  	_ =	shalt  }
0x7c: {  	_ =	shalt  }
0x7d: {  	_ =	shalt  }
0x7e: {  	_ =	shalt  }
0x7f: {  	_ =	shalt  }
0x80: {  	_ =	shalt  }
0x81: {  	_ =	shalt  }
0x82: {  	_ =	shalt  }
0x83: {  	_ =	shalt  }
0x84: {  	_ =	shalt  }
0x85: {  	_ =	shalt  }
0x86: {  	_ =	shalt  }
0x87: {  	_ =	shalt  }
.Lfunc_end0:
.L_simem_size_0:
called_computation_lowered:
.L_overlay_start_0:
0x88: {  	s2 =	sld [smem:$0x3FD9]  }
0x89: {  	s3 =	sld [smem:$0x3FFE];
	_ =	sdelay $0x1  }
0x8a: {  	s1 =	srdreg.scid  }
0x8b: {  	s0 =	sand.u32 $0x1, s1  }
0x8c: {  	s16 =	sshll.u32 s0, $0xA;
	s2 =	sadd.s32 s3, s2  }
0x8d: {  	s2 =	sadd.s32 s2, s16  }
0x8e: {  	[smem:$0x3FC1] =	sst s2  }
0x8f: {  	_ = 	snop  }
0x90: {  	(tm) =	ssettm $0x1  }
0x91: {  	s17 =	sld [smem:$0x3FFB];
	_ =	sdelay $0x3  }
0x92: {  	_ =	strace s17  }
0x93: {  	s2 =	sld [smem:$0x3FFC];
	_ =	sdelay $0x3  }
0x94: {  	_ =	strace s2  }
0x95: {  	s2 =	sld [smem:$0x3FFD];
	_ =	sdelay $0x3  }
0x96: {  	_ =	strace s2  }
0x97: {  	_ =	strace $0x8FFFFFFF  }
0x98: {  	s18 =	sld [smem:$0x3FDB];
	_ =	sdelay $0x1  }
0x99: {  	s19 =	simm.s32 $_scs_section_size  }
0x9a: {  	s4 =	simm.s32 $_size__tile_overlayer_lowered;
	s5 =	simm.s32 $_tile_overlayer_lowered  }
0x9b: {  	s22 =	simm.s32 $0x1BFF;
	s21 =	sshll.u32 s5, $0x1;
	s2 =	sadd.s32 s19, s18  }
0x9c: {  	s6 =	simm.s32 $0x0;
	s20 =	sshll.u32 s4, $0x1;
	s4 =	sadd.s32 s21, s2  }
0x9d: {  	[timem:s6], [sflag:s22] =	dma.local [hbm:s4], s20  }
0x9e: {  	_ =	swait.ge [sflag:s22], s20  }
0x9f: {  	s3 =	ssub.s32 $0x0, s20;
	[sflag:s22] =	ssyncset.done $0x0  }
0xa0: {  	[sflag:s22] =	ssyncadd.s32 s3;
	_ =	sdelay $0x1  }
0xa1: {  	s23 =	simm.s32 $0x1B8B  }
0xa2: {  	_ =	swait.ge [sflag:s23], $0x1  }
0xa3: {  	[sflag:s23] =	ssyncset.done $0x0  }
0xa4: {  	s25 =	simm.s32 $0x1B8E;
	s24 =	sld [smem:$0x3FFE];
	[sflag:s23] =	ssyncadd.s32 $0xFFFFFFFF  }
0xa5: {  	s26 =	simm.s32 $execute0_lowered;
	[smem:$0x3FD2] =	sst s25  }
0xa6: {  	s4 =	sshll.u32 s26, $0x1;
	_ =	strace $0x80000046;
	[dreg:$0x1] =	wrdreg $0xFFFFFFFF  }
0xa7: {  	s28 =	simm.s32 $_size_execute0_lowered;
	s2 =	sadd.s32 s2, s4;
	[dreg:$0x0] =	wrdreg $0x0  }
0xa8: {  	s4 =	sshll.u32 s28, $0x1;
	[dreg:$0x2] =	wrdreg s2  }
0xa9: {  	[dreg:$0x3] =	wrdreg s4  }
0xaa: {  	[dreg:$0x4] =	wrdreg $0xC0  }
0xab: {  	_ =	task [dreg:s6], $0x5FFFF  }
0xac: {  	[dreg:$0x1] =	wrdreg $0xFFFFFFFF  }
0xad: {  	[dreg:$0x0] =	wrdreg $0x60  }
0xae: {  	[dreg:$0x2] =	wrdreg s24  }
0xaf: {  	[dreg:$0x3] =	wrdreg $0x9  }
0xb0: {  	_ =	task.clear_ibuf [dreg:s6], $0x4FFFF;
	_ =	strace $0x90000046  }
0xb1: {  	s29 =	simm.s32 $0x9;
	_ =	strace $0x80000048  }
0xb2: {  	_ =	swait.ge [sflag:s29], $0x1  }
0xb3: {  	[sflag:s29] =	ssyncadd.s32 $0xFFFFFFFF  }
0xb4: {  	_ =	strace $0x90000048  }
0xb5: {  	_ =	sfence  }
0xb6: {  	s30 =	sld [smem:$0x0];
	_ =	sdelay $0x2  }
0xb7: {  	s31 =	sshll.u32 s1, $0xD;
	s1 =	sshrl.u32 s1, $0x2  }
0xb8: {  	s3 =	sand.u32 $0x4000, s31;
	s1 =	sadd.s32 s1, s30  }
0xb9: {  	s0 =	sor.u32 s3, s0;
	s1 =	sshll.u32 s1, $0x11  }
0xba: {  	s0 =	sor.u32 s1, s0  }
0xbb: {  	s0 =	sadd.s32 $0x8F2B, s0  }
0xbc: {  	[sflag:s0] =	ssyncadd.remote.s32 $0x1  }
0xbd: {  	_ =	sfence.sel $0xFFFF  }
0xbe: {  	[dreg:$0x0] =	wrdreg $0xFFFFFFFF;
	(pc) =	sbr.abs _section_cstart, $3  }
0xbf: {  	[dreg:$0x1] =	wrdreg $0xFFFFFFFF  }
0xc0: {  	_ =	task.clear_ibuf [dreg:s6], $0x2FFFF;
	_ =	strace $0x9FFFFFFF  }
0xc1: {  	(tm) =	ssettm $0x7FFFFFFF  }
tec
execute0_lowered:
.L_overlay_start_1:
0x0: {  	(tag) =	ssettag $0x1  }
0x1: {  	v0 =	vimm.f32 $8.215000000e+03;
	vm14 =	vcmask $0x300  }
0x2: {  	vm13 =	vcmask $0x704;
	vm12 =	vcmask $0xB08;
	vm11 =	vcmask $0xF0C  }
0x3: {  	vm10 =	vcmask $0x1310;
	vm9 =	vcmask $0x1714;
	vm8 =	vcmask $0x1B18  }
0x4: {  	vm7 =	vcmask $0x1F1C;
	vm6 =	vcmask $0x2320;
	vm5 =	vcmask $0x2724  }
0x5: {  	vm4 =	vcmask $0x2B28;
	s9 =	rddreg [dreg:$0x0];
	vm3 =	vcmask $0x2F2C;
	v1 =	vimm.f32 $8.231000000e+03  }
0x6: {  	s1 =	simm.s32 $0x0;
	vm1 =	vcmask $0x3330;
	s3 =	srdreg.scid;
	v2 =	vimm.f32 $8.247000000e+03;
	v3 =	vimm.f32 $8.263000000e+03;
	s12 =	simm.s32 $0x9D00  }
0x7: {  	vm2 =	vcmask $0x3734;
	vm0 =	vcmask $0x3B38;
	s14 =	simm.s32 $0xC480;
	s16 =	simm.s32 $0xEC00;
	s17 =	simm.s32 $0x11380;
	v0 =	vsel vm14, $0x46002000, v0  }
0x8: {  	[smem:$0x7FF] =	sst s1;
	s10 =	sand.u32 $0x1, s3;
	v1 =	vsel vm14, $0x46006000, v1;
	s3 =	sadd.s32 $0x14E00, s9;
	v2 =	vsel vm14, $0x4600A000, v2;
	v3 =	vsel vm14, $0x4600E000, v3  }
0x9: {  	v0 =	vsel vm13, $0x46002400, v0;
	v1 =	vsel vm13, $0x46006400, v1;
	v2 =	vsel vm13, $0x4600A400, v2  }
0xa: {  	s2 =	stileid.u32;
	v3 =	vsel vm13, $0x4600E400, v3;
	v0 =	vsel vm12, $0x46002800, v0;
	v1 =	vsel vm12, $0x46006800, v1  }
0xb: {  	s30 =	sshll.u32 s2, $0x1;
	v2 =	vsel vm12, $0x4600A800, v2;
	v3 =	vsel vm12, $0x4600E800, v3;
	v0 =	vsel vm11, $0x46002C00, v0  }
0xc: {  	s7 =	sor.u32 s10, s30;
	v1 =	vsel vm11, $0x46006C00, v1;
	v2 =	vsel vm11, $0x4600AC00, v2;
	v3 =	vsel vm11, $0x4600EC00, v3  }
0xd: {  	s0 =	rddreg [dreg:$0x1];
	_ =	strace $0x80000047;
	s4 =	smul.u32 $0x4E2, s7;
	v0 =	vsel vm10, $0x46003000, v0;
	v1 =	vsel vm10, $0x46007000, v1;
	v2 =	vsel vm10, $0x4600B000, v2  }
0xe: {  	s6 =	smul.u32 $0x4F0, s7;
	v3 =	vsel vm10, $0x4600F000, v3;
	v0 =	vsel vm9, $0x46003400, v0;
	v1 =	vsel vm9, $0x46007400, v1  }
0xf: {  	v2 =	vsel vm9, $0x4600B400, v2;
	v3 =	vsel vm9, $0x4600F400, v3;
	v0 =	vsel vm8, $0x46003800, v0  }
0x10: {  	v1 =	vsel vm8, $0x46007800, v1;
	v2 =	vsel vm8, $0x4600B800, v2;
	v3 =	vsel vm8, $0x4600F800, v3  }
0x11: {  	v0 =	vsel vm7, $0x46003C00, v0;
	v1 =	vsel vm7, $0x46007C00, v1;
	v2 =	vsel vm7, $0x4600BC00, v2  }
0x12: {  	s11 =	sshll.u32 s7, $0x1;
	s5 =	sadd.s32 s4, s9;
	s8 =	sadd.s32 s6, s9;
	v3 =	vsel vm7, $0x4600FC00, v3;
	v0 =	vsel vm6, $0x46004000, v0;
	v1 =	vsel vm6, $0x46008000, v1  }
0x13: {  	s9 =	sadd.s32 s11, s9;
	s11 =	simm.s32 $0x7580;
	s4 =	sadd.s32 $0xB000, s5;
	v2 =	vsel vm6, $0x4600C000, v2;
	v3 =	vsel vm6, $0x46010000, v3;
	v0 =	vsel vm5, $0x46004400, v0  }
0x14: {  	v1 =	vsel vm5, $0x46008400, v1;
	v2 =	vsel vm5, $0x4600C400, v2;
	v3 =	vsel vm5, $0x46010400, v3  }
0x15: {  	v0 =	vsel vm4, $0x46004800, v0;
	v1 =	vsel vm4, $0x46008800, v1;
	v2 =	vsel vm4, $0x4600C800, v2  }
0x16: {  	v3 =	vsel vm4, $0x46010800, v3;
	v0 =	vsel vm3, $0x46004C00, v0;
	v1 =	vsel vm3, $0x46008C00, v1  }
0x17: {  	s10 =	ssub.s32 $0x2, s10;
	v2 =	vsel vm3, $0x4600CC00, v2;
	v3 =	vsel vm3, $0x46010C00, v3;
	v0 =	vsel vm1, $0x46005000, v0  }
0x18: {  	s5 =	sadd.s32 $0x1200, s5;
	s6 =	sadd.s32 $0x15E00, s8;
	s7 =	sadd.s32 $0x1FC00, s8;
	v1 =	vsel vm1, $0x46009000, v1;
	v2 =	vsel vm1, $0x4600D000, v2;
	v3 =	vsel vm1, $0x46011000, v3  }
0x19: {  	s13 =	simm.s32 $0x1;
	s31 =	sshrl.u32 s10, $0x1;
	v0 =	vsel vm2, $0x46005400, v0;
	v1 =	vsel vm2, $0x46009400, v1;
	v4 =	vsel vm2, $0x4600D400, v2  }
0x1a: {  	s10 =	ssub.s32 s10, s31;
	s8 =	sadd.s32 $0x29A00, s8;
	s9 =	sadd.s32 $0x33800, s9;
	v5 =	vsel vm2, $0x46011400, v3;
	v2 =	vimm.s32 $0x0;
	v0 =	vsel vm0, $0x46005800, v0  }
0x1b: {  	s15 =	simm.s32 $0x2;
	s18 =	simm.s32 $0x0;
	s10 =	smax.u32 s10, $0x1;
	v1 =	vsel vm0, $0x46009800, v1;
	v3 =	vsel vm0, $0x4600D800, v4;
	v4 =	vsel vm0, $0x46011800, v5  }
.LBB2_1:
0x1c: {  	[tilespmem:s1], [sflag:$0x1] =	stream.linear.gather [hbm4b:s3+s1], $0x7580, $0x38;
	[tilespmem:$0x13B00] =	vst v63  }
0x1d: {  	_ = 	snop  }
0x1e: {  	[tilespmem:s11], [sflag:$0x1] =	stream.linear.gather [hbm4b:s4+s1], $0x2710, $0x38;
	[tilespmem:$0x13B00] =	vst v63  }
0x1f: {  	_ = 	snop  }
0x20: {  	[tilespmem:s12], [sflag:$0x1] =	stream.linear.gather [hbm4b:s5+s1], $0x2710, $0x38;
	[tilespmem:$0x13B00] =	vst v63  }
0x21: {  	_ =	swait.ge [sflag:s13], $0x7580  }
0x22: {  	[sflag:s13] =	ssyncset.done $0x0  }
0x23: {  	[sflag:s13] =	ssyncadd.s32 $0xFFFF8A80  }
0x24: {  	_ =	swait.ge [sflag:s13], $0x2710  }
0x25: {  	[sflag:s13] =	ssyncset.done $0x0  }
0x26: {  	[sflag:s13] =	ssyncadd.s32 $0xFFFFD8F0  }
0x27: {  	_ =	swait.ge [sflag:s13], $0x2710  }
0x28: {  	[sflag:s13] =	ssyncset.done $0x0  }
0x29: {  	s19 =	simm.s32 $0x0;
	s21 =	simm.s32 $0x0;
	[sflag:s13] =	ssyncadd.s32 $0xFFFFD8F0  }
.LBB2_2:
0x2a: {  	s20 =	sshra.s32 s19, $0x2  }
0x2b: {  	v5 =	vld [tilespmem:s20+$0x7580]  }
0x2c: {  	v6 =	vld [tilespmem:s20+$0x9D00];
	_ =	sdelay $0x3  }
0x2d: {  	v7 =	vmul.u32 $0x3, v5  }
0x2e: {  	v8 =	vmul.u32 $0x3, v6;
	_ =	sdelay $0x1  }
0x2f: {  	v9 =	vadd.s32 $0x1, v7  }
0x30: {  	v10 =	vadd.s32 $0x1, v8  }
0x31: {  	v11 =	vadd.s32 $0x2, v7  }
0x32: {  	v12 =	vadd.s32 $0x2, v8;
	v7 =	vld.idx.msk [tilespmem:v7+s1+$0x0], $0xffff  }
0x33: {  	v8 =	vld.idx.msk [tilespmem:v8+s1+$0x0], $0xffff  }
0x34: {  	v9 =	vld.idx.msk [tilespmem:v9+s1+$0x0], $0xffff  }
0x35: {  	v10 =	vld.idx.msk [tilespmem:v10+s1+$0x0], $0xffff  }
0x36: {  	v11 =	vld.idx.msk [tilespmem:v11+s1+$0x0], $0xffff  }
0x37: {  	v12 =	vld.idx.msk [tilespmem:v12+s1+$0x0], $0xffff;
	_ =	sdelay $0x2  }
0x38: {  	v7 =	vsub.f32 v7, v8;
	v55 =	vsub.f32 v9, v10;
	_ =	sdelay $0x1  }
0x39: {  	v56 =	vsub.f32 v11, v12;
	v7 =	vmul.f32 v7, v7;
	v8 =	vmul.f32 v55, v55;
	_ =	sdelay $0x1  }
0x3a: {  	v57 =	vmul.f32 v56, v56;
	v7 =	vadd.f32 v8, v7;
	_ =	sdelay $0x1  }
0x3b: {  	v7 =	vadd.f32 v57, v7;
	_ =	sdelay $0x1  }
0x3c: {  	v7 =	vadd.f32 $9.999999960e-13, v7;
	_ =	sdelay $0x1  }
0x3d: {  	v58 =	vshra.s32 v7, $0x1;
	v59 =	vmul.f32 $5.000000000e-01, v7  }
0x3e: {  	v8 =	vsub.s32 $0x5F3759DF, v58  }
0x3f: {  	v60 =	vmul.f32 v8, v59;
	_ =	sdelay $0x1  }
0x40: {  	v10 =	vmul.f32 v8, v60;
	_ =	sdelay $0x1  }
0x41: {  	v10 =	vsub.f32 $1.500000000e+00, v10;
	_ =	sdelay $0x1  }
0x42: {  	v8 =	vmul.f32 v8, v10;
	_ =	sdelay $0x1  }
0x43: {  	v10 =	vmul.f32 v8, v59;
	_ =	sdelay $0x1  }
0x44: {  	v10 =	vmul.f32 v10, v8;
	_ =	sdelay $0x1  }
0x45: {  	v10 =	vsub.f32 $1.500000000e+00, v10;
	_ =	sdelay $0x1  }
0x46: {  	v8 =	vmul.f32 v10, v8;
	_ =	sdelay $0x1  }
0x47: {  	v9 =	vmul.f32 v8, v59;
	_ =	sdelay $0x1  }
0x48: {  	v9 =	vmul.f32 v9, v8;
	_ =	sdelay $0x1  }
0x49: {  	v9 =	vsub.f32 $1.500000000e+00, v9;
	_ =	sdelay $0x1  }
0x4a: {  	v8 =	vmul.f32 v9, v8;
	_ =	sdelay $0x1  }
0x4b: {  	v8 =	vmul.f32 v8, v7;
	_ =	sdelay $0x1  }
0x4c: {  	v8 =	vmul.f32 $1.638400020e+03, v8;
	_ =	sdelay $0x1  }
0x4d: {  	v8 =	vadd.f32 $5.000000000e-01, v8  }
0x4e: {  	vm0 =	vlt.f32 v7, $2.500000000e+01  }
0x4f: {  	[tilespmem:s21+$0xC480] =	vst.msk vm0, v8  }
0x50: {  	[tilespmem:s21+$0xEC00] =	vst.msk vm0, v5  }
0x51: {  	[tilespmem:s21+$0x11380] =	vst.msk vm0, v6  }
0x52: {  	v5 =	vld [tilespmem:s20+$0x7590]  }
0x53: {  	v6 =	vld [tilespmem:s20+$0x9D10];
	_ =	sdelay $0x3  }
0x54: {  	v7 =	vmul.u32 $0x3, v5  }
0x55: {  	v61 =	vmul.u32 $0x3, v6;
	_ =	sdelay $0x1  }
0x56: {  	v62 =	vadd.s32 $0x1, v7  }
0x57: {  	v63 =	vadd.s32 $0x1, v61  }
0x58: {  	v16 =	vadd.s32 $0x2, v7  }
0x59: {  	v17 =	vadd.s32 $0x2, v61;
	v7 =	vld.idx.msk [tilespmem:v7+s1+$0x0], $0xffff  }
0x5a: {  	v8 =	vld.idx.msk [tilespmem:v61+s1+$0x0], $0xffff  }
0x5b: {  	v9 =	vld.idx.msk [tilespmem:v62+s1+$0x0], $0xffff  }
0x5c: {  	v10 =	vld.idx.msk [tilespmem:v63+s1+$0x0], $0xffff  }
0x5d: {  	v11 =	vld.idx.msk [tilespmem:v16+s1+$0x0], $0xffff  }
0x5e: {  	v12 =	vld.idx.msk [tilespmem:v17+s1+$0x0], $0xffff;
	_ =	sdelay $0x2  }
0x5f: {  	v7 =	vsub.f32 v7, v8;
	v18 =	vsub.f32 v9, v10;
	_ =	sdelay $0x1  }
0x60: {  	v19 =	vsub.f32 v11, v12;
	v7 =	vmul.f32 v7, v7;
	v8 =	vmul.f32 v18, v18;
	_ =	sdelay $0x1  }
0x61: {  	v20 =	vmul.f32 v19, v19;
	v7 =	vadd.f32 v8, v7;
	_ =	sdelay $0x1  }
0x62: {  	v7 =	vadd.f32 v20, v7;
	_ =	sdelay $0x1  }
0x63: {  	v7 =	vadd.f32 $9.999999960e-13, v7;
	_ =	sdelay $0x1  }
0x64: {  	v21 =	vshra.s32 v7, $0x1;
	v22 =	vmul.f32 $5.000000000e-01, v7  }
0x65: {  	v8 =	vsub.s32 $0x5F3759DF, v21  }
0x66: {  	v23 =	vmul.f32 v8, v22;
	_ =	sdelay $0x1  }
0x67: {  	v10 =	vmul.f32 v8, v23;
	_ =	sdelay $0x1  }
0x68: {  	v10 =	vsub.f32 $1.500000000e+00, v10  }
0x69: {  	v24 =	vsel vm0, $0x1, v2  }
0x6a: {  	(xrf0) =	vadd.scan.msk.s32 $0xffff, v24;
	v8 =	vmul.f32 v8, v10;
	_ =	sdelay $0x1  }
0x6b: {  	v10 =	vmul.f32 v8, v22;
	_ =	sdelay $0x1  }
0x6c: {  	v10 =	vmul.f32 v10, v8;
	_ =	sdelay $0x1  }
0x6d: {  	v11, _, _ =	vpop (xrf0);
	v10 =	vsub.f32 $1.500000000e+00, v10  }
0x6e: {  	(v2sf) =	vpush v11, $0xF  }
0x6f: {  	v8 =	vmul.f32 v10, v8;
	_ =	sdelay $0x1  }
0x70: {  	v9 =	vmul.f32 v8, v22;
	_ =	sdelay $0x1  }
0x71: {  	v9 =	vmul.f32 v9, v8;
	_ =	sdelay $0x1  }
0x72: {  	v9 =	vsub.f32 $1.500000000e+00, v9;
	_ =	sdelay $0x1  }
0x73: {  	v8 =	vmul.f32 v9, v8;
	_ =	sdelay $0x1  }
0x74: {  	v8 =	vmul.f32 v8, v7;
	_ =	sdelay $0x1  }
0x75: {  	v8 =	vmul.f32 $1.638400020e+03, v8;
	_ =	sdelay $0x1  }
0x76: {  	s22 =	spop (v2sf);
	v8 =	vadd.f32 $5.000000000e-01, v8  }
0x77: {  	vm12 =	vlt.f32 v7, $2.500000000e+01;
	s26 =	sadd.s32 s21, s22  }
0x78: {  	[tilespmem:s26+$0xC480] =	vst.msk vm12, v8  }
0x79: {  	[tilespmem:s26+$0xEC00] =	vst.msk vm12, v5  }
0x7a: {  	[tilespmem:s26+$0x11380] =	vst.msk vm12, v6  }
0x7b: {  	v5 =	vld [tilespmem:s20+$0x75A0]  }
0x7c: {  	v6 =	vld [tilespmem:s20+$0x9D20];
	_ =	sdelay $0x3  }
0x7d: {  	v7 =	vmul.u32 $0x3, v5  }
0x7e: {  	v25 =	vmul.u32 $0x3, v6;
	_ =	sdelay $0x1  }
0x7f: {  	v26 =	vadd.s32 $0x1, v7  }
0x80: {  	v27 =	vadd.s32 $0x1, v25  }
0x81: {  	v28 =	vadd.s32 $0x2, v7  }
0x82: {  	v29 =	vadd.s32 $0x2, v25;
	v7 =	vld.idx.msk [tilespmem:v7+s1+$0x0], $0xffff  }
0x83: {  	v8 =	vld.idx.msk [tilespmem:v25+s1+$0x0], $0xffff  }
0x84: {  	v9 =	vld.idx.msk [tilespmem:v26+s1+$0x0], $0xffff  }
0x85: {  	v10 =	vld.idx.msk [tilespmem:v27+s1+$0x0], $0xffff  }
0x86: {  	v11 =	vld.idx.msk [tilespmem:v28+s1+$0x0], $0xffff  }
0x87: {  	v12 =	vld.idx.msk [tilespmem:v29+s1+$0x0], $0xffff;
	_ =	sdelay $0x2  }
0x88: {  	v7 =	vsub.f32 v7, v8;
	v30 =	vsub.f32 v9, v10;
	_ =	sdelay $0x1  }
0x89: {  	v31 =	vsub.f32 v11, v12;
	v7 =	vmul.f32 v7, v7;
	v8 =	vmul.f32 v30, v30;
	_ =	sdelay $0x1  }
0x8a: {  	v32 =	vmul.f32 v31, v31;
	v7 =	vadd.f32 v8, v7;
	_ =	sdelay $0x1  }
0x8b: {  	v7 =	vadd.f32 v32, v7;
	_ =	sdelay $0x1  }
0x8c: {  	v7 =	vadd.f32 $9.999999960e-13, v7;
	_ =	sdelay $0x1  }
0x8d: {  	v33 =	vshra.s32 v7, $0x1;
	v34 =	vmul.f32 $5.000000000e-01, v7  }
0x8e: {  	v8 =	vsub.s32 $0x5F3759DF, v33  }
0x8f: {  	v35 =	vmul.f32 v8, v34;
	_ =	sdelay $0x1  }
0x90: {  	v10 =	vmul.f32 v8, v35;
	_ =	sdelay $0x1  }
0x91: {  	v10 =	vsub.f32 $1.500000000e+00, v10  }
0x92: {  	v36 =	vsel vm12, $0x1, v2  }
0x93: {  	(xrf0) =	vadd.scan.msk.s32 $0xffff, v36;
	v8 =	vmul.f32 v8, v10;
	_ =	sdelay $0x1  }
0x94: {  	v10 =	vmul.f32 v8, v34;
	_ =	sdelay $0x1  }
0x95: {  	v10 =	vmul.f32 v10, v8;
	_ =	sdelay $0x1  }
0x96: {  	v11, _, _ =	vpop (xrf0);
	v10 =	vsub.f32 $1.500000000e+00, v10  }
0x97: {  	(v2sf) =	vpush v11, $0xF  }
0x98: {  	v8 =	vmul.f32 v10, v8;
	_ =	sdelay $0x1  }
0x99: {  	v9 =	vmul.f32 v8, v34;
	_ =	sdelay $0x1  }
0x9a: {  	v9 =	vmul.f32 v9, v8;
	_ =	sdelay $0x1  }
0x9b: {  	v9 =	vsub.f32 $1.500000000e+00, v9;
	_ =	sdelay $0x1  }
0x9c: {  	v8 =	vmul.f32 v9, v8;
	_ =	sdelay $0x1  }
0x9d: {  	v8 =	vmul.f32 v8, v7;
	_ =	sdelay $0x1  }
0x9e: {  	v8 =	vmul.f32 $1.638400020e+03, v8;
	_ =	sdelay $0x1  }
0x9f: {  	s28 =	spop (v2sf);
	v8 =	vadd.f32 $5.000000000e-01, v8  }
0xa0: {  	vm13 =	vlt.f32 v7, $2.500000000e+01;
	s21 =	sadd.s32 s26, s28  }
0xa1: {  	[tilespmem:s21+$0xC480] =	vst.msk vm13, v8  }
0xa2: {  	[tilespmem:s21+$0xEC00] =	vst.msk vm13, v5  }
0xa3: {  	[tilespmem:s21+$0x11380] =	vst.msk vm13, v6  }
0xa4: {  	v5 =	vld [tilespmem:s20+$0x75B0]  }
0xa5: {  	v6 =	vld [tilespmem:s20+$0x9D30];
	_ =	sdelay $0x3  }
0xa6: {  	v7 =	vmul.u32 $0x3, v5  }
0xa7: {  	v37 =	vmul.u32 $0x3, v6;
	_ =	sdelay $0x1  }
0xa8: {  	v38 =	vadd.s32 $0x1, v7  }
0xa9: {  	v39 =	vadd.s32 $0x1, v37  }
0xaa: {  	v40 =	vadd.s32 $0x2, v7  }
0xab: {  	v41 =	vadd.s32 $0x2, v37;
	v7 =	vld.idx.msk [tilespmem:v7+s1+$0x0], $0xffff  }
0xac: {  	v8 =	vld.idx.msk [tilespmem:v37+s1+$0x0], $0xffff  }
0xad: {  	v9 =	vld.idx.msk [tilespmem:v38+s1+$0x0], $0xffff  }
0xae: {  	v10 =	vld.idx.msk [tilespmem:v39+s1+$0x0], $0xffff  }
0xaf: {  	v11 =	vld.idx.msk [tilespmem:v40+s1+$0x0], $0xffff  }
0xb0: {  	v12 =	vld.idx.msk [tilespmem:v41+s1+$0x0], $0xffff;
	_ =	sdelay $0x2  }
0xb1: {  	v7 =	vsub.f32 v7, v8;
	v42 =	vsub.f32 v9, v10;
	_ =	sdelay $0x1  }
0xb2: {  	v43 =	vsub.f32 v11, v12;
	v7 =	vmul.f32 v7, v7;
	v8 =	vmul.f32 v42, v42;
	_ =	sdelay $0x1  }
0xb3: {  	v44 =	vmul.f32 v43, v43;
	v7 =	vadd.f32 v8, v7;
	_ =	sdelay $0x1  }
0xb4: {  	v7 =	vadd.f32 v44, v7;
	_ =	sdelay $0x1  }
0xb5: {  	v7 =	vadd.f32 $9.999999960e-13, v7;
	_ =	sdelay $0x1  }
0xb6: {  	v45 =	vshra.s32 v7, $0x1;
	v46 =	vmul.f32 $5.000000000e-01, v7  }
0xb7: {  	v8 =	vsub.s32 $0x5F3759DF, v45  }
0xb8: {  	v47 =	vmul.f32 v8, v46;
	_ =	sdelay $0x1  }
0xb9: {  	v10 =	vmul.f32 v8, v47;
	_ =	sdelay $0x1  }
0xba: {  	v10 =	vsub.f32 $1.500000000e+00, v10  }
0xbb: {  	v48 =	vsel vm13, $0x1, v2  }
0xbc: {  	(xrf0) =	vadd.scan.msk.s32 $0xffff, v48;
	v8 =	vmul.f32 v8, v10;
	_ =	sdelay $0x1  }
0xbd: {  	v10 =	vmul.f32 v8, v46;
	_ =	sdelay $0x1  }
0xbe: {  	v10 =	vmul.f32 v10, v8;
	_ =	sdelay $0x1  }
0xbf: {  	v11, _, _ =	vpop (xrf0);
	v10 =	vsub.f32 $1.500000000e+00, v10  }
0xc0: {  	(v2sf) =	vpush v11, $0xF  }
0xc1: {  	v8 =	vmul.f32 v10, v8;
	_ =	sdelay $0x1  }
0xc2: {  	v9 =	vmul.f32 v8, v46;
	_ =	sdelay $0x1  }
0xc3: {  	v9 =	vmul.f32 v9, v8;
	_ =	sdelay $0x1  }
0xc4: {  	v9 =	vsub.f32 $1.500000000e+00, v9;
	_ =	sdelay $0x1  }
0xc5: {  	v8 =	vmul.f32 v9, v8;
	_ =	sdelay $0x1  }
0xc6: {  	v8 =	vmul.f32 v8, v7;
	_ =	sdelay $0x1  }
0xc7: {  	v8 =	vmul.f32 $1.638400020e+03, v8;
	_ =	sdelay $0x1  }
0xc8: {  	s29 =	spop (v2sf);
	v8 =	vadd.f32 $5.000000000e-01, v8  }
0xc9: {  	vm14 =	vlt.f32 v7, $2.500000000e+01;
	s21 =	sadd.s32 s21, s29  }
0xca: {  	[tilespmem:s21+$0xC480] =	vst.msk vm14, v8  }
0xcb: {  	[tilespmem:s21+$0xEC00] =	vst.msk vm14, v5  }
0xcc: {  	[tilespmem:s21+$0x11380] =	vst.msk vm14, v6  }
0xcd: {  	v5 =	vld [tilespmem:s20+$0x75C0]  }
0xce: {  	v6 =	vld [tilespmem:s20+$0x9D40];
	_ =	sdelay $0x3  }
0xcf: {  	v7 =	vmul.u32 $0x3, v5  }
0xd0: {  	v49 =	vmul.u32 $0x3, v6;
	_ =	sdelay $0x1  }
0xd1: {  	v50 =	vadd.s32 $0x1, v7  }
0xd2: {  	v51 =	vadd.s32 $0x1, v49  }
0xd3: {  	v52 =	vadd.s32 $0x2, v7  }
0xd4: {  	v53 =	vadd.s32 $0x2, v49;
	v7 =	vld.idx.msk [tilespmem:v7+s1+$0x0], $0xffff  }
0xd5: {  	v8 =	vld.idx.msk [tilespmem:v49+s1+$0x0], $0xffff  }
0xd6: {  	v9 =	vld.idx.msk [tilespmem:v50+s1+$0x0], $0xffff  }
0xd7: {  	v10 =	vld.idx.msk [tilespmem:v51+s1+$0x0], $0xffff  }
0xd8: {  	v11 =	vld.idx.msk [tilespmem:v52+s1+$0x0], $0xffff  }
0xd9: {  	v12 =	vld.idx.msk [tilespmem:v53+s1+$0x0], $0xffff;
	_ =	sdelay $0x2  }
0xda: {  	v7 =	vsub.f32 v7, v8;
	v54 =	vsub.f32 v9, v10;
	_ =	sdelay $0x1  }
0xdb: {  	v55 =	vsub.f32 v11, v12;
	v7 =	vmul.f32 v7, v7;
	v8 =	vmul.f32 v54, v54;
	_ =	sdelay $0x1  }
0xdc: {  	v56 =	vmul.f32 v55, v55;
	v7 =	vadd.f32 v8, v7;
	_ =	sdelay $0x1  }
0xdd: {  	v7 =	vadd.f32 v56, v7;
	_ =	sdelay $0x1  }
0xde: {  	v7 =	vadd.f32 $9.999999960e-13, v7;
	_ =	sdelay $0x1  }
0xdf: {  	v57 =	vshra.s32 v7, $0x1;
	v58 =	vmul.f32 $5.000000000e-01, v7  }
0xe0: {  	v8 =	vsub.s32 $0x5F3759DF, v57  }
0xe1: {  	v59 =	vmul.f32 v8, v58;
	_ =	sdelay $0x1  }
0xe2: {  	v10 =	vmul.f32 v8, v59;
	_ =	sdelay $0x1  }
0xe3: {  	v10 =	vsub.f32 $1.500000000e+00, v10  }
0xe4: {  	v60 =	vsel vm14, $0x1, v2  }
0xe5: {  	(xrf0) =	vadd.scan.msk.s32 $0xffff, v60;
	v8 =	vmul.f32 v8, v10  }
0xe6: {  	vm15 =	vlt.f32 v7, $2.500000000e+01  }
0xe7: {  	v61 =	vsel vm15, $0x1, v2;
	v10 =	vmul.f32 v8, v58  }
0xe8: {  	(xrf0) =	vadd.scan.msk.s32 $0xffff, v61  }
0xe9: {  	v10 =	vmul.f32 v10, v8;
	_ =	sdelay $0x1  }
0xea: {  	v62, _, _ =	vpop (xrf0);
	v10 =	vsub.f32 $1.500000000e+00, v10  }
0xeb: {  	(v2sf) =	vpush v62, $0xF  }
0xec: {  	v8 =	vmul.f32 v10, v8  }
0xed: {  	v63, _, _ =	vpop (xrf0)  }
0xee: {  	(v2sf) =	vpush v63, $0xF;
	v9 =	vmul.f32 v8, v58;
	_ =	sdelay $0x1  }
0xef: {  	v9 =	vmul.f32 v9, v8;
	_ =	sdelay $0x1  }
0xf0: {  	v9 =	vsub.f32 $1.500000000e+00, v9;
	_ =	sdelay $0x1  }
0xf1: {  	v8 =	vmul.f32 v9, v8;
	_ =	sdelay $0x1  }
0xf2: {  	v7 =	vmul.f32 v8, v7;
	_ =	sdelay $0x1  }
0xf3: {  	v7 =	vmul.f32 $1.638400020e+03, v7  }
0xf4: {  	p0 =	sne.s32 s19, $0x9B00  }
.Ltmp0:
0xf5: {  	s30 =	spop (v2sf);
	v7 =	vadd.f32 $5.000000000e-01, v7;
	(pc) =	sbr.rel @p0 .LBB2_2-.Ltmp0, $4  }
0xf6: {  	s20 =	sadd.s32 s21, s30  }
0xf7: {  	[tilespmem:s20+$0xC480] =	vst.msk vm15, v7  }
0xf8: {  	s31 =	spop (v2sf);
	[tilespmem:s20+$0xEC00] =	vst.msk vm15, v5  }
0xf9: {  	s19 =	sadd.s32 $0x140, s19;
	s21 =	sadd.s32 s20, s31;
	[tilespmem:s20+$0x11380] =	vst.msk vm15, v6  }
0xfa: {  	[tilespmem:s21+$0xC480] =	vst v0  }
0xfb: {  	[tilespmem:s21+$0xEC00] =	vst v2  }
0xfc: {  	[tilespmem:s21+$0x11380] =	vst v2  }
0xfd: {  	[tilespmem:s21+$0xC490] =	vst v1  }
0xfe: {  	[tilespmem:s21+$0xEC10] =	vst v2  }
0xff: {  	[tilespmem:s21+$0x11390] =	vst v2  }
0x100: {  	[tilespmem:s21+$0xC4A0] =	vst v3  }
0x101: {  	[tilespmem:s21+$0xEC20] =	vst v2  }
0x102: {  	[tilespmem:s21+$0x113A0] =	vst v2  }
0x103: {  	[tilespmem:s21+$0xC4B0] =	vst v4  }
0x104: {  	[tilespmem:s21+$0xEC30] =	vst v2  }
0x105: {  	[tilespmem:s21+$0x113B0] =	vst v2  }
0x106: {  	[tilespmem:s21+$0xC4C0] =	vst v0  }
0x107: {  	[tilespmem:s21+$0xEC40] =	vst v2  }
0x108: {  	[tilespmem:s21+$0x113C0] =	vst v2  }
0x109: {  	[tilespmem:s21+$0xC4D0] =	vst v1  }
0x10a: {  	s19 =	sadd.s32 $0x4F, s21;
	[tilespmem:s21+$0xEC50] =	vst v2  }
0x10b: {  	[tilespmem:s21+$0x113D0] =	vst v2;
	s20 =	smulhi.u32 $0x66666667, s19;
	s22 =	sshra.s32 s19, $0x1F  }
0x10c: {  	[hbm4b:s6+s1] =	stream.linear.scatter [tilespmem:s14], [sflag:$0x2], $0x2780, $0x38;
	[tilespmem:$0x13B00] =	vst v63  }
0x10d: {  	s22 =	smul.u32 $0x66666667, s22  }
0x10e: {  	_ =	swait.ge [sflag:s15], $0x2780  }
0x10f: {  	[sflag:s15] =	ssyncset.done $0x0;
	s20 =	sadd.s32 s22, s20  }
0x110: {  	[sflag:s15] =	ssyncadd.s32 $0xFFFFD880;
	s22 =	sshrl.u32 s20, $0x1F;
	s20 =	sshra.s32 s20, $0x5  }
0x111: {  	[hbm4b:s7+s1] =	stream.linear.scatter [tilespmem:s16], [sflag:$0x2], $0x2780, $0x38;
	[tilespmem:$0x13B00] =	vst v63  }
0x112: {  	s20 =	sadd.s32 s22, s20  }
0x113: {  	_ =	swait.ge [sflag:s15], $0x2780;
	s22 =	smul.u32 $0xFFFFFFB0, s20  }
0x114: {  	s31 =	ssub.s32 $0xFFFFFFB1, s21;
	[sflag:s15] =	ssyncset.done $0x0  }
0x115: {  	p0 =	slt.s32 s19, $0x1;
	[sflag:s15] =	ssyncadd.s32 $0xFFFFD880;
	p1 =	sne.s32 s22, s31  }
0x116: {  	[hbm4b:s8+s1] =	stream.linear.scatter [tilespmem:s17], [sflag:$0x2], $0x2780, $0x38;
	[tilespmem:$0x13B00] =	vst v63  }
0x117: {  	p0 =	por !p0, !p1  }
0x118: {  	s19 =	simm.s32 $0x1;
	p0 =	por !p0, !p0  }
0x119: {  	s19 =	simm.s32 @!p0 $0x0  }
0x11a: {  	s19 =	ssub.s32 s20, s19  }
0x11b: {  	_ =	swait.ge [sflag:s15], $0x2780;
	s19 =	smul.u32 $0x50, s19  }
0x11c: {  	s18 =	sadd.s32 $0x1, s18;
	[sflag:s15] =	ssyncset.done $0x0  }
0x11d: {  	[sflag:s15] =	ssyncadd.s32 $0xFFFFD880;
	p0 =	sne.s32 s18, s10;
	v5 =	vmov s19  }
.Ltmp1:
0x11e: {  	[tilespmem:$0x11380] =	vst v5;
	(pc) =	sbr.rel @p0 .LBB2_1-.Ltmp1, $4  }
0x11f: {  	[hbm4b:s9+s1] =	stream.linear.scatter [tilespmem:s17], [sflag:$0x2], $0x10, $0x38;
	[tilespmem:$0x13B00] =	vst v63  }
0x120: {  	_ =	swait.ge [sflag:s15], $0x10  }
0x121: {  	[sflag:s15] =	ssyncset.done $0x0  }
0x122: {  	[sflag:s15] =	ssyncadd.s32 $0xFFFFFFF0  }
0x123: {  	_ =	sfence.sel $0x180000  }
0x124: {  	[bflag:$0x0] =	sbarrier.arrive $0xFFFF  }
0x125: {  	p0 =	sne.s32 s2, $0x0;
	_ =	strace $0x90000047  }
0x126: {  	s0 =	sadd.s32 @!p0 $0x100000, s0;
	[bflag:$0x2] =	sbarrier.arrive $0xFFFF  }
0x127: {  	[sflag:s0] =	ssyncadd.tile.s32 @!p0 $0x1;
	_ =	shalt  }
.Lfunc_end2:
_tile_overlayer_lowered:
.L_overlay_start_2:
0x128: {  	(tag) =	ssettag $0x2  }
0x129: {  	s0 =	rddreg [dreg:$0x0];
	s2 =	stileid.u32  }
0x12a: {  	s1 =	rddreg [dreg:$0x1];
	p0 =	sne.s32 s2, $0x0  }
0x12b: {  	s3 =	rddreg [dreg:$0x2];
	[bflag:$0x3] =	sbarrier.arrive $0xFFFF;
	s2 =	simm.s32 @!p0 $0x1C02  }
0x12c: {  	[timem:s3], [sflag:s2] =	dma.local @!p0 [hbm:s0], s1  }
0x12d: {  	s0 =	simm.s32 @!p0 $0x2  }
0x12e: {  	_ =	swait.ge @!p0 [sflag:s0], s1  }
0x12f: {  	s1 =	ssub.s32 @!p0 $0x0, s1;
	[sflag:s0] =	ssyncset.done @!p0 $0x0  }
0x130: {  	[sflag:s0] =	ssyncadd.s32 @!p0 s1  }
0x131: {  	[bflag:$0x3] =	sbarrier.arrive $0xFFFF  }
0x132: {  	_ =	shalt  }

// kernel: kernel.9.cloned.1.call-start
scs
__scs_entry_jumppad:
0x0: {  	(pc) =	sbr.rel $0x88, $3  }
0x1: {  	(tag) =	ssettag $0x0;
	lr =	simm.s32 $0x1  }
0x2: {  	[smem:$0x3F9A] =	sst lr;
	_ =	strace $0xD0000000  }
0x3: {  	_ = 	snop  }
0x4: {  	_ = 	snop  }
0x5: {  	_ = 	snop  }
0x6: {  	_ = 	snop  }
0x7: {  	_ = 	snop  }
__scs_overlays_trampoline_lowered:
0x8: {  	[smem:$0x3FA9] =	sst s0  }
0x9: {  	[smem:$0x3FAA] =	sst s1  }
0xa: {  	[smem:$0x3FAB] =	sst s2  }
0xb: {  	[smem:$0x3FAC] =	sst s3  }
0xc: {  	[smem:$0x3FAD] =	sst s4  }
0xd: {  	[smem:$0x3FAE] =	sst s5  }
0xe: {  	[smem:$0x3FAF] =	sst s6  }
0xf: {  	[smem:$0x3FB0] =	sst s7  }
0x10: {  	[smem:$0x3FB1] =	sst s8  }
0x11: {  	[smem:$0x3FB2] =	sst s9;
	s0 =	simm.s32 @!p0 $0x0  }
0x12: {  	s1 =	sld [smem:$0x3F98];
	s0 =	simm.s32 @p0 $0x1  }
0x13: {  	[smem:$0x3FB3] =	sst s0;
	s0 =	simm.s32 @!p1 $0x0  }
0x14: {  	s2 =	sld [smem:$0x3F97];
	s0 =	simm.s32 @p1 $0x1  }
0x15: {  	[smem:$0x3FB4] =	sst s0;
	s0 =	simm.s32 @!p2 $0x0  }
0x16: {  	s3 =	sld [smem:$0x3FDB];
	s0 =	simm.s32 @p2 $0x1  }
0x17: {  	s4 =	simm.s32 $0x1BF5;
	[smem:$0x3FB6] =	sst s0  }
0x18: {  	s0 =	sld [smem:$0x3F99];
	_ =	swait.ge [sflag:s4], $0x0  }
0x19: {  	s7 =	sld [smem:$0x3F9A]  }
0x1a: {  	s8 =	sadd.s32 $0xFFFFE003, lr  }
0x1b: {  	s9 =	sadd.s32 $0xFFFFFEF7, lr;
	s5 =	simm.s32 $0xFFFFFFFF;
	p2 =	slt.u32 s8, $0xFFFFF086  }
0x1c: {  	p1 =	slt.u32 s9, $0xF7A;
	s5 =	simm.s32 @!p2 $0x0  }
0x1d: {  	s5 =	simm.s32 @p1 $0x1;
	p0 =	seq.s32 s7, s2  }
0x1e: {  	s7 =	smul.u32 @!p0 $0xF7A, s2;
	p2 =	seq.s32 @!p0 s5, $0x0  }
0x1f: {  	s9 =	smul.u32 $0xF7A, s1;
	s8 =	simm.s32 @!p0 $0x1BF5;
	p2 =	por !p2, p0  }
0x20: {  	[sflag:s8] =	ssyncset.s32 @!p0 $0xFFFFF086;
	s6 =	sadd.s32 @!p0 s3, s7;
	s7 =	simm.s32 @!p0 $0x108  }
0x21: {  	s3 =	sadd.s32 s3, s9;
	s6 =	sadd.s32 @!p0 $0x88, s6;
	s7 =	simm.s32 @p2 $0x1082  }
0x22: {  	[simem:s7], [sflag:s8] =	dma.local @!p0 [hbm:s6], $0xF7A  }
0x23: {  	s9 =	sor.u32 $0xD0000000, s2;
	s6 =	simm.s32 $0x108;
	_ =	swait.ge @!p0 [sflag:s8], $0x0  }
0x24: {  	s3 =	sadd.s32 $0x88, s3;
	s6 =	simm.s32 @!p1 $0x1082;
	[sflag:s4] =	ssyncset.s32 $0xFFFFF086  }
0x25: {  	[simem:s6], [sflag:s4] =	dma.local [hbm:s3], $0xF7A  }
0x26: {  	[smem:$0x3F9A] =	sst s1;
	(tag) =	ssettag s2;
	_ =	strace s9  }
0x27: {  	s1 =	sld [smem:$0x3FAA]  }
0x28: {  	s2 =	sld [smem:$0x3FAB]  }
0x29: {  	s4 =	sld [smem:$0x3FAD]  }
0x2a: {  	p0 =	seq.s32 s5, $0x0;
	s5 =	sld [smem:$0x3FAE]  }
0x2b: {  	s6 =	sld [smem:$0x3FAF]  }
0x2c: {  	s7 =	sld [smem:$0x3FB0]  }
0x2d: {  	s3 =	simm.s32 $0x108;
	s8 =	sld [smem:$0x3FB1]  }
0x2e: {  	s3 =	simm.s32 @!p0 $0x1082;
	s9 =	sld [smem:$0x3FB2]  }
0x2f: {  	lr =	sadd.s32 s0, s3;
	s0 =	sld [smem:$0x3FA9]  }
0x30: {  	s3 =	sld [smem:$0x3FAC]  }
0x31: {  	[smem:$0x3FB5] =	sst s10  }
0x32: {  	s10 =	sld [smem:$0x3FB3];
	_ =	sdelay $0x3  }
0x33: {  	p0 =	seq.s32 s10, $0x1;
	s10 =	sld [smem:$0x3FB5];
	_ =	sdelay $0x3  }
0x34: {  	[smem:$0x3FB5] =	sst s10  }
0x35: {  	s10 =	sld [smem:$0x3FB4];
	_ =	sdelay $0x3  }
0x36: {  	p1 =	seq.s32 s10, $0x1;
	s10 =	sld [smem:$0x3FB5];
	_ =	sdelay $0x3  }
0x37: {  	[smem:$0x3FB5] =	sst s10  }
0x38: {  	s10 =	sld [smem:$0x3FB6]  }
0x39: {  	_ = 	snop;
	(pc) =	sbr.ind lr, $3  }
0x3a: {  	_ = 	snop  }
0x3b: {  	_ = 	snop  }
0x3c: {  	p2 =	seq.s32 s10, $0x1;
	s10 =	sld [smem:$0x3FB5]  }
0x3d: {  	_ =	shalt  }
0x3e: {  	_ =	shalt  }
0x3f: {  	_ =	shalt  }
0x40: {  	_ =	shalt  }
0x41: {  	_ =	shalt  }
0x42: {  	_ =	shalt  }
0x43: {  	_ =	shalt  }
0x44: {  	_ =	shalt  }
0x45: {  	_ =	shalt  }
0x46: {  	_ =	shalt  }
0x47: {  	_ =	shalt  }
0x48: {  	_ =	shalt  }
0x49: {  	_ =	shalt  }
0x4a: {  	_ =	shalt  }
0x4b: {  	_ =	shalt  }
0x4c: {  	_ =	shalt  }
0x4d: {  	_ =	shalt  }
0x4e: {  	_ =	shalt  }
0x4f: {  	_ =	shalt  }
0x50: {  	_ =	shalt  }
0x51: {  	_ =	shalt  }
0x52: {  	_ =	shalt  }
0x53: {  	_ =	shalt  }
0x54: {  	_ =	shalt  }
0x55: {  	_ =	shalt  }
0x56: {  	_ =	shalt  }
0x57: {  	_ =	shalt  }
0x58: {  	_ =	shalt  }
0x59: {  	_ =	shalt  }
0x5a: {  	_ =	shalt  }
0x5b: {  	_ =	shalt  }
0x5c: {  	_ =	shalt  }
0x5d: {  	_ =	shalt  }
0x5e: {  	_ =	shalt  }
0x5f: {  	_ =	shalt  }
0x60: {  	_ =	shalt  }
0x61: {  	_ =	shalt  }
0x62: {  	_ =	shalt  }
0x63: {  	_ =	shalt  }
0x64: {  	_ =	shalt  }
0x65: {  	_ =	shalt  }
0x66: {  	_ =	shalt  }
0x67: {  	_ =	shalt  }
0x68: {  	_ =	shalt  }
0x69: {  	_ =	shalt  }
0x6a: {  	_ =	shalt  }
0x6b: {  	_ =	shalt  }
0x6c: {  	_ =	shalt  }
0x6d: {  	_ =	shalt  }
0x6e: {  	_ =	shalt  }
0x6f: {  	_ =	shalt  }
0x70: {  	_ =	shalt  }
0x71: {  	_ =	shalt  }
0x72: {  	_ =	shalt  }
0x73: {  	_ =	shalt  }
0x74: {  	_ =	shalt  }
0x75: {  	_ =	shalt  }
0x76: {  	_ =	shalt  }
0x77: {  	_ =	shalt  }
0x78: {  	_ =	shalt  }
0x79: {  	_ =	shalt  }
0x7a: {  	_ =	shalt  }
0x7b: {  	_ =	shalt  }
0x7c: {  	_ =	shalt  }
0x7d: {  	_ =	shalt  }
0x7e: {  	_ =	shalt  }
0x7f: {  	_ =	shalt  }
0x80: {  	_ =	shalt  }
0x81: {  	_ =	shalt  }
0x82: {  	_ =	shalt  }
0x83: {  	_ =	shalt  }
0x84: {  	_ =	shalt  }
0x85: {  	_ =	shalt  }
0x86: {  	_ =	shalt  }
0x87: {  	_ =	shalt  }
.Lfunc_end0:
.L_simem_size_0:
called_computation.1_lowered:
.L_overlay_start_0:
0x88: {  	s2 =	sld [smem:$0x3FD9]  }
0x89: {  	s3 =	sld [smem:$0x3FFE];
	_ =	sdelay $0x1  }
0x8a: {  	s1 =	srdreg.scid  }
0x8b: {  	s0 =	sand.u32 $0x1, s1  }
0x8c: {  	s17 =	sshll.u32 s0, $0xA;
	s2 =	sadd.s32 s3, s2  }
0x8d: {  	s2 =	sadd.s32 s2, s17  }
0x8e: {  	[smem:$0x3FC1] =	sst s2  }
0x8f: {  	_ = 	snop  }
0x90: {  	s2 =	sld [smem:$0x3FC8]  }
0x91: {  	s18 =	sld [smem:$0x3FD0];
	(tm) =	ssettm $0x1  }
0x92: {  	s4 =	sld [smem:$0x3FFB];
	_ =	sdelay $0x3  }
0x93: {  	_ =	strace s4  }
0x94: {  	s4 =	sld [smem:$0x3FFC];
	_ =	sdelay $0x3  }
0x95: {  	_ =	strace s4  }
0x96: {  	s4 =	sld [smem:$0x3FFD];
	_ =	sdelay $0x3  }
0x97: {  	_ =	strace s4  }
0x98: {  	_ =	strace $0x8FFFFFFF  }
0x99: {  	s19 =	sld [smem:$0x3FDB];
	_ =	sdelay $0x1  }
0x9a: {  	s5 =	simm.s32 $_scs_section_size  }
0x9b: {  	s6 =	simm.s32 $_size__tile_overlayer_lowered;
	s7 =	simm.s32 $_tile_overlayer_lowered  }
0x9c: {  	s22 =	simm.s32 $0x1BFF;
	s21 =	sshll.u32 s7, $0x1;
	s4 =	sadd.s32 s5, s19  }
0x9d: {  	s8 =	simm.s32 $0x0;
	s20 =	sshll.u32 s6, $0x1;
	s6 =	sadd.s32 s21, s4  }
0x9e: {  	[timem:s8], [sflag:s22] =	dma.local [hbm:s6], s20  }
0x9f: {  	_ =	swait.ge [sflag:s22], s20  }
0xa0: {  	s5 =	ssub.s32 $0x0, s20;
	[sflag:s22] =	ssyncset.done $0x0  }
0xa1: {  	[sflag:s22] =	ssyncadd.s32 s5;
	_ =	sdelay $0x1  }
0xa2: {  	s23 =	simm.s32 $0x1B8B  }
0xa3: {  	_ =	swait.ge [sflag:s23], $0x1  }
0xa4: {  	[sflag:s23] =	ssyncset.done $0x0  }
0xa5: {  	s25 =	simm.s32 $0x1B8E;
	s24 =	sld [smem:$0x3FFE];
	[sflag:s23] =	ssyncadd.s32 $0xFFFFFFFF  }
0xa6: {  	s26 =	simm.s32 $execute0_lowered;
	[smem:$0x3FD2] =	sst s25  }
0xa7: {  	s6 =	sshll.u32 s26, $0x1;
	_ =	strace $0x80000049;
	[dreg:$0x1] =	wrdreg $0xFFFFFFFF  }
0xa8: {  	s28 =	simm.s32 $_size_execute0_lowered;
	s4 =	sadd.s32 s4, s6;
	[dreg:$0x0] =	wrdreg $0x0  }
0xa9: {  	s6 =	sshll.u32 s28, $0x1;
	[dreg:$0x2] =	wrdreg s4  }
0xaa: {  	[dreg:$0x3] =	wrdreg s6  }
0xab: {  	[dreg:$0x4] =	wrdreg $0xC0  }
0xac: {  	_ =	task [dreg:s8], $0x5FFFF  }
0xad: {  	[dreg:$0x1] =	wrdreg $0xFFFFFFFF  }
0xae: {  	[dreg:$0x0] =	wrdreg $0x60  }
0xaf: {  	[dreg:$0x2] =	wrdreg s2  }
0xb0: {  	[dreg:$0x3] =	wrdreg s24  }
0xb1: {  	[dreg:$0x4] =	wrdreg s18  }
0xb2: {  	[dreg:$0x5] =	wrdreg $0x0  }
0xb3: {  	[dreg:$0x6] =	wrdreg $0x9  }
0xb4: {  	_ =	task.clear_ibuf [dreg:s8], $0x7FFFF;
	_ =	strace $0x90000049  }
0xb5: {  	s29 =	simm.s32 $0x9;
	_ =	strace $0x8000004B  }
0xb6: {  	_ =	swait.ge [sflag:s29], $0x1  }
0xb7: {  	[sflag:s29] =	ssyncadd.s32 $0xFFFFFFFF  }
0xb8: {  	_ =	strace $0x9000004B  }
0xb9: {  	_ =	sfence  }
0xba: {  	s30 =	sld [smem:$0x0];
	_ =	sdelay $0x2  }
0xbb: {  	s31 =	sshll.u32 s1, $0xD;
	s1 =	sshrl.u32 s1, $0x2  }
0xbc: {  	s3 =	sand.u32 $0x4000, s31;
	s1 =	sadd.s32 s1, s30  }
0xbd: {  	s0 =	sor.u32 s3, s0;
	s1 =	sshll.u32 s1, $0x11  }
0xbe: {  	s0 =	sor.u32 s1, s0  }
0xbf: {  	s0 =	sadd.s32 $0x8F2B, s0  }
0xc0: {  	[sflag:s0] =	ssyncadd.remote.s32 $0x1  }
0xc1: {  	_ =	sfence.sel $0xFFFF  }
0xc2: {  	[dreg:$0x0] =	wrdreg $0xFFFFFFFF;
	(pc) =	sbr.abs _section_cstart, $3  }
0xc3: {  	[dreg:$0x1] =	wrdreg $0xFFFFFFFF  }
0xc4: {  	_ =	task.clear_ibuf [dreg:s8], $0x2FFFF;
	_ =	strace $0x9FFFFFFF  }
0xc5: {  	(tm) =	ssettm $0x7FFFFFFF  }
tec
execute0_lowered:
.L_overlay_start_1:
0x0: {  	(tag) =	ssettag $0x1  }
0x1: {  	s1 =	rddreg [dreg:$0x0]  }
0x2: {  	s2 =	srdreg.scid;
	s22 =	stileid.u32  }
0x3: {  	s0 =	rddreg [dreg:$0x1];
	s2 =	sand.u32 $0x1, s2;
	s9 =	smul.u32 $0x500, s22  }
0x4: {  	s3 =	rddreg [dreg:$0x2];
	s8 =	sor.u32 $0x10, s22;
	s7 =	smul.u32 $0x27100, s2  }
0x5: {  	s4 =	rddreg [dreg:$0x3];
	s10 =	sor.u32 $0x20, s22;
	s11 =	smul.u32 $0x500, s8  }
0x6: {  	s6 =	simm.s32 $0x0;
	s12 =	sor.u32 $0x30, s22;
	s13 =	smul.u32 $0x500, s10  }
0x7: {  	s5 =	sshll.u32 s22, $0x1;
	s18 =	sor.u32 $0x40, s22;
	s15 =	smul.u32 $0x500, s12  }
0x8: {  	[smem:$0x7FF] =	sst s6;
	s19 =	sor.u32 $0x50, s22;
	s26 =	smul.u32 $0x500, s18  }
0x9: {  	s20 =	sor.u32 $0x60, s22;
	s21 =	sor.u32 $0x70, s22;
	s16 =	smul.u32 $0x500, s19  }
0xa: {  	s5 =	sor.u32 s2, s5;
	_ =	strace $0x8000004A;
	s31 =	smul.u32 $0x500, s20  }
0xb: {  	s2 =	ssub.s32 $0x2, s2;
	s23 =	smul.u32 $0x500, s21;
	s25 =	sshll.u32 s5, $0x1  }
0xc: {  	s14 =	sshrl.u32 s2, $0x1;
	s6 =	sadd.s32 s25, s0;
	s7 =	sadd.s32 s7, s0  }
0xd: {  	s2 =	ssub.s32 s2, s14;
	s14 =	smul.u32 $0x2780, s5;
	s7 =	sadd.s32 $0x33A00, s7  }
0xe: {  	s2 =	smax.u32 s2, $0x1;
	s9 =	sadd.s32 s7, s9;
	s11 =	sadd.s32 s7, s11  }
0xf: {  	s17 =	sadd.s32 s7, s13;
	s24 =	sadd.s32 s7, s15;
	[dreg:$0x14] =	wrdreg s2  }
0x10: {  	s25 =	sadd.s32 s7, s26;
	s26 =	sadd.s32 s7, s16;
	[dreg:$0x5] =	wrdreg s9  }
0x11: {  	s15 =	sadd.s32 $0x1FC00, s0;
	s16 =	sadd.s32 $0x29A00, s0;
	[dreg:$0x6] =	wrdreg s11  }
0x12: {  	[dreg:$0x7] =	wrdreg s17;
	s9 =	sadd.s32 s7, s31;
	s31 =	smul.u32 $0x4F0, s5  }
0x13: {  	[dreg:$0x8] =	wrdreg s24;
	s17 =	sadd.s32 $0x15E00, s0;
	s0 =	smul.u32 $0xA000, s8  }
0x14: {  	[dreg:$0xa] =	wrdreg s26;
	s7 =	sadd.s32 s7, s23;
	s26 =	smul.u32 $0xA000, s22  }
0x15: {  	[dreg:$0xc] =	wrdreg s7;
	s7 =	smul.u32 $0xA000, s10  }
0x16: {  	p0 =	sgt.u32 s21, $0x7C;
	[dreg:$0x9] =	wrdreg s25;
	s10 =	smul.u32 $0xA000, s18  }
0x17: {  	[dreg:$0xb] =	wrdreg s9;
	s9 =	sadd.s32 $0x33800, s6;
	s18 =	smul.u32 $0xA000, s20  }
0x18: {  	s6 =	simm.s32 $0x8;
	[dreg:$0xd] =	wrdreg s9;
	s11 =	sadd.s32 s17, s31  }
0x19: {  	s13 =	sadd.s32 s15, s31;
	s23 =	sor.u32 $0xA, s31;
	s24 =	sadd.s32 s16, s31  }
0x1a: {  	s8 =	sshrl.u32 s26, $0x2;
	s9 =	smul.u32 $0xA000, s12;
	[dreg:$0xe] =	wrdreg s11  }
0x1b: {  	s0 =	sshrl.u32 s0, $0x2;
	s12 =	smul.u32 $0xA000, s19;
	[dreg:$0xf] =	wrdreg s13  }
0x1c: {  	s19 =	smul.u32 $0xA000, s21;
	[dreg:$0x10] =	wrdreg s24;
	s25 =	sadd.s32 s17, s23  }
0x1d: {  	s31 =	sadd.s32 s15, s23;
	s5 =	sadd.s32 s16, s23;
	s24 =	sadd.s32 s8, s4  }
0x1e: {  	s11 =	sshrl.u32 s7, $0x2;
	s2 =	sshrl.u32 s10, $0x2;
	s21 =	sshrl.u32 s18, $0x2  }
0x1f: {  	s7 =	simm.s32 $0x13E80;
	s8 =	simm.s32 $0x4;
	[dreg:$0x11] =	wrdreg s25  }
0x20: {  	s10 =	simm.s32 $0x13B80;
	s18 =	simm.s32 $0x16680;
	[dreg:$0x12] =	wrdreg s31  }
0x21: {  	[dreg:$0x13] =	wrdreg s5;
	s25 =	sadd.s32 s0, s4;
	s26 =	sadd.s32 s11, s4  }
0x22: {  	s13 =	sshrl.u32 s9, $0x2;
	s23 =	sadd.s32 s21, s4;
	[dreg:$0x15] =	wrdreg s24  }
0x23: {  	s29 =	sadd.s32 s2, s4;
	s20 =	sshrl.u32 s12, $0x2;
	[dreg:$0x1b] =	wrdreg s23  }
0x24: {  	s22 =	sshrl.u32 s19, $0x2;
	s9 =	simm.s32 $0x50;
	[dreg:$0x16] =	wrdreg s25  }
.Ltmp0:
0x25: {  	s11 =	simm.s32 $0x5;
	[dreg:$0x17] =	wrdreg s26;
	(pc) =	sbr.rel .LBB2_1-.Ltmp0, $4  }
0x26: {  	s12 =	simm.s32 $0x6;
	s31 =	sadd.s32 s22, s4;
	[dreg:$0x19] =	wrdreg s29  }
0x27: {  	s19 =	simm.s32 $0x7;
	s28 =	sadd.s32 s13, s4;
	[dreg:$0x1c] =	wrdreg s31  }
0x28: {  	s21 =	simm.s32 $0x0;
	s30 =	sadd.s32 s20, s4;
	[dreg:$0x18] =	wrdreg s28  }
0x29: {  	v0 =	vimm.f32 $0.0e+00;
	s13 =	simm.s32 $0x13C00;
	s20 =	simm.s32 $0x13C80;
	[dreg:$0x1a] =	wrdreg s30  }
.LBB2_34:
0x2a: {  	s0 =	sand.u32 $0x1, s23  }
0x2b: {  	p2 =	seq.s32 s0, $0x1  }
0x2c: {  	p2 =	por !p2, p1  }
0x2d: {  	s2 =	simm.s32 @!p2 $0x6  }
0x2e: {  	p3 =	sne.s32 @!p1 s0, $0x0;
	_ =	swait.ge @!p2 [sflag:s2], $0x2800  }
0x2f: {  	p1 =	por p3, p1;
	[sflag:s2] =	ssyncset.done @!p2 $0x0  }
0x30: {  	s0 =	simm.s32 @!p1 $0x7;
	[sflag:s2] =	ssyncadd.s32 @!p2 $0xFFFFD800  }
0x31: {  	_ =	swait.ge @!p1 [sflag:s0], $0x2800  }
0x32: {  	[sflag:s0] =	ssyncset.done @!p1 $0x0  }
0x33: {  	[sflag:s0] =	ssyncadd.s32 @!p1 $0xFFFFD800  }
0x34: {  	s24 =	stileid.u32;
	[bflag:$0x0] =	sbarrier.arrive $0xFFFF  }
0x35: {  	s0 =	sshll.u32 s24, $0x6;
	s24 =	rddreg [dreg:$0x15]  }
0x36: {  	s0 =	sor.u32 $0x1C08, s0;
	s5 =	rddreg [dreg:$0x5];
	s25 =	sshrl.u32 s24, $0x3  }
0x37: {  	[hbm:s5], [sflag:s0] =	dma.local [spmem:s25], $0x500  }
0x38: {  	_ =	swait.ge [sflag:s6], $0x500  }
0x39: {  	[sflag:s6] =	ssyncset.done $0x0;
	s25 =	rddreg [dreg:$0x16]  }
0x3a: {  	s31 =	rddreg [dreg:$0x6];
	[sflag:s6] =	ssyncadd.s32 $0xFFFFFB00;
	s26 =	sshrl.u32 s25, $0x3  }
0x3b: {  	[hbm:s31], [sflag:s0] =	dma.local [spmem:s26], $0x500  }
0x3c: {  	_ =	swait.ge [sflag:s6], $0x500  }
0x3d: {  	[sflag:s6] =	ssyncset.done $0x0;
	s26 =	rddreg [dreg:$0x17]  }
0x3e: {  	s31 =	rddreg [dreg:$0x7];
	[sflag:s6] =	ssyncadd.s32 $0xFFFFFB00;
	s23 =	sshrl.u32 s26, $0x3  }
0x3f: {  	[hbm:s31], [sflag:s0] =	dma.local [spmem:s23], $0x500  }
0x40: {  	_ =	swait.ge [sflag:s6], $0x500  }
0x41: {  	[sflag:s6] =	ssyncset.done $0x0;
	s28 =	rddreg [dreg:$0x18]  }
0x42: {  	s31 =	rddreg [dreg:$0x8];
	[sflag:s6] =	ssyncadd.s32 $0xFFFFFB00;
	s23 =	sshrl.u32 s28, $0x3  }
0x43: {  	[hbm:s31], [sflag:s0] =	dma.local [spmem:s23], $0x500  }
0x44: {  	_ =	swait.ge [sflag:s6], $0x500  }
0x45: {  	[sflag:s6] =	ssyncset.done $0x0;
	s29 =	rddreg [dreg:$0x19]  }
0x46: {  	s31 =	rddreg [dreg:$0x9];
	[sflag:s6] =	ssyncadd.s32 $0xFFFFFB00;
	s23 =	sshrl.u32 s29, $0x3  }
0x47: {  	[hbm:s31], [sflag:s0] =	dma.local [spmem:s23], $0x500  }
0x48: {  	_ =	swait.ge [sflag:s6], $0x500  }
0x49: {  	[sflag:s6] =	ssyncset.done $0x0;
	s30 =	rddreg [dreg:$0x1a]  }
0x4a: {  	s31 =	rddreg [dreg:$0xa];
	[sflag:s6] =	ssyncadd.s32 $0xFFFFFB00;
	s23 =	sshrl.u32 s30, $0x3  }
0x4b: {  	[hbm:s31], [sflag:s0] =	dma.local [spmem:s23], $0x500  }
0x4c: {  	_ =	swait.ge [sflag:s6], $0x500  }
0x4d: {  	[sflag:s6] =	ssyncset.done $0x0;
	s5 =	rddreg [dreg:$0x1b]  }
0x4e: {  	s23 =	rddreg [dreg:$0xb];
	[sflag:s6] =	ssyncadd.s32 $0xFFFFFB00;
	s2 =	sshrl.u32 s5, $0x3  }
0x4f: {  	[hbm:s23], [sflag:s0] =	dma.local [spmem:s2], $0x500  }
0x50: {  	_ =	swait.ge [sflag:s6], $0x500  }
0x51: {  	[sflag:s6] =	ssyncset.done $0x0;
	s2 =	rddreg [dreg:$0x1c]  }
0x52: {  	s5 =	rddreg [dreg:$0xc];
	[sflag:s6] =	ssyncadd.s32 $0xFFFFFB00;
	s2 =	sshrl.u32 @!p0 s2, $0x3  }
0x53: {  	[hbm:s5], [sflag:s0] =	dma.local @!p0 [spmem:s2], $0x500  }
0x54: {  	_ =	swait.ge @!p0 [sflag:s22], $0x500  }
0x55: {  	s21 =	sadd.s32 $0x1, s21;
	s31 =	rddreg [dreg:$0x14]  }
0x56: {  	p1 =	sne.s32 s21, s31  }
.Ltmp1:
0x57: {  	_ = 	snop;
	(pc) =	sbr.rel @!p1 .LBB2_35-.Ltmp1, $3  }
0x58: {  	_ =	sdelay $0x1  }
0x59: {  	[sflag:s22] =	ssyncset.done @!p0 $0x0  }
0x5a: {  	[sflag:s22] =	ssyncadd.s32 @!p0 $0xFFFFFB00  }
.LBB2_1:
0x5b: {  	s0 =	simm.s32 $0x0;
	s2 =	rddreg [dreg:$0xd];
	s5 =	simm.s32 $0x13E00  }
0x5c: {  	[tilespmem:s5], [sflag:$0x8] =	stream.linear.gather [hbm4b:s2+s0], $0x10, $0x38;
	[tilespmem:$0x1DE80] =	vst v63  }
0x5d: {  	_ =	swait.ge [sflag:s6], $0x10  }
0x5e: {  	[sflag:s6] =	ssyncset.done $0x0  }
0x5f: {  	[sflag:s6] =	ssyncadd.s32 $0xFFFFFFF0  }
0x60: {  	s22 =	simm.s32 $0x0;
	s23 =	simm.s32 $0x200;
	v1 =	vld [tilespmem:$0x13E00]  }
.LBB2_2:
0x61: {  	p1 =	sne.s32 s23, $0x9E00;
	[tilespmem:s22+$0x13EF0] =	vst v0  }
0x62: {  	[tilespmem:s22+$0x13E80] =	vst v0  }
0x63: {  	[tilespmem:s22+$0x13E90] =	vst v0  }
.Ltmp2:
0x64: {  	[tilespmem:s22+$0x13EA0] =	vst v0;
	(pc) =	sbr.rel @p1 .LBB2_2-.Ltmp2, $4  }
0x65: {  	[tilespmem:s22+$0x13EB0] =	vst v0  }
0x66: {  	[tilespmem:s22+$0x13EC0] =	vst v0  }
0x67: {  	[tilespmem:s22+$0x13ED0] =	vst v0  }
0x68: {  	[tilespmem:s22+$0x13EE0] =	vst v0;
	s22 =	sshra.s32 s23, $0x2;
	s23 =	sadd.s32 $0x200, s23  }
0x69: {  	[tilespmem:s22+$0x13EF0] =	vst v0  }
0x6a: {  	[tilespmem:s22+$0x13E80] =	vst v0  }
0x6b: {  	[tilespmem:s22+$0x13E90] =	vst v0  }
0x6c: {  	[tilespmem:s22+$0x13EA0] =	vst v0  }
0x6d: {  	[tilespmem:s22+$0x13EB0] =	vst v0  }
0x6e: {  	[tilespmem:s22+$0x13EC0] =	vst v0  }
0x6f: {  	[tilespmem:s22+$0x13ED0] =	vst v0  }
0x70: {  	[tilespmem:s22+$0x13EE0] =	vst v0  }
0x71: {  	[spmem:s24] =	stream.linear.scatter [tilespmem:s7], [sflag:$0x8], $0x2800, $0x38;
	[tilespmem:$0x1DE80] =	vst v63  }
0x72: {  	_ =	swait.ge [sflag:s6], $0x2800  }
0x73: {  	[sflag:s6] =	ssyncset.done $0x0  }
0x74: {  	[sflag:s6] =	ssyncadd.s32 $0xFFFFD800  }
0x75: {  	[spmem:s25] =	stream.linear.scatter [tilespmem:s7], [sflag:$0x8], $0x2800, $0x38;
	[tilespmem:$0x1DE80] =	vst v63  }
0x76: {  	_ =	swait.ge [sflag:s6], $0x2800  }
0x77: {  	[sflag:s6] =	ssyncset.done $0x0  }
0x78: {  	[sflag:s6] =	ssyncadd.s32 $0xFFFFD800  }
0x79: {  	[spmem:s26] =	stream.linear.scatter [tilespmem:s7], [sflag:$0x8], $0x2800, $0x38;
	[tilespmem:$0x1DE80] =	vst v63  }
0x7a: {  	_ =	swait.ge [sflag:s6], $0x2800  }
0x7b: {  	[sflag:s6] =	ssyncset.done $0x0  }
0x7c: {  	[sflag:s6] =	ssyncadd.s32 $0xFFFFD800  }
0x7d: {  	[spmem:s28] =	stream.linear.scatter [tilespmem:s7], [sflag:$0x8], $0x2800, $0x38;
	[tilespmem:$0x1DE80] =	vst v63  }
0x7e: {  	_ =	swait.ge [sflag:s6], $0x2800  }
0x7f: {  	[sflag:s6] =	ssyncset.done $0x0  }
0x80: {  	[sflag:s6] =	ssyncadd.s32 $0xFFFFD800  }
0x81: {  	[spmem:s29] =	stream.linear.scatter [tilespmem:s7], [sflag:$0x8], $0x2800, $0x38;
	[tilespmem:$0x1DE80] =	vst v63  }
0x82: {  	_ =	swait.ge [sflag:s6], $0x2800  }
0x83: {  	[sflag:s6] =	ssyncset.done $0x0  }
0x84: {  	[sflag:s6] =	ssyncadd.s32 $0xFFFFD800  }
0x85: {  	[spmem:s30] =	stream.linear.scatter [tilespmem:s7], [sflag:$0x8], $0x2800, $0x38;
	[tilespmem:$0x1DE80] =	vst v63  }
0x86: {  	_ =	swait.ge [sflag:s6], $0x2800  }
0x87: {  	[sflag:s6] =	ssyncset.done $0x0  }
0x88: {  	s0 =	rddreg [dreg:$0x1b];
	[sflag:s6] =	ssyncadd.s32 $0xFFFFD800  }
0x89: {  	[spmem:s0] =	stream.linear.scatter [tilespmem:s7], [sflag:$0x8], $0x2800, $0x38;
	[tilespmem:$0x1DE80] =	vst v63  }
0x8a: {  	_ =	swait.ge [sflag:s6], $0x2800  }
0x8b: {  	[sflag:s6] =	ssyncset.done $0x0  }
0x8c: {  	s22 =	simm.s32 @!p0 $0x13E80;
	s0 =	rddreg [dreg:$0x1c];
	[sflag:s6] =	ssyncadd.s32 $0xFFFFD800  }
0x8d: {  	[spmem:s0] =	stream.linear.scatter @!p0 [tilespmem:s22], [sflag:$0x8], $0x2800, $0x38;
	[tilespmem:$0x1DE80] =	vst v63  }
0x8e: {  	s22 =	simm.s32 @!p0 $0x8  }
0x8f: {  	v1 =	vxor.u32 $0x80000000, v1;
	_ =	swait.ge @!p0 [sflag:s22], $0x2800  }
0x90: {  	(xrf0) =	vmax.scan.msk.u32 $0xffff, v1;
	_ =	sdelay $0x5  }
0x91: {  	v1, _, _ =	vpop (xrf0)  }
0x92: {  	(v2sf) =	vpush v1, $0xF;
	_ =	sdelay $0xe  }
0x93: {  	s23 =	spop (v2sf)  }
0x94: {  	s0 =	sxor.u32 $0x80000000, s23  }
0x95: {  	s2 =	smulhi.u32 $0x66666667, s0;
	s5 =	sshra.s32 s0, $0x1F  }
0x96: {  	s26 =	smul.u32 $0x66666667, s5;
	_ =	sdelay $0x1  }
0x97: {  	s25 =	sadd.s32 s26, s2  }
0x98: {  	s26 =	sshrl.u32 s25, $0x1F;
	s25 =	sshra.s32 s25, $0x5  }
0x99: {  	s25 =	sadd.s32 s26, s25  }
0x9a: {  	s26 =	smul.u32 $0xFFFFFFB0, s25  }
0x9b: {  	p2 =	sgt.s32 s23, $0xFFFFFFFF;
	p1 =	slt.s32 s0, $0x1;
	s24 =	ssub.s32 $0x0, s0  }
0x9c: {  	p1 =	por p2, p1;
	p5 =	sne.s32 s26, s24  }
0x9d: {  	p1 =	por !p1, !p5  }
0x9e: {  	s23 =	simm.s32 $0x1;
	p1 =	por !p1, !p1  }
0x9f: {  	[sflag:s22] =	ssyncset.done @!p0 $0x0;
	s23 =	simm.s32 @!p1 $0x0  }
0xa0: {  	[sflag:s22] =	ssyncadd.s32 @!p0 $0xFFFFD800;
	s23 =	ssub.s32 s25, s23  }
0xa1: {  	[bflag:$0x0] =	sbarrier.arrive $0xFFFF;
	p1 =	slt.s32 s23, $0x1  }
0xa2: {  	s0 =	rddreg [dreg:$0xe];
	s24 =	simm.s32 @!p1 $0x0;
	s25 =	simm.s32 @!p1 $0x13880  }
0xa3: {  	[tilespmem:s25], [sflag:$0x1] =	stream.linear.gather @!p1 [hbm4b:s0+s24], $0x50, $0x38;
	[tilespmem:$0x1DE80] =	vst v63  }
0xa4: {  	s25 =	simm.s32 @!p1 $0x13A00;
	s0 =	rddreg [dreg:$0xf]  }
0xa5: {  	[tilespmem:s25], [sflag:$0x1] =	stream.linear.gather @!p1 [hbm4b:s0+s24], $0x50, $0x38;
	[tilespmem:$0x1DE80] =	vst v63  }
0xa6: {  	s26 =	simm.s32 @!p1 $0x13B80;
	s0 =	rddreg [dreg:$0x10]  }
0xa7: {  	[tilespmem:s26], [sflag:$0x1] =	stream.linear.gather @!p1 [hbm4b:s0+s24], $0x50, $0x38;
	[tilespmem:$0x1DE80] =	vst v63  }
0xa8: {  	s24 =	simm.s32 @!p1 $0x1  }
0xa9: {  	_ =	swait.ge @!p1 [sflag:s24], $0x50  }
0xaa: {  	[sflag:s24] =	ssyncset.done @!p1 $0x0  }
0xab: {  	[sflag:s24] =	ssyncadd.s32 @!p1 $0xFFFFFFB0  }
0xac: {  	_ =	swait.ge @!p1 [sflag:s24], $0x50  }
0xad: {  	[sflag:s24] =	ssyncset.done @!p1 $0x0  }
0xae: {  	[sflag:s24] =	ssyncadd.s32 @!p1 $0xFFFFFFB0  }
0xaf: {  	_ =	swait.ge @!p1 [sflag:s24], $0x50  }
0xb0: {  	[sflag:s24] =	ssyncset.done @!p1 $0x0  }
0xb1: {  	[sflag:s24] =	ssyncadd.s32 @!p1 $0xFFFFFFB0  }
0xb2: {  	v1 =	vld @!p1 [tilespmem:$0x13880]  }
0xb3: {  	v2 =	vld @!p1 [tilespmem:$0x13890]  }
0xb4: {  	v3 =	vld @!p1 [tilespmem:$0x138A0]  }
0xb5: {  	v4 =	vld @!p1 [tilespmem:$0x138B0]  }
0xb6: {  	v5 =	vld @!p1 [tilespmem:$0x138C0]  }
0xb7: {  	v1 =	vtrunc.f32 @!p1 v1  }
0xb8: {  	v2 =	vtrunc.f32 @!p1 v2;
	v1 =	vcvt.f32.s32 @!p1 v1  }
0xb9: {  	v3 =	vtrunc.f32 @!p1 v3;
	v2 =	vcvt.f32.s32 @!p1 v2  }
0xba: {  	[tilespmem:$0x13D00] =	vst @!p1 v1;
	v1 =	vcvt.f32.s32 @!p1 v3;
	v3 =	vtrunc.f32 @!p1 v4  }
0xbb: {  	[tilespmem:$0x13D10] =	vst @!p1 v2;
	v2 =	vcvt.f32.s32 @!p1 v3;
	v3 =	vtrunc.f32 @!p1 v5  }
0xbc: {  	[tilespmem:$0x13D20] =	vst @!p1 v1;
	v1 =	vcvt.f32.s32 @!p1 v3  }
0xbd: {  	[tilespmem:$0x13D30] =	vst @!p1 v2  }
0xbe: {  	p2 =	seq.s32 @!p1 s23, $0x1;
	s26 =	simm.s32 @!p1 $0x13E80;
	s24 =	simm.s32 @!p1 $0x50;
	[tilespmem:$0x13D40] =	vst @!p1 v1  }
0xbf: {  	[tilespmem:s26], [sflag:$0x4] =	stream.indirect.gather @!p1 [hbm4b:s1+s24], $0x80, s25, s24, $0xb8;
	[tilespmem:$0x1DE80] =	vst v63  }
0xc0: {  	p2 =	por p2, p1;
	s25 =	simm.s32 @!p1 $0x13D00;
	s26 =	simm.s32 @!p1 $0x18E80  }
0xc1: {  	[tilespmem:s26], [sflag:$0x4] =	stream.indirect.gather @!p1 [hbm4b:s3+s24], $0x80, s25, s24, $0xb8;
	[tilespmem:$0x1DE80] =	vst v63  }
0xc2: {  	s0 =	rddreg [dreg:$0x11];
	s24 =	simm.s32 @!p2 $0x0;
	s25 =	simm.s32 @!p2 $0x13900  }
0xc3: {  	[tilespmem:s25], [sflag:$0x2] =	stream.linear.gather @!p2 [hbm4b:s0+s24], $0x50, $0x38;
	[tilespmem:$0x1DE80] =	vst v63  }
0xc4: {  	s28 =	sadd.s32 $0x5, s23;
	s25 =	simm.s32 @!p2 $0x13A80;
	s0 =	rddreg [dreg:$0x12]  }
0xc5: {  	[tilespmem:s25], [sflag:$0x2] =	stream.linear.gather @!p2 [hbm4b:s0+s24], $0x50, $0x38;
	[tilespmem:$0x1DE80] =	vst v63  }
0xc6: {  	s29 =	smulhi.u32 $0x2AAAAAAB, s28;
	s25 =	sshra.s32 s28, $0x1F  }
0xc7: {  	s28 =	simm.s32 @!p2 $0x13C00;
	s0 =	rddreg [dreg:$0x13];
	s25 =	smul.u32 $0x2AAAAAAB, s25  }
0xc8: {  	[tilespmem:s28], [sflag:$0x2] =	stream.linear.gather @!p2 [hbm4b:s0+s24], $0x50, $0x38;
	[tilespmem:$0x1DE80] =	vst v63  }
0xc9: {  	s30 =	sadd.s32 s25, s29  }
0xca: {  	s25 =	sshrl.u32 s30, $0x1F  }
0xcb: {  	s24 =	sadd.s32 s25, s30  }
0xcc: {  	s25 =	smul.u32 $0xFFFFFFFA, s24  }
0xcd: {  	s31 =	ssub.s32 $0xFFFFFFFB, s23  }
0xce: {  	p6 =	slt.s32 s23, $0xFFFFFFFC;
	p3 =	sne.s32 s25, s31  }
0xcf: {  	p2 =	por !p6, !p3  }
0xd0: {  	s25 =	simm.s32 $0x1;
	p2 =	por !p2, !p2  }
0xd1: {  	s25 =	simm.s32 @!p2 $0x0  }
0xd2: {  	s24 =	ssub.s32 s24, s25  }
0xd3: {  	p2 =	slt.s32 s24, $0x1  }
.Ltmp3:
0xd4: {  	_ = 	snop;
	(pc) =	sbr.rel @p2 .LBB2_34-.Ltmp3, $1  }
0xd5: {  	_ =	sdelay $0x3  }
.Ltmp4:
0xd6: {  	(pc) =	sbr.rel .LBB2_5-.Ltmp4, $2  }
0xd7: {  	_ =	sdelay $0x2  }
0xd8: {  	s25 =	sadd.s32 $0xFFFFFFFF, s23;
	s26 =	sadd.s32 $0xFFFFFFFA, s23;
	s28 =	simm.s32 $0x0  }
.LBB2_32:
0xd9: {  	[tilespmem:s30+$0x16680] =	vst v13;
	v6 =	vmul.f32 v6, v11;
	v63 =	vld [tilespmem:s30+$0x166F0]  }
0xda: {  	[tilespmem:s30+$0x16690] =	vst v12;
	v5 =	vmul.f32 v5, v10  }
0xdb: {  	v4 =	vmul.f32 v4, v9;
	[tilespmem:s30+$0x166A0] =	vst v6  }
0xdc: {  	v3 =	vmul.f32 v3, v7;
	[tilespmem:s30+$0x166B0] =	vst v5  }
0xdd: {  	v2 =	vmul.f32 v2, v8;
	[tilespmem:s30+$0x166C0] =	vst v4  }
0xde: {  	[tilespmem:s30+$0x166D0] =	vst v3;
	v1 =	vmul.f32 v1, v63  }
0xdf: {  	p2 =	sge.s32 s29, s26;
	[tilespmem:s30+$0x166E0] =	vst v2  }
0xe0: {  	s0 =	simm.s32 @!p2 $0x1;
	[tilespmem:s30+$0x166F0] =	vst v1  }
0xe1: {  	[spmem:s4] =	stream.indirect.scatter.add.f32 [tilespmem:s18], [sflag:$0x7], $0x80, s20, s9, $0xb8;
	[tilespmem:$0x1DE80] =	vst v63  }
0xe2: {  	_ =	swait.ge @!p2 [sflag:s0], $0x50  }
0xe3: {  	[sflag:s0] =	ssyncset.done @!p2 $0x0  }
0xe4: {  	[sflag:s0] =	ssyncadd.s32 @!p2 $0xFFFFFFB0  }
0xe5: {  	_ =	swait.ge @!p2 [sflag:s0], $0x50  }
0xe6: {  	[sflag:s0] =	ssyncset.done @!p2 $0x0  }
0xe7: {  	[sflag:s0] =	ssyncadd.s32 @!p2 $0xFFFFFFB0  }
0xe8: {  	_ =	swait.ge @!p2 [sflag:s0], $0x50  }
0xe9: {  	[sflag:s0] =	ssyncset.done @!p2 $0x0  }
0xea: {  	[sflag:s0] =	ssyncadd.s32 @!p2 $0xFFFFFFB0  }
0xeb: {  	v1 =	vld @!p2 [tilespmem:$0x13880]  }
0xec: {  	v2 =	vld @!p2 [tilespmem:$0x13890]  }
0xed: {  	v3 =	vld @!p2 [tilespmem:$0x138A0]  }
0xee: {  	v4 =	vld @!p2 [tilespmem:$0x138B0]  }
0xef: {  	v5 =	vld @!p2 [tilespmem:$0x138C0]  }
0xf0: {  	v1 =	vtrunc.f32 @!p2 v1  }
0xf1: {  	v2 =	vtrunc.f32 @!p2 v2;
	v1 =	vcvt.f32.s32 @!p2 v1  }
0xf2: {  	v3 =	vtrunc.f32 @!p2 v3;
	v2 =	vcvt.f32.s32 @!p2 v2  }
0xf3: {  	[tilespmem:$0x13D00] =	vst @!p2 v1;
	v1 =	vcvt.f32.s32 @!p2 v3;
	v3 =	vtrunc.f32 @!p2 v4  }
0xf4: {  	[tilespmem:$0x13D10] =	vst @!p2 v2;
	v2 =	vcvt.f32.s32 @!p2 v3;
	v3 =	vtrunc.f32 @!p2 v5  }
0xf5: {  	[tilespmem:$0x13D20] =	vst @!p2 v1;
	v1 =	vcvt.f32.s32 @!p2 v3  }
0xf6: {  	[tilespmem:$0x13D30] =	vst @!p2 v2  }
0xf7: {  	s2 =	simm.s32 @!p2 $0x13A00;
	s5 =	simm.s32 @!p2 $0x13E80;
	s0 =	simm.s32 @!p2 $0x50;
	[tilespmem:$0x13D40] =	vst @!p2 v1  }
0xf8: {  	[tilespmem:s5], [sflag:$0x4] =	stream.indirect.gather @!p2 [hbm4b:s1+s0], $0x80, s2, s0, $0xb8;
	[tilespmem:$0x1DE80] =	vst v63  }
0xf9: {  	s2 =	sadd.s32 $0x7, s29  }
0xfa: {  	p3 =	sge.s32 s2, s23  }
0xfb: {  	s5 =	simm.s32 @!p2 $0x13D00;
	s29 =	simm.s32 @!p2 $0x18E80;
	s2 =	smul.u32 @!p3 $0x50, s2  }
0xfc: {  	[tilespmem:s29], [sflag:$0x4] =	stream.indirect.gather @!p2 [hbm4b:s3+s0], $0x80, s5, s0, $0xb8;
	[tilespmem:$0x1DE80] =	vst v63  }
0xfd: {  	s0 =	sadd.s32 @!p3 s14, s2  }
0xfe: {  	s0 =	sshrl.u32 @!p3 s0, $0x3  }
0xff: {  	s5 =	simm.s32 @!p3 $0x0;
	s29 =	simm.s32 @!p3 $0x13900;
	s2 =	sadd.s32 @!p3 s17, s0  }
0x100: {  	[tilespmem:s29], [sflag:$0x2] =	stream.linear.gather @!p3 [hbm4b:s2+s5], $0x50, $0x38;
	[tilespmem:$0x1DE80] =	vst v63  }
0x101: {  	s2 =	sadd.s32 @!p3 s15, s0;
	s29 =	simm.s32 @!p3 $0x13A80  }
0x102: {  	[tilespmem:s29], [sflag:$0x2] =	stream.linear.gather @!p3 [hbm4b:s2+s5], $0x50, $0x38;
	[tilespmem:$0x1DE80] =	vst v63  }
0x103: {  	s0 =	sadd.s32 @!p3 s16, s0;
	s2 =	simm.s32 @!p3 $0x13C00  }
0x104: {  	[tilespmem:s2], [sflag:$0x2] =	stream.linear.gather @!p3 [hbm4b:s0+s5], $0x50, $0x38;
	[tilespmem:$0x1DE80] =	vst v63  }
.LBB2_33:
0x105: {  	s28 =	sadd.s32 $0x1, s28  }
0x106: {  	p2 =	sne.s32 s28, s24  }
.Ltmp5:
0x107: {  	_ = 	snop;
	(pc) =	sbr.rel @!p2 .LBB2_34-.Ltmp5, $1  }
0x108: {  	_ =	sdelay $0x3  }
.LBB2_5:
0x109: {  	s29 =	smul.u32 $0x6, s28;
	_ =	sdelay $0x1  }
0x10a: {  	p2 =	sge.s32 s29, s23  }
.Ltmp6:
0x10b: {  	_ = 	snop;
	(pc) =	sbr.rel @p2 .LBB2_9-.Ltmp6, $1  }
0x10c: {  	_ =	sdelay $0x3  }
0x10d: {  	_ =	swait.ge [sflag:s8], $0x2800  }
0x10e: {  	[sflag:s8] =	ssyncset.done $0x0  }
0x10f: {  	[sflag:s8] =	ssyncadd.s32 $0xFFFFD800  }
0x110: {  	_ =	swait.ge [sflag:s8], $0x2800  }
0x111: {  	p2 =	seq.s32 s28, $0x0;
	[sflag:s8] =	ssyncset.done $0x0  }
0x112: {  	s30 =	simm.s32 @!p2 $0x7;
	[sflag:s8] =	ssyncadd.s32 $0xFFFFD800  }
0x113: {  	_ =	swait.ge @!p2 [sflag:s30], $0x2800  }
0x114: {  	[sflag:s30] =	ssyncset.done @!p2 $0x0  }
0x115: {  	[sflag:s30] =	ssyncadd.s32 @!p2 $0xFFFFD800;
	s30 =	simm.s32 $0x0  }
0x116: {  	v8 =	vld [tilespmem:s30+$0x18E80]  }
0x117: {  	v12 =	vld [tilespmem:s30+$0x18E90]  }
0x118: {  	v6 =	vld [tilespmem:s30+$0x18EA0]  }
0x119: {  	v5 =	vld [tilespmem:s30+$0x18EB0]  }
0x11a: {  	v4 =	vld [tilespmem:s30+$0x18EC0]  }
0x11b: {  	v3 =	vld [tilespmem:s30+$0x18ED0]  }
0x11c: {  	v2 =	vld [tilespmem:s30+$0x18EE0]  }
0x11d: {  	v1 =	vld [tilespmem:s30+$0x18EF0]  }
0x11e: {  	v13 =	vld [tilespmem:s30+$0x13E80]  }
0x11f: {  	v14 =	vld [tilespmem:s30+$0x13E90]  }
0x120: {  	v11 =	vld [tilespmem:s30+$0x13EA0]  }
0x121: {  	v10 =	vld [tilespmem:s30+$0x13EB0]  }
0x122: {  	v9 =	vld [tilespmem:s30+$0x13EC0]  }
0x123: {  	v7 =	vld [tilespmem:s30+$0x13ED0];
	v13 =	vmul.f32 v8, v13  }
0x124: {  	s31 =	simm.s32 $0x200;
	v12 =	vmul.f32 v12, v14;
	v8 =	vld [tilespmem:s30+$0x13EE0]  }
.LBB2_7:
0x125: {  	s0 =	sshra.s32 s31, $0x2;
	p2 =	sne.s32 s31, $0x9E00;
	[tilespmem:s30+$0x13E80] =	vst v13;
	v6 =	vmul.f32 v6, v11;
	v11 =	vld [tilespmem:s30+$0x13EF0]  }
0x126: {  	v13 =	vld [tilespmem:s0+$0x18E80];
	[tilespmem:s30+$0x13E90] =	vst v12;
	v5 =	vmul.f32 v5, v10  }
0x127: {  	v12 =	vld [tilespmem:s0+$0x18E90];
	[tilespmem:s30+$0x13EA0] =	vst v6;
	v4 =	vmul.f32 v4, v9  }
0x128: {  	v6 =	vld [tilespmem:s0+$0x18EA0];
	[tilespmem:s30+$0x13EB0] =	vst v5;
	v3 =	vmul.f32 v3, v7  }
0x129: {  	v5 =	vld [tilespmem:s0+$0x18EB0];
	[tilespmem:s30+$0x13EC0] =	vst v4;
	v2 =	vmul.f32 v2, v8  }
0x12a: {  	v4 =	vld [tilespmem:s0+$0x18EC0];
	[tilespmem:s30+$0x13ED0] =	vst v3;
	v1 =	vmul.f32 v1, v11  }
0x12b: {  	v3 =	vld [tilespmem:s0+$0x18ED0];
	[tilespmem:s30+$0x13EE0] =	vst v2  }
0x12c: {  	v2 =	vld [tilespmem:s0+$0x18EE0];
	[tilespmem:s30+$0x13EF0] =	vst v1;
	s30 =	smov.u32 s0  }
0x12d: {  	v1 =	vld [tilespmem:s30+$0x18EF0]  }
0x12e: {  	v7 =	vld [tilespmem:s30+$0x13E80]  }
0x12f: {  	v8 =	vld [tilespmem:s30+$0x13E90]  }
.Ltmp7:
0x130: {  	v11 =	vld [tilespmem:s30+$0x13EA0];
	(pc) =	sbr.rel @p2 .LBB2_7-.Ltmp7, $4  }
0x131: {  	v10 =	vld [tilespmem:s30+$0x13EB0]  }
0x132: {  	v9 =	vld [tilespmem:s30+$0x13EC0]  }
0x133: {  	v13 =	vmul.f32 v13, v7;
	v7 =	vld [tilespmem:s30+$0x13ED0]  }
0x134: {  	s31 =	sadd.s32 $0x200, s31;
	v12 =	vmul.f32 v12, v8;
	v8 =	vld [tilespmem:s30+$0x13EE0]  }
0x135: {  	[tilespmem:s30+$0x13E80] =	vst v13;
	v6 =	vmul.f32 v6, v11;
	v63 =	vld [tilespmem:s30+$0x13EF0]  }
0x136: {  	[tilespmem:s30+$0x13E90] =	vst v12;
	v5 =	vmul.f32 v5, v10  }
0x137: {  	[tilespmem:s30+$0x13EA0] =	vst v6;
	v4 =	vmul.f32 v4, v9  }
0x138: {  	[tilespmem:s30+$0x13EB0] =	vst v5;
	v3 =	vmul.f32 v3, v7  }
0x139: {  	[tilespmem:s30+$0x13EC0] =	vst v4;
	v2 =	vmul.f32 v2, v8  }
0x13a: {  	[tilespmem:s30+$0x13ED0] =	vst v3;
	v1 =	vmul.f32 v1, v63  }
0x13b: {  	p2 =	sge.u32 s29, s25;
	[tilespmem:s30+$0x13EE0] =	vst v2  }
0x13c: {  	s0 =	simm.s32 @!p2 $0x2;
	[tilespmem:s30+$0x13EF0] =	vst v1  }
0x13d: {  	[spmem:s4] =	stream.indirect.scatter.add.f32 [tilespmem:s7], [sflag:$0x6], $0x80, s10, s9, $0xb8;
	[tilespmem:$0x1DE80] =	vst v63  }
0x13e: {  	_ =	swait.ge @!p2 [sflag:s0], $0x50  }
0x13f: {  	[sflag:s0] =	ssyncset.done @!p2 $0x0  }
0x140: {  	[sflag:s0] =	ssyncadd.s32 @!p2 $0xFFFFFFB0  }
0x141: {  	_ =	swait.ge @!p2 [sflag:s0], $0x50  }
0x142: {  	[sflag:s0] =	ssyncset.done @!p2 $0x0  }
0x143: {  	[sflag:s0] =	ssyncadd.s32 @!p2 $0xFFFFFFB0  }
0x144: {  	_ =	swait.ge @!p2 [sflag:s0], $0x50  }
0x145: {  	[sflag:s0] =	ssyncset.done @!p2 $0x0  }
0x146: {  	[sflag:s0] =	ssyncadd.s32 @!p2 $0xFFFFFFB0  }
0x147: {  	v1 =	vld @!p2 [tilespmem:$0x13900]  }
0x148: {  	v2 =	vld @!p2 [tilespmem:$0x13910]  }
0x149: {  	v3 =	vld @!p2 [tilespmem:$0x13920]  }
0x14a: {  	v4 =	vld @!p2 [tilespmem:$0x13930]  }
0x14b: {  	v5 =	vld @!p2 [tilespmem:$0x13940]  }
0x14c: {  	v1 =	vtrunc.f32 @!p2 v1  }
0x14d: {  	v2 =	vtrunc.f32 @!p2 v2;
	v1 =	vcvt.f32.s32 @!p2 v1  }
0x14e: {  	v3 =	vtrunc.f32 @!p2 v3;
	v2 =	vcvt.f32.s32 @!p2 v2  }
0x14f: {  	[tilespmem:$0x13D80] =	vst @!p2 v1;
	v1 =	vcvt.f32.s32 @!p2 v3;
	v3 =	vtrunc.f32 @!p2 v4  }
0x150: {  	[tilespmem:$0x13D90] =	vst @!p2 v2;
	v2 =	vcvt.f32.s32 @!p2 v3;
	v3 =	vtrunc.f32 @!p2 v5  }
0x151: {  	[tilespmem:$0x13DA0] =	vst @!p2 v1;
	v1 =	vcvt.f32.s32 @!p2 v3  }
0x152: {  	[tilespmem:$0x13DB0] =	vst @!p2 v2  }
0x153: {  	s31 =	simm.s32 @!p2 $0x16680;
	s30 =	simm.s32 @!p2 $0x13A80;
	s0 =	simm.s32 @!p2 $0x50;
	[tilespmem:$0x13DC0] =	vst @!p2 v1  }
0x154: {  	[tilespmem:s31], [sflag:$0x5] =	stream.indirect.gather @!p2 [hbm4b:s1+s0], $0x80, s30, s0, $0xb8;
	[tilespmem:$0x1DE80] =	vst v63  }
0x155: {  	s30 =	sadd.s32 $0x2, s29  }
0x156: {  	p3 =	sge.u32 s30, s23  }
0x157: {  	s5 =	simm.s32 @!p2 $0x1B680;
	s31 =	simm.s32 @!p2 $0x13D80;
	s30 =	smul.u32 @!p3 $0x50, s30  }
0x158: {  	[tilespmem:s5], [sflag:$0x5] =	stream.indirect.gather @!p2 [hbm4b:s3+s0], $0x80, s31, s0, $0xb8;
	[tilespmem:$0x1DE80] =	vst v63  }
0x159: {  	s0 =	sadd.s32 @!p3 s14, s30  }
0x15a: {  	s0 =	sshrl.u32 @!p3 s0, $0x3  }
0x15b: {  	s31 =	simm.s32 @!p3 $0x13980;
	s30 =	simm.s32 @!p3 $0x0;
	s5 =	sadd.s32 @!p3 s17, s0  }
0x15c: {  	[tilespmem:s31], [sflag:$0x3] =	stream.linear.gather @!p3 [hbm4b:s5+s30], $0x50, $0x38;
	[tilespmem:$0x1DE80] =	vst v63  }
0x15d: {  	s5 =	sadd.s32 @!p3 s15, s0;
	s31 =	simm.s32 @!p3 $0x13B00  }
0x15e: {  	[tilespmem:s31], [sflag:$0x3] =	stream.linear.gather @!p3 [hbm4b:s5+s30], $0x50, $0x38;
	[tilespmem:$0x1DE80] =	vst v63  }
0x15f: {  	s0 =	sadd.s32 @!p3 s16, s0;
	s5 =	simm.s32 @!p3 $0x13C80  }
0x160: {  	[tilespmem:s5], [sflag:$0x3] =	stream.linear.gather @!p3 [hbm4b:s0+s30], $0x50, $0x38;
	[tilespmem:$0x1DE80] =	vst v63  }
.LBB2_9:
0x161: {  	p2 =	slt.s32 s29, s25  }
.Ltmp8:
0x162: {  	_ = 	snop;
	(pc) =	sbr.rel @!p2 .LBB2_10-.Ltmp8, $1  }
0x163: {  	_ =	sdelay $0x3  }
0x164: {  	_ =	swait.ge [sflag:s11], $0x2800  }
0x165: {  	[sflag:s11] =	ssyncset.done $0x0  }
0x166: {  	[sflag:s11] =	ssyncadd.s32 $0xFFFFD800  }
0x167: {  	_ =	swait.ge [sflag:s11], $0x2800  }
0x168: {  	[sflag:s11] =	ssyncset.done $0x0  }
0x169: {  	[sflag:s11] =	ssyncadd.s32 $0xFFFFD800  }
0x16a: {  	_ =	swait.ge [sflag:s12], $0x2800  }
0x16b: {  	[sflag:s12] =	ssyncset.done $0x0  }
0x16c: {  	s30 =	simm.s32 $0x0;
	[sflag:s12] =	ssyncadd.s32 $0xFFFFD800  }
0x16d: {  	v8 =	vld [tilespmem:s30+$0x1B680]  }
0x16e: {  	v12 =	vld [tilespmem:s30+$0x1B690]  }
0x16f: {  	v6 =	vld [tilespmem:s30+$0x1B6A0]  }
0x170: {  	v5 =	vld [tilespmem:s30+$0x1B6B0]  }
0x171: {  	v4 =	vld [tilespmem:s30+$0x1B6C0]  }
0x172: {  	v3 =	vld [tilespmem:s30+$0x1B6D0]  }
0x173: {  	v2 =	vld [tilespmem:s30+$0x1B6E0]  }
0x174: {  	v1 =	vld [tilespmem:s30+$0x1B6F0]  }
0x175: {  	v13 =	vld [tilespmem:s30+$0x16680]  }
0x176: {  	v14 =	vld [tilespmem:s30+$0x16690]  }
0x177: {  	v11 =	vld [tilespmem:s30+$0x166A0]  }
0x178: {  	v10 =	vld [tilespmem:s30+$0x166B0]  }
0x179: {  	v9 =	vld [tilespmem:s30+$0x166C0]  }
0x17a: {  	v7 =	vld [tilespmem:s30+$0x166D0];
	v13 =	vmul.f32 v8, v13  }
0x17b: {  	s31 =	simm.s32 $0x200;
	v12 =	vmul.f32 v12, v14;
	v8 =	vld [tilespmem:s30+$0x166E0]  }
.LBB2_12:
0x17c: {  	s0 =	sshra.s32 s31, $0x2;
	p2 =	sne.s32 s31, $0x9E00;
	[tilespmem:s30+$0x16680] =	vst v13;
	v6 =	vmul.f32 v6, v11;
	v11 =	vld [tilespmem:s30+$0x166F0]  }
0x17d: {  	v13 =	vld [tilespmem:s0+$0x1B680];
	[tilespmem:s30+$0x16690] =	vst v12;
	v5 =	vmul.f32 v5, v10  }
0x17e: {  	v12 =	vld [tilespmem:s0+$0x1B690];
	[tilespmem:s30+$0x166A0] =	vst v6;
	v4 =	vmul.f32 v4, v9  }
0x17f: {  	v6 =	vld [tilespmem:s0+$0x1B6A0];
	[tilespmem:s30+$0x166B0] =	vst v5;
	v3 =	vmul.f32 v3, v7  }
0x180: {  	v5 =	vld [tilespmem:s0+$0x1B6B0];
	[tilespmem:s30+$0x166C0] =	vst v4;
	v2 =	vmul.f32 v2, v8  }
0x181: {  	v4 =	vld [tilespmem:s0+$0x1B6C0];
	[tilespmem:s30+$0x166D0] =	vst v3;
	v1 =	vmul.f32 v1, v11  }
0x182: {  	v3 =	vld [tilespmem:s0+$0x1B6D0];
	[tilespmem:s30+$0x166E0] =	vst v2  }
0x183: {  	v2 =	vld [tilespmem:s0+$0x1B6E0];
	[tilespmem:s30+$0x166F0] =	vst v1;
	s30 =	smov.u32 s0  }
0x184: {  	v1 =	vld [tilespmem:s30+$0x1B6F0]  }
0x185: {  	v7 =	vld [tilespmem:s30+$0x16680]  }
0x186: {  	v8 =	vld [tilespmem:s30+$0x16690]  }
.Ltmp9:
0x187: {  	v11 =	vld [tilespmem:s30+$0x166A0];
	(pc) =	sbr.rel @p2 .LBB2_12-.Ltmp9, $4  }
0x188: {  	v10 =	vld [tilespmem:s30+$0x166B0]  }
0x189: {  	v9 =	vld [tilespmem:s30+$0x166C0]  }
0x18a: {  	v13 =	vmul.f32 v13, v7;
	v7 =	vld [tilespmem:s30+$0x166D0]  }
0x18b: {  	s31 =	sadd.s32 $0x200, s31;
	v12 =	vmul.f32 v12, v8;
	v8 =	vld [tilespmem:s30+$0x166E0]  }
0x18c: {  	[tilespmem:s30+$0x16680] =	vst v13;
	v6 =	vmul.f32 v6, v11;
	v63 =	vld [tilespmem:s30+$0x166F0]  }
0x18d: {  	[tilespmem:s30+$0x16690] =	vst v12;
	v5 =	vmul.f32 v5, v10  }
0x18e: {  	[tilespmem:s30+$0x166A0] =	vst v6;
	v4 =	vmul.f32 v4, v9  }
0x18f: {  	[tilespmem:s30+$0x166B0] =	vst v5;
	v3 =	vmul.f32 v3, v7  }
0x190: {  	[tilespmem:s30+$0x166C0] =	vst v4;
	v2 =	vmul.f32 v2, v8  }
0x191: {  	[tilespmem:s30+$0x166D0] =	vst v3;
	v1 =	vmul.f32 v1, v63  }
0x192: {  	[tilespmem:s30+$0x166E0] =	vst v2  }
0x193: {  	[tilespmem:s30+$0x166F0] =	vst v1;
	s30 =	sadd.s32 $0x2, s29  }
0x194: {  	[spmem:s4] =	stream.indirect.scatter.add.f32 [tilespmem:s18], [sflag:$0x7], $0x80, s13, s9, $0xb8;
	[tilespmem:$0x1DE80] =	vst v63  }
0x195: {  	p2 =	sge.s32 s30, s23  }
0x196: {  	s0 =	simm.s32 @!p2 $0x3  }
0x197: {  	_ =	swait.ge @!p2 [sflag:s0], $0x50  }
0x198: {  	[sflag:s0] =	ssyncset.done @!p2 $0x0  }
0x199: {  	[sflag:s0] =	ssyncadd.s32 @!p2 $0xFFFFFFB0  }
0x19a: {  	_ =	swait.ge @!p2 [sflag:s0], $0x50  }
0x19b: {  	[sflag:s0] =	ssyncset.done @!p2 $0x0  }
0x19c: {  	[sflag:s0] =	ssyncadd.s32 @!p2 $0xFFFFFFB0  }
0x19d: {  	_ =	swait.ge @!p2 [sflag:s0], $0x50  }
0x19e: {  	[sflag:s0] =	ssyncset.done @!p2 $0x0  }
0x19f: {  	[sflag:s0] =	ssyncadd.s32 @!p2 $0xFFFFFFB0  }
0x1a0: {  	v1 =	vld @!p2 [tilespmem:$0x13980]  }
0x1a1: {  	v2 =	vld @!p2 [tilespmem:$0x13990]  }
0x1a2: {  	v3 =	vld @!p2 [tilespmem:$0x139A0]  }
0x1a3: {  	v4 =	vld @!p2 [tilespmem:$0x139B0]  }
0x1a4: {  	v5 =	vld @!p2 [tilespmem:$0x139C0]  }
0x1a5: {  	v1 =	vtrunc.f32 @!p2 v1  }
0x1a6: {  	v2 =	vtrunc.f32 @!p2 v2;
	v1 =	vcvt.f32.s32 @!p2 v1  }
0x1a7: {  	v3 =	vtrunc.f32 @!p2 v3;
	v2 =	vcvt.f32.s32 @!p2 v2  }
0x1a8: {  	[tilespmem:$0x13D00] =	vst @!p2 v1;
	v1 =	vcvt.f32.s32 @!p2 v3;
	v3 =	vtrunc.f32 @!p2 v4  }
0x1a9: {  	[tilespmem:$0x13D10] =	vst @!p2 v2;
	v2 =	vcvt.f32.s32 @!p2 v3;
	v3 =	vtrunc.f32 @!p2 v5  }
0x1aa: {  	[tilespmem:$0x13D20] =	vst @!p2 v1;
	v1 =	vcvt.f32.s32 @!p2 v3  }
0x1ab: {  	[tilespmem:$0x13D30] =	vst @!p2 v2  }
0x1ac: {  	s5 =	simm.s32 @!p2 $0x13B00;
	s31 =	simm.s32 @!p2 $0x13E80;
	s0 =	simm.s32 @!p2 $0x50;
	[tilespmem:$0x13D40] =	vst @!p2 v1  }
0x1ad: {  	[tilespmem:s31], [sflag:$0x4] =	stream.indirect.gather @!p2 [hbm4b:s1+s0], $0x80, s5, s0, $0xb8;
	[tilespmem:$0x1DE80] =	vst v63  }
0x1ae: {  	s5 =	sadd.s32 $0x3, s29  }
0x1af: {  	p3 =	sge.s32 s5, s23  }
0x1b0: {  	s2 =	simm.s32 @!p2 $0x18E80;
	s31 =	simm.s32 @!p2 $0x13D00;
	s5 =	smul.u32 @!p3 $0x50, s5  }
0x1b1: {  	[tilespmem:s2], [sflag:$0x4] =	stream.indirect.gather @!p2 [hbm4b:s3+s0], $0x80, s31, s0, $0xb8;
	[tilespmem:$0x1DE80] =	vst v63  }
0x1b2: {  	s0 =	sadd.s32 @!p3 s14, s5  }
0x1b3: {  	s0 =	sshrl.u32 @!p3 s0, $0x3  }
0x1b4: {  	s31 =	simm.s32 @!p3 $0x13880;
	s5 =	simm.s32 @!p3 $0x0;
	s2 =	sadd.s32 @!p3 s17, s0  }
0x1b5: {  	[tilespmem:s31], [sflag:$0x1] =	stream.linear.gather @!p3 [hbm4b:s2+s5], $0x50, $0x38;
	[tilespmem:$0x1DE80] =	vst v63  }
.Ltmp10:
0x1b6: {  	_ = 	snop;
	(pc) =	sbr.rel .LBB2_14-.Ltmp10, $4  }
0x1b7: {  	s2 =	sadd.s32 @!p3 s15, s0;
	s31 =	simm.s32 @!p3 $0x13A00  }
0x1b8: {  	[tilespmem:s31], [sflag:$0x1] =	stream.linear.gather @!p3 [hbm4b:s2+s5], $0x50, $0x38;
	[tilespmem:$0x1DE80] =	vst v63  }
0x1b9: {  	s0 =	sadd.s32 @!p3 s16, s0;
	s2 =	simm.s32 @!p3 $0x13B80  }
0x1ba: {  	[tilespmem:s2], [sflag:$0x1] =	stream.linear.gather @!p3 [hbm4b:s0+s5], $0x50, $0x38;
	[tilespmem:$0x1DE80] =	vst v63  }
.LBB2_10:
0x1bb: {  	s30 =	sadd.s32 $0x2, s29  }
.LBB2_14:
0x1bc: {  	p2 =	slt.s32 s30, s23  }
.Ltmp11:
0x1bd: {  	_ = 	snop;
	(pc) =	sbr.rel @!p2 .LBB2_15-.Ltmp11, $1  }
0x1be: {  	_ =	sdelay $0x3  }
0x1bf: {  	_ =	swait.ge [sflag:s8], $0x2800  }
0x1c0: {  	[sflag:s8] =	ssyncset.done $0x0  }
0x1c1: {  	[sflag:s8] =	ssyncadd.s32 $0xFFFFD800  }
0x1c2: {  	_ =	swait.ge [sflag:s8], $0x2800  }
0x1c3: {  	[sflag:s8] =	ssyncset.done $0x0  }
0x1c4: {  	[sflag:s8] =	ssyncadd.s32 $0xFFFFD800  }
0x1c5: {  	_ =	swait.ge [sflag:s19], $0x2800  }
0x1c6: {  	[sflag:s19] =	ssyncset.done $0x0  }
0x1c7: {  	s30 =	simm.s32 $0x0;
	[sflag:s19] =	ssyncadd.s32 $0xFFFFD800  }
0x1c8: {  	v8 =	vld [tilespmem:s30+$0x18E80]  }
0x1c9: {  	v12 =	vld [tilespmem:s30+$0x18E90]  }
0x1ca: {  	v6 =	vld [tilespmem:s30+$0x18EA0]  }
0x1cb: {  	v5 =	vld [tilespmem:s30+$0x18EB0]  }
0x1cc: {  	v4 =	vld [tilespmem:s30+$0x18EC0]  }
0x1cd: {  	v3 =	vld [tilespmem:s30+$0x18ED0]  }
0x1ce: {  	v2 =	vld [tilespmem:s30+$0x18EE0]  }
0x1cf: {  	v1 =	vld [tilespmem:s30+$0x18EF0]  }
0x1d0: {  	v13 =	vld [tilespmem:s30+$0x13E80]  }
0x1d1: {  	v14 =	vld [tilespmem:s30+$0x13E90]  }
0x1d2: {  	v11 =	vld [tilespmem:s30+$0x13EA0]  }
0x1d3: {  	v10 =	vld [tilespmem:s30+$0x13EB0]  }
0x1d4: {  	v9 =	vld [tilespmem:s30+$0x13EC0]  }
0x1d5: {  	v7 =	vld [tilespmem:s30+$0x13ED0];
	v13 =	vmul.f32 v8, v13  }
0x1d6: {  	s31 =	simm.s32 $0x200;
	v12 =	vmul.f32 v12, v14;
	v8 =	vld [tilespmem:s30+$0x13EE0]  }
.LBB2_17:
0x1d7: {  	s0 =	sshra.s32 s31, $0x2;
	p2 =	sne.s32 s31, $0x9E00;
	[tilespmem:s30+$0x13E80] =	vst v13;
	v6 =	vmul.f32 v6, v11;
	v11 =	vld [tilespmem:s30+$0x13EF0]  }
0x1d8: {  	v13 =	vld [tilespmem:s0+$0x18E80];
	[tilespmem:s30+$0x13E90] =	vst v12;
	v5 =	vmul.f32 v5, v10  }
0x1d9: {  	v12 =	vld [tilespmem:s0+$0x18E90];
	[tilespmem:s30+$0x13EA0] =	vst v6;
	v4 =	vmul.f32 v4, v9  }
0x1da: {  	v6 =	vld [tilespmem:s0+$0x18EA0];
	[tilespmem:s30+$0x13EB0] =	vst v5;
	v3 =	vmul.f32 v3, v7  }
0x1db: {  	v5 =	vld [tilespmem:s0+$0x18EB0];
	[tilespmem:s30+$0x13EC0] =	vst v4;
	v2 =	vmul.f32 v2, v8  }
0x1dc: {  	v4 =	vld [tilespmem:s0+$0x18EC0];
	[tilespmem:s30+$0x13ED0] =	vst v3;
	v1 =	vmul.f32 v1, v11  }
0x1dd: {  	v3 =	vld [tilespmem:s0+$0x18ED0];
	[tilespmem:s30+$0x13EE0] =	vst v2  }
0x1de: {  	v2 =	vld [tilespmem:s0+$0x18EE0];
	[tilespmem:s30+$0x13EF0] =	vst v1;
	s30 =	smov.u32 s0  }
0x1df: {  	v1 =	vld [tilespmem:s30+$0x18EF0]  }
0x1e0: {  	v7 =	vld [tilespmem:s30+$0x13E80]  }
0x1e1: {  	v8 =	vld [tilespmem:s30+$0x13E90]  }
.Ltmp12:
0x1e2: {  	v11 =	vld [tilespmem:s30+$0x13EA0];
	(pc) =	sbr.rel @p2 .LBB2_17-.Ltmp12, $4  }
0x1e3: {  	v10 =	vld [tilespmem:s30+$0x13EB0]  }
0x1e4: {  	v9 =	vld [tilespmem:s30+$0x13EC0]  }
0x1e5: {  	v13 =	vmul.f32 v13, v7;
	v7 =	vld [tilespmem:s30+$0x13ED0]  }
0x1e6: {  	s31 =	sadd.s32 $0x200, s31;
	v12 =	vmul.f32 v12, v8;
	v8 =	vld [tilespmem:s30+$0x13EE0]  }
0x1e7: {  	[tilespmem:s30+$0x13E80] =	vst v13;
	v6 =	vmul.f32 v6, v11;
	v63 =	vld [tilespmem:s30+$0x13EF0]  }
0x1e8: {  	[tilespmem:s30+$0x13E90] =	vst v12;
	v5 =	vmul.f32 v5, v10  }
0x1e9: {  	[tilespmem:s30+$0x13EA0] =	vst v6;
	v4 =	vmul.f32 v4, v9  }
0x1ea: {  	[tilespmem:s30+$0x13EB0] =	vst v5;
	v3 =	vmul.f32 v3, v7  }
0x1eb: {  	[tilespmem:s30+$0x13EC0] =	vst v4;
	v2 =	vmul.f32 v2, v8  }
0x1ec: {  	[tilespmem:s30+$0x13ED0] =	vst v3;
	v1 =	vmul.f32 v1, v63  }
0x1ed: {  	[tilespmem:s30+$0x13EE0] =	vst v2  }
0x1ee: {  	[tilespmem:s30+$0x13EF0] =	vst v1;
	s30 =	sadd.s32 $0x3, s29  }
0x1ef: {  	[spmem:s4] =	stream.indirect.scatter.add.f32 [tilespmem:s7], [sflag:$0x6], $0x80, s20, s9, $0xb8;
	[tilespmem:$0x1DE80] =	vst v63  }
0x1f0: {  	p2 =	sge.s32 s30, s23  }
0x1f1: {  	s0 =	simm.s32 @!p2 $0x1  }
0x1f2: {  	_ =	swait.ge @!p2 [sflag:s0], $0x50  }
0x1f3: {  	[sflag:s0] =	ssyncset.done @!p2 $0x0  }
0x1f4: {  	[sflag:s0] =	ssyncadd.s32 @!p2 $0xFFFFFFB0  }
0x1f5: {  	_ =	swait.ge @!p2 [sflag:s0], $0x50  }
0x1f6: {  	[sflag:s0] =	ssyncset.done @!p2 $0x0  }
0x1f7: {  	[sflag:s0] =	ssyncadd.s32 @!p2 $0xFFFFFFB0  }
0x1f8: {  	_ =	swait.ge @!p2 [sflag:s0], $0x50  }
0x1f9: {  	[sflag:s0] =	ssyncset.done @!p2 $0x0  }
0x1fa: {  	[sflag:s0] =	ssyncadd.s32 @!p2 $0xFFFFFFB0  }
0x1fb: {  	v1 =	vld @!p2 [tilespmem:$0x13880]  }
0x1fc: {  	v2 =	vld @!p2 [tilespmem:$0x13890]  }
0x1fd: {  	v3 =	vld @!p2 [tilespmem:$0x138A0]  }
0x1fe: {  	v4 =	vld @!p2 [tilespmem:$0x138B0]  }
0x1ff: {  	v5 =	vld @!p2 [tilespmem:$0x138C0]  }
0x200: {  	v1 =	vtrunc.f32 @!p2 v1  }
0x201: {  	v2 =	vtrunc.f32 @!p2 v2;
	v1 =	vcvt.f32.s32 @!p2 v1  }
0x202: {  	v3 =	vtrunc.f32 @!p2 v3;
	v2 =	vcvt.f32.s32 @!p2 v2  }
0x203: {  	[tilespmem:$0x13D80] =	vst @!p2 v1;
	v1 =	vcvt.f32.s32 @!p2 v3;
	v3 =	vtrunc.f32 @!p2 v4  }
0x204: {  	[tilespmem:$0x13D90] =	vst @!p2 v2;
	v2 =	vcvt.f32.s32 @!p2 v3;
	v3 =	vtrunc.f32 @!p2 v5  }
0x205: {  	[tilespmem:$0x13DA0] =	vst @!p2 v1;
	v1 =	vcvt.f32.s32 @!p2 v3  }
0x206: {  	[tilespmem:$0x13DB0] =	vst @!p2 v2  }
0x207: {  	s2 =	simm.s32 @!p2 $0x13A00;
	s5 =	simm.s32 @!p2 $0x16680;
	s0 =	simm.s32 @!p2 $0x50;
	[tilespmem:$0x13DC0] =	vst @!p2 v1  }
0x208: {  	[tilespmem:s5], [sflag:$0x5] =	stream.indirect.gather @!p2 [hbm4b:s1+s0], $0x80, s2, s0, $0xb8;
	[tilespmem:$0x1DE80] =	vst v63  }
0x209: {  	s2 =	sadd.s32 $0x4, s29  }
0x20a: {  	p3 =	sge.s32 s2, s23  }
0x20b: {  	s31 =	simm.s32 @!p2 $0x1B680;
	s5 =	simm.s32 @!p2 $0x13D80;
	s2 =	smul.u32 @!p3 $0x50, s2  }
0x20c: {  	[tilespmem:s31], [sflag:$0x5] =	stream.indirect.gather @!p2 [hbm4b:s3+s0], $0x80, s5, s0, $0xb8;
	[tilespmem:$0x1DE80] =	vst v63  }
0x20d: {  	s0 =	sadd.s32 @!p3 s14, s2  }
0x20e: {  	s0 =	sshrl.u32 @!p3 s0, $0x3  }
0x20f: {  	s5 =	simm.s32 @!p3 $0x0;
	s31 =	simm.s32 @!p3 $0x13900;
	s2 =	sadd.s32 @!p3 s17, s0  }
0x210: {  	[tilespmem:s31], [sflag:$0x2] =	stream.linear.gather @!p3 [hbm4b:s2+s5], $0x50, $0x38;
	[tilespmem:$0x1DE80] =	vst v63  }
.Ltmp13:
0x211: {  	_ = 	snop;
	(pc) =	sbr.rel .LBB2_19-.Ltmp13, $4  }
0x212: {  	s2 =	sadd.s32 @!p3 s15, s0;
	s31 =	simm.s32 @!p3 $0x13A80  }
0x213: {  	[tilespmem:s31], [sflag:$0x2] =	stream.linear.gather @!p3 [hbm4b:s2+s5], $0x50, $0x38;
	[tilespmem:$0x1DE80] =	vst v63  }
0x214: {  	s0 =	sadd.s32 @!p3 s16, s0;
	s2 =	simm.s32 @!p3 $0x13C00  }
0x215: {  	[tilespmem:s2], [sflag:$0x2] =	stream.linear.gather @!p3 [hbm4b:s0+s5], $0x50, $0x38;
	[tilespmem:$0x1DE80] =	vst v63  }
.LBB2_15:
0x216: {  	s30 =	sadd.s32 $0x3, s29  }
.LBB2_19:
0x217: {  	p2 =	slt.s32 s30, s23  }
.Ltmp14:
0x218: {  	_ = 	snop;
	(pc) =	sbr.rel @!p2 .LBB2_20-.Ltmp14, $1  }
0x219: {  	_ =	sdelay $0x3  }
0x21a: {  	_ =	swait.ge [sflag:s11], $0x2800  }
0x21b: {  	[sflag:s11] =	ssyncset.done $0x0  }
0x21c: {  	[sflag:s11] =	ssyncadd.s32 $0xFFFFD800  }
0x21d: {  	_ =	swait.ge [sflag:s11], $0x2800  }
0x21e: {  	[sflag:s11] =	ssyncset.done $0x0  }
0x21f: {  	[sflag:s11] =	ssyncadd.s32 $0xFFFFD800  }
0x220: {  	_ =	swait.ge [sflag:s12], $0x2800  }
0x221: {  	[sflag:s12] =	ssyncset.done $0x0  }
0x222: {  	s30 =	simm.s32 $0x0;
	[sflag:s12] =	ssyncadd.s32 $0xFFFFD800  }
0x223: {  	v8 =	vld [tilespmem:s30+$0x1B680]  }
0x224: {  	v12 =	vld [tilespmem:s30+$0x1B690]  }
0x225: {  	v6 =	vld [tilespmem:s30+$0x1B6A0]  }
0x226: {  	v5 =	vld [tilespmem:s30+$0x1B6B0]  }
0x227: {  	v4 =	vld [tilespmem:s30+$0x1B6C0]  }
0x228: {  	v3 =	vld [tilespmem:s30+$0x1B6D0]  }
0x229: {  	v2 =	vld [tilespmem:s30+$0x1B6E0]  }
0x22a: {  	v1 =	vld [tilespmem:s30+$0x1B6F0]  }
0x22b: {  	v13 =	vld [tilespmem:s30+$0x16680]  }
0x22c: {  	v14 =	vld [tilespmem:s30+$0x16690]  }
0x22d: {  	v11 =	vld [tilespmem:s30+$0x166A0]  }
0x22e: {  	v10 =	vld [tilespmem:s30+$0x166B0]  }
0x22f: {  	v9 =	vld [tilespmem:s30+$0x166C0]  }
0x230: {  	v7 =	vld [tilespmem:s30+$0x166D0];
	v13 =	vmul.f32 v8, v13  }
0x231: {  	s31 =	simm.s32 $0x200;
	v12 =	vmul.f32 v12, v14;
	v8 =	vld [tilespmem:s30+$0x166E0]  }
.LBB2_22:
0x232: {  	s0 =	sshra.s32 s31, $0x2;
	p2 =	sne.s32 s31, $0x9E00;
	[tilespmem:s30+$0x16680] =	vst v13;
	v6 =	vmul.f32 v6, v11;
	v11 =	vld [tilespmem:s30+$0x166F0]  }
0x233: {  	v13 =	vld [tilespmem:s0+$0x1B680];
	[tilespmem:s30+$0x16690] =	vst v12;
	v5 =	vmul.f32 v5, v10  }
0x234: {  	v12 =	vld [tilespmem:s0+$0x1B690];
	[tilespmem:s30+$0x166A0] =	vst v6;
	v4 =	vmul.f32 v4, v9  }
0x235: {  	v6 =	vld [tilespmem:s0+$0x1B6A0];
	[tilespmem:s30+$0x166B0] =	vst v5;
	v3 =	vmul.f32 v3, v7  }
0x236: {  	v5 =	vld [tilespmem:s0+$0x1B6B0];
	[tilespmem:s30+$0x166C0] =	vst v4;
	v2 =	vmul.f32 v2, v8  }
0x237: {  	v4 =	vld [tilespmem:s0+$0x1B6C0];
	[tilespmem:s30+$0x166D0] =	vst v3;
	v1 =	vmul.f32 v1, v11  }
0x238: {  	v3 =	vld [tilespmem:s0+$0x1B6D0];
	[tilespmem:s30+$0x166E0] =	vst v2  }
0x239: {  	v2 =	vld [tilespmem:s0+$0x1B6E0];
	[tilespmem:s30+$0x166F0] =	vst v1;
	s30 =	smov.u32 s0  }
0x23a: {  	v1 =	vld [tilespmem:s30+$0x1B6F0]  }
0x23b: {  	v7 =	vld [tilespmem:s30+$0x16680]  }
0x23c: {  	v8 =	vld [tilespmem:s30+$0x16690]  }
.Ltmp15:
0x23d: {  	v11 =	vld [tilespmem:s30+$0x166A0];
	(pc) =	sbr.rel @p2 .LBB2_22-.Ltmp15, $4  }
0x23e: {  	v10 =	vld [tilespmem:s30+$0x166B0]  }
0x23f: {  	v9 =	vld [tilespmem:s30+$0x166C0]  }
0x240: {  	v13 =	vmul.f32 v13, v7;
	v7 =	vld [tilespmem:s30+$0x166D0]  }
0x241: {  	s31 =	sadd.s32 $0x200, s31;
	v12 =	vmul.f32 v12, v8;
	v8 =	vld [tilespmem:s30+$0x166E0]  }
0x242: {  	[tilespmem:s30+$0x16680] =	vst v13;
	v6 =	vmul.f32 v6, v11;
	v63 =	vld [tilespmem:s30+$0x166F0]  }
0x243: {  	[tilespmem:s30+$0x16690] =	vst v12;
	v5 =	vmul.f32 v5, v10  }
0x244: {  	[tilespmem:s30+$0x166A0] =	vst v6;
	v4 =	vmul.f32 v4, v9  }
0x245: {  	[tilespmem:s30+$0x166B0] =	vst v5;
	v3 =	vmul.f32 v3, v7  }
0x246: {  	[tilespmem:s30+$0x166C0] =	vst v4;
	v2 =	vmul.f32 v2, v8  }
0x247: {  	[tilespmem:s30+$0x166D0] =	vst v3;
	v1 =	vmul.f32 v1, v63  }
0x248: {  	[tilespmem:s30+$0x166E0] =	vst v2  }
0x249: {  	[tilespmem:s30+$0x166F0] =	vst v1;
	s30 =	sadd.s32 $0x4, s29  }
0x24a: {  	[spmem:s4] =	stream.indirect.scatter.add.f32 [tilespmem:s18], [sflag:$0x7], $0x80, s10, s9, $0xb8;
	[tilespmem:$0x1DE80] =	vst v63  }
0x24b: {  	p2 =	sge.s32 s30, s23  }
0x24c: {  	s0 =	simm.s32 @!p2 $0x2  }
0x24d: {  	_ =	swait.ge @!p2 [sflag:s0], $0x50  }
0x24e: {  	[sflag:s0] =	ssyncset.done @!p2 $0x0  }
0x24f: {  	[sflag:s0] =	ssyncadd.s32 @!p2 $0xFFFFFFB0  }
0x250: {  	_ =	swait.ge @!p2 [sflag:s0], $0x50  }
0x251: {  	[sflag:s0] =	ssyncset.done @!p2 $0x0  }
0x252: {  	[sflag:s0] =	ssyncadd.s32 @!p2 $0xFFFFFFB0  }
0x253: {  	_ =	swait.ge @!p2 [sflag:s0], $0x50  }
0x254: {  	[sflag:s0] =	ssyncset.done @!p2 $0x0  }
0x255: {  	[sflag:s0] =	ssyncadd.s32 @!p2 $0xFFFFFFB0  }
0x256: {  	v1 =	vld @!p2 [tilespmem:$0x13900]  }
0x257: {  	v2 =	vld @!p2 [tilespmem:$0x13910]  }
0x258: {  	v3 =	vld @!p2 [tilespmem:$0x13920]  }
0x259: {  	v4 =	vld @!p2 [tilespmem:$0x13930]  }
0x25a: {  	v5 =	vld @!p2 [tilespmem:$0x13940]  }
0x25b: {  	v1 =	vtrunc.f32 @!p2 v1  }
0x25c: {  	v2 =	vtrunc.f32 @!p2 v2;
	v1 =	vcvt.f32.s32 @!p2 v1  }
0x25d: {  	v3 =	vtrunc.f32 @!p2 v3;
	v2 =	vcvt.f32.s32 @!p2 v2  }
0x25e: {  	[tilespmem:$0x13D00] =	vst @!p2 v1;
	v1 =	vcvt.f32.s32 @!p2 v3;
	v3 =	vtrunc.f32 @!p2 v4  }
0x25f: {  	[tilespmem:$0x13D10] =	vst @!p2 v2;
	v2 =	vcvt.f32.s32 @!p2 v3;
	v3 =	vtrunc.f32 @!p2 v5  }
0x260: {  	[tilespmem:$0x13D20] =	vst @!p2 v1;
	v1 =	vcvt.f32.s32 @!p2 v3  }
0x261: {  	[tilespmem:$0x13D30] =	vst @!p2 v2  }
0x262: {  	s2 =	simm.s32 @!p2 $0x13A80;
	s5 =	simm.s32 @!p2 $0x13E80;
	s0 =	simm.s32 @!p2 $0x50;
	[tilespmem:$0x13D40] =	vst @!p2 v1  }
0x263: {  	[tilespmem:s5], [sflag:$0x4] =	stream.indirect.gather @!p2 [hbm4b:s1+s0], $0x80, s2, s0, $0xb8;
	[tilespmem:$0x1DE80] =	vst v63  }
0x264: {  	s2 =	sadd.s32 $0x5, s29  }
0x265: {  	p3 =	sge.s32 s2, s23  }
0x266: {  	s31 =	simm.s32 @!p2 $0x18E80;
	s5 =	simm.s32 @!p2 $0x13D00;
	s2 =	smul.u32 @!p3 $0x50, s2  }
0x267: {  	[tilespmem:s31], [sflag:$0x4] =	stream.indirect.gather @!p2 [hbm4b:s3+s0], $0x80, s5, s0, $0xb8;
	[tilespmem:$0x1DE80] =	vst v63  }
0x268: {  	s0 =	sadd.s32 @!p3 s14, s2  }
0x269: {  	s0 =	sshrl.u32 @!p3 s0, $0x3  }
0x26a: {  	s5 =	simm.s32 @!p3 $0x0;
	s31 =	simm.s32 @!p3 $0x13980;
	s2 =	sadd.s32 @!p3 s17, s0  }
0x26b: {  	[tilespmem:s31], [sflag:$0x3] =	stream.linear.gather @!p3 [hbm4b:s2+s5], $0x50, $0x38;
	[tilespmem:$0x1DE80] =	vst v63  }
.Ltmp16:
0x26c: {  	_ = 	snop;
	(pc) =	sbr.rel .LBB2_24-.Ltmp16, $4  }
0x26d: {  	s2 =	sadd.s32 @!p3 s15, s0;
	s31 =	simm.s32 @!p3 $0x13B00  }
0x26e: {  	[tilespmem:s31], [sflag:$0x3] =	stream.linear.gather @!p3 [hbm4b:s2+s5], $0x50, $0x38;
	[tilespmem:$0x1DE80] =	vst v63  }
0x26f: {  	s0 =	sadd.s32 @!p3 s16, s0;
	s2 =	simm.s32 @!p3 $0x13C80  }
0x270: {  	[tilespmem:s2], [sflag:$0x3] =	stream.linear.gather @!p3 [hbm4b:s0+s5], $0x50, $0x38;
	[tilespmem:$0x1DE80] =	vst v63  }
.LBB2_20:
0x271: {  	s30 =	sadd.s32 $0x4, s29  }
.LBB2_24:
0x272: {  	p2 =	slt.s32 s30, s23  }
.Ltmp17:
0x273: {  	_ = 	snop;
	(pc) =	sbr.rel @!p2 .LBB2_25-.Ltmp17, $1  }
0x274: {  	_ =	sdelay $0x3  }
0x275: {  	_ =	swait.ge [sflag:s8], $0x2800  }
0x276: {  	[sflag:s8] =	ssyncset.done $0x0  }
0x277: {  	[sflag:s8] =	ssyncadd.s32 $0xFFFFD800  }
0x278: {  	_ =	swait.ge [sflag:s8], $0x2800  }
0x279: {  	[sflag:s8] =	ssyncset.done $0x0  }
0x27a: {  	[sflag:s8] =	ssyncadd.s32 $0xFFFFD800  }
0x27b: {  	_ =	swait.ge [sflag:s19], $0x2800  }
0x27c: {  	[sflag:s19] =	ssyncset.done $0x0  }
0x27d: {  	s30 =	simm.s32 $0x0;
	[sflag:s19] =	ssyncadd.s32 $0xFFFFD800  }
0x27e: {  	v8 =	vld [tilespmem:s30+$0x18E80]  }
0x27f: {  	v12 =	vld [tilespmem:s30+$0x18E90]  }
0x280: {  	v6 =	vld [tilespmem:s30+$0x18EA0]  }
0x281: {  	v5 =	vld [tilespmem:s30+$0x18EB0]  }
0x282: {  	v4 =	vld [tilespmem:s30+$0x18EC0]  }
0x283: {  	v3 =	vld [tilespmem:s30+$0x18ED0]  }
0x284: {  	v2 =	vld [tilespmem:s30+$0x18EE0]  }
0x285: {  	v1 =	vld [tilespmem:s30+$0x18EF0]  }
0x286: {  	v13 =	vld [tilespmem:s30+$0x13E80]  }
0x287: {  	v14 =	vld [tilespmem:s30+$0x13E90]  }
0x288: {  	v11 =	vld [tilespmem:s30+$0x13EA0]  }
0x289: {  	v10 =	vld [tilespmem:s30+$0x13EB0]  }
0x28a: {  	v9 =	vld [tilespmem:s30+$0x13EC0]  }
0x28b: {  	v7 =	vld [tilespmem:s30+$0x13ED0];
	v13 =	vmul.f32 v8, v13  }
0x28c: {  	s31 =	simm.s32 $0x200;
	v12 =	vmul.f32 v12, v14;
	v8 =	vld [tilespmem:s30+$0x13EE0]  }
.LBB2_27:
0x28d: {  	s0 =	sshra.s32 s31, $0x2;
	p2 =	sne.s32 s31, $0x9E00;
	[tilespmem:s30+$0x13E80] =	vst v13;
	v6 =	vmul.f32 v6, v11;
	v11 =	vld [tilespmem:s30+$0x13EF0]  }
0x28e: {  	v13 =	vld [tilespmem:s0+$0x18E80];
	[tilespmem:s30+$0x13E90] =	vst v12;
	v5 =	vmul.f32 v5, v10  }
0x28f: {  	v12 =	vld [tilespmem:s0+$0x18E90];
	[tilespmem:s30+$0x13EA0] =	vst v6;
	v4 =	vmul.f32 v4, v9  }
0x290: {  	v6 =	vld [tilespmem:s0+$0x18EA0];
	[tilespmem:s30+$0x13EB0] =	vst v5;
	v3 =	vmul.f32 v3, v7  }
0x291: {  	v5 =	vld [tilespmem:s0+$0x18EB0];
	[tilespmem:s30+$0x13EC0] =	vst v4;
	v2 =	vmul.f32 v2, v8  }
0x292: {  	v4 =	vld [tilespmem:s0+$0x18EC0];
	[tilespmem:s30+$0x13ED0] =	vst v3;
	v1 =	vmul.f32 v1, v11  }
0x293: {  	v3 =	vld [tilespmem:s0+$0x18ED0];
	[tilespmem:s30+$0x13EE0] =	vst v2  }
0x294: {  	v2 =	vld [tilespmem:s0+$0x18EE0];
	[tilespmem:s30+$0x13EF0] =	vst v1;
	s30 =	smov.u32 s0  }
0x295: {  	v1 =	vld [tilespmem:s30+$0x18EF0]  }
0x296: {  	v7 =	vld [tilespmem:s30+$0x13E80]  }
0x297: {  	v8 =	vld [tilespmem:s30+$0x13E90]  }
.Ltmp18:
0x298: {  	v11 =	vld [tilespmem:s30+$0x13EA0];
	(pc) =	sbr.rel @p2 .LBB2_27-.Ltmp18, $4  }
0x299: {  	v10 =	vld [tilespmem:s30+$0x13EB0]  }
0x29a: {  	v9 =	vld [tilespmem:s30+$0x13EC0]  }
0x29b: {  	v13 =	vmul.f32 v13, v7;
	v7 =	vld [tilespmem:s30+$0x13ED0]  }
0x29c: {  	s31 =	sadd.s32 $0x200, s31;
	v12 =	vmul.f32 v12, v8;
	v8 =	vld [tilespmem:s30+$0x13EE0]  }
0x29d: {  	[tilespmem:s30+$0x13E80] =	vst v13;
	v6 =	vmul.f32 v6, v11;
	v63 =	vld [tilespmem:s30+$0x13EF0]  }
0x29e: {  	[tilespmem:s30+$0x13E90] =	vst v12;
	v5 =	vmul.f32 v5, v10  }
0x29f: {  	[tilespmem:s30+$0x13EA0] =	vst v6;
	v4 =	vmul.f32 v4, v9  }
0x2a0: {  	[tilespmem:s30+$0x13EB0] =	vst v5;
	v3 =	vmul.f32 v3, v7  }
0x2a1: {  	[tilespmem:s30+$0x13EC0] =	vst v4;
	v2 =	vmul.f32 v2, v8  }
0x2a2: {  	[tilespmem:s30+$0x13ED0] =	vst v3;
	v1 =	vmul.f32 v1, v63  }
0x2a3: {  	[tilespmem:s30+$0x13EE0] =	vst v2  }
0x2a4: {  	[tilespmem:s30+$0x13EF0] =	vst v1;
	s30 =	sadd.s32 $0x5, s29  }
0x2a5: {  	[spmem:s4] =	stream.indirect.scatter.add.f32 [tilespmem:s7], [sflag:$0x6], $0x80, s13, s9, $0xb8;
	[tilespmem:$0x1DE80] =	vst v63  }
0x2a6: {  	p2 =	sge.s32 s30, s23  }
0x2a7: {  	s0 =	simm.s32 @!p2 $0x3  }
0x2a8: {  	_ =	swait.ge @!p2 [sflag:s0], $0x50  }
0x2a9: {  	[sflag:s0] =	ssyncset.done @!p2 $0x0  }
0x2aa: {  	[sflag:s0] =	ssyncadd.s32 @!p2 $0xFFFFFFB0  }
0x2ab: {  	_ =	swait.ge @!p2 [sflag:s0], $0x50  }
0x2ac: {  	[sflag:s0] =	ssyncset.done @!p2 $0x0  }
0x2ad: {  	[sflag:s0] =	ssyncadd.s32 @!p2 $0xFFFFFFB0  }
0x2ae: {  	_ =	swait.ge @!p2 [sflag:s0], $0x50  }
0x2af: {  	[sflag:s0] =	ssyncset.done @!p2 $0x0  }
0x2b0: {  	[sflag:s0] =	ssyncadd.s32 @!p2 $0xFFFFFFB0  }
0x2b1: {  	v1 =	vld @!p2 [tilespmem:$0x13980]  }
0x2b2: {  	v2 =	vld @!p2 [tilespmem:$0x13990]  }
0x2b3: {  	v3 =	vld @!p2 [tilespmem:$0x139A0]  }
0x2b4: {  	v4 =	vld @!p2 [tilespmem:$0x139B0]  }
0x2b5: {  	v5 =	vld @!p2 [tilespmem:$0x139C0]  }
0x2b6: {  	v1 =	vtrunc.f32 @!p2 v1  }
0x2b7: {  	v2 =	vtrunc.f32 @!p2 v2;
	v1 =	vcvt.f32.s32 @!p2 v1  }
0x2b8: {  	v3 =	vtrunc.f32 @!p2 v3;
	v2 =	vcvt.f32.s32 @!p2 v2  }
0x2b9: {  	[tilespmem:$0x13D80] =	vst @!p2 v1;
	v1 =	vcvt.f32.s32 @!p2 v3;
	v3 =	vtrunc.f32 @!p2 v4  }
0x2ba: {  	[tilespmem:$0x13D90] =	vst @!p2 v2;
	v2 =	vcvt.f32.s32 @!p2 v3;
	v3 =	vtrunc.f32 @!p2 v5  }
0x2bb: {  	[tilespmem:$0x13DA0] =	vst @!p2 v1;
	v1 =	vcvt.f32.s32 @!p2 v3  }
0x2bc: {  	[tilespmem:$0x13DB0] =	vst @!p2 v2  }
0x2bd: {  	s2 =	simm.s32 @!p2 $0x13B00;
	s5 =	simm.s32 @!p2 $0x16680;
	s0 =	simm.s32 @!p2 $0x50;
	[tilespmem:$0x13DC0] =	vst @!p2 v1  }
0x2be: {  	[tilespmem:s5], [sflag:$0x5] =	stream.indirect.gather @!p2 [hbm4b:s1+s0], $0x80, s2, s0, $0xb8;
	[tilespmem:$0x1DE80] =	vst v63  }
0x2bf: {  	s2 =	sadd.s32 $0x6, s29  }
0x2c0: {  	p3 =	sge.s32 s2, s23  }
0x2c1: {  	s31 =	simm.s32 @!p2 $0x1B680;
	s5 =	simm.s32 @!p2 $0x13D80;
	s2 =	smul.u32 @!p3 $0x50, s2  }
0x2c2: {  	[tilespmem:s31], [sflag:$0x5] =	stream.indirect.gather @!p2 [hbm4b:s3+s0], $0x80, s5, s0, $0xb8;
	[tilespmem:$0x1DE80] =	vst v63  }
0x2c3: {  	s0 =	sadd.s32 @!p3 s14, s2  }
0x2c4: {  	s0 =	sshrl.u32 @!p3 s0, $0x3  }
0x2c5: {  	s5 =	simm.s32 @!p3 $0x0;
	s31 =	simm.s32 @!p3 $0x13880;
	s2 =	sadd.s32 @!p3 s17, s0  }
0x2c6: {  	[tilespmem:s31], [sflag:$0x1] =	stream.linear.gather @!p3 [hbm4b:s2+s5], $0x50, $0x38;
	[tilespmem:$0x1DE80] =	vst v63  }
.Ltmp19:
0x2c7: {  	_ = 	snop;
	(pc) =	sbr.rel .LBB2_29-.Ltmp19, $4  }
0x2c8: {  	s2 =	sadd.s32 @!p3 s15, s0;
	s31 =	simm.s32 @!p3 $0x13A00  }
0x2c9: {  	[tilespmem:s31], [sflag:$0x1] =	stream.linear.gather @!p3 [hbm4b:s2+s5], $0x50, $0x38;
	[tilespmem:$0x1DE80] =	vst v63  }
0x2ca: {  	s0 =	sadd.s32 @!p3 s16, s0;
	s2 =	simm.s32 @!p3 $0x13B80  }
0x2cb: {  	[tilespmem:s2], [sflag:$0x1] =	stream.linear.gather @!p3 [hbm4b:s0+s5], $0x50, $0x38;
	[tilespmem:$0x1DE80] =	vst v63  }
.LBB2_25:
0x2cc: {  	s30 =	sadd.s32 $0x5, s29  }
.LBB2_29:
0x2cd: {  	p2 =	sge.s32 s30, s23  }
.Ltmp20:
0x2ce: {  	_ = 	snop;
	(pc) =	sbr.rel @p2 .LBB2_33-.Ltmp20, $1  }
0x2cf: {  	_ =	sdelay $0x3  }
0x2d0: {  	_ =	swait.ge [sflag:s11], $0x2800  }
0x2d1: {  	[sflag:s11] =	ssyncset.done $0x0  }
0x2d2: {  	[sflag:s11] =	ssyncadd.s32 $0xFFFFD800  }
0x2d3: {  	_ =	swait.ge [sflag:s11], $0x2800  }
0x2d4: {  	[sflag:s11] =	ssyncset.done $0x0  }
0x2d5: {  	[sflag:s11] =	ssyncadd.s32 $0xFFFFD800  }
0x2d6: {  	_ =	swait.ge [sflag:s12], $0x2800  }
0x2d7: {  	[sflag:s12] =	ssyncset.done $0x0  }
0x2d8: {  	s30 =	simm.s32 $0x0;
	[sflag:s12] =	ssyncadd.s32 $0xFFFFD800  }
0x2d9: {  	v8 =	vld [tilespmem:s30+$0x1B680]  }
0x2da: {  	v12 =	vld [tilespmem:s30+$0x1B690]  }
0x2db: {  	v6 =	vld [tilespmem:s30+$0x1B6A0]  }
0x2dc: {  	v5 =	vld [tilespmem:s30+$0x1B6B0]  }
0x2dd: {  	v4 =	vld [tilespmem:s30+$0x1B6C0]  }
0x2de: {  	v3 =	vld [tilespmem:s30+$0x1B6D0]  }
0x2df: {  	v2 =	vld [tilespmem:s30+$0x1B6E0]  }
0x2e0: {  	v1 =	vld [tilespmem:s30+$0x1B6F0]  }
0x2e1: {  	v13 =	vld [tilespmem:s30+$0x16680]  }
0x2e2: {  	v14 =	vld [tilespmem:s30+$0x16690]  }
0x2e3: {  	v11 =	vld [tilespmem:s30+$0x166A0]  }
0x2e4: {  	v10 =	vld [tilespmem:s30+$0x166B0]  }
0x2e5: {  	v9 =	vld [tilespmem:s30+$0x166C0]  }
0x2e6: {  	v7 =	vld [tilespmem:s30+$0x166D0];
	v13 =	vmul.f32 v8, v13  }
0x2e7: {  	s31 =	simm.s32 $0x200;
	v12 =	vmul.f32 v12, v14;
	v8 =	vld [tilespmem:s30+$0x166E0]  }
.LBB2_31:
0x2e8: {  	s0 =	sshra.s32 s31, $0x2;
	p2 =	sne.s32 s31, $0x9E00;
	[tilespmem:s30+$0x16680] =	vst v13;
	v6 =	vmul.f32 v6, v11;
	v11 =	vld [tilespmem:s30+$0x166F0]  }
0x2e9: {  	v5 =	vmul.f32 v5, v10;
	v13 =	vld [tilespmem:s0+$0x1B680];
	[tilespmem:s30+$0x16690] =	vst v12  }
0x2ea: {  	v4 =	vmul.f32 v4, v9;
	v12 =	vld [tilespmem:s0+$0x1B690];
	[tilespmem:s30+$0x166A0] =	vst v6  }
0x2eb: {  	v3 =	vmul.f32 v3, v7;
	v6 =	vld [tilespmem:s0+$0x1B6A0];
	[tilespmem:s30+$0x166B0] =	vst v5  }
0x2ec: {  	v2 =	vmul.f32 v2, v8;
	v5 =	vld [tilespmem:s0+$0x1B6B0];
	[tilespmem:s30+$0x166C0] =	vst v4  }
0x2ed: {  	v4 =	vld [tilespmem:s0+$0x1B6C0];
	[tilespmem:s30+$0x166D0] =	vst v3;
	v1 =	vmul.f32 v1, v11  }
0x2ee: {  	v3 =	vld [tilespmem:s0+$0x1B6D0];
	[tilespmem:s30+$0x166E0] =	vst v2  }
0x2ef: {  	v2 =	vld [tilespmem:s0+$0x1B6E0];
	[tilespmem:s30+$0x166F0] =	vst v1;
	s30 =	smov.u32 s0  }
0x2f0: {  	v1 =	vld [tilespmem:s30+$0x1B6F0]  }
0x2f1: {  	v7 =	vld [tilespmem:s30+$0x16680]  }
0x2f2: {  	v8 =	vld [tilespmem:s30+$0x16690]  }
.Ltmp21:
0x2f3: {  	v11 =	vld [tilespmem:s30+$0x166A0];
	(pc) =	sbr.rel @p2 .LBB2_31-.Ltmp21, $4  }
0x2f4: {  	v10 =	vld [tilespmem:s30+$0x166B0]  }
0x2f5: {  	v9 =	vld [tilespmem:s30+$0x166C0]  }
0x2f6: {  	v13 =	vmul.f32 v13, v7;
	v7 =	vld [tilespmem:s30+$0x166D0]  }
0x2f7: {  	s31 =	sadd.s32 $0x200, s31;
	v12 =	vmul.f32 v12, v8;
	v8 =	vld [tilespmem:s30+$0x166E0]  }
.Ltmp22:
0x2f8: {  	_ = 	snop;
	(pc) =	sbr.rel .LBB2_32-.Ltmp22, $1  }
0x2f9: {  	_ =	sdelay $0x3  }
.LBB2_35:
0x2fa: {  	_ =	sfence.sel $0x180000  }
0x2fb: {  	[bflag:$0x0] =	sbarrier.arrive $0xFFFF  }
0x2fc: {  	_ =	strace $0x9000004A  }
0x2fd: {  	s0 =	stileid.u32;
	[bflag:$0x2] =	sbarrier.arrive $0xFFFF  }
0x2fe: {  	p0 =	sne.s32 s0, $0x0;
	s0 =	rddreg [dreg:$0x4]  }
0x2ff: {  	s0 =	sadd.s32 @!p0 $0x100000, s0  }
0x300: {  	[sflag:s0] =	ssyncadd.tile.s32 @!p0 $0x1;
	_ =	shalt  }
.Lfunc_end2:
_tile_overlayer_lowered:
.L_overlay_start_2:
0x301: {  	(tag) =	ssettag $0x2  }
0x302: {  	s0 =	rddreg [dreg:$0x0];
	s2 =	stileid.u32  }
0x303: {  	s1 =	rddreg [dreg:$0x1];
	p0 =	sne.s32 s2, $0x0  }
0x304: {  	s3 =	rddreg [dreg:$0x2];
	[bflag:$0x3] =	sbarrier.arrive $0xFFFF;
	s2 =	simm.s32 @!p0 $0x1C08  }
0x305: {  	[timem:s3], [sflag:s2] =	dma.local @!p0 [hbm:s0], s1  }
0x306: {  	s0 =	simm.s32 @!p0 $0x8  }
0x307: {  	_ =	swait.ge @!p0 [sflag:s0], s1  }
0x308: {  	s1 =	ssub.s32 @!p0 $0x0, s1;
	[sflag:s0] =	ssyncset.done @!p0 $0x0  }
0x309: {  	[sflag:s0] =	ssyncadd.s32 @!p0 s1  }
0x30a: {  	[bflag:$0x3] =	sbarrier.arrive $0xFFFF  }
0x30b: {  	_ =	shalt  }

</sc_bundles>
